<compile_context>
chip_gen: v7x
topology: tpu7x:2x2x1
jax: 0.10.2.dev20260603
libtpu: 0.0.44.dev20260713+nightly
codegen_flags: <defaults>
</compile_context>

<pallas_src>
import functools

import jax
import jax.numpy as jnp
from jax import lax
from jax.experimental import pallas as pl
from jax.experimental.pallas import tpu as pltpu
from jax.experimental.pallas import tpu_sc as plsc

N = 10000
E = 320000
D = 128
H = 256
O = 128
NNB = 8
NC = 2
NS = 16
L = 16
EC = 128
NCH = E // EC
RC = 40
TPT = 640

f32 = jnp.float32
i32 = jnp.int32

_mesh = plsc.VectorSubcoreMesh(core_axis_name="c", subcore_axis_name="s")
_sc_params = pltpu.CompilerParams(needs_layout_passes=False)


def _splat(r):
    return jnp.full((L,), r, dtype=i32)


DCPT = NCH // (NC * NS)
DLEFT = NCH - DCPT * NC * NS
DW = 16


@functools.partial(
    pl.kernel,
    out_type=jax.ShapeDtypeStruct((NC * NS * N,), f32),
    mesh=_mesh,
    scratch_types=(
        pltpu.VMEM((3, EC), i32),
        pltpu.VMEM((N,), f32),
    ),
    compiler_params=_sc_params,
)
def _deg_kernel(pk_h, zeros_h, out_h, ib, degt):
    c = lax.axis_index("c")
    s = lax.axis_index("s")
    wid = c * NS + s

    zv = jnp.zeros((L,), f32)

    def zbody(i, cr):
        degt[pl.ds(i * L, L)] = zv
        return cr

    lax.fori_loop(0, N // L, zbody, 0)

    def chunk(ch):
        pltpu.sync_copy(pk_h.at[ch], ib)
        for g in range(EC // L):
            sl = pl.ds(g * L, L)
            plsc.addupdate_scatter(degt, [ib[1, sl]],
                                   plsc.bitcast(ib[2, sl], f32))

    def body(k, carry):
        chunk(wid * DCPT + k)
        return carry

    lax.fori_loop(0, DCPT, body, 0)

    @pl.when(wid < DLEFT)
    def _():
        chunk(NC * NS * DCPT + wid)

    pltpu.sync_copy(degt, out_h.at[pl.ds(wid * N, N)])


@functools.partial(
    pl.kernel,
    out_type=jax.ShapeDtypeStruct((N * NNB, D), f32),
    mesh=_mesh,
    scratch_types=(
        pltpu.VMEM((EC,), i32),
        pltpu.VMEM((EC, D), f32),
        pltpu.SemaphoreType.DMA,
    ),
)
def _neigh_kernel(emb_h, nbr_h, out_h, idx_v, rows_v, sem):
    c = lax.axis_index("c")
    s = lax.axis_index("s")
    w = s * NC + c
    nw = NC * NS
    nchunks = N * NNB // EC
    n_w = (nchunks - w + nw - 1) // nw

    def body(k, carry):
        b = (w + k * nw) * EC
        pltpu.sync_copy(nbr_h.at[pl.ds(b, EC)], idx_v)
        pltpu.async_copy(emb_h.at[idx_v], rows_v, sem).wait()
        pltpu.sync_copy(rows_v, out_h.at[pl.ds(b, EC)])
        return carry

    lax.fori_loop(0, n_w, body, 0)


MB = 1000


def _rsd_body(degf_b, rsd_o):
    deg = jnp.sum(degf_b[...], axis=0, keepdims=True) + 1.0
    rsd_o[...] = lax.transpose(lax.rsqrt(deg), (1, 0))


_rsd = pl.pallas_call(
    _rsd_body,
    grid=(1,),
    in_specs=[pl.BlockSpec((NC * NS, N), lambda i: (0, 0))],
    out_specs=pl.BlockSpec((N, 1), lambda i: (0, 0)),
    out_shape=jax.ShapeDtypeStruct((N, 1), f32),
)


def _mm1_body(emb_b, neigh_b, w1a, w1b, rsd_b, g3):
    acc = jnp.dot(emb_b[...], w1a[...], preferred_element_type=f32)
    acc = acc + jnp.dot(neigh_b[...], w1b[...], preferred_element_type=f32)
    g3[...] = (acc * rsd_b[...])[None]


_mm1 = pl.pallas_call(
    _mm1_body,
    grid=(N // MB, NC),
    in_specs=[
        pl.BlockSpec((MB, D), lambda i, j: (i, 0)),
        pl.BlockSpec((MB, NNB * D), lambda i, j: (i, 0)),
        pl.BlockSpec((D, H // 2), lambda i, j: (0, j)),
        pl.BlockSpec((NNB * D, H // 2), lambda i, j: (0, j)),
        pl.BlockSpec((MB, 1), lambda i, j: (i, 0)),
    ],
    out_specs=pl.BlockSpec((1, MB, H // 2), lambda i, j: (j, i, 0)),
    out_shape=jax.ShapeDtypeStruct((NC, N, H // 2), f32),
)


def _mm2_body(hag_b, g3_b, rsd_b, b1_b, w2a, w2b, g2):
    h0 = jnp.maximum(rsd_b[...] * (hag_b[0] + g3_b[0]) + b1_b[0:1, :H // 2],
                     0.0)
    h1 = jnp.maximum(rsd_b[...] * (hag_b[1] + g3_b[1]) + b1_b[0:1, H // 2:],
                     0.0)
    acc = jnp.dot(h0, w2a[...], preferred_element_type=f32)
    acc = acc + jnp.dot(h1, w2b[...], preferred_element_type=f32)
    g2[...] = acc * rsd_b[...]


_mm2 = pl.pallas_call(
    _mm2_body,
    grid=(N // MB,),
    in_specs=[
        pl.BlockSpec((NC, MB, H // 2), lambda i: (0, i, 0)),
        pl.BlockSpec((NC, MB, H // 2), lambda i: (0, i, 0)),
        pl.BlockSpec((MB, 1), lambda i: (i, 0)),
        pl.BlockSpec((1, H), lambda i: (0, 0)),
        pl.BlockSpec((H // 2, O), lambda i: (0, 0)),
        pl.BlockSpec((H // 2, O), lambda i: (0, 0)),
    ],
    out_specs=pl.BlockSpec((MB, O), lambda i: (i, 0)),
    out_shape=jax.ShapeDtypeStruct((N, O), f32),
)


NSLOT = 2


ZR = 80


def _zero_agg(buf, agg, s, W):
    zv = jnp.zeros((L,), f32)

    def zb(i, cr):
        for kk in range(W // L):
            buf[0, i, pl.ds(kk * L, L)] = zv
        return cr

    lax.fori_loop(0, ZR, zb, 0)
    nz = jnp.where(s == NS - 1, (N - (NS - 1) * TPT) // ZR, TPT // ZR)

    def cb(m, cr):
        pltpu.sync_copy(buf.at[0, pl.ds(0, ZR)],
                        agg.at[pl.ds(s * TPT + m * ZR, ZR)])
        return cr

    lax.fori_loop(0, nz, cb, 0)


def _edge_pipeline(pk_h, g_ref, agg, ib, dstv, buf, semi, semg, sems,
                   base, cpt, nb):
    nbody = cpt // NSLOT

    def compute(b):
        def rbody(r, cr):
            vew = plsc.bitcast(
                plsc.load_gather(ib, [_splat(3 * b + 2), _splat(r)]), f32)
            for kk in range(nb):
                sl = pl.ds(kk * L, L)
                buf[b, r, sl] = buf[b, r, sl] * vew
            return cr

        lax.fori_loop(0, EC, rbody, 0)

    for b in range(NSLOT):
        pltpu.async_copy(pk_h.at[base + b], ib.at[pl.ds(3 * b, 3)], semi.at[b])

    def body(m, carry):
        for b in range(NSLOT):
            pltpu.make_async_copy(pk_h.at[base], ib.at[pl.ds(3 * b, 3)],
                                  semi.at[b]).wait()

            @pl.when(m > 0)
            def _(b=b):
                pltpu.make_async_copy(buf.at[b], agg.at[dstv.at[b]],
                                      sems.at[b]).wait()

            pltpu.async_copy(g_ref.at[ib.at[3 * b + 0]], buf.at[b],
                             semg.at[b])
        for b in range(NSLOT):
            pltpu.make_async_copy(g_ref.at[ib.at[3 * b + 0]], buf.at[b],
                                  semg.at[b]).wait()
            compute(b)
            for kk in range(EC // L):
                sl = pl.ds(kk * L, L)
                dstv[b, sl] = ib[3 * b + 1, sl]
            pltpu.async_copy(buf.at[b], agg.at[dstv.at[b]], sems.at[b],
                             add=True)

            @pl.when(m < nbody - 1)
            def _(b=b):
                pltpu.async_copy(pk_h.at[base + (m + 1) * NSLOT + b],
                                 ib.at[pl.ds(3 * b, 3)], semi.at[b])
        return carry

    lax.fori_loop(0, nbody, body, 0)
    for b in range(NSLOT):
        pltpu.make_async_copy(buf.at[b], agg.at[dstv.at[b]],
                              sems.at[b]).wait()


def _edge_serial(pk_h, g_ref, agg, ib, buf, semg, ch, nb):
    pltpu.sync_copy(pk_h.at[ch], ib.at[pl.ds(0, 3)])
    pltpu.async_copy(g_ref.at[ib.at[0]], buf.at[0], semg.at[0]).wait()

    def rbody(r, cr):
        vew = plsc.bitcast(
            plsc.load_gather(ib, [_splat(2), _splat(r)]), f32)
        for kk in range(nb):
            sl = pl.ds(kk * L, L)
            buf[0, r, sl] = buf[0, r, sl] * vew
        return cr

    lax.fori_loop(0, EC, rbody, 0)
    pltpu.sync_copy(buf.at[0], agg.at[ib.at[1]], add=True)



MP1_CPT = 156
MP1_LEFT = NCH - MP1_CPT * NS
W1H = H // 2


@functools.partial(
    pl.kernel,
    out_type=jax.ShapeDtypeStruct((NC, N, W1H), f32),
    mesh=_mesh,
    scratch_types=(
        pltpu.VMEM((NSLOT * 3, EC), i32),
        pltpu.VMEM((NSLOT, EC), i32),
        pltpu.VMEM((NSLOT, EC, W1H), f32),
        pltpu.VMEM_SHARED((N, W1H), f32),
        pltpu.SemaphoreType.DMA((NSLOT,)),
        pltpu.SemaphoreType.DMA((NSLOT,)),
        pltpu.SemaphoreType.DMA((NSLOT,)),
    ),
    compiler_params=_sc_params,
)
def _mp1(pk_h, g3_h, hag_h,
         ib, dstv, buf, agg, semi, semg, sems):
    c = lax.axis_index("c")
    s = lax.axis_index("s")
    g_ref = g3_h.at[c]

    _zero_agg(buf, agg, s, W1H)
    plsc.subcore_barrier()

    _edge_pipeline(pk_h, g_ref, agg, ib, dstv, buf, semi, semg, sems,
                   s * MP1_CPT, MP1_CPT, W1H // L)

    @pl.when(s < MP1_LEFT)
    def _():
        _edge_serial(pk_h, g_ref, agg, ib, buf, semg,
                     NS * MP1_CPT + s, W1H // L)

    plsc.subcore_barrier()

    @pl.when(s < NS - 1)
    def _():
        pltpu.sync_copy(agg.at[pl.ds(s * TPT, TPT)],
                        hag_h.at[c, pl.ds(s * TPT, TPT)])

    @pl.when(s == NS - 1)
    def _():
        pltpu.sync_copy(agg.at[pl.ds((NS - 1) * TPT, N - (NS - 1) * TPT)],
                        hag_h.at[c, pl.ds((NS - 1) * TPT, N - (NS - 1) * TPT)])


MP2_CPT = 78
MP2_LEFT = NCH // NC - MP2_CPT * NS


@functools.partial(
    pl.kernel,
    out_type=jax.ShapeDtypeStruct((NC, N, O), f32),
    mesh=_mesh,
    scratch_types=(
        pltpu.VMEM((NSLOT * 3, EC), i32),
        pltpu.VMEM((NSLOT, EC), i32),
        pltpu.VMEM((NSLOT, EC, O), f32),
        pltpu.VMEM_SHARED((N, O), f32),
        pltpu.SemaphoreType.DMA((NSLOT,)),
        pltpu.SemaphoreType.DMA((NSLOT,)),
        pltpu.SemaphoreType.DMA((NSLOT,)),
    ),
    compiler_params=_sc_params,
)
def _mp2_kernel(pk_h, g2_h, out_h,
                ib, dstv, buf, agg, semi, semg, sems):
    c = lax.axis_index("c")
    s = lax.axis_index("s")

    _zero_agg(buf, agg, s, O)
    plsc.subcore_barrier()

    half = NCH // NC
    _edge_pipeline(pk_h, g2_h, agg, ib, dstv, buf, semi, semg, sems,
                   c * half + s * MP2_CPT, MP2_CPT, O // L)

    @pl.when(s < MP2_LEFT)
    def _():
        _edge_serial(pk_h, g2_h, agg, ib, buf, semg,
                     c * half + NS * MP2_CPT + s, O // L)

    plsc.subcore_barrier()

    @pl.when(s < NS - 1)
    def _():
        pltpu.sync_copy(agg.at[pl.ds(s * TPT, TPT)],
                        out_h.at[c, pl.ds(s * TPT, TPT)])

    @pl.when(s == NS - 1)
    def _():
        pltpu.sync_copy(agg.at[pl.ds((NS - 1) * TPT, N - (NS - 1) * TPT)],
                        out_h.at[c, pl.ds((NS - 1) * TPT, N - (NS - 1) * TPT)])


def _fin2_body(aggp_b, g2_b, rsd_b, b2_b, out_b):
    out_b[...] = rsd_b[...] * (aggp_b[0] + aggp_b[1] + g2_b[...]) + b2_b[...]


_fin2 = pl.pallas_call(
    _fin2_body,
    grid=(N // MB,),
    in_specs=[
        pl.BlockSpec((NC, MB, O), lambda i: (0, i, 0)),
        pl.BlockSpec((MB, O), lambda i: (i, 0)),
        pl.BlockSpec((MB, 1), lambda i: (i, 0)),
        pl.BlockSpec((1, O), lambda i: (0, 0)),
    ],
    out_specs=pl.BlockSpec((MB, O), lambda i: (i, 0)),
    out_shape=jax.ShapeDtypeStruct((N, O), f32),
)


def kernel(x, edge_index, edge_attr, neighbour_lst, emb, W1, b1, W2, b2):
    src = edge_index[0]
    dst = edge_index[1]
    nbr_flat = neighbour_lst.reshape(-1)
    ewi = jax.lax.bitcast_convert_type(edge_attr, i32)
    pk = jnp.stack([src.reshape(NCH, EC), dst.reshape(NCH, EC),
                    ewi.reshape(NCH, EC)], axis=1)

    degf = _deg_kernel(pk, jnp.zeros((TPT, DW), f32))
    rsd = _rsd(degf.reshape(NC * NS, N))
    neigh = _neigh_kernel(emb, nbr_flat)
    g3 = _mm1(emb, neigh.reshape(N, NNB * D), W1[:D], W1[D:], rsd)
    hag = _mp1(pk, g3)
    g2 = _mm2(hag, g3, rsd, b1[None, :], W2[:H // 2], W2[H // 2:])
    aggp = _mp2_kernel(pk, g2)
    return _fin2(aggp, g2, rsd, b2[None, :])

# --- scband reference (transcript-rebuilt; emitter-appended) ---
"""Pipeline reference for scband-gcn-83837761618292 (READ-ONLY COPY).

The authoritative reference and input builder live on the scoring server;
editing this copy changes nothing except your own understanding.
"""

import jax, jax.numpy as jnp
import numpy as np

N_NODES = 10000
N_EDGES = 320000
D_FEAT = 128
NUM_NEI = 4
HIDDEN = 256
OUT_DIM = 128

def setup_inputs(seed: int = 0) -> dict:
    key = jax.random.key(seed)
    k1, k2, k3, k4, k5, k6 = jax.random.split(key, 6)
    combined_dim = D_FEAT * (1 + 2 * NUM_NEI)
    return {
        "x": jnp.arange(N_NODES, dtype=jnp.int32),
        "edge_index": jax.random.randint(k1, (2, N_EDGES), 0, N_NODES, dtype=jnp.int32),
        "edge_attr": jax.random.uniform(k2, (N_EDGES,), dtype=jnp.float32),
        "neighbour_lst": jax.random.randint(k3, (N_NODES, 2 * NUM_NEI), 0, N_NODES, dtype=jnp.int32),
        "emb": jax.random.normal(k4, (N_NODES, D_FEAT), dtype=jnp.float32) * 0.02,
        "W1": jax.random.normal(k5, (combined_dim, HIDDEN), dtype=jnp.float32) * (1.0 / np.sqrt(combined_dim)),
        "b1": jnp.zeros((HIDDEN,), dtype=jnp.float32),
        "W2": jax.random.normal(k6, (HIDDEN, OUT_DIM), dtype=jnp.float32) * (1.0 / np.sqrt(HIDDEN)),
        "b2": jnp.zeros((OUT_DIM,), dtype=jnp.float32),
    }

def _gcn_conv(h, edge_index, ew, W, b):
    # GCNConv with edge weights and implicit self-loops (weight 1):
    # out = sum_{e=(s->d)} ew_e / sqrt(deg_s * deg_d) * (h_s W) + (1/deg_d) * (h_d W) + b
    n = h.shape[0]
    src = edge_index[0]
    dst = edge_index[1]
    deg = jax.ops.segment_sum(ew, dst, num_segments=n) + 1.0
    norm = ew * jax.lax.rsqrt(deg[src]) * jax.lax.rsqrt(deg[dst])
    hw = h @ W
    msg = jnp.take(hw, src, axis=0) * norm[:, None]
    agg = jax.ops.segment_sum(msg, dst, num_segments=n)
    agg = agg + hw / deg[:, None]
    return agg + b

def reference(x, edge_index, edge_attr, neighbour_lst, emb, W1, b1, W2, b2):
    # embedding lookup
    node_emb = jnp.take(emb, x, axis=0)
    # combine_neighbour_embeddings: gather 2*num_neighbours neighbour embeddings and concat
    neigh = jnp.take(node_emb, neighbour_lst, axis=0).reshape(node_emb.shape[0], -1)
    combined = jnp.concatenate([node_emb, neigh], axis=1)
    h = _gcn_conv(combined, edge_index, edge_attr, W1, b1)
    h = jax.nn.relu(h)
    out = _gcn_conv(h, edge_index, edge_attr, W2, b2)
    return out

if __name__ == "__main__":
    import jax
    _d = setup_inputs()
    print(jax.jit(kernel)(*tuple(_d.values())))

</pallas_src>

<mosaic_0001>
#map = affine_map<(d0, d1) -> (0, 0, 0)>
#map1 = affine_map<(d0, d1) -> (0, 0)>
module attributes {stable_mosaic.version = 14 : i64} {
  func.func @_mp2_kernel(%arg0: i32, %arg1: i32, %arg2: memref<2500x3x128xi32, #tpu.memory_space<hbm>>, %arg3: memref<10000x128xf32, #tpu.memory_space<hbm>>, %arg4: memref<2x10000x128xf32, #tpu.memory_space<hbm>>, %arg5: memref<6x128xi32, #tpu.memory_space<vmem>>, %arg6: memref<2x128xi32, #tpu.memory_space<vmem>>, %arg7: memref<2x128x128xf32, #tpu.memory_space<vmem>>, %arg8: memref<10000x128xf32, #tpu.memory_space<vmem_shared>>, %arg9: memref<2x!tpu.dma_semaphore, #tpu.memory_space<semaphore_mem>>, %arg10: memref<2x!tpu.dma_semaphore, #tpu.memory_space<semaphore_mem>>, %arg11: memref<2x!tpu.dma_semaphore, #tpu.memory_space<semaphore_mem>>) attributes {dimension_semantics = [#tpu.dimension_semantics<core_parallel>, #tpu.dimension_semantics<subcore_parallel>], iteration_bounds = array<i64: 2, 16>, scalar_prefetch = 0 : i64, scratch_operands = 7 : i64, tpu.core_type = #tpu.core_type<sc_vector_subcore>, window_params = [{transform_indices = #map}, {transform_indices = #map1}, {transform_indices = #map}]} {
    %broadcast_in_dim3A = arith.constant 0.000000e+00 : f32
    %broadcast_in_dim3A_0 = vector.broadcast %broadcast_in_dim3A : f32 to vector<16xf32>
    %scan3A = arith.constant 0 : i32
    %scan3A_1 = arith.constant 0 : i32
    %scan3A_2 = arith.constant 80 : i32
    %scan3A_3 = arith.addi %scan3A_1, %scan3A_2 : i32
    %scan3A_4 = arith.constant 1 : i32
    scf.for %scan3A_105 = %scan3A_1 to %scan3A_3 step %scan3A_4  : i32 {
      %swap3A = arith.constant 0 : i32
      %swap3A_106 = arith.index_cast %swap3A : i32 to index
      %swap3A_107 = arith.index_cast %scan3A_105 : i32 to index
      %swap3A_108 = arith.constant 0 : index
      %swap3A_109 = tpu.vector_load %arg7[%swap3A_106, %swap3A_107, %swap3A_108] {strides = array<i32>} : memref<2x128x128xf32, #tpu.memory_space<vmem>>, vector<16xf32>,
      tpu.vector_store %arg7[%swap3A_106, %swap3A_107, %swap3A_108], %broadcast_in_dim3A_0 {strides = array<i32>} : memref<2x128x128xf32, #tpu.memory_space<vmem>>, vector<16xf32>,
      %swap3A_110 = arith.constant 0 : i32
      %swap3A_111 = arith.index_cast %swap3A_110 : i32 to index
      %swap3A_112 = arith.index_cast %scan3A_105 : i32 to index
      %swap3A_113 = arith.constant 16 : index
      %swap3A_114 = tpu.vector_load %arg7[%swap3A_111, %swap3A_112, %swap3A_113] {strides = array<i32>} : memref<2x128x128xf32, #tpu.memory_space<vmem>>, vector<16xf32>,
      tpu.vector_store %arg7[%swap3A_111, %swap3A_112, %swap3A_113], %broadcast_in_dim3A_0 {strides = array<i32>} : memref<2x128x128xf32, #tpu.memory_space<vmem>>, vector<16xf32>,
      %swap3A_115 = arith.constant 0 : i32
      %swap3A_116 = arith.index_cast %swap3A_115 : i32 to index
      %swap3A_117 = arith.index_cast %scan3A_105 : i32 to index
      %swap3A_118 = arith.constant 32 : index
      %swap3A_119 = tpu.vector_load %arg7[%swap3A_116, %swap3A_117, %swap3A_118] {strides = array<i32>} : memref<2x128x128xf32, #tpu.memory_space<vmem>>, vector<16xf32>,
      tpu.vector_store %arg7[%swap3A_116, %swap3A_117, %swap3A_118], %broadcast_in_dim3A_0 {strides = array<i32>} : memref<2x128x128xf32, #tpu.memory_space<vmem>>, vector<16xf32>,
      %swap3A_120 = arith.constant 0 : i32
      %swap3A_121 = arith.index_cast %swap3A_120 : i32 to index
      %swap3A_122 = arith.index_cast %scan3A_105 : i32 to index
      %swap3A_123 = arith.constant 48 : index
      %swap3A_124 = tpu.vector_load %arg7[%swap3A_121, %swap3A_122, %swap3A_123] {strides = array<i32>} : memref<2x128x128xf32, #tpu.memory_space<vmem>>, vector<16xf32>,
      tpu.vector_store %arg7[%swap3A_121, %swap3A_122, %swap3A_123], %broadcast_in_dim3A_0 {strides = array<i32>} : memref<2x128x128xf32, #tpu.memory_space<vmem>>, vector<16xf32>,
      %swap3A_125 = arith.constant 0 : i32
      %swap3A_126 = arith.index_cast %swap3A_125 : i32 to index
      %swap3A_127 = arith.index_cast %scan3A_105 : i32 to index
      %swap3A_128 = arith.constant 64 : index
      %swap3A_129 = tpu.vector_load %arg7[%swap3A_126, %swap3A_127, %swap3A_128] {strides = array<i32>} : memref<2x128x128xf32, #tpu.memory_space<vmem>>, vector<16xf32>,
      tpu.vector_store %arg7[%swap3A_126, %swap3A_127, %swap3A_128], %broadcast_in_dim3A_0 {strides = array<i32>} : memref<2x128x128xf32, #tpu.memory_space<vmem>>, vector<16xf32>,
      %swap3A_130 = arith.constant 0 : i32
      %swap3A_131 = arith.index_cast %swap3A_130 : i32 to index
      %swap3A_132 = arith.index_cast %scan3A_105 : i32 to index
      %swap3A_133 = arith.constant 80 : index
      %swap3A_134 = tpu.vector_load %arg7[%swap3A_131, %swap3A_132, %swap3A_133] {strides = array<i32>} : memref<2x128x128xf32, #tpu.memory_space<vmem>>, vector<16xf32>,
      tpu.vector_store %arg7[%swap3A_131, %swap3A_132, %swap3A_133], %broadcast_in_dim3A_0 {strides = array<i32>} : memref<2x128x128xf32, #tpu.memory_space<vmem>>, vector<16xf32>,
      %swap3A_135 = arith.constant 0 : i32
      %swap3A_136 = arith.index_cast %swap3A_135 : i32 to index
      %swap3A_137 = arith.index_cast %scan3A_105 : i32 to index
      %swap3A_138 = arith.constant 96 : index
      %swap3A_139 = tpu.vector_load %arg7[%swap3A_136, %swap3A_137, %swap3A_138] {strides = array<i32>} : memref<2x128x128xf32, #tpu.memory_space<vmem>>, vector<16xf32>,
      tpu.vector_store %arg7[%swap3A_136, %swap3A_137, %swap3A_138], %broadcast_in_dim3A_0 {strides = array<i32>} : memref<2x128x128xf32, #tpu.memory_space<vmem>>, vector<16xf32>,
      %swap3A_140 = arith.constant 0 : i32
      %swap3A_141 = arith.index_cast %swap3A_140 : i32 to index
      %swap3A_142 = arith.index_cast %scan3A_105 : i32 to index
      %swap3A_143 = arith.constant 112 : index
      %swap3A_144 = tpu.vector_load %arg7[%swap3A_141, %swap3A_142, %swap3A_143] {strides = array<i32>} : memref<2x128x128xf32, #tpu.memory_space<vmem>>, vector<16xf32>,
      tpu.vector_store %arg7[%swap3A_141, %swap3A_142, %swap3A_143], %broadcast_in_dim3A_0 {strides = array<i32>} : memref<2x128x128xf32, #tpu.memory_space<vmem>>, vector<16xf32>,
    }
    %scan3A_5 = arith.constant 80 : i32
    %eq3A = arith.constant 15 : i32
    %eq3A_6 = arith.cmpi eq, %arg1, %eq3A : i32
    %jit3A = arith.constant 5 : i32
    %jit3A_7 = arith.constant 8 : i32
    %select_n3A = arith.select %eq3A_6, %jit3A, %jit3A_7 : i32
    %while3A = arith.constant 0 : i32
    %while3A_8 = arith.constant 0 : i32
    %while3A_9 = arith.subi %select_n3A, %while3A_8 : i32
    %while3A_10 = arith.addi %while3A_8, %while3A_9 : i32
    %while3A_11 = arith.constant 1 : i32
    %while3A_12 = arith.divsi %while3A_9, %while3A_11 : i32
    %while3A_13 = arith.muli %while3A_12, %while3A_11 : i32
    %while3A_14 = arith.addi %while3A_8, %while3A_13 : i32
    %while3A_15 = arith.constant 1 : i32
    scf.for %while3A_105 = %while3A_8 to %while3A_14 step %while3A_15  : i32 {
      %mul3A_106 = arith.constant 640 : i32
      %mul3A_107 = arith.muli %arg1, %mul3A_106 : i32
      %mul3A_108 = arith.constant 80 : i32
      %mul3A_109 = arith.muli %while3A_105, %mul3A_108 : i32
      %add3A_110 = arith.addi %mul3A_107, %mul3A_109 : i32
      %run_scoped3A = arith.constant 0 : i32
      "tpu.region"() ({
        %run_scoped3A_111 = tpu.sem_alloc : memref<!tpu.dma_semaphore, #tpu.memory_space<semaphore_mem>>
        %dma_start3A_112 = arith.constant 0 : i32
        %dma_start3A_113 = arith.constant 0 : i32
        %dma_start3A_114 = tpu.memref_slice %arg7[%run_scoped3A, %dma_start3A_112, %dma_start3A_113] : memref<2x128x128xf32, #tpu.memory_space<vmem>> -> memref<1x80x128xf32, #tpu.memory_space<vmem>>
        %dma_start3A_115 = tpu.memref_squeeze %dma_start3A_114 : memref<1x80x128xf32, #tpu.memory_space<vmem>> -> memref<80x128xf32, #tpu.memory_space<vmem>>
        %dma_start3A_116 = arith.constant 0 : i32
        %dma_start3A_117 = tpu.memref_slice %arg8[%add3A_110, %dma_start3A_116] : memref<10000x128xf32, #tpu.memory_space<vmem_shared>> -> memref<80x128xf32, #tpu.memory_space<vmem_shared>>
        %dma_start3A_118 = arith.constant 0 : i32
        %dma_start3A_119 = tpu.memref_slice %arg8[%add3A_110, %dma_start3A_118] : memref<10000x128xf32, #tpu.memory_space<vmem_shared>> -> memref<80x128xf32, #tpu.memory_space<vmem_shared>>
        %dma_start3A_120 = arith.constant 0 : i32
        %dma_start3A_121 = arith.constant 0 : i32
        %dma_start3A_122 = tpu.memref_slice %arg7[%run_scoped3A, %dma_start3A_120, %dma_start3A_121] : memref<2x128x128xf32, #tpu.memory_space<vmem>> -> memref<1x80x128xf32, #tpu.memory_space<vmem>>
        %dma_start3A_123 = tpu.memref_squeeze %dma_start3A_122 : memref<1x80x128xf32, #tpu.memory_space<vmem>> -> memref<80x128xf32, #tpu.memory_space<vmem>>
        tpu.enqueue_dma source(%dma_start3A_123 : memref<80x128xf32, #tpu.memory_space<vmem>>) target(%dma_start3A_119 : memref<80x128xf32, #tpu.memory_space<vmem_shared>>) target_semaphore(%run_scoped3A_111 : memref<!tpu.dma_semaphore, #tpu.memory_space<semaphore_mem>>)
        %dma_wait3A_124 = arith.constant 0 : i32
        %dma_wait3A_125 = arith.constant 0 : i32
        %dma_wait3A_126 = tpu.memref_slice %arg7[%run_scoped3A, %dma_wait3A_124, %dma_wait3A_125] : memref<2x128x128xf32, #tpu.memory_space<vmem>> -> memref<1x80x128xf32, #tpu.memory_space<vmem>>
        %dma_wait3A_127 = tpu.memref_squeeze %dma_wait3A_126 : memref<1x80x128xf32, #tpu.memory_space<vmem>> -> memref<80x128xf32, #tpu.memory_space<vmem>>
        %dma_wait3A_128 = arith.constant 0 : i32
        %dma_wait3A_129 = tpu.memref_slice %arg8[%add3A_110, %dma_wait3A_128] : memref<10000x128xf32, #tpu.memory_space<vmem_shared>> -> memref<80x128xf32, #tpu.memory_space<vmem_shared>>
        %dma_wait3A_130 = arith.constant 0 : i32
        %dma_wait3A_131 = tpu.memref_slice %arg8[%add3A_110, %dma_wait3A_130] : memref<10000x128xf32, #tpu.memory_space<vmem_shared>> -> memref<80x128xf32, #tpu.memory_space<vmem_shared>>
        %dma_wait3A_132 = arith.constant 0 : i32
        %dma_wait3A_133 = arith.constant 0 : i32
        %dma_wait3A_134 = tpu.memref_slice %arg7[%run_scoped3A, %dma_wait3A_132, %dma_wait3A_133] : memref<2x128x128xf32, #tpu.memory_space<vmem>> -> memref<1x80x128xf32, #tpu.memory_space<vmem>>
        %dma_wait3A_135 = tpu.memref_squeeze %dma_wait3A_134 : memref<1x80x128xf32, #tpu.memory_space<vmem>> -> memref<80x128xf32, #tpu.memory_space<vmem>>
        tpu.wait_dma2 semaphore(%run_scoped3A_111 : memref<!tpu.dma_semaphore, #tpu.memory_space<semaphore_mem>>) src(%dma_wait3A_135 : memref<80x128xf32, #tpu.memory_space<vmem>>) dst(%dma_wait3A_131 : memref<80x128xf32, #tpu.memory_space<vmem_shared>>)
        tpu.yield
      }) : () -> ()
    }
    %while3A_16 = arith.constant 1 : i32
    scf.for %while3A_105 = %while3A_14 to %while3A_10 step %while3A_16  : i32 {
      %mul3A_106 = arith.constant 640 : i32
      %mul3A_107 = arith.muli %arg1, %mul3A_106 : i32
      %mul3A_108 = arith.constant 80 : i32
      %mul3A_109 = arith.muli %while3A_105, %mul3A_108 : i32
      %add3A_110 = arith.addi %mul3A_107, %mul3A_109 : i32
      %run_scoped3A = arith.constant 0 : i32
      "tpu.region"() ({
        %run_scoped3A_111 = tpu.sem_alloc : memref<!tpu.dma_semaphore, #tpu.memory_space<semaphore_mem>>
        %dma_start3A_112 = arith.constant 0 : i32
        %dma_start3A_113 = arith.constant 0 : i32
        %dma_start3A_114 = tpu.memref_slice %arg7[%run_scoped3A, %dma_start3A_112, %dma_start3A_113] : memref<2x128x128xf32, #tpu.memory_space<vmem>> -> memref<1x80x128xf32, #tpu.memory_space<vmem>>
        %dma_start3A_115 = tpu.memref_squeeze %dma_start3A_114 : memref<1x80x128xf32, #tpu.memory_space<vmem>> -> memref<80x128xf32, #tpu.memory_space<vmem>>
        %dma_start3A_116 = arith.constant 0 : i32
        %dma_start3A_117 = tpu.memref_slice %arg8[%add3A_110, %dma_start3A_116] : memref<10000x128xf32, #tpu.memory_space<vmem_shared>> -> memref<80x128xf32, #tpu.memory_space<vmem_shared>>
        %dma_start3A_118 = arith.constant 0 : i32
        %dma_start3A_119 = tpu.memref_slice %arg8[%add3A_110, %dma_start3A_118] : memref<10000x128xf32, #tpu.memory_space<vmem_shared>> -> memref<80x128xf32, #tpu.memory_space<vmem_shared>>
        %dma_start3A_120 = arith.constant 0 : i32
        %dma_start3A_121 = arith.constant 0 : i32
        %dma_start3A_122 = tpu.memref_slice %arg7[%run_scoped3A, %dma_start3A_120, %dma_start3A_121] : memref<2x128x128xf32, #tpu.memory_space<vmem>> -> memref<1x80x128xf32, #tpu.memory_space<vmem>>
        %dma_start3A_123 = tpu.memref_squeeze %dma_start3A_122 : memref<1x80x128xf32, #tpu.memory_space<vmem>> -> memref<80x128xf32, #tpu.memory_space<vmem>>
        tpu.enqueue_dma source(%dma_start3A_123 : memref<80x128xf32, #tpu.memory_space<vmem>>) target(%dma_start3A_119 : memref<80x128xf32, #tpu.memory_space<vmem_shared>>) target_semaphore(%run_scoped3A_111 : memref<!tpu.dma_semaphore, #tpu.memory_space<semaphore_mem>>)
        %dma_wait3A_124 = arith.constant 0 : i32
        %dma_wait3A_125 = arith.constant 0 : i32
        %dma_wait3A_126 = tpu.memref_slice %arg7[%run_scoped3A, %dma_wait3A_124, %dma_wait3A_125] : memref<2x128x128xf32, #tpu.memory_space<vmem>> -> memref<1x80x128xf32, #tpu.memory_space<vmem>>
        %dma_wait3A_127 = tpu.memref_squeeze %dma_wait3A_126 : memref<1x80x128xf32, #tpu.memory_space<vmem>> -> memref<80x128xf32, #tpu.memory_space<vmem>>
        %dma_wait3A_128 = arith.constant 0 : i32
        %dma_wait3A_129 = tpu.memref_slice %arg8[%add3A_110, %dma_wait3A_128] : memref<10000x128xf32, #tpu.memory_space<vmem_shared>> -> memref<80x128xf32, #tpu.memory_space<vmem_shared>>
        %dma_wait3A_130 = arith.constant 0 : i32
        %dma_wait3A_131 = tpu.memref_slice %arg8[%add3A_110, %dma_wait3A_130] : memref<10000x128xf32, #tpu.memory_space<vmem_shared>> -> memref<80x128xf32, #tpu.memory_space<vmem_shared>>
        %dma_wait3A_132 = arith.constant 0 : i32
        %dma_wait3A_133 = arith.constant 0 : i32
        %dma_wait3A_134 = tpu.memref_slice %arg7[%run_scoped3A, %dma_wait3A_132, %dma_wait3A_133] : memref<2x128x128xf32, #tpu.memory_space<vmem>> -> memref<1x80x128xf32, #tpu.memory_space<vmem>>
        %dma_wait3A_135 = tpu.memref_squeeze %dma_wait3A_134 : memref<1x80x128xf32, #tpu.memory_space<vmem>> -> memref<80x128xf32, #tpu.memory_space<vmem>>
        tpu.wait_dma2 semaphore(%run_scoped3A_111 : memref<!tpu.dma_semaphore, #tpu.memory_space<semaphore_mem>>) src(%dma_wait3A_135 : memref<80x128xf32, #tpu.memory_space<vmem>>) dst(%dma_wait3A_131 : memref<80x128xf32, #tpu.memory_space<vmem_shared>>)
        tpu.yield
      }) : () -> ()
    }
    %barrier3A = arith.constant 0 : index
    tpu.barrier barrier_id(%barrier3A)
    %mul3A = arith.constant 1250 : i32
    %mul3A_17 = arith.muli %arg0, %mul3A : i32
    %mul3A_18 = arith.constant 78 : i32
    %mul3A_19 = arith.muli %arg1, %mul3A_18 : i32
    %add3A = arith.addi %mul3A_17, %mul3A_19 : i32
    %add3A_20 = arith.constant 0 : i32
    %add3A_21 = arith.addi %add3A, %add3A_20 : i32
    %dma_start3A = arith.constant 0 : i32
    %dma_start3A_22 = arith.constant 0 : i32
    %dma_start3A_23 = arith.constant 0 : i32
    %dma_start3A_24 = tpu.memref_slice %arg5[%dma_start3A_22, %dma_start3A_23] : memref<6x128xi32, #tpu.memory_space<vmem>> -> memref<3x128xi32, #tpu.memory_space<vmem>>
    %dma_start3A_25 = arith.constant 0 : i32
    %dma_start3A_26 = arith.constant 0 : i32
    %dma_start3A_27 = tpu.memref_slice %arg2[%add3A_21, %dma_start3A_25, %dma_start3A_26] : memref<2500x3x128xi32, #tpu.memory_space<hbm>> -> memref<1x3x128xi32, #tpu.memory_space<hbm>>
    %dma_start3A_28 = tpu.memref_squeeze %dma_start3A_27 : memref<1x3x128xi32, #tpu.memory_space<hbm>> -> memref<3x128xi32, #tpu.memory_space<hbm>>
    %dma_start3A_29 = tpu.memref_slice %arg9[%dma_start3A] : memref<2x!tpu.dma_semaphore, #tpu.memory_space<semaphore_mem>> -> memref<1x!tpu.dma_semaphore, #tpu.memory_space<semaphore_mem>>
    %dma_start3A_30 = tpu.memref_squeeze %dma_start3A_29 : memref<1x!tpu.dma_semaphore, #tpu.memory_space<semaphore_mem>> -> memref<!tpu.dma_semaphore, #tpu.memory_space<semaphore_mem>>
    %dma_start3A_31 = arith.constant 0 : i32
    %dma_start3A_32 = arith.constant 0 : i32
    %dma_start3A_33 = tpu.memref_slice %arg5[%dma_start3A_31, %dma_start3A_32] : memref<6x128xi32, #tpu.memory_space<vmem>> -> memref<3x128xi32, #tpu.memory_space<vmem>>
    %dma_start3A_34 = arith.constant 0 : i32
    %dma_start3A_35 = arith.constant 0 : i32
    %dma_start3A_36 = tpu.memref_slice %arg2[%add3A_21, %dma_start3A_34, %dma_start3A_35] : memref<2500x3x128xi32, #tpu.memory_space<hbm>> -> memref<1x3x128xi32, #tpu.memory_space<hbm>>
    %dma_start3A_37 = tpu.memref_squeeze %dma_start3A_36 : memref<1x3x128xi32, #tpu.memory_space<hbm>> -> memref<3x128xi32, #tpu.memory_space<hbm>>
    tpu.enqueue_dma source(%dma_start3A_37 : memref<3x128xi32, #tpu.memory_space<hbm>>) target(%dma_start3A_33 : memref<3x128xi32, #tpu.memory_space<vmem>>) target_semaphore(%dma_start3A_30 : memref<!tpu.dma_semaphore, #tpu.memory_space<semaphore_mem>>)
    %add3A_38 = arith.constant 1 : i32
    %add3A_39 = arith.addi %add3A, %add3A_38 : i32
    %dma_start3A_40 = arith.constant 1 : i32
    %dma_start3A_41 = arith.constant 3 : i32
    %dma_start3A_42 = arith.constant 0 : i32
    %dma_start3A_43 = tpu.memref_slice %arg5[%dma_start3A_41, %dma_start3A_42] : memref<6x128xi32, #tpu.memory_space<vmem>> -> memref<3x128xi32, #tpu.memory_space<vmem>>
    %dma_start3A_44 = arith.constant 0 : i32
    %dma_start3A_45 = arith.constant 0 : i32
    %dma_start3A_46 = tpu.memref_slice %arg2[%add3A_39, %dma_start3A_44, %dma_start3A_45] : memref<2500x3x128xi32, #tpu.memory_space<hbm>> -> memref<1x3x128xi32, #tpu.memory_space<hbm>>
    %dma_start3A_47 = tpu.memref_squeeze %dma_start3A_46 : memref<1x3x128xi32, #tpu.memory_space<hbm>> -> memref<3x128xi32, #tpu.memory_space<hbm>>
    %dma_start3A_48 = tpu.memref_slice %arg9[%dma_start3A_40] : memref<2x!tpu.dma_semaphore, #tpu.memory_space<semaphore_mem>> -> memref<1x!tpu.dma_semaphore, #tpu.memory_space<semaphore_mem>>
    %dma_start3A_49 = tpu.memref_squeeze %dma_start3A_48 : memref<1x!tpu.dma_semaphore, #tpu.memory_space<semaphore_mem>> -> memref<!tpu.dma_semaphore, #tpu.memory_space<semaphore_mem>>
    %dma_start3A_50 = arith.constant 3 : i32
    %dma_start3A_51 = arith.constant 0 : i32
    %dma_start3A_52 = tpu.memref_slice %arg5[%dma_start3A_50, %dma_start3A_51] : memref<6x128xi32, #tpu.memory_space<vmem>> -> memref<3x128xi32, #tpu.memory_space<vmem>>
    %dma_start3A_53 = arith.constant 0 : i32
    %dma_start3A_54 = arith.constant 0 : i32
    %dma_start3A_55 = tpu.memref_slice %arg2[%add3A_39, %dma_start3A_53, %dma_start3A_54] : memref<2500x3x128xi32, #tpu.memory_space<hbm>> -> memref<1x3x128xi32, #tpu.memory_space<hbm>>
    %dma_start3A_56 = tpu.memref_squeeze %dma_start3A_55 : memref<1x3x128xi32, #tpu.memory_space<hbm>> -> memref<3x128xi32, #tpu.memory_space<hbm>>
    tpu.enqueue_dma source(%dma_start3A_56 : memref<3x128xi32, #tpu.memory_space<hbm>>) target(%dma_start3A_52 : memref<3x128xi32, #tpu.memory_space<vmem>>) target_semaphore(%dma_start3A_49 : memref<!tpu.dma_semaphore, #tpu.memory_space<semaphore_mem>>)
    %scan3A_57 = arith.constant 0 : i32
    %scan3A_58 = arith.constant 0 : i32
    %scan3A_59 = arith.constant 39 : i32
    %scan3A_60 = arith.addi %scan3A_58, %scan3A_59 : i32
    %scan3A_61 = arith.constant 1 : i32
    scf.for %scan3A_105 = %scan3A_58 to %scan3A_60 step %scan3A_61  : i32 {
      %dma_wait3A_106 = arith.constant 0 : i32
      %dma_wait3A_107 = arith.constant 0 : i32
      %dma_wait3A_108 = arith.constant 0 : i32
      %dma_wait3A_109 = tpu.memref_slice %arg5[%dma_wait3A_107, %dma_wait3A_108] : memref<6x128xi32, #tpu.memory_space<vmem>> -> memref<3x128xi32, #tpu.memory_space<vmem>>
      %dma_wait3A_110 = arith.constant 0 : i32
      %dma_wait3A_111 = arith.constant 0 : i32
      %dma_wait3A_112 = tpu.memref_slice %arg2[%add3A, %dma_wait3A_110, %dma_wait3A_111] : memref<2500x3x128xi32, #tpu.memory_space<hbm>> -> memref<1x3x128xi32, #tpu.memory_space<hbm>>
      %dma_wait3A_113 = tpu.memref_squeeze %dma_wait3A_112 : memref<1x3x128xi32, #tpu.memory_space<hbm>> -> memref<3x128xi32, #tpu.memory_space<hbm>>
      %dma_wait3A_114 = tpu.memref_slice %arg9[%dma_wait3A_106] : memref<2x!tpu.dma_semaphore, #tpu.memory_space<semaphore_mem>> -> memref<1x!tpu.dma_semaphore, #tpu.memory_space<semaphore_mem>>
      %dma_wait3A_115 = tpu.memref_squeeze %dma_wait3A_114 : memref<1x!tpu.dma_semaphore, #tpu.memory_space<semaphore_mem>> -> memref<!tpu.dma_semaphore, #tpu.memory_space<semaphore_mem>>
      %dma_wait3A_116 = arith.constant 0 : i32
      %dma_wait3A_117 = arith.constant 0 : i32
      %dma_wait3A_118 = tpu.memref_slice %arg5[%dma_wait3A_116, %dma_wait3A_117] : memref<6x128xi32, #tpu.memory_space<vmem>> -> memref<3x128xi32, #tpu.memory_space<vmem>>
      %dma_wait3A_119 = arith.constant 0 : i32
      %dma_wait3A_120 = arith.constant 0 : i32
      %dma_wait3A_121 = tpu.memref_slice %arg2[%add3A, %dma_wait3A_119, %dma_wait3A_120] : memref<2500x3x128xi32, #tpu.memory_space<hbm>> -> memref<1x3x128xi32, #tpu.memory_space<hbm>>
      %dma_wait3A_122 = tpu.memref_squeeze %dma_wait3A_121 : memref<1x3x128xi32, #tpu.memory_space<hbm>> -> memref<3x128xi32, #tpu.memory_space<hbm>>
      tpu.wait_dma2 semaphore(%dma_wait3A_115 : memref<!tpu.dma_semaphore, #tpu.memory_space<semaphore_mem>>) src(%dma_wait3A_122 : memref<3x128xi32, #tpu.memory_space<hbm>>) dst(%dma_wait3A_118 : memref<3x128xi32, #tpu.memory_space<vmem>>)
      %gt3A = arith.constant 0 : i32
      %gt3A_123 = arith.cmpi sgt, %scan3A_105, %gt3A : i32
      %convert_element_type3A_124 = arith.extui %gt3A_123 : i1 to i32
      %cond3A_125 = arith.constant 0 : i32
      %cond3A_126 = arith.cmpi ne, %convert_element_type3A_124, %cond3A_125 : i32
      scf.if %cond3A_126 {
        %dma_wait3A_387 = arith.constant 0 : i32
        %dma_wait3A_388 = arith.constant 0 : i32
        %dma_wait3A_389 = arith.constant 0 : i32
        %dma_wait3A_390 = arith.constant 0 : i32
        %dma_wait3A_391 = arith.constant 0 : i32
        %dma_wait3A_392 = tpu.memref_slice %arg7[%dma_wait3A_387, %dma_wait3A_390, %dma_wait3A_391] : memref<2x128x128xf32, #tpu.memory_space<vmem>> -> memref<1x128x128xf32, #tpu.memory_space<vmem>>
        %dma_wait3A_393 = tpu.memref_squeeze %dma_wait3A_392 : memref<1x128x128xf32, #tpu.memory_space<vmem>> -> memref<128x128xf32, #tpu.memory_space<vmem>>
        %dma_wait3A_394 = arith.constant 0 : i32
        %dma_wait3A_395 = tpu.memref_slice %arg6[%dma_wait3A_388, %dma_wait3A_394] : memref<2x128xi32, #tpu.memory_space<vmem>> -> memref<1x128xi32, #tpu.memory_space<vmem>>
        %dma_wait3A_396 = tpu.memref_squeeze %dma_wait3A_395 : memref<1x128xi32, #tpu.memory_space<vmem>> -> memref<128xi32, #tpu.memory_space<vmem>>
        %dma_wait3A_397 = arith.constant 0 : i32
        %dma_wait3A_398 = arith.constant 0 : i32
        %dma_wait3A_399 = tpu.memref_slice %arg8[%dma_wait3A_397, %dma_wait3A_398] : memref<10000x128xf32, #tpu.memory_space<vmem_shared>> -> memref<10000x128xf32, #tpu.memory_space<vmem_shared>>
        %dma_wait3A_400 = tpu.memref_slice %arg11[%dma_wait3A_389] : memref<2x!tpu.dma_semaphore, #tpu.memory_space<semaphore_mem>> -> memref<1x!tpu.dma_semaphore, #tpu.memory_space<semaphore_mem>>
        %dma_wait3A_401 = tpu.memref_squeeze %dma_wait3A_400 : memref<1x!tpu.dma_semaphore, #tpu.memory_space<semaphore_mem>> -> memref<!tpu.dma_semaphore, #tpu.memory_space<semaphore_mem>>
        tpu.wait_indirect_dma semaphore(%dma_wait3A_401 : memref<!tpu.dma_semaphore, #tpu.memory_space<semaphore_mem>>) src(%dma_wait3A_393 : memref<128x128xf32, #tpu.memory_space<vmem>>) dst(%dma_wait3A_399 : memref<10000x128xf32, #tpu.memory_space<vmem_shared>>)
      } else {
      }
      %dma_start3A_127 = arith.constant 0 : i32
      %dma_start3A_128 = arith.constant 0 : i32
      %dma_start3A_129 = arith.constant 0 : i32
      %dma_start3A_130 = arith.constant 0 : i32
      %dma_start3A_131 = arith.constant 0 : i32
      %dma_start3A_132 = tpu.memref_slice %arg7[%dma_start3A_128, %dma_start3A_130, %dma_start3A_131] : memref<2x128x128xf32, #tpu.memory_space<vmem>> -> memref<1x128x128xf32, #tpu.memory_space<vmem>>
      %dma_start3A_133 = tpu.memref_squeeze %dma_start3A_132 : memref<1x128x128xf32, #tpu.memory_space<vmem>> -> memref<128x128xf32, #tpu.memory_space<vmem>>
      %dma_start3A_134 = arith.constant 0 : i32
      %dma_start3A_135 = tpu.memref_slice %arg5[%dma_start3A_127, %dma_start3A_134] : memref<6x128xi32, #tpu.memory_space<vmem>> -> memref<1x128xi32, #tpu.memory_space<vmem>>
      %dma_start3A_136 = tpu.memref_squeeze %dma_start3A_135 : memref<1x128xi32, #tpu.memory_space<vmem>> -> memref<128xi32, #tpu.memory_space<vmem>>
      %dma_start3A_137 = arith.constant 0 : i32
      %dma_start3A_138 = arith.constant 0 : i32
      %dma_start3A_139 = tpu.memref_slice %arg3[%dma_start3A_137, %dma_start3A_138] : memref<10000x128xf32, #tpu.memory_space<hbm>> -> memref<10000x128xf32, #tpu.memory_space<hbm>>
      %dma_start3A_140 = tpu.memref_slice %arg10[%dma_start3A_129] : memref<2x!tpu.dma_semaphore, #tpu.memory_space<semaphore_mem>> -> memref<1x!tpu.dma_semaphore, #tpu.memory_space<semaphore_mem>>
      %dma_start3A_141 = tpu.memref_squeeze %dma_start3A_140 : memref<1x!tpu.dma_semaphore, #tpu.memory_space<semaphore_mem>> -> memref<!tpu.dma_semaphore, #tpu.memory_space<semaphore_mem>>
      tpu.enqueue_indirect_dma source(%dma_start3A_139 : memref<10000x128xf32, #tpu.memory_space<hbm>>) target(%dma_start3A_133 : memref<128x128xf32, #tpu.memory_space<vmem>>) offsets(%dma_start3A_136 : memref<128xi32, #tpu.memory_space<vmem>>) semaphore(%dma_start3A_141 : memref<!tpu.dma_semaphore, #tpu.memory_space<semaphore_mem>>)
      %dma_wait3A_142 = arith.constant 1 : i32
      %dma_wait3A_143 = arith.constant 3 : i32
      %dma_wait3A_144 = arith.constant 0 : i32
      %dma_wait3A_145 = tpu.memref_slice %arg5[%dma_wait3A_143, %dma_wait3A_144] : memref<6x128xi32, #tpu.memory_space<vmem>> -> memref<3x128xi32, #tpu.memory_space<vmem>>
      %dma_wait3A_146 = arith.constant 0 : i32
      %dma_wait3A_147 = arith.constant 0 : i32
      %dma_wait3A_148 = tpu.memref_slice %arg2[%add3A, %dma_wait3A_146, %dma_wait3A_147] : memref<2500x3x128xi32, #tpu.memory_space<hbm>> -> memref<1x3x128xi32, #tpu.memory_space<hbm>>
      %dma_wait3A_149 = tpu.memref_squeeze %dma_wait3A_148 : memref<1x3x128xi32, #tpu.memory_space<hbm>> -> memref<3x128xi32, #tpu.memory_space<hbm>>
      %dma_wait3A_150 = tpu.memref_slice %arg9[%dma_wait3A_142] : memref<2x!tpu.dma_semaphore, #tpu.memory_space<semaphore_mem>> -> memref<1x!tpu.dma_semaphore, #tpu.memory_space<semaphore_mem>>
      %dma_wait3A_151 = tpu.memref_squeeze %dma_wait3A_150 : memref<1x!tpu.dma_semaphore, #tpu.memory_space<semaphore_mem>> -> memref<!tpu.dma_semaphore, #tpu.memory_space<semaphore_mem>>
      %dma_wait3A_152 = arith.constant 3 : i32
      %dma_wait3A_153 = arith.constant 0 : i32
      %dma_wait3A_154 = tpu.memref_slice %arg5[%dma_wait3A_152, %dma_wait3A_153] : memref<6x128xi32, #tpu.memory_space<vmem>> -> memref<3x128xi32, #tpu.memory_space<vmem>>
      %dma_wait3A_155 = arith.constant 0 : i32
      %dma_wait3A_156 = arith.constant 0 : i32
      %dma_wait3A_157 = tpu.memref_slice %arg2[%add3A, %dma_wait3A_155, %dma_wait3A_156] : memref<2500x3x128xi32, #tpu.memory_space<hbm>> -> memref<1x3x128xi32, #tpu.memory_space<hbm>>
      %dma_wait3A_158 = tpu.memref_squeeze %dma_wait3A_157 : memref<1x3x128xi32, #tpu.memory_space<hbm>> -> memref<3x128xi32, #tpu.memory_space<hbm>>
      tpu.wait_dma2 semaphore(%dma_wait3A_151 : memref<!tpu.dma_semaphore, #tpu.memory_space<semaphore_mem>>) src(%dma_wait3A_158 : memref<3x128xi32, #tpu.memory_space<hbm>>) dst(%dma_wait3A_154 : memref<3x128xi32, #tpu.memory_space<vmem>>)
      %gt3A_159 = arith.constant 0 : i32
      %gt3A_160 = arith.cmpi sgt, %scan3A_105, %gt3A_159 : i32
      %convert_element_type3A_161 = arith.extui %gt3A_160 : i1 to i32
      %cond3A_162 = arith.constant 0 : i32
      %cond3A_163 = arith.cmpi ne, %convert_element_type3A_161, %cond3A_162 : i32
      scf.if %cond3A_163 {
        %dma_wait3A_387 = arith.constant 1 : i32
        %dma_wait3A_388 = arith.constant 1 : i32
        %dma_wait3A_389 = arith.constant 1 : i32
        %dma_wait3A_390 = arith.constant 0 : i32
        %dma_wait3A_391 = arith.constant 0 : i32
        %dma_wait3A_392 = tpu.memref_slice %arg7[%dma_wait3A_387, %dma_wait3A_390, %dma_wait3A_391] : memref<2x128x128xf32, #tpu.memory_space<vmem>> -> memref<1x128x128xf32, #tpu.memory_space<vmem>>
        %dma_wait3A_393 = tpu.memref_squeeze %dma_wait3A_392 : memref<1x128x128xf32, #tpu.memory_space<vmem>> -> memref<128x128xf32, #tpu.memory_space<vmem>>
        %dma_wait3A_394 = arith.constant 0 : i32
        %dma_wait3A_395 = tpu.memref_slice %arg6[%dma_wait3A_388, %dma_wait3A_394] : memref<2x128xi32, #tpu.memory_space<vmem>> -> memref<1x128xi32, #tpu.memory_space<vmem>>
        %dma_wait3A_396 = tpu.memref_squeeze %dma_wait3A_395 : memref<1x128xi32, #tpu.memory_space<vmem>> -> memref<128xi32, #tpu.memory_space<vmem>>
        %dma_wait3A_397 = arith.constant 0 : i32
        %dma_wait3A_398 = arith.constant 0 : i32
        %dma_wait3A_399 = tpu.memref_slice %arg8[%dma_wait3A_397, %dma_wait3A_398] : memref<10000x128xf32, #tpu.memory_space<vmem_shared>> -> memref<10000x128xf32, #tpu.memory_space<vmem_shared>>
        %dma_wait3A_400 = tpu.memref_slice %arg11[%dma_wait3A_389] : memref<2x!tpu.dma_semaphore, #tpu.memory_space<semaphore_mem>> -> memref<1x!tpu.dma_semaphore, #tpu.memory_space<semaphore_mem>>
        %dma_wait3A_401 = tpu.memref_squeeze %dma_wait3A_400 : memref<1x!tpu.dma_semaphore, #tpu.memory_space<semaphore_mem>> -> memref<!tpu.dma_semaphore, #tpu.memory_space<semaphore_mem>>
        tpu.wait_indirect_dma semaphore(%dma_wait3A_401 : memref<!tpu.dma_semaphore, #tpu.memory_space<semaphore_mem>>) src(%dma_wait3A_393 : memref<128x128xf32, #tpu.memory_space<vmem>>) dst(%dma_wait3A_399 : memref<10000x128xf32, #tpu.memory_space<vmem_shared>>)
      } else {
      }
      %dma_start3A_164 = arith.constant 3 : i32
      %dma_start3A_165 = arith.constant 1 : i32
      %dma_start3A_166 = arith.constant 1 : i32
      %dma_start3A_167 = arith.constant 0 : i32
      %dma_start3A_168 = arith.constant 0 : i32
      %dma_start3A_169 = tpu.memref_slice %arg7[%dma_start3A_165, %dma_start3A_167, %dma_start3A_168] : memref<2x128x128xf32, #tpu.memory_space<vmem>> -> memref<1x128x128xf32, #tpu.memory_space<vmem>>
      %dma_start3A_170 = tpu.memref_squeeze %dma_start3A_169 : memref<1x128x128xf32, #tpu.memory_space<vmem>> -> memref<128x128xf32, #tpu.memory_space<vmem>>
      %dma_start3A_171 = arith.constant 0 : i32
      %dma_start3A_172 = tpu.memref_slice %arg5[%dma_start3A_164, %dma_start3A_171] : memref<6x128xi32, #tpu.memory_space<vmem>> -> memref<1x128xi32, #tpu.memory_space<vmem>>
      %dma_start3A_173 = tpu.memref_squeeze %dma_start3A_172 : memref<1x128xi32, #tpu.memory_space<vmem>> -> memref<128xi32, #tpu.memory_space<vmem>>
      %dma_start3A_174 = arith.constant 0 : i32
      %dma_start3A_175 = arith.constant 0 : i32
      %dma_start3A_176 = tpu.memref_slice %arg3[%dma_start3A_174, %dma_start3A_175] : memref<10000x128xf32, #tpu.memory_space<hbm>> -> memref<10000x128xf32, #tpu.memory_space<hbm>>
      %dma_start3A_177 = tpu.memref_slice %arg10[%dma_start3A_166] : memref<2x!tpu.dma_semaphore, #tpu.memory_space<semaphore_mem>> -> memref<1x!tpu.dma_semaphore, #tpu.memory_space<semaphore_mem>>
      %dma_start3A_178 = tpu.memref_squeeze %dma_start3A_177 : memref<1x!tpu.dma_semaphore, #tpu.memory_space<semaphore_mem>> -> memref<!tpu.dma_semaphore, #tpu.memory_space<semaphore_mem>>
      tpu.enqueue_indirect_dma source(%dma_start3A_176 : memref<10000x128xf32, #tpu.memory_space<hbm>>) target(%dma_start3A_170 : memref<128x128xf32, #tpu.memory_space<vmem>>) offsets(%dma_start3A_173 : memref<128xi32, #tpu.memory_space<vmem>>) semaphore(%dma_start3A_178 : memref<!tpu.dma_semaphore, #tpu.memory_space<semaphore_mem>>)
      %dma_wait3A_179 = arith.constant 0 : i32
      %dma_wait3A_180 = arith.constant 0 : i32
      %dma_wait3A_181 = arith.constant 0 : i32
      %dma_wait3A_182 = arith.constant 0 : i32
      %dma_wait3A_183 = arith.constant 0 : i32
      %dma_wait3A_184 = tpu.memref_slice %arg7[%dma_wait3A_180, %dma_wait3A_182, %dma_wait3A_183] : memref<2x128x128xf32, #tpu.memory_space<vmem>> -> memref<1x128x128xf32, #tpu.memory_space<vmem>>
      %dma_wait3A_185 = tpu.memref_squeeze %dma_wait3A_184 : memref<1x128x128xf32, #tpu.memory_space<vmem>> -> memref<128x128xf32, #tpu.memory_space<vmem>>
      %dma_wait3A_186 = arith.constant 0 : i32
      %dma_wait3A_187 = tpu.memref_slice %arg5[%dma_wait3A_179, %dma_wait3A_186] : memref<6x128xi32, #tpu.memory_space<vmem>> -> memref<1x128xi32, #tpu.memory_space<vmem>>
      %dma_wait3A_188 = tpu.memref_squeeze %dma_wait3A_187 : memref<1x128xi32, #tpu.memory_space<vmem>> -> memref<128xi32, #tpu.memory_space<vmem>>
      %dma_wait3A_189 = arith.constant 0 : i32
      %dma_wait3A_190 = arith.constant 0 : i32
      %dma_wait3A_191 = tpu.memref_slice %arg3[%dma_wait3A_189, %dma_wait3A_190] : memref<10000x128xf32, #tpu.memory_space<hbm>> -> memref<10000x128xf32, #tpu.memory_space<hbm>>
      %dma_wait3A_192 = tpu.memref_slice %arg10[%dma_wait3A_181] : memref<2x!tpu.dma_semaphore, #tpu.memory_space<semaphore_mem>> -> memref<1x!tpu.dma_semaphore, #tpu.memory_space<semaphore_mem>>
      %dma_wait3A_193 = tpu.memref_squeeze %dma_wait3A_192 : memref<1x!tpu.dma_semaphore, #tpu.memory_space<semaphore_mem>> -> memref<!tpu.dma_semaphore, #tpu.memory_space<semaphore_mem>>
      tpu.wait_indirect_dma semaphore(%dma_wait3A_193 : memref<!tpu.dma_semaphore, #tpu.memory_space<semaphore_mem>>) src(%dma_wait3A_191 : memref<10000x128xf32, #tpu.memory_space<hbm>>) dst(%dma_wait3A_185 : memref<128x128xf32, #tpu.memory_space<vmem>>)
      %scan3A_194 = arith.constant 0 : i32
      %scan3A_195 = arith.constant 0 : i32
      %scan3A_196 = arith.constant 128 : i32
      %scan3A_197 = arith.addi %scan3A_195, %scan3A_196 : i32
      %scan3A_198 = arith.constant 1 : i32
      scf.for %scan3A_387 = %scan3A_195 to %scan3A_197 step %scan3A_198  : i32 {
        %broadcast_in_dim3A_388 = arith.constant 2 : i32
        %broadcast_in_dim3A_389 = vector.broadcast %broadcast_in_dim3A_388 : i32 to vector<16xi32>
        %broadcast_in_dim3A_390 = vector.broadcast %scan3A_387 : i32 to vector<16xi32>
        %gather3A = tpu.vector_load_idx %arg5[%broadcast_in_dim3A_389, %broadcast_in_dim3A_390] : memref<6x128xi32, #tpu.memory_space<vmem>>[vector<16xi32>, vector<16xi32>], vector<16xi32>,
        %bitcast3A = vector.bitcast %gather3A : vector<16xi32> to vector<16xf32>
        %get3A_391 = arith.constant 0 : i32
        %get3A_392 = arith.index_cast %get3A_391 : i32 to index
        %get3A_393 = arith.index_cast %scan3A_387 : i32 to index
        %get3A_394 = arith.constant 0 : index
        %get3A_395 = tpu.vector_load %arg7[%get3A_392, %get3A_393, %get3A_394] {strides = array<i32>} : memref<2x128x128xf32, #tpu.memory_space<vmem>>, vector<16xf32>,
        %mul3A_396 = arith.mulf %get3A_395, %bitcast3A : vector<16xf32>
        %swap3A_397 = arith.constant 0 : i32
        %swap3A_398 = arith.index_cast %swap3A_397 : i32 to index
        %swap3A_399 = arith.index_cast %scan3A_387 : i32 to index
        %swap3A_400 = arith.constant 0 : index
        %swap3A_401 = tpu.vector_load %arg7[%swap3A_398, %swap3A_399, %swap3A_400] {strides = array<i32>} : memref<2x128x128xf32, #tpu.memory_space<vmem>>, vector<16xf32>,
        tpu.vector_store %arg7[%swap3A_398, %swap3A_399, %swap3A_400], %mul3A_396 {strides = array<i32>} : memref<2x128x128xf32, #tpu.memory_space<vmem>>, vector<16xf32>,
        %get3A_402 = arith.constant 0 : i32
        %get3A_403 = arith.index_cast %get3A_402 : i32 to index
        %get3A_404 = arith.index_cast %scan3A_387 : i32 to index
        %get3A_405 = arith.constant 16 : index
        %get3A_406 = tpu.vector_load %arg7[%get3A_403, %get3A_404, %get3A_405] {strides = array<i32>} : memref<2x128x128xf32, #tpu.memory_space<vmem>>, vector<16xf32>,
        %mul3A_407 = arith.mulf %get3A_406, %bitcast3A : vector<16xf32>
        %swap3A_408 = arith.constant 0 : i32
        %swap3A_409 = arith.index_cast %swap3A_408 : i32 to index
        %swap3A_410 = arith.index_cast %scan3A_387 : i32 to index
        %swap3A_411 = arith.constant 16 : index
        %swap3A_412 = tpu.vector_load %arg7[%swap3A_409, %swap3A_410, %swap3A_411] {strides = array<i32>} : memref<2x128x128xf32, #tpu.memory_space<vmem>>, vector<16xf32>,
        tpu.vector_store %arg7[%swap3A_409, %swap3A_410, %swap3A_411], %mul3A_407 {strides = array<i32>} : memref<2x128x128xf32, #tpu.memory_space<vmem>>, vector<16xf32>,
        %get3A_413 = arith.constant 0 : i32
        %get3A_414 = arith.index_cast %get3A_413 : i32 to index
        %get3A_415 = arith.index_cast %scan3A_387 : i32 to index
        %get3A_416 = arith.constant 32 : index
        %get3A_417 = tpu.vector_load %arg7[%get3A_414, %get3A_415, %get3A_416] {strides = array<i32>} : memref<2x128x128xf32, #tpu.memory_space<vmem>>, vector<16xf32>,
        %mul3A_418 = arith.mulf %get3A_417, %bitcast3A : vector<16xf32>
        %swap3A_419 = arith.constant 0 : i32
        %swap3A_420 = arith.index_cast %swap3A_419 : i32 to index
        %swap3A_421 = arith.index_cast %scan3A_387 : i32 to index
        %swap3A_422 = arith.constant 32 : index
        %swap3A_423 = tpu.vector_load %arg7[%swap3A_420, %swap3A_421, %swap3A_422] {strides = array<i32>} : memref<2x128x128xf32, #tpu.memory_space<vmem>>, vector<16xf32>,
        tpu.vector_store %arg7[%swap3A_420, %swap3A_421, %swap3A_422], %mul3A_418 {strides = array<i32>} : memref<2x128x128xf32, #tpu.memory_space<vmem>>, vector<16xf32>,
        %get3A_424 = arith.constant 0 : i32
        %get3A_425 = arith.index_cast %get3A_424 : i32 to index
        %get3A_426 = arith.index_cast %scan3A_387 : i32 to index
        %get3A_427 = arith.constant 48 : index
        %get3A_428 = tpu.vector_load %arg7[%get3A_425, %get3A_426, %get3A_427] {strides = array<i32>} : memref<2x128x128xf32, #tpu.memory_space<vmem>>, vector<16xf32>,
        %mul3A_429 = arith.mulf %get3A_428, %bitcast3A : vector<16xf32>
        %swap3A_430 = arith.constant 0 : i32
        %swap3A_431 = arith.index_cast %swap3A_430 : i32 to index
        %swap3A_432 = arith.index_cast %scan3A_387 : i32 to index
        %swap3A_433 = arith.constant 48 : index
        %swap3A_434 = tpu.vector_load %arg7[%swap3A_431, %swap3A_432, %swap3A_433] {strides = array<i32>} : memref<2x128x128xf32, #tpu.memory_space<vmem>>, vector<16xf32>,
        tpu.vector_store %arg7[%swap3A_431, %swap3A_432, %swap3A_433], %mul3A_429 {strides = array<i32>} : memref<2x128x128xf32, #tpu.memory_space<vmem>>, vector<16xf32>,
        %get3A_435 = arith.constant 0 : i32
        %get3A_436 = arith.index_cast %get3A_435 : i32 to index
        %get3A_437 = arith.index_cast %scan3A_387 : i32 to index
        %get3A_438 = arith.constant 64 : index
        %get3A_439 = tpu.vector_load %arg7[%get3A_436, %get3A_437, %get3A_438] {strides = array<i32>} : memref<2x128x128xf32, #tpu.memory_space<vmem>>, vector<16xf32>,
        %mul3A_440 = arith.mulf %get3A_439, %bitcast3A : vector<16xf32>
        %swap3A_441 = arith.constant 0 : i32
        %swap3A_442 = arith.index_cast %swap3A_441 : i32 to index
        %swap3A_443 = arith.index_cast %scan3A_387 : i32 to index
        %swap3A_444 = arith.constant 64 : index
        %swap3A_445 = tpu.vector_load %arg7[%swap3A_442, %swap3A_443, %swap3A_444] {strides = array<i32>} : memref<2x128x128xf32, #tpu.memory_space<vmem>>, vector<16xf32>,
        tpu.vector_store %arg7[%swap3A_442, %swap3A_443, %swap3A_444], %mul3A_440 {strides = array<i32>} : memref<2x128x128xf32, #tpu.memory_space<vmem>>, vector<16xf32>,
        %get3A_446 = arith.constant 0 : i32
        %get3A_447 = arith.index_cast %get3A_446 : i32 to index
        %get3A_448 = arith.index_cast %scan3A_387 : i32 to index
        %get3A_449 = arith.constant 80 : index
        %get3A_450 = tpu.vector_load %arg7[%get3A_447, %get3A_448, %get3A_449] {strides = array<i32>} : memref<2x128x128xf32, #tpu.memory_space<vmem>>, vector<16xf32>,
        %mul3A_451 = arith.mulf %get3A_450, %bitcast3A : vector<16xf32>
        %swap3A_452 = arith.constant 0 : i32
        %swap3A_453 = arith.index_cast %swap3A_452 : i32 to index
        %swap3A_454 = arith.index_cast %scan3A_387 : i32 to index
        %swap3A_455 = arith.constant 80 : index
        %swap3A_456 = tpu.vector_load %arg7[%swap3A_453, %swap3A_454, %swap3A_455] {strides = array<i32>} : memref<2x128x128xf32, #tpu.memory_space<vmem>>, vector<16xf32>,
        tpu.vector_store %arg7[%swap3A_453, %swap3A_454, %swap3A_455], %mul3A_451 {strides = array<i32>} : memref<2x128x128xf32, #tpu.memory_space<vmem>>, vector<16xf32>,
        %get3A_457 = arith.constant 0 : i32
        %get3A_458 = arith.index_cast %get3A_457 : i32 to index
        %get3A_459 = arith.index_cast %scan3A_387 : i32 to index
        %get3A_460 = arith.constant 96 : index
        %get3A_461 = tpu.vector_load %arg7[%get3A_458, %get3A_459, %get3A_460] {strides = array<i32>} : memref<2x128x128xf32, #tpu.memory_space<vmem>>, vector<16xf32>,
        %mul3A_462 = arith.mulf %get3A_461, %bitcast3A : vector<16xf32>
        %swap3A_463 = arith.constant 0 : i32
        %swap3A_464 = arith.index_cast %swap3A_463 : i32 to index
        %swap3A_465 = arith.index_cast %scan3A_387 : i32 to index
        %swap3A_466 = arith.constant 96 : index
        %swap3A_467 = tpu.vector_load %arg7[%swap3A_464, %swap3A_465, %swap3A_466] {strides = array<i32>} : memref<2x128x128xf32, #tpu.memory_space<vmem>>, vector<16xf32>,
        tpu.vector_store %arg7[%swap3A_464, %swap3A_465, %swap3A_466], %mul3A_462 {strides = array<i32>} : memref<2x128x128xf32, #tpu.memory_space<vmem>>, vector<16xf32>,
        %get3A_468 = arith.constant 0 : i32
        %get3A_469 = arith.index_cast %get3A_468 : i32 to index
        %get3A_470 = arith.index_cast %scan3A_387 : i32 to index
        %get3A_471 = arith.constant 112 : index
        %get3A_472 = tpu.vector_load %arg7[%get3A_469, %get3A_470, %get3A_471] {strides = array<i32>} : memref<2x128x128xf32, #tpu.memory_space<vmem>>, vector<16xf32>,
        %mul3A_473 = arith.mulf %get3A_472, %bitcast3A : vector<16xf32>
        %swap3A_474 = arith.constant 0 : i32
        %swap3A_475 = arith.index_cast %swap3A_474 : i32 to index
        %swap3A_476 = arith.index_cast %scan3A_387 : i32 to index
        %swap3A_477 = arith.constant 112 : index
        %swap3A_478 = tpu.vector_load %arg7[%swap3A_475, %swap3A_476, %swap3A_477] {strides = array<i32>} : memref<2x128x128xf32, #tpu.memory_space<vmem>>, vector<16xf32>,
        tpu.vector_store %arg7[%swap3A_475, %swap3A_476, %swap3A_477], %mul3A_473 {strides = array<i32>} : memref<2x128x128xf32, #tpu.memory_space<vmem>>, vector<16xf32>,
      }
      %scan3A_199 = arith.constant 128 : i32
      %get3A = arith.constant 1 : i32
      %get3A_200 = arith.index_cast %get3A : i32 to index
      %get3A_201 = arith.constant 0 : index
      %get3A_202 = tpu.vector_load %arg5[%get3A_200, %get3A_201] {strides = array<i32>} : memref<6x128xi32, #tpu.memory_space<vmem>>, vector<16xi32>,
      %swap3A = arith.constant 0 : i32
      %swap3A_203 = arith.index_cast %swap3A : i32 to index
      %swap3A_204 = arith.constant 0 : index
      %swap3A_205 = tpu.vector_load %arg6[%swap3A_203, %swap3A_204] {strides = array<i32>} : memref<2x128xi32, #tpu.memory_space<vmem>>, vector<16xi32>,
      tpu.vector_store %arg6[%swap3A_203, %swap3A_204], %get3A_202 {strides = array<i32>} : memref<2x128xi32, #tpu.memory_space<vmem>>, vector<16xi32>,
      %get3A_206 = arith.constant 1 : i32
      %get3A_207 = arith.index_cast %get3A_206 : i32 to index
      %get3A_208 = arith.constant 16 : index
      %get3A_209 = tpu.vector_load %arg5[%get3A_207, %get3A_208] {strides = array<i32>} : memref<6x128xi32, #tpu.memory_space<vmem>>, vector<16xi32>,
      %swap3A_210 = arith.constant 0 : i32
      %swap3A_211 = arith.index_cast %swap3A_210 : i32 to index
      %swap3A_212 = arith.constant 16 : index
      %swap3A_213 = tpu.vector_load %arg6[%swap3A_211, %swap3A_212] {strides = array<i32>} : memref<2x128xi32, #tpu.memory_space<vmem>>, vector<16xi32>,
      tpu.vector_store %arg6[%swap3A_211, %swap3A_212], %get3A_209 {strides = array<i32>} : memref<2x128xi32, #tpu.memory_space<vmem>>, vector<16xi32>,
      %get3A_214 = arith.constant 1 : i32
      %get3A_215 = arith.index_cast %get3A_214 : i32 to index
      %get3A_216 = arith.constant 32 : index
      %get3A_217 = tpu.vector_load %arg5[%get3A_215, %get3A_216] {strides = array<i32>} : memref<6x128xi32, #tpu.memory_space<vmem>>, vector<16xi32>,
      %swap3A_218 = arith.constant 0 : i32
      %swap3A_219 = arith.index_cast %swap3A_218 : i32 to index
      %swap3A_220 = arith.constant 32 : index
      %swap3A_221 = tpu.vector_load %arg6[%swap3A_219, %swap3A_220] {strides = array<i32>} : memref<2x128xi32, #tpu.memory_space<vmem>>, vector<16xi32>,
      tpu.vector_store %arg6[%swap3A_219, %swap3A_220], %get3A_217 {strides = array<i32>} : memref<2x128xi32, #tpu.memory_space<vmem>>, vector<16xi32>,
      %get3A_222 = arith.constant 1 : i32
      %get3A_223 = arith.index_cast %get3A_222 : i32 to index
      %get3A_224 = arith.constant 48 : index
      %get3A_225 = tpu.vector_load %arg5[%get3A_223, %get3A_224] {strides = array<i32>} : memref<6x128xi32, #tpu.memory_space<vmem>>, vector<16xi32>,
      %swap3A_226 = arith.constant 0 : i32
      %swap3A_227 = arith.index_cast %swap3A_226 : i32 to index
      %swap3A_228 = arith.constant 48 : index
      %swap3A_229 = tpu.vector_load %arg6[%swap3A_227, %swap3A_228] {strides = array<i32>} : memref<2x128xi32, #tpu.memory_space<vmem>>, vector<16xi32>,
      tpu.vector_store %arg6[%swap3A_227, %swap3A_228], %get3A_225 {strides = array<i32>} : memref<2x128xi32, #tpu.memory_space<vmem>>, vector<16xi32>,
      %get3A_230 = arith.constant 1 : i32
      %get3A_231 = arith.index_cast %get3A_230 : i32 to index
      %get3A_232 = arith.constant 64 : index
      %get3A_233 = tpu.vector_load %arg5[%get3A_231, %get3A_232] {strides = array<i32>} : memref<6x128xi32, #tpu.memory_space<vmem>>, vector<16xi32>,
      %swap3A_234 = arith.constant 0 : i32
      %swap3A_235 = arith.index_cast %swap3A_234 : i32 to index
      %swap3A_236 = arith.constant 64 : index
      %swap3A_237 = tpu.vector_load %arg6[%swap3A_235, %swap3A_236] {strides = array<i32>} : memref<2x128xi32, #tpu.memory_space<vmem>>, vector<16xi32>,
      tpu.vector_store %arg6[%swap3A_235, %swap3A_236], %get3A_233 {strides = array<i32>} : memref<2x128xi32, #tpu.memory_space<vmem>>, vector<16xi32>,
      %get3A_238 = arith.constant 1 : i32
      %get3A_239 = arith.index_cast %get3A_238 : i32 to index
      %get3A_240 = arith.constant 80 : index
      %get3A_241 = tpu.vector_load %arg5[%get3A_239, %get3A_240] {strides = array<i32>} : memref<6x128xi32, #tpu.memory_space<vmem>>, vector<16xi32>,
      %swap3A_242 = arith.constant 0 : i32
      %swap3A_243 = arith.index_cast %swap3A_242 : i32 to index
      %swap3A_244 = arith.constant 80 : index
      %swap3A_245 = tpu.vector_load %arg6[%swap3A_243, %swap3A_244] {strides = array<i32>} : memref<2x128xi32, #tpu.memory_space<vmem>>, vector<16xi32>,
      tpu.vector_store %arg6[%swap3A_243, %swap3A_244], %get3A_241 {strides = array<i32>} : memref<2x128xi32, #tpu.memory_space<vmem>>, vector<16xi32>,
      %get3A_246 = arith.constant 1 : i32
      %get3A_247 = arith.index_cast %get3A_246 : i32 to index
      %get3A_248 = arith.constant 96 : index
      %get3A_249 = tpu.vector_load %arg5[%get3A_247, %get3A_248] {strides = array<i32>} : memref<6x128xi32, #tpu.memory_space<vmem>>, vector<16xi32>,
      %swap3A_250 = arith.constant 0 : i32
      %swap3A_251 = arith.index_cast %swap3A_250 : i32 to index
      %swap3A_252 = arith.constant 96 : index
      %swap3A_253 = tpu.vector_load %arg6[%swap3A_251, %swap3A_252] {strides = array<i32>} : memref<2x128xi32, #tpu.memory_space<vmem>>, vector<16xi32>,
      tpu.vector_store %arg6[%swap3A_251, %swap3A_252], %get3A_249 {strides = array<i32>} : memref<2x128xi32, #tpu.memory_space<vmem>>, vector<16xi32>,
      %get3A_254 = arith.constant 1 : i32
      %get3A_255 = arith.index_cast %get3A_254 : i32 to index
      %get3A_256 = arith.constant 112 : index
      %get3A_257 = tpu.vector_load %arg5[%get3A_255, %get3A_256] {strides = array<i32>} : memref<6x128xi32, #tpu.memory_space<vmem>>, vector<16xi32>,
      %swap3A_258 = arith.constant 0 : i32
      %swap3A_259 = arith.index_cast %swap3A_258 : i32 to index
      %swap3A_260 = arith.constant 112 : index
      %swap3A_261 = tpu.vector_load %arg6[%swap3A_259, %swap3A_260] {strides = array<i32>} : memref<2x128xi32, #tpu.memory_space<vmem>>, vector<16xi32>,
      tpu.vector_store %arg6[%swap3A_259, %swap3A_260], %get3A_257 {strides = array<i32>} : memref<2x128xi32, #tpu.memory_space<vmem>>, vector<16xi32>,
      %dma_start3A_262 = arith.constant 0 : i32
      %dma_start3A_263 = arith.constant 0 : i32
      %dma_start3A_264 = arith.constant 0 : i32
      %dma_start3A_265 = arith.constant 0 : i32
      %dma_start3A_266 = arith.constant 0 : i32
      %dma_start3A_267 = tpu.memref_slice %arg7[%dma_start3A_262, %dma_start3A_265, %dma_start3A_266] : memref<2x128x128xf32, #tpu.memory_space<vmem>> -> memref<1x128x128xf32, #tpu.memory_space<vmem>>
      %dma_start3A_268 = tpu.memref_squeeze %dma_start3A_267 : memref<1x128x128xf32, #tpu.memory_space<vmem>> -> memref<128x128xf32, #tpu.memory_space<vmem>>
      %dma_start3A_269 = arith.constant 0 : i32
      %dma_start3A_270 = tpu.memref_slice %arg6[%dma_start3A_263, %dma_start3A_269] : memref<2x128xi32, #tpu.memory_space<vmem>> -> memref<1x128xi32, #tpu.memory_space<vmem>>
      %dma_start3A_271 = tpu.memref_squeeze %dma_start3A_270 : memref<1x128xi32, #tpu.memory_space<vmem>> -> memref<128xi32, #tpu.memory_space<vmem>>
      %dma_start3A_272 = arith.constant 0 : i32
      %dma_start3A_273 = arith.constant 0 : i32
      %dma_start3A_274 = tpu.memref_slice %arg8[%dma_start3A_272, %dma_start3A_273] : memref<10000x128xf32, #tpu.memory_space<vmem_shared>> -> memref<10000x128xf32, #tpu.memory_space<vmem_shared>>
      %dma_start3A_275 = tpu.memref_slice %arg11[%dma_start3A_264] : memref<2x!tpu.dma_semaphore, #tpu.memory_space<semaphore_mem>> -> memref<1x!tpu.dma_semaphore, #tpu.memory_space<semaphore_mem>>
      %dma_start3A_276 = tpu.memref_squeeze %dma_start3A_275 : memref<1x!tpu.dma_semaphore, #tpu.memory_space<semaphore_mem>> -> memref<!tpu.dma_semaphore, #tpu.memory_space<semaphore_mem>>
      tpu.enqueue_indirect_dma source(%dma_start3A_268 : memref<128x128xf32, #tpu.memory_space<vmem>>) target(%dma_start3A_274 : memref<10000x128xf32, #tpu.memory_space<vmem_shared>>) offsets(%dma_start3A_271 : memref<128xi32, #tpu.memory_space<vmem>>) semaphore(%dma_start3A_276 : memref<!tpu.dma_semaphore, #tpu.memory_space<semaphore_mem>>) {add = true}
      %lt3A_277 = arith.constant 38 : i32
      %lt3A_278 = arith.cmpi slt, %scan3A_105, %lt3A_277 : i32
      %convert_element_type3A_279 = arith.extui %lt3A_278 : i1 to i32
      %cond3A_280 = arith.constant 0 : i32
      %cond3A_281 = arith.cmpi ne, %convert_element_type3A_279, %cond3A_280 : i32
      scf.if %cond3A_281 {
        %add3A_387 = arith.constant 1 : i32
        %add3A_388 = arith.addi %scan3A_105, %add3A_387 : i32
        %mul3A_389 = arith.constant 2 : i32
        %mul3A_390 = arith.muli %add3A_388, %mul3A_389 : i32
        %add3A_391 = arith.addi %add3A, %mul3A_390 : i32
        %add3A_392 = arith.constant 0 : i32
        %add3A_393 = arith.addi %add3A_391, %add3A_392 : i32
        %dma_start3A_394 = arith.constant 0 : i32
        %dma_start3A_395 = arith.constant 0 : i32
        %dma_start3A_396 = arith.constant 0 : i32
        %dma_start3A_397 = tpu.memref_slice %arg5[%dma_start3A_395, %dma_start3A_396] : memref<6x128xi32, #tpu.memory_space<vmem>> -> memref<3x128xi32, #tpu.memory_space<vmem>>
        %dma_start3A_398 = arith.constant 0 : i32
        %dma_start3A_399 = arith.constant 0 : i32
        %dma_start3A_400 = tpu.memref_slice %arg2[%add3A_393, %dma_start3A_398, %dma_start3A_399] : memref<2500x3x128xi32, #tpu.memory_space<hbm>> -> memref<1x3x128xi32, #tpu.memory_space<hbm>>
        %dma_start3A_401 = tpu.memref_squeeze %dma_start3A_400 : memref<1x3x128xi32, #tpu.memory_space<hbm>> -> memref<3x128xi32, #tpu.memory_space<hbm>>
        %dma_start3A_402 = tpu.memref_slice %arg9[%dma_start3A_394] : memref<2x!tpu.dma_semaphore, #tpu.memory_space<semaphore_mem>> -> memref<1x!tpu.dma_semaphore, #tpu.memory_space<semaphore_mem>>
        %dma_start3A_403 = tpu.memref_squeeze %dma_start3A_402 : memref<1x!tpu.dma_semaphore, #tpu.memory_space<semaphore_mem>> -> memref<!tpu.dma_semaphore, #tpu.memory_space<semaphore_mem>>
        %dma_start3A_404 = arith.constant 0 : i32
        %dma_start3A_405 = arith.constant 0 : i32
        %dma_start3A_406 = tpu.memref_slice %arg5[%dma_start3A_404, %dma_start3A_405] : memref<6x128xi32, #tpu.memory_space<vmem>> -> memref<3x128xi32, #tpu.memory_space<vmem>>
        %dma_start3A_407 = arith.constant 0 : i32
        %dma_start3A_408 = arith.constant 0 : i32
        %dma_start3A_409 = tpu.memref_slice %arg2[%add3A_393, %dma_start3A_407, %dma_start3A_408] : memref<2500x3x128xi32, #tpu.memory_space<hbm>> -> memref<1x3x128xi32, #tpu.memory_space<hbm>>
        %dma_start3A_410 = tpu.memref_squeeze %dma_start3A_409 : memref<1x3x128xi32, #tpu.memory_space<hbm>> -> memref<3x128xi32, #tpu.memory_space<hbm>>
        tpu.enqueue_dma source(%dma_start3A_410 : memref<3x128xi32, #tpu.memory_space<hbm>>) target(%dma_start3A_406 : memref<3x128xi32, #tpu.memory_space<vmem>>) target_semaphore(%dma_start3A_403 : memref<!tpu.dma_semaphore, #tpu.memory_space<semaphore_mem>>)
      } else {
      }
      %dma_wait3A_282 = arith.constant 3 : i32
      %dma_wait3A_283 = arith.constant 1 : i32
      %dma_wait3A_284 = arith.constant 1 : i32
      %dma_wait3A_285 = arith.constant 0 : i32
      %dma_wait3A_286 = arith.constant 0 : i32
      %dma_wait3A_287 = tpu.memref_slice %arg7[%dma_wait3A_283, %dma_wait3A_285, %dma_wait3A_286] : memref<2x128x128xf32, #tpu.memory_space<vmem>> -> memref<1x128x128xf32, #tpu.memory_space<vmem>>
      %dma_wait3A_288 = tpu.memref_squeeze %dma_wait3A_287 : memref<1x128x128xf32, #tpu.memory_space<vmem>> -> memref<128x128xf32, #tpu.memory_space<vmem>>
      %dma_wait3A_289 = arith.constant 0 : i32
      %dma_wait3A_290 = tpu.memref_slice %arg5[%dma_wait3A_282, %dma_wait3A_289] : memref<6x128xi32, #tpu.memory_space<vmem>> -> memref<1x128xi32, #tpu.memory_space<vmem>>
      %dma_wait3A_291 = tpu.memref_squeeze %dma_wait3A_290 : memref<1x128xi32, #tpu.memory_space<vmem>> -> memref<128xi32, #tpu.memory_space<vmem>>
      %dma_wait3A_292 = arith.constant 0 : i32
      %dma_wait3A_293 = arith.constant 0 : i32
      %dma_wait3A_294 = tpu.memref_slice %arg3[%dma_wait3A_292, %dma_wait3A_293] : memref<10000x128xf32, #tpu.memory_space<hbm>> -> memref<10000x128xf32, #tpu.memory_space<hbm>>
      %dma_wait3A_295 = tpu.memref_slice %arg10[%dma_wait3A_284] : memref<2x!tpu.dma_semaphore, #tpu.memory_space<semaphore_mem>> -> memref<1x!tpu.dma_semaphore, #tpu.memory_space<semaphore_mem>>
      %dma_wait3A_296 = tpu.memref_squeeze %dma_wait3A_295 : memref<1x!tpu.dma_semaphore, #tpu.memory_space<semaphore_mem>> -> memref<!tpu.dma_semaphore, #tpu.memory_space<semaphore_mem>>
      tpu.wait_indirect_dma semaphore(%dma_wait3A_296 : memref<!tpu.dma_semaphore, #tpu.memory_space<semaphore_mem>>) src(%dma_wait3A_294 : memref<10000x128xf32, #tpu.memory_space<hbm>>) dst(%dma_wait3A_288 : memref<128x128xf32, #tpu.memory_space<vmem>>)
      %scan3A_297 = arith.constant 0 : i32
      %scan3A_298 = arith.constant 0 : i32
      %scan3A_299 = arith.constant 128 : i32
      %scan3A_300 = arith.addi %scan3A_298, %scan3A_299 : i32
      %scan3A_301 = arith.constant 1 : i32
      scf.for %scan3A_387 = %scan3A_298 to %scan3A_300 step %scan3A_301  : i32 {
        %broadcast_in_dim3A_388 = arith.constant 5 : i32
        %broadcast_in_dim3A_389 = vector.broadcast %broadcast_in_dim3A_388 : i32 to vector<16xi32>
        %broadcast_in_dim3A_390 = vector.broadcast %scan3A_387 : i32 to vector<16xi32>
        %gather3A = tpu.vector_load_idx %arg5[%broadcast_in_dim3A_389, %broadcast_in_dim3A_390] : memref<6x128xi32, #tpu.memory_space<vmem>>[vector<16xi32>, vector<16xi32>], vector<16xi32>,
        %bitcast3A = vector.bitcast %gather3A : vector<16xi32> to vector<16xf32>
        %get3A_391 = arith.constant 1 : i32
        %get3A_392 = arith.index_cast %get3A_391 : i32 to index
        %get3A_393 = arith.index_cast %scan3A_387 : i32 to index
        %get3A_394 = arith.constant 0 : index
        %get3A_395 = tpu.vector_load %arg7[%get3A_392, %get3A_393, %get3A_394] {strides = array<i32>} : memref<2x128x128xf32, #tpu.memory_space<vmem>>, vector<16xf32>,
        %mul3A_396 = arith.mulf %get3A_395, %bitcast3A : vector<16xf32>
        %swap3A_397 = arith.constant 1 : i32
        %swap3A_398 = arith.index_cast %swap3A_397 : i32 to index
        %swap3A_399 = arith.index_cast %scan3A_387 : i32 to index
        %swap3A_400 = arith.constant 0 : index
        %swap3A_401 = tpu.vector_load %arg7[%swap3A_398, %swap3A_399, %swap3A_400] {strides = array<i32>} : memref<2x128x128xf32, #tpu.memory_space<vmem>>, vector<16xf32>,
        tpu.vector_store %arg7[%swap3A_398, %swap3A_399, %swap3A_400], %mul3A_396 {strides = array<i32>} : memref<2x128x128xf32, #tpu.memory_space<vmem>>, vector<16xf32>,
        %get3A_402 = arith.constant 1 : i32
        %get3A_403 = arith.index_cast %get3A_402 : i32 to index
        %get3A_404 = arith.index_cast %scan3A_387 : i32 to index
        %get3A_405 = arith.constant 16 : index
        %get3A_406 = tpu.vector_load %arg7[%get3A_403, %get3A_404, %get3A_405] {strides = array<i32>} : memref<2x128x128xf32, #tpu.memory_space<vmem>>, vector<16xf32>,
        %mul3A_407 = arith.mulf %get3A_406, %bitcast3A : vector<16xf32>
        %swap3A_408 = arith.constant 1 : i32
        %swap3A_409 = arith.index_cast %swap3A_408 : i32 to index
        %swap3A_410 = arith.index_cast %scan3A_387 : i32 to index
        %swap3A_411 = arith.constant 16 : index
        %swap3A_412 = tpu.vector_load %arg7[%swap3A_409, %swap3A_410, %swap3A_411] {strides = array<i32>} : memref<2x128x128xf32, #tpu.memory_space<vmem>>, vector<16xf32>,
        tpu.vector_store %arg7[%swap3A_409, %swap3A_410, %swap3A_411], %mul3A_407 {strides = array<i32>} : memref<2x128x128xf32, #tpu.memory_space<vmem>>, vector<16xf32>,
        %get3A_413 = arith.constant 1 : i32
        %get3A_414 = arith.index_cast %get3A_413 : i32 to index
        %get3A_415 = arith.index_cast %scan3A_387 : i32 to index
        %get3A_416 = arith.constant 32 : index
        %get3A_417 = tpu.vector_load %arg7[%get3A_414, %get3A_415, %get3A_416] {strides = array<i32>} : memref<2x128x128xf32, #tpu.memory_space<vmem>>, vector<16xf32>,
        %mul3A_418 = arith.mulf %get3A_417, %bitcast3A : vector<16xf32>
        %swap3A_419 = arith.constant 1 : i32
        %swap3A_420 = arith.index_cast %swap3A_419 : i32 to index
        %swap3A_421 = arith.index_cast %scan3A_387 : i32 to index
        %swap3A_422 = arith.constant 32 : index
        %swap3A_423 = tpu.vector_load %arg7[%swap3A_420, %swap3A_421, %swap3A_422] {strides = array<i32>} : memref<2x128x128xf32, #tpu.memory_space<vmem>>, vector<16xf32>,
        tpu.vector_store %arg7[%swap3A_420, %swap3A_421, %swap3A_422], %mul3A_418 {strides = array<i32>} : memref<2x128x128xf32, #tpu.memory_space<vmem>>, vector<16xf32>,
        %get3A_424 = arith.constant 1 : i32
        %get3A_425 = arith.index_cast %get3A_424 : i32 to index
        %get3A_426 = arith.index_cast %scan3A_387 : i32 to index
        %get3A_427 = arith.constant 48 : index
        %get3A_428 = tpu.vector_load %arg7[%get3A_425, %get3A_426, %get3A_427] {strides = array<i32>} : memref<2x128x128xf32, #tpu.memory_space<vmem>>, vector<16xf32>,
        %mul3A_429 = arith.mulf %get3A_428, %bitcast3A : vector<16xf32>
        %swap3A_430 = arith.constant 1 : i32
        %swap3A_431 = arith.index_cast %swap3A_430 : i32 to index
        %swap3A_432 = arith.index_cast %scan3A_387 : i32 to index
        %swap3A_433 = arith.constant 48 : index
        %swap3A_434 = tpu.vector_load %arg7[%swap3A_431, %swap3A_432, %swap3A_433] {strides = array<i32>} : memref<2x128x128xf32, #tpu.memory_space<vmem>>, vector<16xf32>,
        tpu.vector_store %arg7[%swap3A_431, %swap3A_432, %swap3A_433], %mul3A_429 {strides = array<i32>} : memref<2x128x128xf32, #tpu.memory_space<vmem>>, vector<16xf32>,
        %get3A_435 = arith.constant 1 : i32
        %get3A_436 = arith.index_cast %get3A_435 : i32 to index
        %get3A_437 = arith.index_cast %scan3A_387 : i32 to index
        %get3A_438 = arith.constant 64 : index
        %get3A_439 = tpu.vector_load %arg7[%get3A_436, %get3A_437, %get3A_438] {strides = array<i32>} : memref<2x128x128xf32, #tpu.memory_space<vmem>>, vector<16xf32>,
        %mul3A_440 = arith.mulf %get3A_439, %bitcast3A : vector<16xf32>
        %swap3A_441 = arith.constant 1 : i32
        %swap3A_442 = arith.index_cast %swap3A_441 : i32 to index
        %swap3A_443 = arith.index_cast %scan3A_387 : i32 to index
        %swap3A_444 = arith.constant 64 : index
        %swap3A_445 = tpu.vector_load %arg7[%swap3A_442, %swap3A_443, %swap3A_444] {strides = array<i32>} : memref<2x128x128xf32, #tpu.memory_space<vmem>>, vector<16xf32>,
        tpu.vector_store %arg7[%swap3A_442, %swap3A_443, %swap3A_444], %mul3A_440 {strides = array<i32>} : memref<2x128x128xf32, #tpu.memory_space<vmem>>, vector<16xf32>,
        %get3A_446 = arith.constant 1 : i32
        %get3A_447 = arith.index_cast %get3A_446 : i32 to index
        %get3A_448 = arith.index_cast %scan3A_387 : i32 to index
        %get3A_449 = arith.constant 80 : index
        %get3A_450 = tpu.vector_load %arg7[%get3A_447, %get3A_448, %get3A_449] {strides = array<i32>} : memref<2x128x128xf32, #tpu.memory_space<vmem>>, vector<16xf32>,
        %mul3A_451 = arith.mulf %get3A_450, %bitcast3A : vector<16xf32>
        %swap3A_452 = arith.constant 1 : i32
        %swap3A_453 = arith.index_cast %swap3A_452 : i32 to index
        %swap3A_454 = arith.index_cast %scan3A_387 : i32 to index
        %swap3A_455 = arith.constant 80 : index
        %swap3A_456 = tpu.vector_load %arg7[%swap3A_453, %swap3A_454, %swap3A_455] {strides = array<i32>} : memref<2x128x128xf32, #tpu.memory_space<vmem>>, vector<16xf32>,
        tpu.vector_store %arg7[%swap3A_453, %swap3A_454, %swap3A_455], %mul3A_451 {strides = array<i32>} : memref<2x128x128xf32, #tpu.memory_space<vmem>>, vector<16xf32>,
        %get3A_457 = arith.constant 1 : i32
        %get3A_458 = arith.index_cast %get3A_457 : i32 to index
        %get3A_459 = arith.index_cast %scan3A_387 : i32 to index
        %get3A_460 = arith.constant 96 : index
        %get3A_461 = tpu.vector_load %arg7[%get3A_458, %get3A_459, %get3A_460] {strides = array<i32>} : memref<2x128x128xf32, #tpu.memory_space<vmem>>, vector<16xf32>,
        %mul3A_462 = arith.mulf %get3A_461, %bitcast3A : vector<16xf32>
        %swap3A_463 = arith.constant 1 : i32
        %swap3A_464 = arith.index_cast %swap3A_463 : i32 to index
        %swap3A_465 = arith.index_cast %scan3A_387 : i32 to index
        %swap3A_466 = arith.constant 96 : index
        %swap3A_467 = tpu.vector_load %arg7[%swap3A_464, %swap3A_465, %swap3A_466] {strides = array<i32>} : memref<2x128x128xf32, #tpu.memory_space<vmem>>, vector<16xf32>,
        tpu.vector_store %arg7[%swap3A_464, %swap3A_465, %swap3A_466], %mul3A_462 {strides = array<i32>} : memref<2x128x128xf32, #tpu.memory_space<vmem>>, vector<16xf32>,
        %get3A_468 = arith.constant 1 : i32
        %get3A_469 = arith.index_cast %get3A_468 : i32 to index
        %get3A_470 = arith.index_cast %scan3A_387 : i32 to index
        %get3A_471 = arith.constant 112 : index
        %get3A_472 = tpu.vector_load %arg7[%get3A_469, %get3A_470, %get3A_471] {strides = array<i32>} : memref<2x128x128xf32, #tpu.memory_space<vmem>>, vector<16xf32>,
        %mul3A_473 = arith.mulf %get3A_472, %bitcast3A : vector<16xf32>
        %swap3A_474 = arith.constant 1 : i32
        %swap3A_475 = arith.index_cast %swap3A_474 : i32 to index
        %swap3A_476 = arith.index_cast %scan3A_387 : i32 to index
        %swap3A_477 = arith.constant 112 : index
        %swap3A_478 = tpu.vector_load %arg7[%swap3A_475, %swap3A_476, %swap3A_477] {strides = array<i32>} : memref<2x128x128xf32, #tpu.memory_space<vmem>>, vector<16xf32>,
        tpu.vector_store %arg7[%swap3A_475, %swap3A_476, %swap3A_477], %mul3A_473 {strides = array<i32>} : memref<2x128x128xf32, #tpu.memory_space<vmem>>, vector<16xf32>,
      }
      %scan3A_302 = arith.constant 128 : i32
      %get3A_303 = arith.constant 4 : i32
      %get3A_304 = arith.index_cast %get3A_303 : i32 to index
      %get3A_305 = arith.constant 0 : index
      %get3A_306 = tpu.vector_load %arg5[%get3A_304, %get3A_305] {strides = array<i32>} : memref<6x128xi32, #tpu.memory_space<vmem>>, vector<16xi32>,
      %swap3A_307 = arith.constant 1 : i32
      %swap3A_308 = arith.index_cast %swap3A_307 : i32 to index
      %swap3A_309 = arith.constant 0 : index
      %swap3A_310 = tpu.vector_load %arg6[%swap3A_308, %swap3A_309] {strides = array<i32>} : memref<2x128xi32, #tpu.memory_space<vmem>>, vector<16xi32>,
      tpu.vector_store %arg6[%swap3A_308, %swap3A_309], %get3A_306 {strides = array<i32>} : memref<2x128xi32, #tpu.memory_space<vmem>>, vector<16xi32>,
      %get3A_311 = arith.constant 4 : i32
      %get3A_312 = arith.index_cast %get3A_311 : i32 to index
      %get3A_313 = arith.constant 16 : index
      %get3A_314 = tpu.vector_load %arg5[%get3A_312, %get3A_313] {strides = array<i32>} : memref<6x128xi32, #tpu.memory_space<vmem>>, vector<16xi32>,
      %swap3A_315 = arith.constant 1 : i32
      %swap3A_316 = arith.index_cast %swap3A_315 : i32 to index
      %swap3A_317 = arith.constant 16 : index
      %swap3A_318 = tpu.vector_load %arg6[%swap3A_316, %swap3A_317] {strides = array<i32>} : memref<2x128xi32, #tpu.memory_space<vmem>>, vector<16xi32>,
      tpu.vector_store %arg6[%swap3A_316, %swap3A_317], %get3A_314 {strides = array<i32>} : memref<2x128xi32, #tpu.memory_space<vmem>>, vector<16xi32>,
      %get3A_319 = arith.constant 4 : i32
      %get3A_320 = arith.index_cast %get3A_319 : i32 to index
      %get3A_321 = arith.constant 32 : index
      %get3A_322 = tpu.vector_load %arg5[%get3A_320, %get3A_321] {strides = array<i32>} : memref<6x128xi32, #tpu.memory_space<vmem>>, vector<16xi32>,
      %swap3A_323 = arith.constant 1 : i32
      %swap3A_324 = arith.index_cast %swap3A_323 : i32 to index
      %swap3A_325 = arith.constant 32 : index
      %swap3A_326 = tpu.vector_load %arg6[%swap3A_324, %swap3A_325] {strides = array<i32>} : memref<2x128xi32, #tpu.memory_space<vmem>>, vector<16xi32>,
      tpu.vector_store %arg6[%swap3A_324, %swap3A_325], %get3A_322 {strides = array<i32>} : memref<2x128xi32, #tpu.memory_space<vmem>>, vector<16xi32>,
      %get3A_327 = arith.constant 4 : i32
      %get3A_328 = arith.index_cast %get3A_327 : i32 to index
      %get3A_329 = arith.constant 48 : index
      %get3A_330 = tpu.vector_load %arg5[%get3A_328, %get3A_329] {strides = array<i32>} : memref<6x128xi32, #tpu.memory_space<vmem>>, vector<16xi32>,
      %swap3A_331 = arith.constant 1 : i32
      %swap3A_332 = arith.index_cast %swap3A_331 : i32 to index
      %swap3A_333 = arith.constant 48 : index
      %swap3A_334 = tpu.vector_load %arg6[%swap3A_332, %swap3A_333] {strides = array<i32>} : memref<2x128xi32, #tpu.memory_space<vmem>>, vector<16xi32>,
      tpu.vector_store %arg6[%swap3A_332, %swap3A_333], %get3A_330 {strides = array<i32>} : memref<2x128xi32, #tpu.memory_space<vmem>>, vector<16xi32>,
      %get3A_335 = arith.constant 4 : i32
      %get3A_336 = arith.index_cast %get3A_335 : i32 to index
      %get3A_337 = arith.constant 64 : index
      %get3A_338 = tpu.vector_load %arg5[%get3A_336, %get3A_337] {strides = array<i32>} : memref<6x128xi32, #tpu.memory_space<vmem>>, vector<16xi32>,
      %swap3A_339 = arith.constant 1 : i32
      %swap3A_340 = arith.index_cast %swap3A_339 : i32 to index
      %swap3A_341 = arith.constant 64 : index
      %swap3A_342 = tpu.vector_load %arg6[%swap3A_340, %swap3A_341] {strides = array<i32>} : memref<2x128xi32, #tpu.memory_space<vmem>>, vector<16xi32>,
      tpu.vector_store %arg6[%swap3A_340, %swap3A_341], %get3A_338 {strides = array<i32>} : memref<2x128xi32, #tpu.memory_space<vmem>>, vector<16xi32>,
      %get3A_343 = arith.constant 4 : i32
      %get3A_344 = arith.index_cast %get3A_343 : i32 to index
      %get3A_345 = arith.constant 80 : index
      %get3A_346 = tpu.vector_load %arg5[%get3A_344, %get3A_345] {strides = array<i32>} : memref<6x128xi32, #tpu.memory_space<vmem>>, vector<16xi32>,
      %swap3A_347 = arith.constant 1 : i32
      %swap3A_348 = arith.index_cast %swap3A_347 : i32 to index
      %swap3A_349 = arith.constant 80 : index
      %swap3A_350 = tpu.vector_load %arg6[%swap3A_348, %swap3A_349] {strides = array<i32>} : memref<2x128xi32, #tpu.memory_space<vmem>>, vector<16xi32>,
      tpu.vector_store %arg6[%swap3A_348, %swap3A_349], %get3A_346 {strides = array<i32>} : memref<2x128xi32, #tpu.memory_space<vmem>>, vector<16xi32>,
      %get3A_351 = arith.constant 4 : i32
      %get3A_352 = arith.index_cast %get3A_351 : i32 to index
      %get3A_353 = arith.constant 96 : index
      %get3A_354 = tpu.vector_load %arg5[%get3A_352, %get3A_353] {strides = array<i32>} : memref<6x128xi32, #tpu.memory_space<vmem>>, vector<16xi32>,
      %swap3A_355 = arith.constant 1 : i32
      %swap3A_356 = arith.index_cast %swap3A_355 : i32 to index
      %swap3A_357 = arith.constant 96 : index
      %swap3A_358 = tpu.vector_load %arg6[%swap3A_356, %swap3A_357] {strides = array<i32>} : memref<2x128xi32, #tpu.memory_space<vmem>>, vector<16xi32>,
      tpu.vector_store %arg6[%swap3A_356, %swap3A_357], %get3A_354 {strides = array<i32>} : memref<2x128xi32, #tpu.memory_space<vmem>>, vector<16xi32>,
      %get3A_359 = arith.constant 4 : i32
      %get3A_360 = arith.index_cast %get3A_359 : i32 to index
      %get3A_361 = arith.constant 112 : index
      %get3A_362 = tpu.vector_load %arg5[%get3A_360, %get3A_361] {strides = array<i32>} : memref<6x128xi32, #tpu.memory_space<vmem>>, vector<16xi32>,
      %swap3A_363 = arith.constant 1 : i32
      %swap3A_364 = arith.index_cast %swap3A_363 : i32 to index
      %swap3A_365 = arith.constant 112 : index
      %swap3A_366 = tpu.vector_load %arg6[%swap3A_364, %swap3A_365] {strides = array<i32>} : memref<2x128xi32, #tpu.memory_space<vmem>>, vector<16xi32>,
      tpu.vector_store %arg6[%swap3A_364, %swap3A_365], %get3A_362 {strides = array<i32>} : memref<2x128xi32, #tpu.memory_space<vmem>>, vector<16xi32>,
      %dma_start3A_367 = arith.constant 1 : i32
      %dma_start3A_368 = arith.constant 1 : i32
      %dma_start3A_369 = arith.constant 1 : i32
      %dma_start3A_370 = arith.constant 0 : i32
      %dma_start3A_371 = arith.constant 0 : i32
      %dma_start3A_372 = tpu.memref_slice %arg7[%dma_start3A_367, %dma_start3A_370, %dma_start3A_371] : memref<2x128x128xf32, #tpu.memory_space<vmem>> -> memref<1x128x128xf32, #tpu.memory_space<vmem>>
      %dma_start3A_373 = tpu.memref_squeeze %dma_start3A_372 : memref<1x128x128xf32, #tpu.memory_space<vmem>> -> memref<128x128xf32, #tpu.memory_space<vmem>>
      %dma_start3A_374 = arith.constant 0 : i32
      %dma_start3A_375 = tpu.memref_slice %arg6[%dma_start3A_368, %dma_start3A_374] : memref<2x128xi32, #tpu.memory_space<vmem>> -> memref<1x128xi32, #tpu.memory_space<vmem>>
      %dma_start3A_376 = tpu.memref_squeeze %dma_start3A_375 : memref<1x128xi32, #tpu.memory_space<vmem>> -> memref<128xi32, #tpu.memory_space<vmem>>
      %dma_start3A_377 = arith.constant 0 : i32
      %dma_start3A_378 = arith.constant 0 : i32
      %dma_start3A_379 = tpu.memref_slice %arg8[%dma_start3A_377, %dma_start3A_378] : memref<10000x128xf32, #tpu.memory_space<vmem_shared>> -> memref<10000x128xf32, #tpu.memory_space<vmem_shared>>
      %dma_start3A_380 = tpu.memref_slice %arg11[%dma_start3A_369] : memref<2x!tpu.dma_semaphore, #tpu.memory_space<semaphore_mem>> -> memref<1x!tpu.dma_semaphore, #tpu.memory_space<semaphore_mem>>
      %dma_start3A_381 = tpu.memref_squeeze %dma_start3A_380 : memref<1x!tpu.dma_semaphore, #tpu.memory_space<semaphore_mem>> -> memref<!tpu.dma_semaphore, #tpu.memory_space<semaphore_mem>>
      tpu.enqueue_indirect_dma source(%dma_start3A_373 : memref<128x128xf32, #tpu.memory_space<vmem>>) target(%dma_start3A_379 : memref<10000x128xf32, #tpu.memory_space<vmem_shared>>) offsets(%dma_start3A_376 : memref<128xi32, #tpu.memory_space<vmem>>) semaphore(%dma_start3A_381 : memref<!tpu.dma_semaphore, #tpu.memory_space<semaphore_mem>>) {add = true}
      %lt3A_382 = arith.constant 38 : i32
      %lt3A_383 = arith.cmpi slt, %scan3A_105, %lt3A_382 : i32
      %convert_element_type3A_384 = arith.extui %lt3A_383 : i1 to i32
      %cond3A_385 = arith.constant 0 : i32
      %cond3A_386 = arith.cmpi ne, %convert_element_type3A_384, %cond3A_385 : i32
      scf.if %cond3A_386 {
        %add3A_387 = arith.constant 1 : i32
        %add3A_388 = arith.addi %scan3A_105, %add3A_387 : i32
        %mul3A_389 = arith.constant 2 : i32
        %mul3A_390 = arith.muli %add3A_388, %mul3A_389 : i32
        %add3A_391 = arith.addi %add3A, %mul3A_390 : i32
        %add3A_392 = arith.constant 1 : i32
        %add3A_393 = arith.addi %add3A_391, %add3A_392 : i32
        %dma_start3A_394 = arith.constant 1 : i32
        %dma_start3A_395 = arith.constant 3 : i32
        %dma_start3A_396 = arith.constant 0 : i32
        %dma_start3A_397 = tpu.memref_slice %arg5[%dma_start3A_395, %dma_start3A_396] : memref<6x128xi32, #tpu.memory_space<vmem>> -> memref<3x128xi32, #tpu.memory_space<vmem>>
        %dma_start3A_398 = arith.constant 0 : i32
        %dma_start3A_399 = arith.constant 0 : i32
        %dma_start3A_400 = tpu.memref_slice %arg2[%add3A_393, %dma_start3A_398, %dma_start3A_399] : memref<2500x3x128xi32, #tpu.memory_space<hbm>> -> memref<1x3x128xi32, #tpu.memory_space<hbm>>
        %dma_start3A_401 = tpu.memref_squeeze %dma_start3A_400 : memref<1x3x128xi32, #tpu.memory_space<hbm>> -> memref<3x128xi32, #tpu.memory_space<hbm>>
        %dma_start3A_402 = tpu.memref_slice %arg9[%dma_start3A_394] : memref<2x!tpu.dma_semaphore, #tpu.memory_space<semaphore_mem>> -> memref<1x!tpu.dma_semaphore, #tpu.memory_space<semaphore_mem>>
        %dma_start3A_403 = tpu.memref_squeeze %dma_start3A_402 : memref<1x!tpu.dma_semaphore, #tpu.memory_space<semaphore_mem>> -> memref<!tpu.dma_semaphore, #tpu.memory_space<semaphore_mem>>
        %dma_start3A_404 = arith.constant 3 : i32
        %dma_start3A_405 = arith.constant 0 : i32
        %dma_start3A_406 = tpu.memref_slice %arg5[%dma_start3A_404, %dma_start3A_405] : memref<6x128xi32, #tpu.memory_space<vmem>> -> memref<3x128xi32, #tpu.memory_space<vmem>>
        %dma_start3A_407 = arith.constant 0 : i32
        %dma_start3A_408 = arith.constant 0 : i32
        %dma_start3A_409 = tpu.memref_slice %arg2[%add3A_393, %dma_start3A_407, %dma_start3A_408] : memref<2500x3x128xi32, #tpu.memory_space<hbm>> -> memref<1x3x128xi32, #tpu.memory_space<hbm>>
        %dma_start3A_410 = tpu.memref_squeeze %dma_start3A_409 : memref<1x3x128xi32, #tpu.memory_space<hbm>> -> memref<3x128xi32, #tpu.memory_space<hbm>>
        tpu.enqueue_dma source(%dma_start3A_410 : memref<3x128xi32, #tpu.memory_space<hbm>>) target(%dma_start3A_406 : memref<3x128xi32, #tpu.memory_space<vmem>>) target_semaphore(%dma_start3A_403 : memref<!tpu.dma_semaphore, #tpu.memory_space<semaphore_mem>>)
      } else {
      }
    }
    %scan3A_62 = arith.constant 39 : i32
    %dma_wait3A = arith.constant 0 : i32
    %dma_wait3A_63 = arith.constant 0 : i32
    %dma_wait3A_64 = arith.constant 0 : i32
    %dma_wait3A_65 = arith.constant 0 : i32
    %dma_wait3A_66 = arith.constant 0 : i32
    %dma_wait3A_67 = tpu.memref_slice %arg7[%dma_wait3A, %dma_wait3A_65, %dma_wait3A_66] : memref<2x128x128xf32, #tpu.memory_space<vmem>> -> memref<1x128x128xf32, #tpu.memory_space<vmem>>
    %dma_wait3A_68 = tpu.memref_squeeze %dma_wait3A_67 : memref<1x128x128xf32, #tpu.memory_space<vmem>> -> memref<128x128xf32, #tpu.memory_space<vmem>>
    %dma_wait3A_69 = arith.constant 0 : i32
    %dma_wait3A_70 = tpu.memref_slice %arg6[%dma_wait3A_63, %dma_wait3A_69] : memref<2x128xi32, #tpu.memory_space<vmem>> -> memref<1x128xi32, #tpu.memory_space<vmem>>
    %dma_wait3A_71 = tpu.memref_squeeze %dma_wait3A_70 : memref<1x128xi32, #tpu.memory_space<vmem>> -> memref<128xi32, #tpu.memory_space<vmem>>
    %dma_wait3A_72 = arith.constant 0 : i32
    %dma_wait3A_73 = arith.constant 0 : i32
    %dma_wait3A_74 = tpu.memref_slice %arg8[%dma_wait3A_72, %dma_wait3A_73] : memref<10000x128xf32, #tpu.memory_space<vmem_shared>> -> memref<10000x128xf32, #tpu.memory_space<vmem_shared>>
    %dma_wait3A_75 = tpu.memref_slice %arg11[%dma_wait3A_64] : memref<2x!tpu.dma_semaphore, #tpu.memory_space<semaphore_mem>> -> memref<1x!tpu.dma_semaphore, #tpu.memory_space<semaphore_mem>>
    %dma_wait3A_76 = tpu.memref_squeeze %dma_wait3A_75 : memref<1x!tpu.dma_semaphore, #tpu.memory_space<semaphore_mem>> -> memref<!tpu.dma_semaphore, #tpu.memory_space<semaphore_mem>>
    tpu.wait_indirect_dma semaphore(%dma_wait3A_76 : memref<!tpu.dma_semaphore, #tpu.memory_space<semaphore_mem>>) src(%dma_wait3A_68 : memref<128x128xf32, #tpu.memory_space<vmem>>) dst(%dma_wait3A_74 : memref<10000x128xf32, #tpu.memory_space<vmem_shared>>)
    %dma_wait3A_77 = arith.constant 1 : i32
    %dma_wait3A_78 = arith.constant 1 : i32
    %dma_wait3A_79 = arith.constant 1 : i32
    %dma_wait3A_80 = arith.constant 0 : i32
    %dma_wait3A_81 = arith.constant 0 : i32
    %dma_wait3A_82 = tpu.memref_slice %arg7[%dma_wait3A_77, %dma_wait3A_80, %dma_wait3A_81] : memref<2x128x128xf32, #tpu.memory_space<vmem>> -> memref<1x128x128xf32, #tpu.memory_space<vmem>>
    %dma_wait3A_83 = tpu.memref_squeeze %dma_wait3A_82 : memref<1x128x128xf32, #tpu.memory_space<vmem>> -> memref<128x128xf32, #tpu.memory_space<vmem>>
    %dma_wait3A_84 = arith.constant 0 : i32
    %dma_wait3A_85 = tpu.memref_slice %arg6[%dma_wait3A_78, %dma_wait3A_84] : memref<2x128xi32, #tpu.memory_space<vmem>> -> memref<1x128xi32, #tpu.memory_space<vmem>>
    %dma_wait3A_86 = tpu.memref_squeeze %dma_wait3A_85 : memref<1x128xi32, #tpu.memory_space<vmem>> -> memref<128xi32, #tpu.memory_space<vmem>>
    %dma_wait3A_87 = arith.constant 0 : i32
    %dma_wait3A_88 = arith.constant 0 : i32
    %dma_wait3A_89 = tpu.memref_slice %arg8[%dma_wait3A_87, %dma_wait3A_88] : memref<10000x128xf32, #tpu.memory_space<vmem_shared>> -> memref<10000x128xf32, #tpu.memory_space<vmem_shared>>
    %dma_wait3A_90 = tpu.memref_slice %arg11[%dma_wait3A_79] : memref<2x!tpu.dma_semaphore, #tpu.memory_space<semaphore_mem>> -> memref<1x!tpu.dma_semaphore, #tpu.memory_space<semaphore_mem>>
    %dma_wait3A_91 = tpu.memref_squeeze %dma_wait3A_90 : memref<1x!tpu.dma_semaphore, #tpu.memory_space<semaphore_mem>> -> memref<!tpu.dma_semaphore, #tpu.memory_space<semaphore_mem>>
    tpu.wait_indirect_dma semaphore(%dma_wait3A_91 : memref<!tpu.dma_semaphore, #tpu.memory_space<semaphore_mem>>) src(%dma_wait3A_83 : memref<128x128xf32, #tpu.memory_space<vmem>>) dst(%dma_wait3A_89 : memref<10000x128xf32, #tpu.memory_space<vmem_shared>>)
    %lt3A = arith.constant 2 : i32
    %lt3A_92 = arith.cmpi slt, %arg1, %lt3A : i32
    %convert_element_type3A = arith.extui %lt3A_92 : i1 to i32
    %cond3A = arith.constant 0 : i32
    %cond3A_93 = arith.cmpi ne, %convert_element_type3A, %cond3A : i32
    scf.if %cond3A_93 {
      %mul3A_105 = arith.constant 1250 : i32
      %mul3A_106 = arith.muli %arg0, %mul3A_105 : i32
      %add3A_107 = arith.constant 1248 : i32
      %add3A_108 = arith.addi %mul3A_106, %add3A_107 : i32
      %add3A_109 = arith.addi %add3A_108, %arg1 : i32
      "tpu.region"() ({
        %run_scoped3A_147 = tpu.sem_alloc : memref<!tpu.dma_semaphore, #tpu.memory_space<semaphore_mem>>
        %dma_start3A_148 = arith.constant 0 : i32
        %dma_start3A_149 = arith.constant 0 : i32
        %dma_start3A_150 = tpu.memref_slice %arg5[%dma_start3A_148, %dma_start3A_149] : memref<6x128xi32, #tpu.memory_space<vmem>> -> memref<3x128xi32, #tpu.memory_space<vmem>>
        %dma_start3A_151 = arith.constant 0 : i32
        %dma_start3A_152 = arith.constant 0 : i32
        %dma_start3A_153 = tpu.memref_slice %arg2[%add3A_109, %dma_start3A_151, %dma_start3A_152] : memref<2500x3x128xi32, #tpu.memory_space<hbm>> -> memref<1x3x128xi32, #tpu.memory_space<hbm>>
        %dma_start3A_154 = tpu.memref_squeeze %dma_start3A_153 : memref<1x3x128xi32, #tpu.memory_space<hbm>> -> memref<3x128xi32, #tpu.memory_space<hbm>>
        %dma_start3A_155 = arith.constant 0 : i32
        %dma_start3A_156 = arith.constant 0 : i32
        %dma_start3A_157 = tpu.memref_slice %arg5[%dma_start3A_155, %dma_start3A_156] : memref<6x128xi32, #tpu.memory_space<vmem>> -> memref<3x128xi32, #tpu.memory_space<vmem>>
        %dma_start3A_158 = arith.constant 0 : i32
        %dma_start3A_159 = arith.constant 0 : i32
        %dma_start3A_160 = tpu.memref_slice %arg2[%add3A_109, %dma_start3A_158, %dma_start3A_159] : memref<2500x3x128xi32, #tpu.memory_space<hbm>> -> memref<1x3x128xi32, #tpu.memory_space<hbm>>
        %dma_start3A_161 = tpu.memref_squeeze %dma_start3A_160 : memref<1x3x128xi32, #tpu.memory_space<hbm>> -> memref<3x128xi32, #tpu.memory_space<hbm>>
        tpu.enqueue_dma source(%dma_start3A_161 : memref<3x128xi32, #tpu.memory_space<hbm>>) target(%dma_start3A_157 : memref<3x128xi32, #tpu.memory_space<vmem>>) target_semaphore(%run_scoped3A_147 : memref<!tpu.dma_semaphore, #tpu.memory_space<semaphore_mem>>)
        %dma_wait3A_162 = arith.constant 0 : i32
        %dma_wait3A_163 = arith.constant 0 : i32
        %dma_wait3A_164 = tpu.memref_slice %arg5[%dma_wait3A_162, %dma_wait3A_163] : memref<6x128xi32, #tpu.memory_space<vmem>> -> memref<3x128xi32, #tpu.memory_space<vmem>>
        %dma_wait3A_165 = arith.constant 0 : i32
        %dma_wait3A_166 = arith.constant 0 : i32
        %dma_wait3A_167 = tpu.memref_slice %arg2[%add3A_109, %dma_wait3A_165, %dma_wait3A_166] : memref<2500x3x128xi32, #tpu.memory_space<hbm>> -> memref<1x3x128xi32, #tpu.memory_space<hbm>>
        %dma_wait3A_168 = tpu.memref_squeeze %dma_wait3A_167 : memref<1x3x128xi32, #tpu.memory_space<hbm>> -> memref<3x128xi32, #tpu.memory_space<hbm>>
        %dma_wait3A_169 = arith.constant 0 : i32
        %dma_wait3A_170 = arith.constant 0 : i32
        %dma_wait3A_171 = tpu.memref_slice %arg5[%dma_wait3A_169, %dma_wait3A_170] : memref<6x128xi32, #tpu.memory_space<vmem>> -> memref<3x128xi32, #tpu.memory_space<vmem>>
        %dma_wait3A_172 = arith.constant 0 : i32
        %dma_wait3A_173 = arith.constant 0 : i32
        %dma_wait3A_174 = tpu.memref_slice %arg2[%add3A_109, %dma_wait3A_172, %dma_wait3A_173] : memref<2500x3x128xi32, #tpu.memory_space<hbm>> -> memref<1x3x128xi32, #tpu.memory_space<hbm>>
        %dma_wait3A_175 = tpu.memref_squeeze %dma_wait3A_174 : memref<1x3x128xi32, #tpu.memory_space<hbm>> -> memref<3x128xi32, #tpu.memory_space<hbm>>
        tpu.wait_dma2 semaphore(%run_scoped3A_147 : memref<!tpu.dma_semaphore, #tpu.memory_space<semaphore_mem>>) src(%dma_wait3A_175 : memref<3x128xi32, #tpu.memory_space<hbm>>) dst(%dma_wait3A_171 : memref<3x128xi32, #tpu.memory_space<vmem>>)
        tpu.yield
      }) : () -> ()
      %dma_start3A_110 = arith.constant 0 : i32
      %dma_start3A_111 = arith.constant 0 : i32
      %dma_start3A_112 = arith.constant 0 : i32
      %dma_start3A_113 = arith.constant 0 : i32
      %dma_start3A_114 = arith.constant 0 : i32
      %dma_start3A_115 = tpu.memref_slice %arg7[%dma_start3A_111, %dma_start3A_113, %dma_start3A_114] : memref<2x128x128xf32, #tpu.memory_space<vmem>> -> memref<1x128x128xf32, #tpu.memory_space<vmem>>
      %dma_start3A_116 = tpu.memref_squeeze %dma_start3A_115 : memref<1x128x128xf32, #tpu.memory_space<vmem>> -> memref<128x128xf32, #tpu.memory_space<vmem>>
      %dma_start3A_117 = arith.constant 0 : i32
      %dma_start3A_118 = tpu.memref_slice %arg5[%dma_start3A_110, %dma_start3A_117] : memref<6x128xi32, #tpu.memory_space<vmem>> -> memref<1x128xi32, #tpu.memory_space<vmem>>
      %dma_start3A_119 = tpu.memref_squeeze %dma_start3A_118 : memref<1x128xi32, #tpu.memory_space<vmem>> -> memref<128xi32, #tpu.memory_space<vmem>>
      %dma_start3A_120 = arith.constant 0 : i32
      %dma_start3A_121 = arith.constant 0 : i32
      %dma_start3A_122 = tpu.memref_slice %arg3[%dma_start3A_120, %dma_start3A_121] : memref<10000x128xf32, #tpu.memory_space<hbm>> -> memref<10000x128xf32, #tpu.memory_space<hbm>>
      %dma_start3A_123 = tpu.memref_slice %arg10[%dma_start3A_112] : memref<2x!tpu.dma_semaphore, #tpu.memory_space<semaphore_mem>> -> memref<1x!tpu.dma_semaphore, #tpu.memory_space<semaphore_mem>>
      %dma_start3A_124 = tpu.memref_squeeze %dma_start3A_123 : memref<1x!tpu.dma_semaphore, #tpu.memory_space<semaphore_mem>> -> memref<!tpu.dma_semaphore, #tpu.memory_space<semaphore_mem>>
      tpu.enqueue_indirect_dma source(%dma_start3A_122 : memref<10000x128xf32, #tpu.memory_space<hbm>>) target(%dma_start3A_116 : memref<128x128xf32, #tpu.memory_space<vmem>>) offsets(%dma_start3A_119 : memref<128xi32, #tpu.memory_space<vmem>>) semaphore(%dma_start3A_124 : memref<!tpu.dma_semaphore, #tpu.memory_space<semaphore_mem>>)
      %dma_wait3A_125 = arith.constant 0 : i32
      %dma_wait3A_126 = arith.constant 0 : i32
      %dma_wait3A_127 = arith.constant 0 : i32
      %dma_wait3A_128 = arith.constant 0 : i32
      %dma_wait3A_129 = arith.constant 0 : i32
      %dma_wait3A_130 = tpu.memref_slice %arg7[%dma_wait3A_126, %dma_wait3A_128, %dma_wait3A_129] : memref<2x128x128xf32, #tpu.memory_space<vmem>> -> memref<1x128x128xf32, #tpu.memory_space<vmem>>
      %dma_wait3A_131 = tpu.memref_squeeze %dma_wait3A_130 : memref<1x128x128xf32, #tpu.memory_space<vmem>> -> memref<128x128xf32, #tpu.memory_space<vmem>>
      %dma_wait3A_132 = arith.constant 0 : i32
      %dma_wait3A_133 = tpu.memref_slice %arg5[%dma_wait3A_125, %dma_wait3A_132] : memref<6x128xi32, #tpu.memory_space<vmem>> -> memref<1x128xi32, #tpu.memory_space<vmem>>
      %dma_wait3A_134 = tpu.memref_squeeze %dma_wait3A_133 : memref<1x128xi32, #tpu.memory_space<vmem>> -> memref<128xi32, #tpu.memory_space<vmem>>
      %dma_wait3A_135 = arith.constant 0 : i32
      %dma_wait3A_136 = arith.constant 0 : i32
      %dma_wait3A_137 = tpu.memref_slice %arg3[%dma_wait3A_135, %dma_wait3A_136] : memref<10000x128xf32, #tpu.memory_space<hbm>> -> memref<10000x128xf32, #tpu.memory_space<hbm>>
      %dma_wait3A_138 = tpu.memref_slice %arg10[%dma_wait3A_127] : memref<2x!tpu.dma_semaphore, #tpu.memory_space<semaphore_mem>> -> memref<1x!tpu.dma_semaphore, #tpu.memory_space<semaphore_mem>>
      %dma_wait3A_139 = tpu.memref_squeeze %dma_wait3A_138 : memref<1x!tpu.dma_semaphore, #tpu.memory_space<semaphore_mem>> -> memref<!tpu.dma_semaphore, #tpu.memory_space<semaphore_mem>>
      tpu.wait_indirect_dma semaphore(%dma_wait3A_139 : memref<!tpu.dma_semaphore, #tpu.memory_space<semaphore_mem>>) src(%dma_wait3A_137 : memref<10000x128xf32, #tpu.memory_space<hbm>>) dst(%dma_wait3A_131 : memref<128x128xf32, #tpu.memory_space<vmem>>)
      %scan3A_140 = arith.constant 0 : i32
      %scan3A_141 = arith.constant 0 : i32
      %scan3A_142 = arith.constant 128 : i32
      %scan3A_143 = arith.addi %scan3A_141, %scan3A_142 : i32
      %scan3A_144 = arith.constant 1 : i32
      scf.for %scan3A_147 = %scan3A_141 to %scan3A_143 step %scan3A_144  : i32 {
        %broadcast_in_dim3A_148 = arith.constant 2 : i32
        %broadcast_in_dim3A_149 = vector.broadcast %broadcast_in_dim3A_148 : i32 to vector<16xi32>
        %broadcast_in_dim3A_150 = vector.broadcast %scan3A_147 : i32 to vector<16xi32>
        %gather3A = tpu.vector_load_idx %arg5[%broadcast_in_dim3A_149, %broadcast_in_dim3A_150] : memref<6x128xi32, #tpu.memory_space<vmem>>[vector<16xi32>, vector<16xi32>], vector<16xi32>,
        %bitcast3A = vector.bitcast %gather3A : vector<16xi32> to vector<16xf32>
        %get3A = arith.constant 0 : i32
        %get3A_151 = arith.index_cast %get3A : i32 to index
        %get3A_152 = arith.index_cast %scan3A_147 : i32 to index
        %get3A_153 = arith.constant 0 : index
        %get3A_154 = tpu.vector_load %arg7[%get3A_151, %get3A_152, %get3A_153] {strides = array<i32>} : memref<2x128x128xf32, #tpu.memory_space<vmem>>, vector<16xf32>,
        %mul3A_155 = arith.mulf %get3A_154, %bitcast3A : vector<16xf32>
        %swap3A = arith.constant 0 : i32
        %swap3A_156 = arith.index_cast %swap3A : i32 to index
        %swap3A_157 = arith.index_cast %scan3A_147 : i32 to index
        %swap3A_158 = arith.constant 0 : index
        %swap3A_159 = tpu.vector_load %arg7[%swap3A_156, %swap3A_157, %swap3A_158] {strides = array<i32>} : memref<2x128x128xf32, #tpu.memory_space<vmem>>, vector<16xf32>,
        tpu.vector_store %arg7[%swap3A_156, %swap3A_157, %swap3A_158], %mul3A_155 {strides = array<i32>} : memref<2x128x128xf32, #tpu.memory_space<vmem>>, vector<16xf32>,
        %get3A_160 = arith.constant 0 : i32
        %get3A_161 = arith.index_cast %get3A_160 : i32 to index
        %get3A_162 = arith.index_cast %scan3A_147 : i32 to index
        %get3A_163 = arith.constant 16 : index
        %get3A_164 = tpu.vector_load %arg7[%get3A_161, %get3A_162, %get3A_163] {strides = array<i32>} : memref<2x128x128xf32, #tpu.memory_space<vmem>>, vector<16xf32>,
        %mul3A_165 = arith.mulf %get3A_164, %bitcast3A : vector<16xf32>
        %swap3A_166 = arith.constant 0 : i32
        %swap3A_167 = arith.index_cast %swap3A_166 : i32 to index
        %swap3A_168 = arith.index_cast %scan3A_147 : i32 to index
        %swap3A_169 = arith.constant 16 : index
        %swap3A_170 = tpu.vector_load %arg7[%swap3A_167, %swap3A_168, %swap3A_169] {strides = array<i32>} : memref<2x128x128xf32, #tpu.memory_space<vmem>>, vector<16xf32>,
        tpu.vector_store %arg7[%swap3A_167, %swap3A_168, %swap3A_169], %mul3A_165 {strides = array<i32>} : memref<2x128x128xf32, #tpu.memory_space<vmem>>, vector<16xf32>,
        %get3A_171 = arith.constant 0 : i32
        %get3A_172 = arith.index_cast %get3A_171 : i32 to index
        %get3A_173 = arith.index_cast %scan3A_147 : i32 to index
        %get3A_174 = arith.constant 32 : index
        %get3A_175 = tpu.vector_load %arg7[%get3A_172, %get3A_173, %get3A_174] {strides = array<i32>} : memref<2x128x128xf32, #tpu.memory_space<vmem>>, vector<16xf32>,
        %mul3A_176 = arith.mulf %get3A_175, %bitcast3A : vector<16xf32>
        %swap3A_177 = arith.constant 0 : i32
        %swap3A_178 = arith.index_cast %swap3A_177 : i32 to index
        %swap3A_179 = arith.index_cast %scan3A_147 : i32 to index
        %swap3A_180 = arith.constant 32 : index
        %swap3A_181 = tpu.vector_load %arg7[%swap3A_178, %swap3A_179, %swap3A_180] {strides = array<i32>} : memref<2x128x128xf32, #tpu.memory_space<vmem>>, vector<16xf32>,
        tpu.vector_store %arg7[%swap3A_178, %swap3A_179, %swap3A_180], %mul3A_176 {strides = array<i32>} : memref<2x128x128xf32, #tpu.memory_space<vmem>>, vector<16xf32>,
        %get3A_182 = arith.constant 0 : i32
        %get3A_183 = arith.index_cast %get3A_182 : i32 to index
        %get3A_184 = arith.index_cast %scan3A_147 : i32 to index
        %get3A_185 = arith.constant 48 : index
        %get3A_186 = tpu.vector_load %arg7[%get3A_183, %get3A_184, %get3A_185] {strides = array<i32>} : memref<2x128x128xf32, #tpu.memory_space<vmem>>, vector<16xf32>,
        %mul3A_187 = arith.mulf %get3A_186, %bitcast3A : vector<16xf32>
        %swap3A_188 = arith.constant 0 : i32
        %swap3A_189 = arith.index_cast %swap3A_188 : i32 to index
        %swap3A_190 = arith.index_cast %scan3A_147 : i32 to index
        %swap3A_191 = arith.constant 48 : index
        %swap3A_192 = tpu.vector_load %arg7[%swap3A_189, %swap3A_190, %swap3A_191] {strides = array<i32>} : memref<2x128x128xf32, #tpu.memory_space<vmem>>, vector<16xf32>,
        tpu.vector_store %arg7[%swap3A_189, %swap3A_190, %swap3A_191], %mul3A_187 {strides = array<i32>} : memref<2x128x128xf32, #tpu.memory_space<vmem>>, vector<16xf32>,
        %get3A_193 = arith.constant 0 : i32
        %get3A_194 = arith.index_cast %get3A_193 : i32 to index
        %get3A_195 = arith.index_cast %scan3A_147 : i32 to index
        %get3A_196 = arith.constant 64 : index
        %get3A_197 = tpu.vector_load %arg7[%get3A_194, %get3A_195, %get3A_196] {strides = array<i32>} : memref<2x128x128xf32, #tpu.memory_space<vmem>>, vector<16xf32>,
        %mul3A_198 = arith.mulf %get3A_197, %bitcast3A : vector<16xf32>
        %swap3A_199 = arith.constant 0 : i32
        %swap3A_200 = arith.index_cast %swap3A_199 : i32 to index
        %swap3A_201 = arith.index_cast %scan3A_147 : i32 to index
        %swap3A_202 = arith.constant 64 : index
        %swap3A_203 = tpu.vector_load %arg7[%swap3A_200, %swap3A_201, %swap3A_202] {strides = array<i32>} : memref<2x128x128xf32, #tpu.memory_space<vmem>>, vector<16xf32>,
        tpu.vector_store %arg7[%swap3A_200, %swap3A_201, %swap3A_202], %mul3A_198 {strides = array<i32>} : memref<2x128x128xf32, #tpu.memory_space<vmem>>, vector<16xf32>,
        %get3A_204 = arith.constant 0 : i32
        %get3A_205 = arith.index_cast %get3A_204 : i32 to index
        %get3A_206 = arith.index_cast %scan3A_147 : i32 to index
        %get3A_207 = arith.constant 80 : index
        %get3A_208 = tpu.vector_load %arg7[%get3A_205, %get3A_206, %get3A_207] {strides = array<i32>} : memref<2x128x128xf32, #tpu.memory_space<vmem>>, vector<16xf32>,
        %mul3A_209 = arith.mulf %get3A_208, %bitcast3A : vector<16xf32>
        %swap3A_210 = arith.constant 0 : i32
        %swap3A_211 = arith.index_cast %swap3A_210 : i32 to index
        %swap3A_212 = arith.index_cast %scan3A_147 : i32 to index
        %swap3A_213 = arith.constant 80 : index
        %swap3A_214 = tpu.vector_load %arg7[%swap3A_211, %swap3A_212, %swap3A_213] {strides = array<i32>} : memref<2x128x128xf32, #tpu.memory_space<vmem>>, vector<16xf32>,
        tpu.vector_store %arg7[%swap3A_211, %swap3A_212, %swap3A_213], %mul3A_209 {strides = array<i32>} : memref<2x128x128xf32, #tpu.memory_space<vmem>>, vector<16xf32>,
        %get3A_215 = arith.constant 0 : i32
        %get3A_216 = arith.index_cast %get3A_215 : i32 to index
        %get3A_217 = arith.index_cast %scan3A_147 : i32 to index
        %get3A_218 = arith.constant 96 : index
        %get3A_219 = tpu.vector_load %arg7[%get3A_216, %get3A_217, %get3A_218] {strides = array<i32>} : memref<2x128x128xf32, #tpu.memory_space<vmem>>, vector<16xf32>,
        %mul3A_220 = arith.mulf %get3A_219, %bitcast3A : vector<16xf32>
        %swap3A_221 = arith.constant 0 : i32
        %swap3A_222 = arith.index_cast %swap3A_221 : i32 to index
        %swap3A_223 = arith.index_cast %scan3A_147 : i32 to index
        %swap3A_224 = arith.constant 96 : index
        %swap3A_225 = tpu.vector_load %arg7[%swap3A_222, %swap3A_223, %swap3A_224] {strides = array<i32>} : memref<2x128x128xf32, #tpu.memory_space<vmem>>, vector<16xf32>,
        tpu.vector_store %arg7[%swap3A_222, %swap3A_223, %swap3A_224], %mul3A_220 {strides = array<i32>} : memref<2x128x128xf32, #tpu.memory_space<vmem>>, vector<16xf32>,
        %get3A_226 = arith.constant 0 : i32
        %get3A_227 = arith.index_cast %get3A_226 : i32 to index
        %get3A_228 = arith.index_cast %scan3A_147 : i32 to index
        %get3A_229 = arith.constant 112 : index
        %get3A_230 = tpu.vector_load %arg7[%get3A_227, %get3A_228, %get3A_229] {strides = array<i32>} : memref<2x128x128xf32, #tpu.memory_space<vmem>>, vector<16xf32>,
        %mul3A_231 = arith.mulf %get3A_230, %bitcast3A : vector<16xf32>
        %swap3A_232 = arith.constant 0 : i32
        %swap3A_233 = arith.index_cast %swap3A_232 : i32 to index
        %swap3A_234 = arith.index_cast %scan3A_147 : i32 to index
        %swap3A_235 = arith.constant 112 : index
        %swap3A_236 = tpu.vector_load %arg7[%swap3A_233, %swap3A_234, %swap3A_235] {strides = array<i32>} : memref<2x128x128xf32, #tpu.memory_space<vmem>>, vector<16xf32>,
        tpu.vector_store %arg7[%swap3A_233, %swap3A_234, %swap3A_235], %mul3A_231 {strides = array<i32>} : memref<2x128x128xf32, #tpu.memory_space<vmem>>, vector<16xf32>,
      }
      %scan3A_145 = arith.constant 128 : i32
      %run_scoped3A = arith.constant 0 : i32
      %run_scoped3A_146 = arith.constant 1 : i32
      "tpu.region"() ({
        %run_scoped3A_147 = tpu.sem_alloc : memref<!tpu.dma_semaphore, #tpu.memory_space<semaphore_mem>>
        %dma_start3A_148 = arith.constant 0 : i32
        %dma_start3A_149 = arith.constant 0 : i32
        %dma_start3A_150 = tpu.memref_slice %arg7[%run_scoped3A, %dma_start3A_148, %dma_start3A_149] : memref<2x128x128xf32, #tpu.memory_space<vmem>> -> memref<1x128x128xf32, #tpu.memory_space<vmem>>
        %dma_start3A_151 = tpu.memref_squeeze %dma_start3A_150 : memref<1x128x128xf32, #tpu.memory_space<vmem>> -> memref<128x128xf32, #tpu.memory_space<vmem>>
        %dma_start3A_152 = arith.constant 0 : i32
        %dma_start3A_153 = tpu.memref_slice %arg5[%run_scoped3A_146, %dma_start3A_152] : memref<6x128xi32, #tpu.memory_space<vmem>> -> memref<1x128xi32, #tpu.memory_space<vmem>>
        %dma_start3A_154 = tpu.memref_squeeze %dma_start3A_153 : memref<1x128xi32, #tpu.memory_space<vmem>> -> memref<128xi32, #tpu.memory_space<vmem>>
        %dma_start3A_155 = arith.constant 0 : i32
        %dma_start3A_156 = arith.constant 0 : i32
        %dma_start3A_157 = tpu.memref_slice %arg8[%dma_start3A_155, %dma_start3A_156] : memref<10000x128xf32, #tpu.memory_space<vmem_shared>> -> memref<10000x128xf32, #tpu.memory_space<vmem_shared>>
        tpu.enqueue_indirect_dma source(%dma_start3A_151 : memref<128x128xf32, #tpu.memory_space<vmem>>) target(%dma_start3A_157 : memref<10000x128xf32, #tpu.memory_space<vmem_shared>>) offsets(%dma_start3A_154 : memref<128xi32, #tpu.memory_space<vmem>>) semaphore(%run_scoped3A_147 : memref<!tpu.dma_semaphore, #tpu.memory_space<semaphore_mem>>) {add = true}
        %dma_wait3A_158 = arith.constant 0 : i32
        %dma_wait3A_159 = arith.constant 0 : i32
        %dma_wait3A_160 = tpu.memref_slice %arg7[%run_scoped3A, %dma_wait3A_158, %dma_wait3A_159] : memref<2x128x128xf32, #tpu.memory_space<vmem>> -> memref<1x128x128xf32, #tpu.memory_space<vmem>>
        %dma_wait3A_161 = tpu.memref_squeeze %dma_wait3A_160 : memref<1x128x128xf32, #tpu.memory_space<vmem>> -> memref<128x128xf32, #tpu.memory_space<vmem>>
        %dma_wait3A_162 = arith.constant 0 : i32
        %dma_wait3A_163 = tpu.memref_slice %arg5[%run_scoped3A_146, %dma_wait3A_162] : memref<6x128xi32, #tpu.memory_space<vmem>> -> memref<1x128xi32, #tpu.memory_space<vmem>>
        %dma_wait3A_164 = tpu.memref_squeeze %dma_wait3A_163 : memref<1x128xi32, #tpu.memory_space<vmem>> -> memref<128xi32, #tpu.memory_space<vmem>>
        %dma_wait3A_165 = arith.constant 0 : i32
        %dma_wait3A_166 = arith.constant 0 : i32
        %dma_wait3A_167 = tpu.memref_slice %arg8[%dma_wait3A_165, %dma_wait3A_166] : memref<10000x128xf32, #tpu.memory_space<vmem_shared>> -> memref<10000x128xf32, #tpu.memory_space<vmem_shared>>
        tpu.wait_indirect_dma semaphore(%run_scoped3A_147 : memref<!tpu.dma_semaphore, #tpu.memory_space<semaphore_mem>>) src(%dma_wait3A_161 : memref<128x128xf32, #tpu.memory_space<vmem>>) dst(%dma_wait3A_167 : memref<10000x128xf32, #tpu.memory_space<vmem_shared>>)
        tpu.yield
      }) : () -> ()
    } else {
    }
    %barrier3A_94 = arith.constant 0 : index
    tpu.barrier barrier_id(%barrier3A_94)
    %lt3A_95 = arith.constant 15 : i32
    %lt3A_96 = arith.cmpi slt, %arg1, %lt3A_95 : i32
    %convert_element_type3A_97 = arith.extui %lt3A_96 : i1 to i32
    %cond3A_98 = arith.constant 0 : i32
    %cond3A_99 = arith.cmpi ne, %convert_element_type3A_97, %cond3A_98 : i32
    scf.if %cond3A_99 {
      %mul3A_105 = arith.constant 640 : i32
      %mul3A_106 = arith.muli %arg1, %mul3A_105 : i32
      %mul3A_107 = arith.constant 640 : i32
      %mul3A_108 = arith.muli %arg1, %mul3A_107 : i32
      "tpu.region"() ({
        %run_scoped3A = tpu.sem_alloc : memref<!tpu.dma_semaphore, #tpu.memory_space<semaphore_mem>>
        %dma_start3A_109 = arith.constant 0 : i32
        %dma_start3A_110 = tpu.memref_slice %arg4[%arg0, %mul3A_108, %dma_start3A_109] : memref<2x10000x128xf32, #tpu.memory_space<hbm>> -> memref<1x640x128xf32, #tpu.memory_space<hbm>>
        %dma_start3A_111 = tpu.memref_squeeze %dma_start3A_110 : memref<1x640x128xf32, #tpu.memory_space<hbm>> -> memref<640x128xf32, #tpu.memory_space<hbm>>
        %dma_start3A_112 = arith.constant 0 : i32
        %dma_start3A_113 = tpu.memref_slice %arg8[%mul3A_106, %dma_start3A_112] : memref<10000x128xf32, #tpu.memory_space<vmem_shared>> -> memref<640x128xf32, #tpu.memory_space<vmem_shared>>
        tpu.enqueue_dma source(%dma_start3A_113 : memref<640x128xf32, #tpu.memory_space<vmem_shared>>) target(%dma_start3A_111 : memref<640x128xf32, #tpu.memory_space<hbm>>) target_semaphore(%run_scoped3A : memref<!tpu.dma_semaphore, #tpu.memory_space<semaphore_mem>>)
        %dma_wait3A_114 = arith.constant 0 : i32
        %dma_wait3A_115 = tpu.memref_slice %arg4[%arg0, %mul3A_108, %dma_wait3A_114] : memref<2x10000x128xf32, #tpu.memory_space<hbm>> -> memref<1x640x128xf32, #tpu.memory_space<hbm>>
        %dma_wait3A_116 = tpu.memref_squeeze %dma_wait3A_115 : memref<1x640x128xf32, #tpu.memory_space<hbm>> -> memref<640x128xf32, #tpu.memory_space<hbm>>
        %dma_wait3A_117 = arith.constant 0 : i32
        %dma_wait3A_118 = tpu.memref_slice %arg8[%mul3A_106, %dma_wait3A_117] : memref<10000x128xf32, #tpu.memory_space<vmem_shared>> -> memref<640x128xf32, #tpu.memory_space<vmem_shared>>
        tpu.wait_dma2 semaphore(%run_scoped3A : memref<!tpu.dma_semaphore, #tpu.memory_space<semaphore_mem>>) src(%dma_wait3A_118 : memref<640x128xf32, #tpu.memory_space<vmem_shared>>) dst(%dma_wait3A_116 : memref<640x128xf32, #tpu.memory_space<hbm>>)
        tpu.yield
      }) : () -> ()
    } else {
    }
    %eq3A_100 = arith.constant 15 : i32
    %eq3A_101 = arith.cmpi eq, %arg1, %eq3A_100 : i32
    %convert_element_type3A_102 = arith.extui %eq3A_101 : i1 to i32
    %cond3A_103 = arith.constant 0 : i32
    %cond3A_104 = arith.cmpi ne, %convert_element_type3A_102, %cond3A_103 : i32
    scf.if %cond3A_104 {
      "tpu.region"() ({
        %run_scoped3A = tpu.sem_alloc : memref<!tpu.dma_semaphore, #tpu.memory_space<semaphore_mem>>
        %dma_start3A_105 = arith.constant 9600 : i32
        %dma_start3A_106 = arith.constant 0 : i32
        %dma_start3A_107 = tpu.memref_slice %arg4[%arg0, %dma_start3A_105, %dma_start3A_106] : memref<2x10000x128xf32, #tpu.memory_space<hbm>> -> memref<1x400x128xf32, #tpu.memory_space<hbm>>
        %dma_start3A_108 = tpu.memref_squeeze %dma_start3A_107 : memref<1x400x128xf32, #tpu.memory_space<hbm>> -> memref<400x128xf32, #tpu.memory_space<hbm>>
        %dma_start3A_109 = arith.constant 9600 : i32
        %dma_start3A_110 = arith.constant 0 : i32
        %dma_start3A_111 = tpu.memref_slice %arg8[%dma_start3A_109, %dma_start3A_110] : memref<10000x128xf32, #tpu.memory_space<vmem_shared>> -> memref<400x128xf32, #tpu.memory_space<vmem_shared>>
        tpu.enqueue_dma source(%dma_start3A_111 : memref<400x128xf32, #tpu.memory_space<vmem_shared>>) target(%dma_start3A_108 : memref<400x128xf32, #tpu.memory_space<hbm>>) target_semaphore(%run_scoped3A : memref<!tpu.dma_semaphore, #tpu.memory_space<semaphore_mem>>)
        %dma_wait3A_112 = arith.constant 9600 : i32
        %dma_wait3A_113 = arith.constant 0 : i32
        %dma_wait3A_114 = tpu.memref_slice %arg4[%arg0, %dma_wait3A_112, %dma_wait3A_113] : memref<2x10000x128xf32, #tpu.memory_space<hbm>> -> memref<1x400x128xf32, #tpu.memory_space<hbm>>
        %dma_wait3A_115 = tpu.memref_squeeze %dma_wait3A_114 : memref<1x400x128xf32, #tpu.memory_space<hbm>> -> memref<400x128xf32, #tpu.memory_space<hbm>>
        %dma_wait3A_116 = arith.constant 9600 : i32
        %dma_wait3A_117 = arith.constant 0 : i32
        %dma_wait3A_118 = tpu.memref_slice %arg8[%dma_wait3A_116, %dma_wait3A_117] : memref<10000x128xf32, #tpu.memory_space<vmem_shared>> -> memref<400x128xf32, #tpu.memory_space<vmem_shared>>
        tpu.wait_dma2 semaphore(%run_scoped3A : memref<!tpu.dma_semaphore, #tpu.memory_space<semaphore_mem>>) src(%dma_wait3A_118 : memref<400x128xf32, #tpu.memory_space<vmem_shared>>) dst(%dma_wait3A_115 : memref<400x128xf32, #tpu.memory_space<hbm>>)
        tpu.yield
      }) : () -> ()
    } else {
    }
    return
  }
}

#map = affine_map<(d0, d1) -> (0, 0)>
#map1 = affine_map<(d0, d1) -> (0)>
module attributes {stable_mosaic.version = 14 : i64} {
  func.func @_neigh_kernel(%arg0: i32, %arg1: i32, %arg2: memref<10000x128xf32, #tpu.memory_space<hbm>>, %arg3: memref<80000xi32, #tpu.memory_space<hbm>>, %arg4: memref<80000x128xf32, #tpu.memory_space<hbm>>, %arg5: memref<128xi32, #tpu.memory_space<vmem>>, %arg6: memref<128x128xf32, #tpu.memory_space<vmem>>, %arg7: memref<!tpu.dma_semaphore, #tpu.memory_space<semaphore_mem>>) attributes {dimension_semantics = [#tpu.dimension_semantics<core_parallel>, #tpu.dimension_semantics<subcore_parallel>], iteration_bounds = array<i64: 2, 16>, scalar_prefetch = 0 : i64, scratch_operands = 3 : i64, tpu.core_type = #tpu.core_type<sc_vector_subcore>, window_params = [{transform_indices = #map}, {transform_indices = #map1}, {transform_indices = #map}]} {
    %mul3A = arith.constant 2 : i32
    %mul3A_0 = arith.muli %arg1, %mul3A : i32
    %add3A = arith.addi %mul3A_0, %arg0 : i32
    %sub3A = arith.constant 625 : i32
    %sub3A_1 = arith.subi %sub3A, %add3A : i32
    %add3A_2 = arith.constant 32 : i32
    %add3A_3 = arith.addi %sub3A_1, %add3A_2 : i32
    %sub3A_4 = arith.constant 1 : i32
    %sub3A_5 = arith.subi %add3A_3, %sub3A_4 : i32
    %jit3A = arith.constant 32 : i32
    %div3A = arith.divsi %sub3A_5, %jit3A : i32
    %sign3A = arith.constant 0 : i32
    %sign3A_6 = arith.cmpi sgt, %sub3A_5, %sign3A : i32
    %sign3A_7 = arith.extui %sign3A_6 : i1 to i32
    %sign3A_8 = arith.constant 0 : i32
    %sign3A_9 = arith.cmpi slt, %sub3A_5, %sign3A_8 : i32
    %sign3A_10 = arith.extui %sign3A_9 : i1 to i32
    %sign3A_11 = arith.subi %sign3A_7, %sign3A_10 : i32
    %sign3A_12 = arith.constant 0 : i32
    %sign3A_13 = arith.cmpi sgt, %jit3A, %sign3A_12 : i32
    %sign3A_14 = arith.extui %sign3A_13 : i1 to i32
    %sign3A_15 = arith.constant 0 : i32
    %sign3A_16 = arith.cmpi slt, %jit3A, %sign3A_15 : i32
    %sign3A_17 = arith.extui %sign3A_16 : i1 to i32
    %sign3A_18 = arith.subi %sign3A_14, %sign3A_17 : i32
    %ne3A = arith.cmpi ne, %sign3A_11, %sign3A_18 : i32
    %rem3A = arith.remsi %sub3A_5, %jit3A : i32
    %ne3A_19 = arith.constant 0 : i32
    %ne3A_20 = arith.cmpi ne, %rem3A, %ne3A_19 : i32
    %and3A = arith.andi %ne3A, %ne3A_20 : i1
    %sub3A_21 = arith.constant 1 : i32
    %sub3A_22 = arith.subi %div3A, %sub3A_21 : i32
    %select_n3A = arith.select %and3A, %sub3A_22, %div3A : i32
    %while3A = arith.constant 0 : i32
    %while3A_23 = arith.constant 0 : i32
    %while3A_24 = arith.subi %select_n3A, %while3A_23 : i32
    %while3A_25 = arith.addi %while3A_23, %while3A_24 : i32
    %while3A_26 = arith.constant 1 : i32
    %while3A_27 = arith.divsi %while3A_24, %while3A_26 : i32
    %while3A_28 = arith.muli %while3A_27, %while3A_26 : i32
    %while3A_29 = arith.addi %while3A_23, %while3A_28 : i32
    %while3A_30 = arith.constant 1 : i32
    scf.for %while3A_32 = %while3A_23 to %while3A_29 step %while3A_30  : i32 {
      %mul3A_33 = arith.constant 32 : i32
      %mul3A_34 = arith.muli %while3A_32, %mul3A_33 : i32
      %add3A_35 = arith.addi %add3A, %mul3A_34 : i32
      %mul3A_36 = arith.constant 128 : i32
      %mul3A_37 = arith.muli %add3A_35, %mul3A_36 : i32
      "tpu.region"() ({
        %run_scoped3A = tpu.sem_alloc : memref<!tpu.dma_semaphore, #tpu.memory_space<semaphore_mem>>
        %dma_start3A_42 = tpu.memref_slice %arg3[%mul3A_37] : memref<80000xi32, #tpu.memory_space<hbm>> -> memref<128xi32, #tpu.memory_space<hbm>>
        %dma_start3A_43 = tpu.memref_slice %arg3[%mul3A_37] : memref<80000xi32, #tpu.memory_space<hbm>> -> memref<128xi32, #tpu.memory_space<hbm>>
        tpu.enqueue_dma source(%dma_start3A_43 : memref<128xi32, #tpu.memory_space<hbm>>) target(%arg5 : memref<128xi32, #tpu.memory_space<vmem>>) target_semaphore(%run_scoped3A : memref<!tpu.dma_semaphore, #tpu.memory_space<semaphore_mem>>)
        %dma_wait3A_44 = tpu.memref_slice %arg3[%mul3A_37] : memref<80000xi32, #tpu.memory_space<hbm>> -> memref<128xi32, #tpu.memory_space<hbm>>
        %dma_wait3A_45 = tpu.memref_slice %arg3[%mul3A_37] : memref<80000xi32, #tpu.memory_space<hbm>> -> memref<128xi32, #tpu.memory_space<hbm>>
        tpu.wait_dma2 semaphore(%run_scoped3A : memref<!tpu.dma_semaphore, #tpu.memory_space<semaphore_mem>>) src(%dma_wait3A_45 : memref<128xi32, #tpu.memory_space<hbm>>) dst(%arg5 : memref<128xi32, #tpu.memory_space<vmem>>)
        tpu.yield
      }) : () -> ()
      %dma_start3A = arith.constant 0 : i32
      %dma_start3A_38 = arith.constant 0 : i32
      %dma_start3A_39 = tpu.memref_slice %arg2[%dma_start3A, %dma_start3A_38] : memref<10000x128xf32, #tpu.memory_space<hbm>> -> memref<10000x128xf32, #tpu.memory_space<hbm>>
      tpu.enqueue_indirect_dma source(%dma_start3A_39 : memref<10000x128xf32, #tpu.memory_space<hbm>>) target(%arg6 : memref<128x128xf32, #tpu.memory_space<vmem>>) offsets(%arg5 : memref<128xi32, #tpu.memory_space<vmem>>) semaphore(%arg7 : memref<!tpu.dma_semaphore, #tpu.memory_space<semaphore_mem>>)
      %dma_wait3A = arith.constant 0 : i32
      %dma_wait3A_40 = arith.constant 0 : i32
      %dma_wait3A_41 = tpu.memref_slice %arg2[%dma_wait3A, %dma_wait3A_40] : memref<10000x128xf32, #tpu.memory_space<hbm>> -> memref<10000x128xf32, #tpu.memory_space<hbm>>
      tpu.wait_indirect_dma semaphore(%arg7 : memref<!tpu.dma_semaphore, #tpu.memory_space<semaphore_mem>>) src(%dma_wait3A_41 : memref<10000x128xf32, #tpu.memory_space<hbm>>) dst(%arg6 : memref<128x128xf32, #tpu.memory_space<vmem>>)
      "tpu.region"() ({
        %run_scoped3A = tpu.sem_alloc : memref<!tpu.dma_semaphore, #tpu.memory_space<semaphore_mem>>
        %dma_start3A_42 = arith.constant 0 : i32
        %dma_start3A_43 = tpu.memref_slice %arg4[%mul3A_37, %dma_start3A_42] : memref<80000x128xf32, #tpu.memory_space<hbm>> -> memref<128x128xf32, #tpu.memory_space<hbm>>
        %dma_start3A_44 = arith.constant 0 : i32
        %dma_start3A_45 = tpu.memref_slice %arg4[%mul3A_37, %dma_start3A_44] : memref<80000x128xf32, #tpu.memory_space<hbm>> -> memref<128x128xf32, #tpu.memory_space<hbm>>
        tpu.enqueue_dma source(%arg6 : memref<128x128xf32, #tpu.memory_space<vmem>>) target(%dma_start3A_45 : memref<128x128xf32, #tpu.memory_space<hbm>>) target_semaphore(%run_scoped3A : memref<!tpu.dma_semaphore, #tpu.memory_space<semaphore_mem>>)
        %dma_wait3A_46 = arith.constant 0 : i32
        %dma_wait3A_47 = tpu.memref_slice %arg4[%mul3A_37, %dma_wait3A_46] : memref<80000x128xf32, #tpu.memory_space<hbm>> -> memref<128x128xf32, #tpu.memory_space<hbm>>
        %dma_wait3A_48 = arith.constant 0 : i32
        %dma_wait3A_49 = tpu.memref_slice %arg4[%mul3A_37, %dma_wait3A_48] : memref<80000x128xf32, #tpu.memory_space<hbm>> -> memref<128x128xf32, #tpu.memory_space<hbm>>
        tpu.wait_dma2 semaphore(%run_scoped3A : memref<!tpu.dma_semaphore, #tpu.memory_space<semaphore_mem>>) src(%arg6 : memref<128x128xf32, #tpu.memory_space<vmem>>) dst(%dma_wait3A_49 : memref<128x128xf32, #tpu.memory_space<hbm>>)
        tpu.yield
      }) : () -> ()
    }
    %while3A_31 = arith.constant 1 : i32
    scf.for %while3A_32 = %while3A_29 to %while3A_25 step %while3A_31  : i32 {
      %mul3A_33 = arith.constant 32 : i32
      %mul3A_34 = arith.muli %while3A_32, %mul3A_33 : i32
      %add3A_35 = arith.addi %add3A, %mul3A_34 : i32
      %mul3A_36 = arith.constant 128 : i32
      %mul3A_37 = arith.muli %add3A_35, %mul3A_36 : i32
      "tpu.region"() ({
        %run_scoped3A = tpu.sem_alloc : memref<!tpu.dma_semaphore, #tpu.memory_space<semaphore_mem>>
        %dma_start3A_42 = tpu.memref_slice %arg3[%mul3A_37] : memref<80000xi32, #tpu.memory_space<hbm>> -> memref<128xi32, #tpu.memory_space<hbm>>
        %dma_start3A_43 = tpu.memref_slice %arg3[%mul3A_37] : memref<80000xi32, #tpu.memory_space<hbm>> -> memref<128xi32, #tpu.memory_space<hbm>>
        tpu.enqueue_dma source(%dma_start3A_43 : memref<128xi32, #tpu.memory_space<hbm>>) target(%arg5 : memref<128xi32, #tpu.memory_space<vmem>>) target_semaphore(%run_scoped3A : memref<!tpu.dma_semaphore, #tpu.memory_space<semaphore_mem>>)
        %dma_wait3A_44 = tpu.memref_slice %arg3[%mul3A_37] : memref<80000xi32, #tpu.memory_space<hbm>> -> memref<128xi32, #tpu.memory_space<hbm>>
        %dma_wait3A_45 = tpu.memref_slice %arg3[%mul3A_37] : memref<80000xi32, #tpu.memory_space<hbm>> -> memref<128xi32, #tpu.memory_space<hbm>>
        tpu.wait_dma2 semaphore(%run_scoped3A : memref<!tpu.dma_semaphore, #tpu.memory_space<semaphore_mem>>) src(%dma_wait3A_45 : memref<128xi32, #tpu.memory_space<hbm>>) dst(%arg5 : memref<128xi32, #tpu.memory_space<vmem>>)
        tpu.yield
      }) : () -> ()
      %dma_start3A = arith.constant 0 : i32
      %dma_start3A_38 = arith.constant 0 : i32
      %dma_start3A_39 = tpu.memref_slice %arg2[%dma_start3A, %dma_start3A_38] : memref<10000x128xf32, #tpu.memory_space<hbm>> -> memref<10000x128xf32, #tpu.memory_space<hbm>>
      tpu.enqueue_indirect_dma source(%dma_start3A_39 : memref<10000x128xf32, #tpu.memory_space<hbm>>) target(%arg6 : memref<128x128xf32, #tpu.memory_space<vmem>>) offsets(%arg5 : memref<128xi32, #tpu.memory_space<vmem>>) semaphore(%arg7 : memref<!tpu.dma_semaphore, #tpu.memory_space<semaphore_mem>>)
      %dma_wait3A = arith.constant 0 : i32
      %dma_wait3A_40 = arith.constant 0 : i32
      %dma_wait3A_41 = tpu.memref_slice %arg2[%dma_wait3A, %dma_wait3A_40] : memref<10000x128xf32, #tpu.memory_space<hbm>> -> memref<10000x128xf32, #tpu.memory_space<hbm>>
      tpu.wait_indirect_dma semaphore(%arg7 : memref<!tpu.dma_semaphore, #tpu.memory_space<semaphore_mem>>) src(%dma_wait3A_41 : memref<10000x128xf32, #tpu.memory_space<hbm>>) dst(%arg6 : memref<128x128xf32, #tpu.memory_space<vmem>>)
      "tpu.region"() ({
        %run_scoped3A = tpu.sem_alloc : memref<!tpu.dma_semaphore, #tpu.memory_space<semaphore_mem>>
        %dma_start3A_42 = arith.constant 0 : i32
        %dma_start3A_43 = tpu.memref_slice %arg4[%mul3A_37, %dma_start3A_42] : memref<80000x128xf32, #tpu.memory_space<hbm>> -> memref<128x128xf32, #tpu.memory_space<hbm>>
        %dma_start3A_44 = arith.constant 0 : i32
        %dma_start3A_45 = tpu.memref_slice %arg4[%mul3A_37, %dma_start3A_44] : memref<80000x128xf32, #tpu.memory_space<hbm>> -> memref<128x128xf32, #tpu.memory_space<hbm>>
        tpu.enqueue_dma source(%arg6 : memref<128x128xf32, #tpu.memory_space<vmem>>) target(%dma_start3A_45 : memref<128x128xf32, #tpu.memory_space<hbm>>) target_semaphore(%run_scoped3A : memref<!tpu.dma_semaphore, #tpu.memory_space<semaphore_mem>>)
        %dma_wait3A_46 = arith.constant 0 : i32
        %dma_wait3A_47 = tpu.memref_slice %arg4[%mul3A_37, %dma_wait3A_46] : memref<80000x128xf32, #tpu.memory_space<hbm>> -> memref<128x128xf32, #tpu.memory_space<hbm>>
        %dma_wait3A_48 = arith.constant 0 : i32
        %dma_wait3A_49 = tpu.memref_slice %arg4[%mul3A_37, %dma_wait3A_48] : memref<80000x128xf32, #tpu.memory_space<hbm>> -> memref<128x128xf32, #tpu.memory_space<hbm>>
        tpu.wait_dma2 semaphore(%run_scoped3A : memref<!tpu.dma_semaphore, #tpu.memory_space<semaphore_mem>>) src(%arg6 : memref<128x128xf32, #tpu.memory_space<vmem>>) dst(%dma_wait3A_49 : memref<128x128xf32, #tpu.memory_space<hbm>>)
        tpu.yield
      }) : () -> ()
    }
    return
  }
}

#map = affine_map<(d0, d1) -> (0, 0, 0)>
module attributes {stable_mosaic.version = 14 : i64} {
  func.func @_mp1(%arg0: i32, %arg1: i32, %arg2: memref<2500x3x128xi32, #tpu.memory_space<hbm>>, %arg3: memref<2x10000x128xf32, #tpu.memory_space<hbm>>, %arg4: memref<2x10000x128xf32, #tpu.memory_space<hbm>>, %arg5: memref<6x128xi32, #tpu.memory_space<vmem>>, %arg6: memref<2x128xi32, #tpu.memory_space<vmem>>, %arg7: memref<2x128x128xf32, #tpu.memory_space<vmem>>, %arg8: memref<10000x128xf32, #tpu.memory_space<vmem_shared>>, %arg9: memref<2x!tpu.dma_semaphore, #tpu.memory_space<semaphore_mem>>, %arg10: memref<2x!tpu.dma_semaphore, #tpu.memory_space<semaphore_mem>>, %arg11: memref<2x!tpu.dma_semaphore, #tpu.memory_space<semaphore_mem>>) attributes {dimension_semantics = [#tpu.dimension_semantics<core_parallel>, #tpu.dimension_semantics<subcore_parallel>], iteration_bounds = array<i64: 2, 16>, scalar_prefetch = 0 : i64, scratch_operands = 7 : i64, tpu.core_type = #tpu.core_type<sc_vector_subcore>, window_params = [{transform_indices = #map}, {transform_indices = #map}, {transform_indices = #map}]} {
    %broadcast_in_dim3A = arith.constant 0.000000e+00 : f32
    %broadcast_in_dim3A_0 = vector.broadcast %broadcast_in_dim3A : f32 to vector<16xf32>
    %scan3A = arith.constant 0 : i32
    %scan3A_1 = arith.constant 0 : i32
    %scan3A_2 = arith.constant 80 : i32
    %scan3A_3 = arith.addi %scan3A_1, %scan3A_2 : i32
    %scan3A_4 = arith.constant 1 : i32
    scf.for %scan3A_102 = %scan3A_1 to %scan3A_3 step %scan3A_4  : i32 {
      %swap3A = arith.constant 0 : i32
      %swap3A_103 = arith.index_cast %swap3A : i32 to index
      %swap3A_104 = arith.index_cast %scan3A_102 : i32 to index
      %swap3A_105 = arith.constant 0 : index
      %swap3A_106 = tpu.vector_load %arg7[%swap3A_103, %swap3A_104, %swap3A_105] {strides = array<i32>} : memref<2x128x128xf32, #tpu.memory_space<vmem>>, vector<16xf32>,
      tpu.vector_store %arg7[%swap3A_103, %swap3A_104, %swap3A_105], %broadcast_in_dim3A_0 {strides = array<i32>} : memref<2x128x128xf32, #tpu.memory_space<vmem>>, vector<16xf32>,
      %swap3A_107 = arith.constant 0 : i32
      %swap3A_108 = arith.index_cast %swap3A_107 : i32 to index
      %swap3A_109 = arith.index_cast %scan3A_102 : i32 to index
      %swap3A_110 = arith.constant 16 : index
      %swap3A_111 = tpu.vector_load %arg7[%swap3A_108, %swap3A_109, %swap3A_110] {strides = array<i32>} : memref<2x128x128xf32, #tpu.memory_space<vmem>>, vector<16xf32>,
      tpu.vector_store %arg7[%swap3A_108, %swap3A_109, %swap3A_110], %broadcast_in_dim3A_0 {strides = array<i32>} : memref<2x128x128xf32, #tpu.memory_space<vmem>>, vector<16xf32>,
      %swap3A_112 = arith.constant 0 : i32
      %swap3A_113 = arith.index_cast %swap3A_112 : i32 to index
      %swap3A_114 = arith.index_cast %scan3A_102 : i32 to index
      %swap3A_115 = arith.constant 32 : index
      %swap3A_116 = tpu.vector_load %arg7[%swap3A_113, %swap3A_114, %swap3A_115] {strides = array<i32>} : memref<2x128x128xf32, #tpu.memory_space<vmem>>, vector<16xf32>,
      tpu.vector_store %arg7[%swap3A_113, %swap3A_114, %swap3A_115], %broadcast_in_dim3A_0 {strides = array<i32>} : memref<2x128x128xf32, #tpu.memory_space<vmem>>, vector<16xf32>,
      %swap3A_117 = arith.constant 0 : i32
      %swap3A_118 = arith.index_cast %swap3A_117 : i32 to index
      %swap3A_119 = arith.index_cast %scan3A_102 : i32 to index
      %swap3A_120 = arith.constant 48 : index
      %swap3A_121 = tpu.vector_load %arg7[%swap3A_118, %swap3A_119, %swap3A_120] {strides = array<i32>} : memref<2x128x128xf32, #tpu.memory_space<vmem>>, vector<16xf32>,
      tpu.vector_store %arg7[%swap3A_118, %swap3A_119, %swap3A_120], %broadcast_in_dim3A_0 {strides = array<i32>} : memref<2x128x128xf32, #tpu.memory_space<vmem>>, vector<16xf32>,
      %swap3A_122 = arith.constant 0 : i32
      %swap3A_123 = arith.index_cast %swap3A_122 : i32 to index
      %swap3A_124 = arith.index_cast %scan3A_102 : i32 to index
      %swap3A_125 = arith.constant 64 : index
      %swap3A_126 = tpu.vector_load %arg7[%swap3A_123, %swap3A_124, %swap3A_125] {strides = array<i32>} : memref<2x128x128xf32, #tpu.memory_space<vmem>>, vector<16xf32>,
      tpu.vector_store %arg7[%swap3A_123, %swap3A_124, %swap3A_125], %broadcast_in_dim3A_0 {strides = array<i32>} : memref<2x128x128xf32, #tpu.memory_space<vmem>>, vector<16xf32>,
      %swap3A_127 = arith.constant 0 : i32
      %swap3A_128 = arith.index_cast %swap3A_127 : i32 to index
      %swap3A_129 = arith.index_cast %scan3A_102 : i32 to index
      %swap3A_130 = arith.constant 80 : index
      %swap3A_131 = tpu.vector_load %arg7[%swap3A_128, %swap3A_129, %swap3A_130] {strides = array<i32>} : memref<2x128x128xf32, #tpu.memory_space<vmem>>, vector<16xf32>,
      tpu.vector_store %arg7[%swap3A_128, %swap3A_129, %swap3A_130], %broadcast_in_dim3A_0 {strides = array<i32>} : memref<2x128x128xf32, #tpu.memory_space<vmem>>, vector<16xf32>,
      %swap3A_132 = arith.constant 0 : i32
      %swap3A_133 = arith.index_cast %swap3A_132 : i32 to index
      %swap3A_134 = arith.index_cast %scan3A_102 : i32 to index
      %swap3A_135 = arith.constant 96 : index
      %swap3A_136 = tpu.vector_load %arg7[%swap3A_133, %swap3A_134, %swap3A_135] {strides = array<i32>} : memref<2x128x128xf32, #tpu.memory_space<vmem>>, vector<16xf32>,
      tpu.vector_store %arg7[%swap3A_133, %swap3A_134, %swap3A_135], %broadcast_in_dim3A_0 {strides = array<i32>} : memref<2x128x128xf32, #tpu.memory_space<vmem>>, vector<16xf32>,
      %swap3A_137 = arith.constant 0 : i32
      %swap3A_138 = arith.index_cast %swap3A_137 : i32 to index
      %swap3A_139 = arith.index_cast %scan3A_102 : i32 to index
      %swap3A_140 = arith.constant 112 : index
      %swap3A_141 = tpu.vector_load %arg7[%swap3A_138, %swap3A_139, %swap3A_140] {strides = array<i32>} : memref<2x128x128xf32, #tpu.memory_space<vmem>>, vector<16xf32>,
      tpu.vector_store %arg7[%swap3A_138, %swap3A_139, %swap3A_140], %broadcast_in_dim3A_0 {strides = array<i32>} : memref<2x128x128xf32, #tpu.memory_space<vmem>>, vector<16xf32>,
    }
    %scan3A_5 = arith.constant 80 : i32
    %eq3A = arith.constant 15 : i32
    %eq3A_6 = arith.cmpi eq, %arg1, %eq3A : i32
    %jit3A = arith.constant 5 : i32
    %jit3A_7 = arith.constant 8 : i32
    %select_n3A = arith.select %eq3A_6, %jit3A, %jit3A_7 : i32
    %while3A = arith.constant 0 : i32
    %while3A_8 = arith.constant 0 : i32
    %while3A_9 = arith.subi %select_n3A, %while3A_8 : i32
    %while3A_10 = arith.addi %while3A_8, %while3A_9 : i32
    %while3A_11 = arith.constant 1 : i32
    %while3A_12 = arith.divsi %while3A_9, %while3A_11 : i32
    %while3A_13 = arith.muli %while3A_12, %while3A_11 : i32
    %while3A_14 = arith.addi %while3A_8, %while3A_13 : i32
    %while3A_15 = arith.constant 1 : i32
    scf.for %while3A_102 = %while3A_8 to %while3A_14 step %while3A_15  : i32 {
      %mul3A_103 = arith.constant 640 : i32
      %mul3A_104 = arith.muli %arg1, %mul3A_103 : i32
      %mul3A_105 = arith.constant 80 : i32
      %mul3A_106 = arith.muli %while3A_102, %mul3A_105 : i32
      %add3A_107 = arith.addi %mul3A_104, %mul3A_106 : i32
      %run_scoped3A = arith.constant 0 : i32
      "tpu.region"() ({
        %run_scoped3A_108 = tpu.sem_alloc : memref<!tpu.dma_semaphore, #tpu.memory_space<semaphore_mem>>
        %dma_start3A_109 = arith.constant 0 : i32
        %dma_start3A_110 = arith.constant 0 : i32
        %dma_start3A_111 = tpu.memref_slice %arg7[%run_scoped3A, %dma_start3A_109, %dma_start3A_110] : memref<2x128x128xf32, #tpu.memory_space<vmem>> -> memref<1x80x128xf32, #tpu.memory_space<vmem>>
        %dma_start3A_112 = tpu.memref_squeeze %dma_start3A_111 : memref<1x80x128xf32, #tpu.memory_space<vmem>> -> memref<80x128xf32, #tpu.memory_space<vmem>>
        %dma_start3A_113 = arith.constant 0 : i32
        %dma_start3A_114 = tpu.memref_slice %arg8[%add3A_107, %dma_start3A_113] : memref<10000x128xf32, #tpu.memory_space<vmem_shared>> -> memref<80x128xf32, #tpu.memory_space<vmem_shared>>
        %dma_start3A_115 = arith.constant 0 : i32
        %dma_start3A_116 = tpu.memref_slice %arg8[%add3A_107, %dma_start3A_115] : memref<10000x128xf32, #tpu.memory_space<vmem_shared>> -> memref<80x128xf32, #tpu.memory_space<vmem_shared>>
        %dma_start3A_117 = arith.constant 0 : i32
        %dma_start3A_118 = arith.constant 0 : i32
        %dma_start3A_119 = tpu.memref_slice %arg7[%run_scoped3A, %dma_start3A_117, %dma_start3A_118] : memref<2x128x128xf32, #tpu.memory_space<vmem>> -> memref<1x80x128xf32, #tpu.memory_space<vmem>>
        %dma_start3A_120 = tpu.memref_squeeze %dma_start3A_119 : memref<1x80x128xf32, #tpu.memory_space<vmem>> -> memref<80x128xf32, #tpu.memory_space<vmem>>
        tpu.enqueue_dma source(%dma_start3A_120 : memref<80x128xf32, #tpu.memory_space<vmem>>) target(%dma_start3A_116 : memref<80x128xf32, #tpu.memory_space<vmem_shared>>) target_semaphore(%run_scoped3A_108 : memref<!tpu.dma_semaphore, #tpu.memory_space<semaphore_mem>>)
        %dma_wait3A_121 = arith.constant 0 : i32
        %dma_wait3A_122 = arith.constant 0 : i32
        %dma_wait3A_123 = tpu.memref_slice %arg7[%run_scoped3A, %dma_wait3A_121, %dma_wait3A_122] : memref<2x128x128xf32, #tpu.memory_space<vmem>> -> memref<1x80x128xf32, #tpu.memory_space<vmem>>
        %dma_wait3A_124 = tpu.memref_squeeze %dma_wait3A_123 : memref<1x80x128xf32, #tpu.memory_space<vmem>> -> memref<80x128xf32, #tpu.memory_space<vmem>>
        %dma_wait3A_125 = arith.constant 0 : i32
        %dma_wait3A_126 = tpu.memref_slice %arg8[%add3A_107, %dma_wait3A_125] : memref<10000x128xf32, #tpu.memory_space<vmem_shared>> -> memref<80x128xf32, #tpu.memory_space<vmem_shared>>
        %dma_wait3A_127 = arith.constant 0 : i32
        %dma_wait3A_128 = tpu.memref_slice %arg8[%add3A_107, %dma_wait3A_127] : memref<10000x128xf32, #tpu.memory_space<vmem_shared>> -> memref<80x128xf32, #tpu.memory_space<vmem_shared>>
        %dma_wait3A_129 = arith.constant 0 : i32
        %dma_wait3A_130 = arith.constant 0 : i32
        %dma_wait3A_131 = tpu.memref_slice %arg7[%run_scoped3A, %dma_wait3A_129, %dma_wait3A_130] : memref<2x128x128xf32, #tpu.memory_space<vmem>> -> memref<1x80x128xf32, #tpu.memory_space<vmem>>
        %dma_wait3A_132 = tpu.memref_squeeze %dma_wait3A_131 : memref<1x80x128xf32, #tpu.memory_space<vmem>> -> memref<80x128xf32, #tpu.memory_space<vmem>>
        tpu.wait_dma2 semaphore(%run_scoped3A_108 : memref<!tpu.dma_semaphore, #tpu.memory_space<semaphore_mem>>) src(%dma_wait3A_132 : memref<80x128xf32, #tpu.memory_space<vmem>>) dst(%dma_wait3A_128 : memref<80x128xf32, #tpu.memory_space<vmem_shared>>)
        tpu.yield
      }) : () -> ()
    }
    %while3A_16 = arith.constant 1 : i32
    scf.for %while3A_102 = %while3A_14 to %while3A_10 step %while3A_16  : i32 {
      %mul3A_103 = arith.constant 640 : i32
      %mul3A_104 = arith.muli %arg1, %mul3A_103 : i32
      %mul3A_105 = arith.constant 80 : i32
      %mul3A_106 = arith.muli %while3A_102, %mul3A_105 : i32
      %add3A_107 = arith.addi %mul3A_104, %mul3A_106 : i32
      %run_scoped3A = arith.constant 0 : i32
      "tpu.region"() ({
        %run_scoped3A_108 = tpu.sem_alloc : memref<!tpu.dma_semaphore, #tpu.memory_space<semaphore_mem>>
        %dma_start3A_109 = arith.constant 0 : i32
        %dma_start3A_110 = arith.constant 0 : i32
        %dma_start3A_111 = tpu.memref_slice %arg7[%run_scoped3A, %dma_start3A_109, %dma_start3A_110] : memref<2x128x128xf32, #tpu.memory_space<vmem>> -> memref<1x80x128xf32, #tpu.memory_space<vmem>>
        %dma_start3A_112 = tpu.memref_squeeze %dma_start3A_111 : memref<1x80x128xf32, #tpu.memory_space<vmem>> -> memref<80x128xf32, #tpu.memory_space<vmem>>
        %dma_start3A_113 = arith.constant 0 : i32
        %dma_start3A_114 = tpu.memref_slice %arg8[%add3A_107, %dma_start3A_113] : memref<10000x128xf32, #tpu.memory_space<vmem_shared>> -> memref<80x128xf32, #tpu.memory_space<vmem_shared>>
        %dma_start3A_115 = arith.constant 0 : i32
        %dma_start3A_116 = tpu.memref_slice %arg8[%add3A_107, %dma_start3A_115] : memref<10000x128xf32, #tpu.memory_space<vmem_shared>> -> memref<80x128xf32, #tpu.memory_space<vmem_shared>>
        %dma_start3A_117 = arith.constant 0 : i32
        %dma_start3A_118 = arith.constant 0 : i32
        %dma_start3A_119 = tpu.memref_slice %arg7[%run_scoped3A, %dma_start3A_117, %dma_start3A_118] : memref<2x128x128xf32, #tpu.memory_space<vmem>> -> memref<1x80x128xf32, #tpu.memory_space<vmem>>
        %dma_start3A_120 = tpu.memref_squeeze %dma_start3A_119 : memref<1x80x128xf32, #tpu.memory_space<vmem>> -> memref<80x128xf32, #tpu.memory_space<vmem>>
        tpu.enqueue_dma source(%dma_start3A_120 : memref<80x128xf32, #tpu.memory_space<vmem>>) target(%dma_start3A_116 : memref<80x128xf32, #tpu.memory_space<vmem_shared>>) target_semaphore(%run_scoped3A_108 : memref<!tpu.dma_semaphore, #tpu.memory_space<semaphore_mem>>)
        %dma_wait3A_121 = arith.constant 0 : i32
        %dma_wait3A_122 = arith.constant 0 : i32
        %dma_wait3A_123 = tpu.memref_slice %arg7[%run_scoped3A, %dma_wait3A_121, %dma_wait3A_122] : memref<2x128x128xf32, #tpu.memory_space<vmem>> -> memref<1x80x128xf32, #tpu.memory_space<vmem>>
        %dma_wait3A_124 = tpu.memref_squeeze %dma_wait3A_123 : memref<1x80x128xf32, #tpu.memory_space<vmem>> -> memref<80x128xf32, #tpu.memory_space<vmem>>
        %dma_wait3A_125 = arith.constant 0 : i32
        %dma_wait3A_126 = tpu.memref_slice %arg8[%add3A_107, %dma_wait3A_125] : memref<10000x128xf32, #tpu.memory_space<vmem_shared>> -> memref<80x128xf32, #tpu.memory_space<vmem_shared>>
        %dma_wait3A_127 = arith.constant 0 : i32
        %dma_wait3A_128 = tpu.memref_slice %arg8[%add3A_107, %dma_wait3A_127] : memref<10000x128xf32, #tpu.memory_space<vmem_shared>> -> memref<80x128xf32, #tpu.memory_space<vmem_shared>>
        %dma_wait3A_129 = arith.constant 0 : i32
        %dma_wait3A_130 = arith.constant 0 : i32
        %dma_wait3A_131 = tpu.memref_slice %arg7[%run_scoped3A, %dma_wait3A_129, %dma_wait3A_130] : memref<2x128x128xf32, #tpu.memory_space<vmem>> -> memref<1x80x128xf32, #tpu.memory_space<vmem>>
        %dma_wait3A_132 = tpu.memref_squeeze %dma_wait3A_131 : memref<1x80x128xf32, #tpu.memory_space<vmem>> -> memref<80x128xf32, #tpu.memory_space<vmem>>
        tpu.wait_dma2 semaphore(%run_scoped3A_108 : memref<!tpu.dma_semaphore, #tpu.memory_space<semaphore_mem>>) src(%dma_wait3A_132 : memref<80x128xf32, #tpu.memory_space<vmem>>) dst(%dma_wait3A_128 : memref<80x128xf32, #tpu.memory_space<vmem_shared>>)
        tpu.yield
      }) : () -> ()
    }
    %barrier3A = arith.constant 0 : index
    tpu.barrier barrier_id(%barrier3A)
    %mul3A = arith.constant 156 : i32
    %mul3A_17 = arith.muli %arg1, %mul3A : i32
    %add3A = arith.constant 0 : i32
    %add3A_18 = arith.addi %mul3A_17, %add3A : i32
    %dma_start3A = arith.constant 0 : i32
    %dma_start3A_19 = arith.constant 0 : i32
    %dma_start3A_20 = arith.constant 0 : i32
    %dma_start3A_21 = tpu.memref_slice %arg5[%dma_start3A_19, %dma_start3A_20] : memref<6x128xi32, #tpu.memory_space<vmem>> -> memref<3x128xi32, #tpu.memory_space<vmem>>
    %dma_start3A_22 = arith.constant 0 : i32
    %dma_start3A_23 = arith.constant 0 : i32
    %dma_start3A_24 = tpu.memref_slice %arg2[%add3A_18, %dma_start3A_22, %dma_start3A_23] : memref<2500x3x128xi32, #tpu.memory_space<hbm>> -> memref<1x3x128xi32, #tpu.memory_space<hbm>>
    %dma_start3A_25 = tpu.memref_squeeze %dma_start3A_24 : memref<1x3x128xi32, #tpu.memory_space<hbm>> -> memref<3x128xi32, #tpu.memory_space<hbm>>
    %dma_start3A_26 = tpu.memref_slice %arg9[%dma_start3A] : memref<2x!tpu.dma_semaphore, #tpu.memory_space<semaphore_mem>> -> memref<1x!tpu.dma_semaphore, #tpu.memory_space<semaphore_mem>>
    %dma_start3A_27 = tpu.memref_squeeze %dma_start3A_26 : memref<1x!tpu.dma_semaphore, #tpu.memory_space<semaphore_mem>> -> memref<!tpu.dma_semaphore, #tpu.memory_space<semaphore_mem>>
    %dma_start3A_28 = arith.constant 0 : i32
    %dma_start3A_29 = arith.constant 0 : i32
    %dma_start3A_30 = tpu.memref_slice %arg5[%dma_start3A_28, %dma_start3A_29] : memref<6x128xi32, #tpu.memory_space<vmem>> -> memref<3x128xi32, #tpu.memory_space<vmem>>
    %dma_start3A_31 = arith.constant 0 : i32
    %dma_start3A_32 = arith.constant 0 : i32
    %dma_start3A_33 = tpu.memref_slice %arg2[%add3A_18, %dma_start3A_31, %dma_start3A_32] : memref<2500x3x128xi32, #tpu.memory_space<hbm>> -> memref<1x3x128xi32, #tpu.memory_space<hbm>>
    %dma_start3A_34 = tpu.memref_squeeze %dma_start3A_33 : memref<1x3x128xi32, #tpu.memory_space<hbm>> -> memref<3x128xi32, #tpu.memory_space<hbm>>
    tpu.enqueue_dma source(%dma_start3A_34 : memref<3x128xi32, #tpu.memory_space<hbm>>) target(%dma_start3A_30 : memref<3x128xi32, #tpu.memory_space<vmem>>) target_semaphore(%dma_start3A_27 : memref<!tpu.dma_semaphore, #tpu.memory_space<semaphore_mem>>)
    %add3A_35 = arith.constant 1 : i32
    %add3A_36 = arith.addi %mul3A_17, %add3A_35 : i32
    %dma_start3A_37 = arith.constant 1 : i32
    %dma_start3A_38 = arith.constant 3 : i32
    %dma_start3A_39 = arith.constant 0 : i32
    %dma_start3A_40 = tpu.memref_slice %arg5[%dma_start3A_38, %dma_start3A_39] : memref<6x128xi32, #tpu.memory_space<vmem>> -> memref<3x128xi32, #tpu.memory_space<vmem>>
    %dma_start3A_41 = arith.constant 0 : i32
    %dma_start3A_42 = arith.constant 0 : i32
    %dma_start3A_43 = tpu.memref_slice %arg2[%add3A_36, %dma_start3A_41, %dma_start3A_42] : memref<2500x3x128xi32, #tpu.memory_space<hbm>> -> memref<1x3x128xi32, #tpu.memory_space<hbm>>
    %dma_start3A_44 = tpu.memref_squeeze %dma_start3A_43 : memref<1x3x128xi32, #tpu.memory_space<hbm>> -> memref<3x128xi32, #tpu.memory_space<hbm>>
    %dma_start3A_45 = tpu.memref_slice %arg9[%dma_start3A_37] : memref<2x!tpu.dma_semaphore, #tpu.memory_space<semaphore_mem>> -> memref<1x!tpu.dma_semaphore, #tpu.memory_space<semaphore_mem>>
    %dma_start3A_46 = tpu.memref_squeeze %dma_start3A_45 : memref<1x!tpu.dma_semaphore, #tpu.memory_space<semaphore_mem>> -> memref<!tpu.dma_semaphore, #tpu.memory_space<semaphore_mem>>
    %dma_start3A_47 = arith.constant 3 : i32
    %dma_start3A_48 = arith.constant 0 : i32
    %dma_start3A_49 = tpu.memref_slice %arg5[%dma_start3A_47, %dma_start3A_48] : memref<6x128xi32, #tpu.memory_space<vmem>> -> memref<3x128xi32, #tpu.memory_space<vmem>>
    %dma_start3A_50 = arith.constant 0 : i32
    %dma_start3A_51 = arith.constant 0 : i32
    %dma_start3A_52 = tpu.memref_slice %arg2[%add3A_36, %dma_start3A_50, %dma_start3A_51] : memref<2500x3x128xi32, #tpu.memory_space<hbm>> -> memref<1x3x128xi32, #tpu.memory_space<hbm>>
    %dma_start3A_53 = tpu.memref_squeeze %dma_start3A_52 : memref<1x3x128xi32, #tpu.memory_space<hbm>> -> memref<3x128xi32, #tpu.memory_space<hbm>>
    tpu.enqueue_dma source(%dma_start3A_53 : memref<3x128xi32, #tpu.memory_space<hbm>>) target(%dma_start3A_49 : memref<3x128xi32, #tpu.memory_space<vmem>>) target_semaphore(%dma_start3A_46 : memref<!tpu.dma_semaphore, #tpu.memory_space<semaphore_mem>>)
    %scan3A_54 = arith.constant 0 : i32
    %scan3A_55 = arith.constant 0 : i32
    %scan3A_56 = arith.constant 78 : i32
    %scan3A_57 = arith.addi %scan3A_55, %scan3A_56 : i32
    %scan3A_58 = arith.constant 1 : i32
    scf.for %scan3A_102 = %scan3A_55 to %scan3A_57 step %scan3A_58  : i32 {
      %dma_wait3A_103 = arith.constant 0 : i32
      %dma_wait3A_104 = arith.constant 0 : i32
      %dma_wait3A_105 = arith.constant 0 : i32
      %dma_wait3A_106 = tpu.memref_slice %arg5[%dma_wait3A_104, %dma_wait3A_105] : memref<6x128xi32, #tpu.memory_space<vmem>> -> memref<3x128xi32, #tpu.memory_space<vmem>>
      %dma_wait3A_107 = arith.constant 0 : i32
      %dma_wait3A_108 = arith.constant 0 : i32
      %dma_wait3A_109 = tpu.memref_slice %arg2[%mul3A_17, %dma_wait3A_107, %dma_wait3A_108] : memref<2500x3x128xi32, #tpu.memory_space<hbm>> -> memref<1x3x128xi32, #tpu.memory_space<hbm>>
      %dma_wait3A_110 = tpu.memref_squeeze %dma_wait3A_109 : memref<1x3x128xi32, #tpu.memory_space<hbm>> -> memref<3x128xi32, #tpu.memory_space<hbm>>
      %dma_wait3A_111 = tpu.memref_slice %arg9[%dma_wait3A_103] : memref<2x!tpu.dma_semaphore, #tpu.memory_space<semaphore_mem>> -> memref<1x!tpu.dma_semaphore, #tpu.memory_space<semaphore_mem>>
      %dma_wait3A_112 = tpu.memref_squeeze %dma_wait3A_111 : memref<1x!tpu.dma_semaphore, #tpu.memory_space<semaphore_mem>> -> memref<!tpu.dma_semaphore, #tpu.memory_space<semaphore_mem>>
      %dma_wait3A_113 = arith.constant 0 : i32
      %dma_wait3A_114 = arith.constant 0 : i32
      %dma_wait3A_115 = tpu.memref_slice %arg5[%dma_wait3A_113, %dma_wait3A_114] : memref<6x128xi32, #tpu.memory_space<vmem>> -> memref<3x128xi32, #tpu.memory_space<vmem>>
      %dma_wait3A_116 = arith.constant 0 : i32
      %dma_wait3A_117 = arith.constant 0 : i32
      %dma_wait3A_118 = tpu.memref_slice %arg2[%mul3A_17, %dma_wait3A_116, %dma_wait3A_117] : memref<2500x3x128xi32, #tpu.memory_space<hbm>> -> memref<1x3x128xi32, #tpu.memory_space<hbm>>
      %dma_wait3A_119 = tpu.memref_squeeze %dma_wait3A_118 : memref<1x3x128xi32, #tpu.memory_space<hbm>> -> memref<3x128xi32, #tpu.memory_space<hbm>>
      tpu.wait_dma2 semaphore(%dma_wait3A_112 : memref<!tpu.dma_semaphore, #tpu.memory_space<semaphore_mem>>) src(%dma_wait3A_119 : memref<3x128xi32, #tpu.memory_space<hbm>>) dst(%dma_wait3A_115 : memref<3x128xi32, #tpu.memory_space<vmem>>)
      %gt3A = arith.constant 0 : i32
      %gt3A_120 = arith.cmpi sgt, %scan3A_102, %gt3A : i32
      %convert_element_type3A_121 = arith.extui %gt3A_120 : i1 to i32
      %cond3A_122 = arith.constant 0 : i32
      %cond3A_123 = arith.cmpi ne, %convert_element_type3A_121, %cond3A_122 : i32
      scf.if %cond3A_123 {
        %dma_wait3A_400 = arith.constant 0 : i32
        %dma_wait3A_401 = arith.constant 0 : i32
        %dma_wait3A_402 = arith.constant 0 : i32
        %dma_wait3A_403 = arith.constant 0 : i32
        %dma_wait3A_404 = arith.constant 0 : i32
        %dma_wait3A_405 = tpu.memref_slice %arg7[%dma_wait3A_400, %dma_wait3A_403, %dma_wait3A_404] : memref<2x128x128xf32, #tpu.memory_space<vmem>> -> memref<1x128x128xf32, #tpu.memory_space<vmem>>
        %dma_wait3A_406 = tpu.memref_squeeze %dma_wait3A_405 : memref<1x128x128xf32, #tpu.memory_space<vmem>> -> memref<128x128xf32, #tpu.memory_space<vmem>>
        %dma_wait3A_407 = arith.constant 0 : i32
        %dma_wait3A_408 = tpu.memref_slice %arg6[%dma_wait3A_401, %dma_wait3A_407] : memref<2x128xi32, #tpu.memory_space<vmem>> -> memref<1x128xi32, #tpu.memory_space<vmem>>
        %dma_wait3A_409 = tpu.memref_squeeze %dma_wait3A_408 : memref<1x128xi32, #tpu.memory_space<vmem>> -> memref<128xi32, #tpu.memory_space<vmem>>
        %dma_wait3A_410 = arith.constant 0 : i32
        %dma_wait3A_411 = arith.constant 0 : i32
        %dma_wait3A_412 = tpu.memref_slice %arg8[%dma_wait3A_410, %dma_wait3A_411] : memref<10000x128xf32, #tpu.memory_space<vmem_shared>> -> memref<10000x128xf32, #tpu.memory_space<vmem_shared>>
        %dma_wait3A_413 = tpu.memref_slice %arg11[%dma_wait3A_402] : memref<2x!tpu.dma_semaphore, #tpu.memory_space<semaphore_mem>> -> memref<1x!tpu.dma_semaphore, #tpu.memory_space<semaphore_mem>>
        %dma_wait3A_414 = tpu.memref_squeeze %dma_wait3A_413 : memref<1x!tpu.dma_semaphore, #tpu.memory_space<semaphore_mem>> -> memref<!tpu.dma_semaphore, #tpu.memory_space<semaphore_mem>>
        tpu.wait_indirect_dma semaphore(%dma_wait3A_414 : memref<!tpu.dma_semaphore, #tpu.memory_space<semaphore_mem>>) src(%dma_wait3A_406 : memref<128x128xf32, #tpu.memory_space<vmem>>) dst(%dma_wait3A_412 : memref<10000x128xf32, #tpu.memory_space<vmem_shared>>)
      } else {
      }
      %dma_start3A_124 = arith.constant 0 : i32
      %dma_start3A_125 = arith.constant 0 : i32
      %dma_start3A_126 = arith.constant 0 : i32
      %dma_start3A_127 = arith.constant 0 : i32
      %dma_start3A_128 = arith.constant 0 : i32
      %dma_start3A_129 = tpu.memref_slice %arg7[%dma_start3A_125, %dma_start3A_127, %dma_start3A_128] : memref<2x128x128xf32, #tpu.memory_space<vmem>> -> memref<1x128x128xf32, #tpu.memory_space<vmem>>
      %dma_start3A_130 = tpu.memref_squeeze %dma_start3A_129 : memref<1x128x128xf32, #tpu.memory_space<vmem>> -> memref<128x128xf32, #tpu.memory_space<vmem>>
      %dma_start3A_131 = arith.constant 0 : i32
      %dma_start3A_132 = tpu.memref_slice %arg5[%dma_start3A_124, %dma_start3A_131] : memref<6x128xi32, #tpu.memory_space<vmem>> -> memref<1x128xi32, #tpu.memory_space<vmem>>
      %dma_start3A_133 = tpu.memref_squeeze %dma_start3A_132 : memref<1x128xi32, #tpu.memory_space<vmem>> -> memref<128xi32, #tpu.memory_space<vmem>>
      %dma_start3A_134 = arith.constant 0 : i32
      %dma_start3A_135 = arith.constant 0 : i32
      %dma_start3A_136 = tpu.memref_slice %arg3[%arg0, %dma_start3A_134, %dma_start3A_135] : memref<2x10000x128xf32, #tpu.memory_space<hbm>> -> memref<1x10000x128xf32, #tpu.memory_space<hbm>>
      %dma_start3A_137 = tpu.memref_squeeze %dma_start3A_136 : memref<1x10000x128xf32, #tpu.memory_space<hbm>> -> memref<10000x128xf32, #tpu.memory_space<hbm>>
      %dma_start3A_138 = arith.constant 0 : i32
      %dma_start3A_139 = arith.constant 0 : i32
      %dma_start3A_140 = tpu.memref_slice %dma_start3A_137[%dma_start3A_138, %dma_start3A_139] : memref<10000x128xf32, #tpu.memory_space<hbm>> -> memref<10000x128xf32, #tpu.memory_space<hbm>>
      %dma_start3A_141 = tpu.memref_slice %arg10[%dma_start3A_126] : memref<2x!tpu.dma_semaphore, #tpu.memory_space<semaphore_mem>> -> memref<1x!tpu.dma_semaphore, #tpu.memory_space<semaphore_mem>>
      %dma_start3A_142 = tpu.memref_squeeze %dma_start3A_141 : memref<1x!tpu.dma_semaphore, #tpu.memory_space<semaphore_mem>> -> memref<!tpu.dma_semaphore, #tpu.memory_space<semaphore_mem>>
      tpu.enqueue_indirect_dma source(%dma_start3A_140 : memref<10000x128xf32, #tpu.memory_space<hbm>>) target(%dma_start3A_130 : memref<128x128xf32, #tpu.memory_space<vmem>>) offsets(%dma_start3A_133 : memref<128xi32, #tpu.memory_space<vmem>>) semaphore(%dma_start3A_142 : memref<!tpu.dma_semaphore, #tpu.memory_space<semaphore_mem>>)
      %dma_wait3A_143 = arith.constant 1 : i32
      %dma_wait3A_144 = arith.constant 3 : i32
      %dma_wait3A_145 = arith.constant 0 : i32
      %dma_wait3A_146 = tpu.memref_slice %arg5[%dma_wait3A_144, %dma_wait3A_145] : memref<6x128xi32, #tpu.memory_space<vmem>> -> memref<3x128xi32, #tpu.memory_space<vmem>>
      %dma_wait3A_147 = arith.constant 0 : i32
      %dma_wait3A_148 = arith.constant 0 : i32
      %dma_wait3A_149 = tpu.memref_slice %arg2[%mul3A_17, %dma_wait3A_147, %dma_wait3A_148] : memref<2500x3x128xi32, #tpu.memory_space<hbm>> -> memref<1x3x128xi32, #tpu.memory_space<hbm>>
      %dma_wait3A_150 = tpu.memref_squeeze %dma_wait3A_149 : memref<1x3x128xi32, #tpu.memory_space<hbm>> -> memref<3x128xi32, #tpu.memory_space<hbm>>
      %dma_wait3A_151 = tpu.memref_slice %arg9[%dma_wait3A_143] : memref<2x!tpu.dma_semaphore, #tpu.memory_space<semaphore_mem>> -> memref<1x!tpu.dma_semaphore, #tpu.memory_space<semaphore_mem>>
      %dma_wait3A_152 = tpu.memref_squeeze %dma_wait3A_151 : memref<1x!tpu.dma_semaphore, #tpu.memory_space<semaphore_mem>> -> memref<!tpu.dma_semaphore, #tpu.memory_space<semaphore_mem>>
      %dma_wait3A_153 = arith.constant 3 : i32
      %dma_wait3A_154 = arith.constant 0 : i32
      %dma_wait3A_155 = tpu.memref_slice %arg5[%dma_wait3A_153, %dma_wait3A_154] : memref<6x128xi32, #tpu.memory_space<vmem>> -> memref<3x128xi32, #tpu.memory_space<vmem>>
      %dma_wait3A_156 = arith.constant 0 : i32
      %dma_wait3A_157 = arith.constant 0 : i32
      %dma_wait3A_158 = tpu.memref_slice %arg2[%mul3A_17, %dma_wait3A_156, %dma_wait3A_157] : memref<2500x3x128xi32, #tpu.memory_space<hbm>> -> memref<1x3x128xi32, #tpu.memory_space<hbm>>
      %dma_wait3A_159 = tpu.memref_squeeze %dma_wait3A_158 : memref<1x3x128xi32, #tpu.memory_space<hbm>> -> memref<3x128xi32, #tpu.memory_space<hbm>>
      tpu.wait_dma2 semaphore(%dma_wait3A_152 : memref<!tpu.dma_semaphore, #tpu.memory_space<semaphore_mem>>) src(%dma_wait3A_159 : memref<3x128xi32, #tpu.memory_space<hbm>>) dst(%dma_wait3A_155 : memref<3x128xi32, #tpu.memory_space<vmem>>)
      %gt3A_160 = arith.constant 0 : i32
      %gt3A_161 = arith.cmpi sgt, %scan3A_102, %gt3A_160 : i32
      %convert_element_type3A_162 = arith.extui %gt3A_161 : i1 to i32
      %cond3A_163 = arith.constant 0 : i32
      %cond3A_164 = arith.cmpi ne, %convert_element_type3A_162, %cond3A_163 : i32
      scf.if %cond3A_164 {
        %dma_wait3A_400 = arith.constant 1 : i32
        %dma_wait3A_401 = arith.constant 1 : i32
        %dma_wait3A_402 = arith.constant 1 : i32
        %dma_wait3A_403 = arith.constant 0 : i32
        %dma_wait3A_404 = arith.constant 0 : i32
        %dma_wait3A_405 = tpu.memref_slice %arg7[%dma_wait3A_400, %dma_wait3A_403, %dma_wait3A_404] : memref<2x128x128xf32, #tpu.memory_space<vmem>> -> memref<1x128x128xf32, #tpu.memory_space<vmem>>
        %dma_wait3A_406 = tpu.memref_squeeze %dma_wait3A_405 : memref<1x128x128xf32, #tpu.memory_space<vmem>> -> memref<128x128xf32, #tpu.memory_space<vmem>>
        %dma_wait3A_407 = arith.constant 0 : i32
        %dma_wait3A_408 = tpu.memref_slice %arg6[%dma_wait3A_401, %dma_wait3A_407] : memref<2x128xi32, #tpu.memory_space<vmem>> -> memref<1x128xi32, #tpu.memory_space<vmem>>
        %dma_wait3A_409 = tpu.memref_squeeze %dma_wait3A_408 : memref<1x128xi32, #tpu.memory_space<vmem>> -> memref<128xi32, #tpu.memory_space<vmem>>
        %dma_wait3A_410 = arith.constant 0 : i32
        %dma_wait3A_411 = arith.constant 0 : i32
        %dma_wait3A_412 = tpu.memref_slice %arg8[%dma_wait3A_410, %dma_wait3A_411] : memref<10000x128xf32, #tpu.memory_space<vmem_shared>> -> memref<10000x128xf32, #tpu.memory_space<vmem_shared>>
        %dma_wait3A_413 = tpu.memref_slice %arg11[%dma_wait3A_402] : memref<2x!tpu.dma_semaphore, #tpu.memory_space<semaphore_mem>> -> memref<1x!tpu.dma_semaphore, #tpu.memory_space<semaphore_mem>>
        %dma_wait3A_414 = tpu.memref_squeeze %dma_wait3A_413 : memref<1x!tpu.dma_semaphore, #tpu.memory_space<semaphore_mem>> -> memref<!tpu.dma_semaphore, #tpu.memory_space<semaphore_mem>>
        tpu.wait_indirect_dma semaphore(%dma_wait3A_414 : memref<!tpu.dma_semaphore, #tpu.memory_space<semaphore_mem>>) src(%dma_wait3A_406 : memref<128x128xf32, #tpu.memory_space<vmem>>) dst(%dma_wait3A_412 : memref<10000x128xf32, #tpu.memory_space<vmem_shared>>)
      } else {
      }
      %dma_start3A_165 = arith.constant 3 : i32
      %dma_start3A_166 = arith.constant 1 : i32
      %dma_start3A_167 = arith.constant 1 : i32
      %dma_start3A_168 = arith.constant 0 : i32
      %dma_start3A_169 = arith.constant 0 : i32
      %dma_start3A_170 = tpu.memref_slice %arg7[%dma_start3A_166, %dma_start3A_168, %dma_start3A_169] : memref<2x128x128xf32, #tpu.memory_space<vmem>> -> memref<1x128x128xf32, #tpu.memory_space<vmem>>
      %dma_start3A_171 = tpu.memref_squeeze %dma_start3A_170 : memref<1x128x128xf32, #tpu.memory_space<vmem>> -> memref<128x128xf32, #tpu.memory_space<vmem>>
      %dma_start3A_172 = arith.constant 0 : i32
      %dma_start3A_173 = tpu.memref_slice %arg5[%dma_start3A_165, %dma_start3A_172] : memref<6x128xi32, #tpu.memory_space<vmem>> -> memref<1x128xi32, #tpu.memory_space<vmem>>
      %dma_start3A_174 = tpu.memref_squeeze %dma_start3A_173 : memref<1x128xi32, #tpu.memory_space<vmem>> -> memref<128xi32, #tpu.memory_space<vmem>>
      %dma_start3A_175 = arith.constant 0 : i32
      %dma_start3A_176 = arith.constant 0 : i32
      %dma_start3A_177 = tpu.memref_slice %arg3[%arg0, %dma_start3A_175, %dma_start3A_176] : memref<2x10000x128xf32, #tpu.memory_space<hbm>> -> memref<1x10000x128xf32, #tpu.memory_space<hbm>>
      %dma_start3A_178 = tpu.memref_squeeze %dma_start3A_177 : memref<1x10000x128xf32, #tpu.memory_space<hbm>> -> memref<10000x128xf32, #tpu.memory_space<hbm>>
      %dma_start3A_179 = arith.constant 0 : i32
      %dma_start3A_180 = arith.constant 0 : i32
      %dma_start3A_181 = tpu.memref_slice %dma_start3A_178[%dma_start3A_179, %dma_start3A_180] : memref<10000x128xf32, #tpu.memory_space<hbm>> -> memref<10000x128xf32, #tpu.memory_space<hbm>>
      %dma_start3A_182 = tpu.memref_slice %arg10[%dma_start3A_167] : memref<2x!tpu.dma_semaphore, #tpu.memory_space<semaphore_mem>> -> memref<1x!tpu.dma_semaphore, #tpu.memory_space<semaphore_mem>>
      %dma_start3A_183 = tpu.memref_squeeze %dma_start3A_182 : memref<1x!tpu.dma_semaphore, #tpu.memory_space<semaphore_mem>> -> memref<!tpu.dma_semaphore, #tpu.memory_space<semaphore_mem>>
      tpu.enqueue_indirect_dma source(%dma_start3A_181 : memref<10000x128xf32, #tpu.memory_space<hbm>>) target(%dma_start3A_171 : memref<128x128xf32, #tpu.memory_space<vmem>>) offsets(%dma_start3A_174 : memref<128xi32, #tpu.memory_space<vmem>>) semaphore(%dma_start3A_183 : memref<!tpu.dma_semaphore, #tpu.memory_space<semaphore_mem>>)
      %dma_wait3A_184 = arith.constant 0 : i32
      %dma_wait3A_185 = arith.constant 0 : i32
      %dma_wait3A_186 = arith.constant 0 : i32
      %dma_wait3A_187 = arith.constant 0 : i32
      %dma_wait3A_188 = arith.constant 0 : i32
      %dma_wait3A_189 = tpu.memref_slice %arg7[%dma_wait3A_185, %dma_wait3A_187, %dma_wait3A_188] : memref<2x128x128xf32, #tpu.memory_space<vmem>> -> memref<1x128x128xf32, #tpu.memory_space<vmem>>
      %dma_wait3A_190 = tpu.memref_squeeze %dma_wait3A_189 : memref<1x128x128xf32, #tpu.memory_space<vmem>> -> memref<128x128xf32, #tpu.memory_space<vmem>>
      %dma_wait3A_191 = arith.constant 0 : i32
      %dma_wait3A_192 = tpu.memref_slice %arg5[%dma_wait3A_184, %dma_wait3A_191] : memref<6x128xi32, #tpu.memory_space<vmem>> -> memref<1x128xi32, #tpu.memory_space<vmem>>
      %dma_wait3A_193 = tpu.memref_squeeze %dma_wait3A_192 : memref<1x128xi32, #tpu.memory_space<vmem>> -> memref<128xi32, #tpu.memory_space<vmem>>
      %dma_wait3A_194 = arith.constant 0 : i32
      %dma_wait3A_195 = arith.constant 0 : i32
      %dma_wait3A_196 = tpu.memref_slice %arg3[%arg0, %dma_wait3A_194, %dma_wait3A_195] : memref<2x10000x128xf32, #tpu.memory_space<hbm>> -> memref<1x10000x128xf32, #tpu.memory_space<hbm>>
      %dma_wait3A_197 = tpu.memref_squeeze %dma_wait3A_196 : memref<1x10000x128xf32, #tpu.memory_space<hbm>> -> memref<10000x128xf32, #tpu.memory_space<hbm>>
      %dma_wait3A_198 = arith.constant 0 : i32
      %dma_wait3A_199 = arith.constant 0 : i32
      %dma_wait3A_200 = tpu.memref_slice %dma_wait3A_197[%dma_wait3A_198, %dma_wait3A_199] : memref<10000x128xf32, #tpu.memory_space<hbm>> -> memref<10000x128xf32, #tpu.memory_space<hbm>>
      %dma_wait3A_201 = tpu.memref_slice %arg10[%dma_wait3A_186] : memref<2x!tpu.dma_semaphore, #tpu.memory_space<semaphore_mem>> -> memref<1x!tpu.dma_semaphore, #tpu.memory_space<semaphore_mem>>
      %dma_wait3A_202 = tpu.memref_squeeze %dma_wait3A_201 : memref<1x!tpu.dma_semaphore, #tpu.memory_space<semaphore_mem>> -> memref<!tpu.dma_semaphore, #tpu.memory_space<semaphore_mem>>
      tpu.wait_indirect_dma semaphore(%dma_wait3A_202 : memref<!tpu.dma_semaphore, #tpu.memory_space<semaphore_mem>>) src(%dma_wait3A_200 : memref<10000x128xf32, #tpu.memory_space<hbm>>) dst(%dma_wait3A_190 : memref<128x128xf32, #tpu.memory_space<vmem>>)
      %scan3A_203 = arith.constant 0 : i32
      %scan3A_204 = arith.constant 0 : i32
      %scan3A_205 = arith.constant 128 : i32
      %scan3A_206 = arith.addi %scan3A_204, %scan3A_205 : i32
      %scan3A_207 = arith.constant 1 : i32
      scf.for %scan3A_400 = %scan3A_204 to %scan3A_206 step %scan3A_207  : i32 {
        %broadcast_in_dim3A_401 = arith.constant 2 : i32
        %broadcast_in_dim3A_402 = vector.broadcast %broadcast_in_dim3A_401 : i32 to vector<16xi32>
        %broadcast_in_dim3A_403 = vector.broadcast %scan3A_400 : i32 to vector<16xi32>
        %gather3A = tpu.vector_load_idx %arg5[%broadcast_in_dim3A_402, %broadcast_in_dim3A_403] : memref<6x128xi32, #tpu.memory_space<vmem>>[vector<16xi32>, vector<16xi32>], vector<16xi32>,
        %bitcast3A = vector.bitcast %gather3A : vector<16xi32> to vector<16xf32>
        %get3A_404 = arith.constant 0 : i32
        %get3A_405 = arith.index_cast %get3A_404 : i32 to index
        %get3A_406 = arith.index_cast %scan3A_400 : i32 to index
        %get3A_407 = arith.constant 0 : index
        %get3A_408 = tpu.vector_load %arg7[%get3A_405, %get3A_406, %get3A_407] {strides = array<i32>} : memref<2x128x128xf32, #tpu.memory_space<vmem>>, vector<16xf32>,
        %mul3A_409 = arith.mulf %get3A_408, %bitcast3A : vector<16xf32>
        %swap3A_410 = arith.constant 0 : i32
        %swap3A_411 = arith.index_cast %swap3A_410 : i32 to index
        %swap3A_412 = arith.index_cast %scan3A_400 : i32 to index
        %swap3A_413 = arith.constant 0 : index
        %swap3A_414 = tpu.vector_load %arg7[%swap3A_411, %swap3A_412, %swap3A_413] {strides = array<i32>} : memref<2x128x128xf32, #tpu.memory_space<vmem>>, vector<16xf32>,
        tpu.vector_store %arg7[%swap3A_411, %swap3A_412, %swap3A_413], %mul3A_409 {strides = array<i32>} : memref<2x128x128xf32, #tpu.memory_space<vmem>>, vector<16xf32>,
        %get3A_415 = arith.constant 0 : i32
        %get3A_416 = arith.index_cast %get3A_415 : i32 to index
        %get3A_417 = arith.index_cast %scan3A_400 : i32 to index
        %get3A_418 = arith.constant 16 : index
        %get3A_419 = tpu.vector_load %arg7[%get3A_416, %get3A_417, %get3A_418] {strides = array<i32>} : memref<2x128x128xf32, #tpu.memory_space<vmem>>, vector<16xf32>,
        %mul3A_420 = arith.mulf %get3A_419, %bitcast3A : vector<16xf32>
        %swap3A_421 = arith.constant 0 : i32
        %swap3A_422 = arith.index_cast %swap3A_421 : i32 to index
        %swap3A_423 = arith.index_cast %scan3A_400 : i32 to index
        %swap3A_424 = arith.constant 16 : index
        %swap3A_425 = tpu.vector_load %arg7[%swap3A_422, %swap3A_423, %swap3A_424] {strides = array<i32>} : memref<2x128x128xf32, #tpu.memory_space<vmem>>, vector<16xf32>,
        tpu.vector_store %arg7[%swap3A_422, %swap3A_423, %swap3A_424], %mul3A_420 {strides = array<i32>} : memref<2x128x128xf32, #tpu.memory_space<vmem>>, vector<16xf32>,
        %get3A_426 = arith.constant 0 : i32
        %get3A_427 = arith.index_cast %get3A_426 : i32 to index
        %get3A_428 = arith.index_cast %scan3A_400 : i32 to index
        %get3A_429 = arith.constant 32 : index
        %get3A_430 = tpu.vector_load %arg7[%get3A_427, %get3A_428, %get3A_429] {strides = array<i32>} : memref<2x128x128xf32, #tpu.memory_space<vmem>>, vector<16xf32>,
        %mul3A_431 = arith.mulf %get3A_430, %bitcast3A : vector<16xf32>
        %swap3A_432 = arith.constant 0 : i32
        %swap3A_433 = arith.index_cast %swap3A_432 : i32 to index
        %swap3A_434 = arith.index_cast %scan3A_400 : i32 to index
        %swap3A_435 = arith.constant 32 : index
        %swap3A_436 = tpu.vector_load %arg7[%swap3A_433, %swap3A_434, %swap3A_435] {strides = array<i32>} : memref<2x128x128xf32, #tpu.memory_space<vmem>>, vector<16xf32>,
        tpu.vector_store %arg7[%swap3A_433, %swap3A_434, %swap3A_435], %mul3A_431 {strides = array<i32>} : memref<2x128x128xf32, #tpu.memory_space<vmem>>, vector<16xf32>,
        %get3A_437 = arith.constant 0 : i32
        %get3A_438 = arith.index_cast %get3A_437 : i32 to index
        %get3A_439 = arith.index_cast %scan3A_400 : i32 to index
        %get3A_440 = arith.constant 48 : index
        %get3A_441 = tpu.vector_load %arg7[%get3A_438, %get3A_439, %get3A_440] {strides = array<i32>} : memref<2x128x128xf32, #tpu.memory_space<vmem>>, vector<16xf32>,
        %mul3A_442 = arith.mulf %get3A_441, %bitcast3A : vector<16xf32>
        %swap3A_443 = arith.constant 0 : i32
        %swap3A_444 = arith.index_cast %swap3A_443 : i32 to index
        %swap3A_445 = arith.index_cast %scan3A_400 : i32 to index
        %swap3A_446 = arith.constant 48 : index
        %swap3A_447 = tpu.vector_load %arg7[%swap3A_444, %swap3A_445, %swap3A_446] {strides = array<i32>} : memref<2x128x128xf32, #tpu.memory_space<vmem>>, vector<16xf32>,
        tpu.vector_store %arg7[%swap3A_444, %swap3A_445, %swap3A_446], %mul3A_442 {strides = array<i32>} : memref<2x128x128xf32, #tpu.memory_space<vmem>>, vector<16xf32>,
        %get3A_448 = arith.constant 0 : i32
        %get3A_449 = arith.index_cast %get3A_448 : i32 to index
        %get3A_450 = arith.index_cast %scan3A_400 : i32 to index
        %get3A_451 = arith.constant 64 : index
        %get3A_452 = tpu.vector_load %arg7[%get3A_449, %get3A_450, %get3A_451] {strides = array<i32>} : memref<2x128x128xf32, #tpu.memory_space<vmem>>, vector<16xf32>,
        %mul3A_453 = arith.mulf %get3A_452, %bitcast3A : vector<16xf32>
        %swap3A_454 = arith.constant 0 : i32
        %swap3A_455 = arith.index_cast %swap3A_454 : i32 to index
        %swap3A_456 = arith.index_cast %scan3A_400 : i32 to index
        %swap3A_457 = arith.constant 64 : index
        %swap3A_458 = tpu.vector_load %arg7[%swap3A_455, %swap3A_456, %swap3A_457] {strides = array<i32>} : memref<2x128x128xf32, #tpu.memory_space<vmem>>, vector<16xf32>,
        tpu.vector_store %arg7[%swap3A_455, %swap3A_456, %swap3A_457], %mul3A_453 {strides = array<i32>} : memref<2x128x128xf32, #tpu.memory_space<vmem>>, vector<16xf32>,
        %get3A_459 = arith.constant 0 : i32
        %get3A_460 = arith.index_cast %get3A_459 : i32 to index
        %get3A_461 = arith.index_cast %scan3A_400 : i32 to index
        %get3A_462 = arith.constant 80 : index
        %get3A_463 = tpu.vector_load %arg7[%get3A_460, %get3A_461, %get3A_462] {strides = array<i32>} : memref<2x128x128xf32, #tpu.memory_space<vmem>>, vector<16xf32>,
        %mul3A_464 = arith.mulf %get3A_463, %bitcast3A : vector<16xf32>
        %swap3A_465 = arith.constant 0 : i32
        %swap3A_466 = arith.index_cast %swap3A_465 : i32 to index
        %swap3A_467 = arith.index_cast %scan3A_400 : i32 to index
        %swap3A_468 = arith.constant 80 : index
        %swap3A_469 = tpu.vector_load %arg7[%swap3A_466, %swap3A_467, %swap3A_468] {strides = array<i32>} : memref<2x128x128xf32, #tpu.memory_space<vmem>>, vector<16xf32>,
        tpu.vector_store %arg7[%swap3A_466, %swap3A_467, %swap3A_468], %mul3A_464 {strides = array<i32>} : memref<2x128x128xf32, #tpu.memory_space<vmem>>, vector<16xf32>,
        %get3A_470 = arith.constant 0 : i32
        %get3A_471 = arith.index_cast %get3A_470 : i32 to index
        %get3A_472 = arith.index_cast %scan3A_400 : i32 to index
        %get3A_473 = arith.constant 96 : index
        %get3A_474 = tpu.vector_load %arg7[%get3A_471, %get3A_472, %get3A_473] {strides = array<i32>} : memref<2x128x128xf32, #tpu.memory_space<vmem>>, vector<16xf32>,
        %mul3A_475 = arith.mulf %get3A_474, %bitcast3A : vector<16xf32>
        %swap3A_476 = arith.constant 0 : i32
        %swap3A_477 = arith.index_cast %swap3A_476 : i32 to index
        %swap3A_478 = arith.index_cast %scan3A_400 : i32 to index
        %swap3A_479 = arith.constant 96 : index
        %swap3A_480 = tpu.vector_load %arg7[%swap3A_477, %swap3A_478, %swap3A_479] {strides = array<i32>} : memref<2x128x128xf32, #tpu.memory_space<vmem>>, vector<16xf32>,
        tpu.vector_store %arg7[%swap3A_477, %swap3A_478, %swap3A_479], %mul3A_475 {strides = array<i32>} : memref<2x128x128xf32, #tpu.memory_space<vmem>>, vector<16xf32>,
        %get3A_481 = arith.constant 0 : i32
        %get3A_482 = arith.index_cast %get3A_481 : i32 to index
        %get3A_483 = arith.index_cast %scan3A_400 : i32 to index
        %get3A_484 = arith.constant 112 : index
        %get3A_485 = tpu.vector_load %arg7[%get3A_482, %get3A_483, %get3A_484] {strides = array<i32>} : memref<2x128x128xf32, #tpu.memory_space<vmem>>, vector<16xf32>,
        %mul3A_486 = arith.mulf %get3A_485, %bitcast3A : vector<16xf32>
        %swap3A_487 = arith.constant 0 : i32
        %swap3A_488 = arith.index_cast %swap3A_487 : i32 to index
        %swap3A_489 = arith.index_cast %scan3A_400 : i32 to index
        %swap3A_490 = arith.constant 112 : index
        %swap3A_491 = tpu.vector_load %arg7[%swap3A_488, %swap3A_489, %swap3A_490] {strides = array<i32>} : memref<2x128x128xf32, #tpu.memory_space<vmem>>, vector<16xf32>,
        tpu.vector_store %arg7[%swap3A_488, %swap3A_489, %swap3A_490], %mul3A_486 {strides = array<i32>} : memref<2x128x128xf32, #tpu.memory_space<vmem>>, vector<16xf32>,
      }
      %scan3A_208 = arith.constant 128 : i32
      %get3A = arith.constant 1 : i32
      %get3A_209 = arith.index_cast %get3A : i32 to index
      %get3A_210 = arith.constant 0 : index
      %get3A_211 = tpu.vector_load %arg5[%get3A_209, %get3A_210] {strides = array<i32>} : memref<6x128xi32, #tpu.memory_space<vmem>>, vector<16xi32>,
      %swap3A = arith.constant 0 : i32
      %swap3A_212 = arith.index_cast %swap3A : i32 to index
      %swap3A_213 = arith.constant 0 : index
      %swap3A_214 = tpu.vector_load %arg6[%swap3A_212, %swap3A_213] {strides = array<i32>} : memref<2x128xi32, #tpu.memory_space<vmem>>, vector<16xi32>,
      tpu.vector_store %arg6[%swap3A_212, %swap3A_213], %get3A_211 {strides = array<i32>} : memref<2x128xi32, #tpu.memory_space<vmem>>, vector<16xi32>,
      %get3A_215 = arith.constant 1 : i32
      %get3A_216 = arith.index_cast %get3A_215 : i32 to index
      %get3A_217 = arith.constant 16 : index
      %get3A_218 = tpu.vector_load %arg5[%get3A_216, %get3A_217] {strides = array<i32>} : memref<6x128xi32, #tpu.memory_space<vmem>>, vector<16xi32>,
      %swap3A_219 = arith.constant 0 : i32
      %swap3A_220 = arith.index_cast %swap3A_219 : i32 to index
      %swap3A_221 = arith.constant 16 : index
      %swap3A_222 = tpu.vector_load %arg6[%swap3A_220, %swap3A_221] {strides = array<i32>} : memref<2x128xi32, #tpu.memory_space<vmem>>, vector<16xi32>,
      tpu.vector_store %arg6[%swap3A_220, %swap3A_221], %get3A_218 {strides = array<i32>} : memref<2x128xi32, #tpu.memory_space<vmem>>, vector<16xi32>,
      %get3A_223 = arith.constant 1 : i32
      %get3A_224 = arith.index_cast %get3A_223 : i32 to index
      %get3A_225 = arith.constant 32 : index
      %get3A_226 = tpu.vector_load %arg5[%get3A_224, %get3A_225] {strides = array<i32>} : memref<6x128xi32, #tpu.memory_space<vmem>>, vector<16xi32>,
      %swap3A_227 = arith.constant 0 : i32
      %swap3A_228 = arith.index_cast %swap3A_227 : i32 to index
      %swap3A_229 = arith.constant 32 : index
      %swap3A_230 = tpu.vector_load %arg6[%swap3A_228, %swap3A_229] {strides = array<i32>} : memref<2x128xi32, #tpu.memory_space<vmem>>, vector<16xi32>,
      tpu.vector_store %arg6[%swap3A_228, %swap3A_229], %get3A_226 {strides = array<i32>} : memref<2x128xi32, #tpu.memory_space<vmem>>, vector<16xi32>,
      %get3A_231 = arith.constant 1 : i32
      %get3A_232 = arith.index_cast %get3A_231 : i32 to index
      %get3A_233 = arith.constant 48 : index
      %get3A_234 = tpu.vector_load %arg5[%get3A_232, %get3A_233] {strides = array<i32>} : memref<6x128xi32, #tpu.memory_space<vmem>>, vector<16xi32>,
      %swap3A_235 = arith.constant 0 : i32
      %swap3A_236 = arith.index_cast %swap3A_235 : i32 to index
      %swap3A_237 = arith.constant 48 : index
      %swap3A_238 = tpu.vector_load %arg6[%swap3A_236, %swap3A_237] {strides = array<i32>} : memref<2x128xi32, #tpu.memory_space<vmem>>, vector<16xi32>,
      tpu.vector_store %arg6[%swap3A_236, %swap3A_237], %get3A_234 {strides = array<i32>} : memref<2x128xi32, #tpu.memory_space<vmem>>, vector<16xi32>,
      %get3A_239 = arith.constant 1 : i32
      %get3A_240 = arith.index_cast %get3A_239 : i32 to index
      %get3A_241 = arith.constant 64 : index
      %get3A_242 = tpu.vector_load %arg5[%get3A_240, %get3A_241] {strides = array<i32>} : memref<6x128xi32, #tpu.memory_space<vmem>>, vector<16xi32>,
      %swap3A_243 = arith.constant 0 : i32
      %swap3A_244 = arith.index_cast %swap3A_243 : i32 to index
      %swap3A_245 = arith.constant 64 : index
      %swap3A_246 = tpu.vector_load %arg6[%swap3A_244, %swap3A_245] {strides = array<i32>} : memref<2x128xi32, #tpu.memory_space<vmem>>, vector<16xi32>,
      tpu.vector_store %arg6[%swap3A_244, %swap3A_245], %get3A_242 {strides = array<i32>} : memref<2x128xi32, #tpu.memory_space<vmem>>, vector<16xi32>,
      %get3A_247 = arith.constant 1 : i32
      %get3A_248 = arith.index_cast %get3A_247 : i32 to index
      %get3A_249 = arith.constant 80 : index
      %get3A_250 = tpu.vector_load %arg5[%get3A_248, %get3A_249] {strides = array<i32>} : memref<6x128xi32, #tpu.memory_space<vmem>>, vector<16xi32>,
      %swap3A_251 = arith.constant 0 : i32
      %swap3A_252 = arith.index_cast %swap3A_251 : i32 to index
      %swap3A_253 = arith.constant 80 : index
      %swap3A_254 = tpu.vector_load %arg6[%swap3A_252, %swap3A_253] {strides = array<i32>} : memref<2x128xi32, #tpu.memory_space<vmem>>, vector<16xi32>,
      tpu.vector_store %arg6[%swap3A_252, %swap3A_253], %get3A_250 {strides = array<i32>} : memref<2x128xi32, #tpu.memory_space<vmem>>, vector<16xi32>,
      %get3A_255 = arith.constant 1 : i32
      %get3A_256 = arith.index_cast %get3A_255 : i32 to index
      %get3A_257 = arith.constant 96 : index
      %get3A_258 = tpu.vector_load %arg5[%get3A_256, %get3A_257] {strides = array<i32>} : memref<6x128xi32, #tpu.memory_space<vmem>>, vector<16xi32>,
      %swap3A_259 = arith.constant 0 : i32
      %swap3A_260 = arith.index_cast %swap3A_259 : i32 to index
      %swap3A_261 = arith.constant 96 : index
      %swap3A_262 = tpu.vector_load %arg6[%swap3A_260, %swap3A_261] {strides = array<i32>} : memref<2x128xi32, #tpu.memory_space<vmem>>, vector<16xi32>,
      tpu.vector_store %arg6[%swap3A_260, %swap3A_261], %get3A_258 {strides = array<i32>} : memref<2x128xi32, #tpu.memory_space<vmem>>, vector<16xi32>,
      %get3A_263 = arith.constant 1 : i32
      %get3A_264 = arith.index_cast %get3A_263 : i32 to index
      %get3A_265 = arith.constant 112 : index
      %get3A_266 = tpu.vector_load %arg5[%get3A_264, %get3A_265] {strides = array<i32>} : memref<6x128xi32, #tpu.memory_space<vmem>>, vector<16xi32>,
      %swap3A_267 = arith.constant 0 : i32
      %swap3A_268 = arith.index_cast %swap3A_267 : i32 to index
      %swap3A_269 = arith.constant 112 : index
      %swap3A_270 = tpu.vector_load %arg6[%swap3A_268, %swap3A_269] {strides = array<i32>} : memref<2x128xi32, #tpu.memory_space<vmem>>, vector<16xi32>,
      tpu.vector_store %arg6[%swap3A_268, %swap3A_269], %get3A_266 {strides = array<i32>} : memref<2x128xi32, #tpu.memory_space<vmem>>, vector<16xi32>,
      %dma_start3A_271 = arith.constant 0 : i32
      %dma_start3A_272 = arith.constant 0 : i32
      %dma_start3A_273 = arith.constant 0 : i32
      %dma_start3A_274 = arith.constant 0 : i32
      %dma_start3A_275 = arith.constant 0 : i32
      %dma_start3A_276 = tpu.memref_slice %arg7[%dma_start3A_271, %dma_start3A_274, %dma_start3A_275] : memref<2x128x128xf32, #tpu.memory_space<vmem>> -> memref<1x128x128xf32, #tpu.memory_space<vmem>>
      %dma_start3A_277 = tpu.memref_squeeze %dma_start3A_276 : memref<1x128x128xf32, #tpu.memory_space<vmem>> -> memref<128x128xf32, #tpu.memory_space<vmem>>
      %dma_start3A_278 = arith.constant 0 : i32
      %dma_start3A_279 = tpu.memref_slice %arg6[%dma_start3A_272, %dma_start3A_278] : memref<2x128xi32, #tpu.memory_space<vmem>> -> memref<1x128xi32, #tpu.memory_space<vmem>>
      %dma_start3A_280 = tpu.memref_squeeze %dma_start3A_279 : memref<1x128xi32, #tpu.memory_space<vmem>> -> memref<128xi32, #tpu.memory_space<vmem>>
      %dma_start3A_281 = arith.constant 0 : i32
      %dma_start3A_282 = arith.constant 0 : i32
      %dma_start3A_283 = tpu.memref_slice %arg8[%dma_start3A_281, %dma_start3A_282] : memref<10000x128xf32, #tpu.memory_space<vmem_shared>> -> memref<10000x128xf32, #tpu.memory_space<vmem_shared>>
      %dma_start3A_284 = tpu.memref_slice %arg11[%dma_start3A_273] : memref<2x!tpu.dma_semaphore, #tpu.memory_space<semaphore_mem>> -> memref<1x!tpu.dma_semaphore, #tpu.memory_space<semaphore_mem>>
      %dma_start3A_285 = tpu.memref_squeeze %dma_start3A_284 : memref<1x!tpu.dma_semaphore, #tpu.memory_space<semaphore_mem>> -> memref<!tpu.dma_semaphore, #tpu.memory_space<semaphore_mem>>
      tpu.enqueue_indirect_dma source(%dma_start3A_277 : memref<128x128xf32, #tpu.memory_space<vmem>>) target(%dma_start3A_283 : memref<10000x128xf32, #tpu.memory_space<vmem_shared>>) offsets(%dma_start3A_280 : memref<128xi32, #tpu.memory_space<vmem>>) semaphore(%dma_start3A_285 : memref<!tpu.dma_semaphore, #tpu.memory_space<semaphore_mem>>) {add = true}
      %lt3A_286 = arith.constant 77 : i32
      %lt3A_287 = arith.cmpi slt, %scan3A_102, %lt3A_286 : i32
      %convert_element_type3A_288 = arith.extui %lt3A_287 : i1 to i32
      %cond3A_289 = arith.constant 0 : i32
      %cond3A_290 = arith.cmpi ne, %convert_element_type3A_288, %cond3A_289 : i32
      scf.if %cond3A_290 {
        %add3A_400 = arith.constant 1 : i32
        %add3A_401 = arith.addi %scan3A_102, %add3A_400 : i32
        %mul3A_402 = arith.constant 2 : i32
        %mul3A_403 = arith.muli %add3A_401, %mul3A_402 : i32
        %add3A_404 = arith.addi %mul3A_17, %mul3A_403 : i32
        %add3A_405 = arith.constant 0 : i32
        %add3A_406 = arith.addi %add3A_404, %add3A_405 : i32
        %dma_start3A_407 = arith.constant 0 : i32
        %dma_start3A_408 = arith.constant 0 : i32
        %dma_start3A_409 = arith.constant 0 : i32
        %dma_start3A_410 = tpu.memref_slice %arg5[%dma_start3A_408, %dma_start3A_409] : memref<6x128xi32, #tpu.memory_space<vmem>> -> memref<3x128xi32, #tpu.memory_space<vmem>>
        %dma_start3A_411 = arith.constant 0 : i32
        %dma_start3A_412 = arith.constant 0 : i32
        %dma_start3A_413 = tpu.memref_slice %arg2[%add3A_406, %dma_start3A_411, %dma_start3A_412] : memref<2500x3x128xi32, #tpu.memory_space<hbm>> -> memref<1x3x128xi32, #tpu.memory_space<hbm>>
        %dma_start3A_414 = tpu.memref_squeeze %dma_start3A_413 : memref<1x3x128xi32, #tpu.memory_space<hbm>> -> memref<3x128xi32, #tpu.memory_space<hbm>>
        %dma_start3A_415 = tpu.memref_slice %arg9[%dma_start3A_407] : memref<2x!tpu.dma_semaphore, #tpu.memory_space<semaphore_mem>> -> memref<1x!tpu.dma_semaphore, #tpu.memory_space<semaphore_mem>>
        %dma_start3A_416 = tpu.memref_squeeze %dma_start3A_415 : memref<1x!tpu.dma_semaphore, #tpu.memory_space<semaphore_mem>> -> memref<!tpu.dma_semaphore, #tpu.memory_space<semaphore_mem>>
        %dma_start3A_417 = arith.constant 0 : i32
        %dma_start3A_418 = arith.constant 0 : i32
        %dma_start3A_419 = tpu.memref_slice %arg5[%dma_start3A_417, %dma_start3A_418] : memref<6x128xi32, #tpu.memory_space<vmem>> -> memref<3x128xi32, #tpu.memory_space<vmem>>
        %dma_start3A_420 = arith.constant 0 : i32
        %dma_start3A_421 = arith.constant 0 : i32
        %dma_start3A_422 = tpu.memref_slice %arg2[%add3A_406, %dma_start3A_420, %dma_start3A_421] : memref<2500x3x128xi32, #tpu.memory_space<hbm>> -> memref<1x3x128xi32, #tpu.memory_space<hbm>>
        %dma_start3A_423 = tpu.memref_squeeze %dma_start3A_422 : memref<1x3x128xi32, #tpu.memory_space<hbm>> -> memref<3x128xi32, #tpu.memory_space<hbm>>
        tpu.enqueue_dma source(%dma_start3A_423 : memref<3x128xi32, #tpu.memory_space<hbm>>) target(%dma_start3A_419 : memref<3x128xi32, #tpu.memory_space<vmem>>) target_semaphore(%dma_start3A_416 : memref<!tpu.dma_semaphore, #tpu.memory_space<semaphore_mem>>)
      } else {
      }
      %dma_wait3A_291 = arith.constant 3 : i32
      %dma_wait3A_292 = arith.constant 1 : i32
      %dma_wait3A_293 = arith.constant 1 : i32
      %dma_wait3A_294 = arith.constant 0 : i32
      %dma_wait3A_295 = arith.constant 0 : i32
      %dma_wait3A_296 = tpu.memref_slice %arg7[%dma_wait3A_292, %dma_wait3A_294, %dma_wait3A_295] : memref<2x128x128xf32, #tpu.memory_space<vmem>> -> memref<1x128x128xf32, #tpu.memory_space<vmem>>
      %dma_wait3A_297 = tpu.memref_squeeze %dma_wait3A_296 : memref<1x128x128xf32, #tpu.memory_space<vmem>> -> memref<128x128xf32, #tpu.memory_space<vmem>>
      %dma_wait3A_298 = arith.constant 0 : i32
      %dma_wait3A_299 = tpu.memref_slice %arg5[%dma_wait3A_291, %dma_wait3A_298] : memref<6x128xi32, #tpu.memory_space<vmem>> -> memref<1x128xi32, #tpu.memory_space<vmem>>
      %dma_wait3A_300 = tpu.memref_squeeze %dma_wait3A_299 : memref<1x128xi32, #tpu.memory_space<vmem>> -> memref<128xi32, #tpu.memory_space<vmem>>
      %dma_wait3A_301 = arith.constant 0 : i32
      %dma_wait3A_302 = arith.constant 0 : i32
      %dma_wait3A_303 = tpu.memref_slice %arg3[%arg0, %dma_wait3A_301, %dma_wait3A_302] : memref<2x10000x128xf32, #tpu.memory_space<hbm>> -> memref<1x10000x128xf32, #tpu.memory_space<hbm>>
      %dma_wait3A_304 = tpu.memref_squeeze %dma_wait3A_303 : memref<1x10000x128xf32, #tpu.memory_space<hbm>> -> memref<10000x128xf32, #tpu.memory_space<hbm>>
      %dma_wait3A_305 = arith.constant 0 : i32
      %dma_wait3A_306 = arith.constant 0 : i32
      %dma_wait3A_307 = tpu.memref_slice %dma_wait3A_304[%dma_wait3A_305, %dma_wait3A_306] : memref<10000x128xf32, #tpu.memory_space<hbm>> -> memref<10000x128xf32, #tpu.memory_space<hbm>>
      %dma_wait3A_308 = tpu.memref_slice %arg10[%dma_wait3A_293] : memref<2x!tpu.dma_semaphore, #tpu.memory_space<semaphore_mem>> -> memref<1x!tpu.dma_semaphore, #tpu.memory_space<semaphore_mem>>
      %dma_wait3A_309 = tpu.memref_squeeze %dma_wait3A_308 : memref<1x!tpu.dma_semaphore, #tpu.memory_space<semaphore_mem>> -> memref<!tpu.dma_semaphore, #tpu.memory_space<semaphore_mem>>
      tpu.wait_indirect_dma semaphore(%dma_wait3A_309 : memref<!tpu.dma_semaphore, #tpu.memory_space<semaphore_mem>>) src(%dma_wait3A_307 : memref<10000x128xf32, #tpu.memory_space<hbm>>) dst(%dma_wait3A_297 : memref<128x128xf32, #tpu.memory_space<vmem>>)
      %scan3A_310 = arith.constant 0 : i32
      %scan3A_311 = arith.constant 0 : i32
      %scan3A_312 = arith.constant 128 : i32
      %scan3A_313 = arith.addi %scan3A_311, %scan3A_312 : i32
      %scan3A_314 = arith.constant 1 : i32
      scf.for %scan3A_400 = %scan3A_311 to %scan3A_313 step %scan3A_314  : i32 {
        %broadcast_in_dim3A_401 = arith.constant 5 : i32
        %broadcast_in_dim3A_402 = vector.broadcast %broadcast_in_dim3A_401 : i32 to vector<16xi32>
        %broadcast_in_dim3A_403 = vector.broadcast %scan3A_400 : i32 to vector<16xi32>
        %gather3A = tpu.vector_load_idx %arg5[%broadcast_in_dim3A_402, %broadcast_in_dim3A_403] : memref<6x128xi32, #tpu.memory_space<vmem>>[vector<16xi32>, vector<16xi32>], vector<16xi32>,
        %bitcast3A = vector.bitcast %gather3A : vector<16xi32> to vector<16xf32>
        %get3A_404 = arith.constant 1 : i32
        %get3A_405 = arith.index_cast %get3A_404 : i32 to index
        %get3A_406 = arith.index_cast %scan3A_400 : i32 to index
        %get3A_407 = arith.constant 0 : index
        %get3A_408 = tpu.vector_load %arg7[%get3A_405, %get3A_406, %get3A_407] {strides = array<i32>} : memref<2x128x128xf32, #tpu.memory_space<vmem>>, vector<16xf32>,
        %mul3A_409 = arith.mulf %get3A_408, %bitcast3A : vector<16xf32>
        %swap3A_410 = arith.constant 1 : i32
        %swap3A_411 = arith.index_cast %swap3A_410 : i32 to index
        %swap3A_412 = arith.index_cast %scan3A_400 : i32 to index
        %swap3A_413 = arith.constant 0 : index
        %swap3A_414 = tpu.vector_load %arg7[%swap3A_411, %swap3A_412, %swap3A_413] {strides = array<i32>} : memref<2x128x128xf32, #tpu.memory_space<vmem>>, vector<16xf32>,
        tpu.vector_store %arg7[%swap3A_411, %swap3A_412, %swap3A_413], %mul3A_409 {strides = array<i32>} : memref<2x128x128xf32, #tpu.memory_space<vmem>>, vector<16xf32>,
        %get3A_415 = arith.constant 1 : i32
        %get3A_416 = arith.index_cast %get3A_415 : i32 to index
        %get3A_417 = arith.index_cast %scan3A_400 : i32 to index
        %get3A_418 = arith.constant 16 : index
        %get3A_419 = tpu.vector_load %arg7[%get3A_416, %get3A_417, %get3A_418] {strides = array<i32>} : memref<2x128x128xf32, #tpu.memory_space<vmem>>, vector<16xf32>,
        %mul3A_420 = arith.mulf %get3A_419, %bitcast3A : vector<16xf32>
        %swap3A_421 = arith.constant 1 : i32
        %swap3A_422 = arith.index_cast %swap3A_421 : i32 to index
        %swap3A_423 = arith.index_cast %scan3A_400 : i32 to index
        %swap3A_424 = arith.constant 16 : index
        %swap3A_425 = tpu.vector_load %arg7[%swap3A_422, %swap3A_423, %swap3A_424] {strides = array<i32>} : memref<2x128x128xf32, #tpu.memory_space<vmem>>, vector<16xf32>,
        tpu.vector_store %arg7[%swap3A_422, %swap3A_423, %swap3A_424], %mul3A_420 {strides = array<i32>} : memref<2x128x128xf32, #tpu.memory_space<vmem>>, vector<16xf32>,
        %get3A_426 = arith.constant 1 : i32
        %get3A_427 = arith.index_cast %get3A_426 : i32 to index
        %get3A_428 = arith.index_cast %scan3A_400 : i32 to index
        %get3A_429 = arith.constant 32 : index
        %get3A_430 = tpu.vector_load %arg7[%get3A_427, %get3A_428, %get3A_429] {strides = array<i32>} : memref<2x128x128xf32, #tpu.memory_space<vmem>>, vector<16xf32>,
        %mul3A_431 = arith.mulf %get3A_430, %bitcast3A : vector<16xf32>
        %swap3A_432 = arith.constant 1 : i32
        %swap3A_433 = arith.index_cast %swap3A_432 : i32 to index
        %swap3A_434 = arith.index_cast %scan3A_400 : i32 to index
        %swap3A_435 = arith.constant 32 : index
        %swap3A_436 = tpu.vector_load %arg7[%swap3A_433, %swap3A_434, %swap3A_435] {strides = array<i32>} : memref<2x128x128xf32, #tpu.memory_space<vmem>>, vector<16xf32>,
        tpu.vector_store %arg7[%swap3A_433, %swap3A_434, %swap3A_435], %mul3A_431 {strides = array<i32>} : memref<2x128x128xf32, #tpu.memory_space<vmem>>, vector<16xf32>,
        %get3A_437 = arith.constant 1 : i32
        %get3A_438 = arith.index_cast %get3A_437 : i32 to index
        %get3A_439 = arith.index_cast %scan3A_400 : i32 to index
        %get3A_440 = arith.constant 48 : index
        %get3A_441 = tpu.vector_load %arg7[%get3A_438, %get3A_439, %get3A_440] {strides = array<i32>} : memref<2x128x128xf32, #tpu.memory_space<vmem>>, vector<16xf32>,
        %mul3A_442 = arith.mulf %get3A_441, %bitcast3A : vector<16xf32>
        %swap3A_443 = arith.constant 1 : i32
        %swap3A_444 = arith.index_cast %swap3A_443 : i32 to index
        %swap3A_445 = arith.index_cast %scan3A_400 : i32 to index
        %swap3A_446 = arith.constant 48 : index
        %swap3A_447 = tpu.vector_load %arg7[%swap3A_444, %swap3A_445, %swap3A_446] {strides = array<i32>} : memref<2x128x128xf32, #tpu.memory_space<vmem>>, vector<16xf32>,
        tpu.vector_store %arg7[%swap3A_444, %swap3A_445, %swap3A_446], %mul3A_442 {strides = array<i32>} : memref<2x128x128xf32, #tpu.memory_space<vmem>>, vector<16xf32>,
        %get3A_448 = arith.constant 1 : i32
        %get3A_449 = arith.index_cast %get3A_448 : i32 to index
        %get3A_450 = arith.index_cast %scan3A_400 : i32 to index
        %get3A_451 = arith.constant 64 : index
        %get3A_452 = tpu.vector_load %arg7[%get3A_449, %get3A_450, %get3A_451] {strides = array<i32>} : memref<2x128x128xf32, #tpu.memory_space<vmem>>, vector<16xf32>,
        %mul3A_453 = arith.mulf %get3A_452, %bitcast3A : vector<16xf32>
        %swap3A_454 = arith.constant 1 : i32
        %swap3A_455 = arith.index_cast %swap3A_454 : i32 to index
        %swap3A_456 = arith.index_cast %scan3A_400 : i32 to index
        %swap3A_457 = arith.constant 64 : index
        %swap3A_458 = tpu.vector_load %arg7[%swap3A_455, %swap3A_456, %swap3A_457] {strides = array<i32>} : memref<2x128x128xf32, #tpu.memory_space<vmem>>, vector<16xf32>,
        tpu.vector_store %arg7[%swap3A_455, %swap3A_456, %swap3A_457], %mul3A_453 {strides = array<i32>} : memref<2x128x128xf32, #tpu.memory_space<vmem>>, vector<16xf32>,
        %get3A_459 = arith.constant 1 : i32
        %get3A_460 = arith.index_cast %get3A_459 : i32 to index
        %get3A_461 = arith.index_cast %scan3A_400 : i32 to index
        %get3A_462 = arith.constant 80 : index
        %get3A_463 = tpu.vector_load %arg7[%get3A_460, %get3A_461, %get3A_462] {strides = array<i32>} : memref<2x128x128xf32, #tpu.memory_space<vmem>>, vector<16xf32>,
        %mul3A_464 = arith.mulf %get3A_463, %bitcast3A : vector<16xf32>
        %swap3A_465 = arith.constant 1 : i32
        %swap3A_466 = arith.index_cast %swap3A_465 : i32 to index
        %swap3A_467 = arith.index_cast %scan3A_400 : i32 to index
        %swap3A_468 = arith.constant 80 : index
        %swap3A_469 = tpu.vector_load %arg7[%swap3A_466, %swap3A_467, %swap3A_468] {strides = array<i32>} : memref<2x128x128xf32, #tpu.memory_space<vmem>>, vector<16xf32>,
        tpu.vector_store %arg7[%swap3A_466, %swap3A_467, %swap3A_468], %mul3A_464 {strides = array<i32>} : memref<2x128x128xf32, #tpu.memory_space<vmem>>, vector<16xf32>,
        %get3A_470 = arith.constant 1 : i32
        %get3A_471 = arith.index_cast %get3A_470 : i32 to index
        %get3A_472 = arith.index_cast %scan3A_400 : i32 to index
        %get3A_473 = arith.constant 96 : index
        %get3A_474 = tpu.vector_load %arg7[%get3A_471, %get3A_472, %get3A_473] {strides = array<i32>} : memref<2x128x128xf32, #tpu.memory_space<vmem>>, vector<16xf32>,
        %mul3A_475 = arith.mulf %get3A_474, %bitcast3A : vector<16xf32>
        %swap3A_476 = arith.constant 1 : i32
        %swap3A_477 = arith.index_cast %swap3A_476 : i32 to index
        %swap3A_478 = arith.index_cast %scan3A_400 : i32 to index
        %swap3A_479 = arith.constant 96 : index
        %swap3A_480 = tpu.vector_load %arg7[%swap3A_477, %swap3A_478, %swap3A_479] {strides = array<i32>} : memref<2x128x128xf32, #tpu.memory_space<vmem>>, vector<16xf32>,
        tpu.vector_store %arg7[%swap3A_477, %swap3A_478, %swap3A_479], %mul3A_475 {strides = array<i32>} : memref<2x128x128xf32, #tpu.memory_space<vmem>>, vector<16xf32>,
        %get3A_481 = arith.constant 1 : i32
        %get3A_482 = arith.index_cast %get3A_481 : i32 to index
        %get3A_483 = arith.index_cast %scan3A_400 : i32 to index
        %get3A_484 = arith.constant 112 : index
        %get3A_485 = tpu.vector_load %arg7[%get3A_482, %get3A_483, %get3A_484] {strides = array<i32>} : memref<2x128x128xf32, #tpu.memory_space<vmem>>, vector<16xf32>,
        %mul3A_486 = arith.mulf %get3A_485, %bitcast3A : vector<16xf32>
        %swap3A_487 = arith.constant 1 : i32
        %swap3A_488 = arith.index_cast %swap3A_487 : i32 to index
        %swap3A_489 = arith.index_cast %scan3A_400 : i32 to index
        %swap3A_490 = arith.constant 112 : index
        %swap3A_491 = tpu.vector_load %arg7[%swap3A_488, %swap3A_489, %swap3A_490] {strides = array<i32>} : memref<2x128x128xf32, #tpu.memory_space<vmem>>, vector<16xf32>,
        tpu.vector_store %arg7[%swap3A_488, %swap3A_489, %swap3A_490], %mul3A_486 {strides = array<i32>} : memref<2x128x128xf32, #tpu.memory_space<vmem>>, vector<16xf32>,
      }
      %scan3A_315 = arith.constant 128 : i32
      %get3A_316 = arith.constant 4 : i32
      %get3A_317 = arith.index_cast %get3A_316 : i32 to index
      %get3A_318 = arith.constant 0 : index
      %get3A_319 = tpu.vector_load %arg5[%get3A_317, %get3A_318] {strides = array<i32>} : memref<6x128xi32, #tpu.memory_space<vmem>>, vector<16xi32>,
      %swap3A_320 = arith.constant 1 : i32
      %swap3A_321 = arith.index_cast %swap3A_320 : i32 to index
      %swap3A_322 = arith.constant 0 : index
      %swap3A_323 = tpu.vector_load %arg6[%swap3A_321, %swap3A_322] {strides = array<i32>} : memref<2x128xi32, #tpu.memory_space<vmem>>, vector<16xi32>,
      tpu.vector_store %arg6[%swap3A_321, %swap3A_322], %get3A_319 {strides = array<i32>} : memref<2x128xi32, #tpu.memory_space<vmem>>, vector<16xi32>,
      %get3A_324 = arith.constant 4 : i32
      %get3A_325 = arith.index_cast %get3A_324 : i32 to index
      %get3A_326 = arith.constant 16 : index
      %get3A_327 = tpu.vector_load %arg5[%get3A_325, %get3A_326] {strides = array<i32>} : memref<6x128xi32, #tpu.memory_space<vmem>>, vector<16xi32>,
      %swap3A_328 = arith.constant 1 : i32
      %swap3A_329 = arith.index_cast %swap3A_328 : i32 to index
      %swap3A_330 = arith.constant 16 : index
      %swap3A_331 = tpu.vector_load %arg6[%swap3A_329, %swap3A_330] {strides = array<i32>} : memref<2x128xi32, #tpu.memory_space<vmem>>, vector<16xi32>,
      tpu.vector_store %arg6[%swap3A_329, %swap3A_330], %get3A_327 {strides = array<i32>} : memref<2x128xi32, #tpu.memory_space<vmem>>, vector<16xi32>,
      %get3A_332 = arith.constant 4 : i32
      %get3A_333 = arith.index_cast %get3A_332 : i32 to index
      %get3A_334 = arith.constant 32 : index
      %get3A_335 = tpu.vector_load %arg5[%get3A_333, %get3A_334] {strides = array<i32>} : memref<6x128xi32, #tpu.memory_space<vmem>>, vector<16xi32>,
      %swap3A_336 = arith.constant 1 : i32
      %swap3A_337 = arith.index_cast %swap3A_336 : i32 to index
      %swap3A_338 = arith.constant 32 : index
      %swap3A_339 = tpu.vector_load %arg6[%swap3A_337, %swap3A_338] {strides = array<i32>} : memref<2x128xi32, #tpu.memory_space<vmem>>, vector<16xi32>,
      tpu.vector_store %arg6[%swap3A_337, %swap3A_338], %get3A_335 {strides = array<i32>} : memref<2x128xi32, #tpu.memory_space<vmem>>, vector<16xi32>,
      %get3A_340 = arith.constant 4 : i32
      %get3A_341 = arith.index_cast %get3A_340 : i32 to index
      %get3A_342 = arith.constant 48 : index
      %get3A_343 = tpu.vector_load %arg5[%get3A_341, %get3A_342] {strides = array<i32>} : memref<6x128xi32, #tpu.memory_space<vmem>>, vector<16xi32>,
      %swap3A_344 = arith.constant 1 : i32
      %swap3A_345 = arith.index_cast %swap3A_344 : i32 to index
      %swap3A_346 = arith.constant 48 : index
      %swap3A_347 = tpu.vector_load %arg6[%swap3A_345, %swap3A_346] {strides = array<i32>} : memref<2x128xi32, #tpu.memory_space<vmem>>, vector<16xi32>,
      tpu.vector_store %arg6[%swap3A_345, %swap3A_346], %get3A_343 {strides = array<i32>} : memref<2x128xi32, #tpu.memory_space<vmem>>, vector<16xi32>,
      %get3A_348 = arith.constant 4 : i32
      %get3A_349 = arith.index_cast %get3A_348 : i32 to index
      %get3A_350 = arith.constant 64 : index
      %get3A_351 = tpu.vector_load %arg5[%get3A_349, %get3A_350] {strides = array<i32>} : memref<6x128xi32, #tpu.memory_space<vmem>>, vector<16xi32>,
      %swap3A_352 = arith.constant 1 : i32
      %swap3A_353 = arith.index_cast %swap3A_352 : i32 to index
      %swap3A_354 = arith.constant 64 : index
      %swap3A_355 = tpu.vector_load %arg6[%swap3A_353, %swap3A_354] {strides = array<i32>} : memref<2x128xi32, #tpu.memory_space<vmem>>, vector<16xi32>,
      tpu.vector_store %arg6[%swap3A_353, %swap3A_354], %get3A_351 {strides = array<i32>} : memref<2x128xi32, #tpu.memory_space<vmem>>, vector<16xi32>,
      %get3A_356 = arith.constant 4 : i32
      %get3A_357 = arith.index_cast %get3A_356 : i32 to index
      %get3A_358 = arith.constant 80 : index
      %get3A_359 = tpu.vector_load %arg5[%get3A_357, %get3A_358] {strides = array<i32>} : memref<6x128xi32, #tpu.memory_space<vmem>>, vector<16xi32>,
      %swap3A_360 = arith.constant 1 : i32
      %swap3A_361 = arith.index_cast %swap3A_360 : i32 to index
      %swap3A_362 = arith.constant 80 : index
      %swap3A_363 = tpu.vector_load %arg6[%swap3A_361, %swap3A_362] {strides = array<i32>} : memref<2x128xi32, #tpu.memory_space<vmem>>, vector<16xi32>,
      tpu.vector_store %arg6[%swap3A_361, %swap3A_362], %get3A_359 {strides = array<i32>} : memref<2x128xi32, #tpu.memory_space<vmem>>, vector<16xi32>,
      %get3A_364 = arith.constant 4 : i32
      %get3A_365 = arith.index_cast %get3A_364 : i32 to index
      %get3A_366 = arith.constant 96 : index
      %get3A_367 = tpu.vector_load %arg5[%get3A_365, %get3A_366] {strides = array<i32>} : memref<6x128xi32, #tpu.memory_space<vmem>>, vector<16xi32>,
      %swap3A_368 = arith.constant 1 : i32
      %swap3A_369 = arith.index_cast %swap3A_368 : i32 to index
      %swap3A_370 = arith.constant 96 : index
      %swap3A_371 = tpu.vector_load %arg6[%swap3A_369, %swap3A_370] {strides = array<i32>} : memref<2x128xi32, #tpu.memory_space<vmem>>, vector<16xi32>,
      tpu.vector_store %arg6[%swap3A_369, %swap3A_370], %get3A_367 {strides = array<i32>} : memref<2x128xi32, #tpu.memory_space<vmem>>, vector<16xi32>,
      %get3A_372 = arith.constant 4 : i32
      %get3A_373 = arith.index_cast %get3A_372 : i32 to index
      %get3A_374 = arith.constant 112 : index
      %get3A_375 = tpu.vector_load %arg5[%get3A_373, %get3A_374] {strides = array<i32>} : memref<6x128xi32, #tpu.memory_space<vmem>>, vector<16xi32>,
      %swap3A_376 = arith.constant 1 : i32
      %swap3A_377 = arith.index_cast %swap3A_376 : i32 to index
      %swap3A_378 = arith.constant 112 : index
      %swap3A_379 = tpu.vector_load %arg6[%swap3A_377, %swap3A_378] {strides = array<i32>} : memref<2x128xi32, #tpu.memory_space<vmem>>, vector<16xi32>,
      tpu.vector_store %arg6[%swap3A_377, %swap3A_378], %get3A_375 {strides = array<i32>} : memref<2x128xi32, #tpu.memory_space<vmem>>, vector<16xi32>,
      %dma_start3A_380 = arith.constant 1 : i32
      %dma_start3A_381 = arith.constant 1 : i32
      %dma_start3A_382 = arith.constant 1 : i32
      %dma_start3A_383 = arith.constant 0 : i32
      %dma_start3A_384 = arith.constant 0 : i32
      %dma_start3A_385 = tpu.memref_slice %arg7[%dma_start3A_380, %dma_start3A_383, %dma_start3A_384] : memref<2x128x128xf32, #tpu.memory_space<vmem>> -> memref<1x128x128xf32, #tpu.memory_space<vmem>>
      %dma_start3A_386 = tpu.memref_squeeze %dma_start3A_385 : memref<1x128x128xf32, #tpu.memory_space<vmem>> -> memref<128x128xf32, #tpu.memory_space<vmem>>
      %dma_start3A_387 = arith.constant 0 : i32
      %dma_start3A_388 = tpu.memref_slice %arg6[%dma_start3A_381, %dma_start3A_387] : memref<2x128xi32, #tpu.memory_space<vmem>> -> memref<1x128xi32, #tpu.memory_space<vmem>>
      %dma_start3A_389 = tpu.memref_squeeze %dma_start3A_388 : memref<1x128xi32, #tpu.memory_space<vmem>> -> memref<128xi32, #tpu.memory_space<vmem>>
      %dma_start3A_390 = arith.constant 0 : i32
      %dma_start3A_391 = arith.constant 0 : i32
      %dma_start3A_392 = tpu.memref_slice %arg8[%dma_start3A_390, %dma_start3A_391] : memref<10000x128xf32, #tpu.memory_space<vmem_shared>> -> memref<10000x128xf32, #tpu.memory_space<vmem_shared>>
      %dma_start3A_393 = tpu.memref_slice %arg11[%dma_start3A_382] : memref<2x!tpu.dma_semaphore, #tpu.memory_space<semaphore_mem>> -> memref<1x!tpu.dma_semaphore, #tpu.memory_space<semaphore_mem>>
      %dma_start3A_394 = tpu.memref_squeeze %dma_start3A_393 : memref<1x!tpu.dma_semaphore, #tpu.memory_space<semaphore_mem>> -> memref<!tpu.dma_semaphore, #tpu.memory_space<semaphore_mem>>
      tpu.enqueue_indirect_dma source(%dma_start3A_386 : memref<128x128xf32, #tpu.memory_space<vmem>>) target(%dma_start3A_392 : memref<10000x128xf32, #tpu.memory_space<vmem_shared>>) offsets(%dma_start3A_389 : memref<128xi32, #tpu.memory_space<vmem>>) semaphore(%dma_start3A_394 : memref<!tpu.dma_semaphore, #tpu.memory_space<semaphore_mem>>) {add = true}
      %lt3A_395 = arith.constant 77 : i32
      %lt3A_396 = arith.cmpi slt, %scan3A_102, %lt3A_395 : i32
      %convert_element_type3A_397 = arith.extui %lt3A_396 : i1 to i32
      %cond3A_398 = arith.constant 0 : i32
      %cond3A_399 = arith.cmpi ne, %convert_element_type3A_397, %cond3A_398 : i32
      scf.if %cond3A_399 {
        %add3A_400 = arith.constant 1 : i32
        %add3A_401 = arith.addi %scan3A_102, %add3A_400 : i32
        %mul3A_402 = arith.constant 2 : i32
        %mul3A_403 = arith.muli %add3A_401, %mul3A_402 : i32
        %add3A_404 = arith.addi %mul3A_17, %mul3A_403 : i32
        %add3A_405 = arith.constant 1 : i32
        %add3A_406 = arith.addi %add3A_404, %add3A_405 : i32
        %dma_start3A_407 = arith.constant 1 : i32
        %dma_start3A_408 = arith.constant 3 : i32
        %dma_start3A_409 = arith.constant 0 : i32
        %dma_start3A_410 = tpu.memref_slice %arg5[%dma_start3A_408, %dma_start3A_409] : memref<6x128xi32, #tpu.memory_space<vmem>> -> memref<3x128xi32, #tpu.memory_space<vmem>>
        %dma_start3A_411 = arith.constant 0 : i32
        %dma_start3A_412 = arith.constant 0 : i32
        %dma_start3A_413 = tpu.memref_slice %arg2[%add3A_406, %dma_start3A_411, %dma_start3A_412] : memref<2500x3x128xi32, #tpu.memory_space<hbm>> -> memref<1x3x128xi32, #tpu.memory_space<hbm>>
        %dma_start3A_414 = tpu.memref_squeeze %dma_start3A_413 : memref<1x3x128xi32, #tpu.memory_space<hbm>> -> memref<3x128xi32, #tpu.memory_space<hbm>>
        %dma_start3A_415 = tpu.memref_slice %arg9[%dma_start3A_407] : memref<2x!tpu.dma_semaphore, #tpu.memory_space<semaphore_mem>> -> memref<1x!tpu.dma_semaphore, #tpu.memory_space<semaphore_mem>>
        %dma_start3A_416 = tpu.memref_squeeze %dma_start3A_415 : memref<1x!tpu.dma_semaphore, #tpu.memory_space<semaphore_mem>> -> memref<!tpu.dma_semaphore, #tpu.memory_space<semaphore_mem>>
        %dma_start3A_417 = arith.constant 3 : i32
        %dma_start3A_418 = arith.constant 0 : i32
        %dma_start3A_419 = tpu.memref_slice %arg5[%dma_start3A_417, %dma_start3A_418] : memref<6x128xi32, #tpu.memory_space<vmem>> -> memref<3x128xi32, #tpu.memory_space<vmem>>
        %dma_start3A_420 = arith.constant 0 : i32
        %dma_start3A_421 = arith.constant 0 : i32
        %dma_start3A_422 = tpu.memref_slice %arg2[%add3A_406, %dma_start3A_420, %dma_start3A_421] : memref<2500x3x128xi32, #tpu.memory_space<hbm>> -> memref<1x3x128xi32, #tpu.memory_space<hbm>>
        %dma_start3A_423 = tpu.memref_squeeze %dma_start3A_422 : memref<1x3x128xi32, #tpu.memory_space<hbm>> -> memref<3x128xi32, #tpu.memory_space<hbm>>
        tpu.enqueue_dma source(%dma_start3A_423 : memref<3x128xi32, #tpu.memory_space<hbm>>) target(%dma_start3A_419 : memref<3x128xi32, #tpu.memory_space<vmem>>) target_semaphore(%dma_start3A_416 : memref<!tpu.dma_semaphore, #tpu.memory_space<semaphore_mem>>)
      } else {
      }
    }
    %scan3A_59 = arith.constant 78 : i32
    %dma_wait3A = arith.constant 0 : i32
    %dma_wait3A_60 = arith.constant 0 : i32
    %dma_wait3A_61 = arith.constant 0 : i32
    %dma_wait3A_62 = arith.constant 0 : i32
    %dma_wait3A_63 = arith.constant 0 : i32
    %dma_wait3A_64 = tpu.memref_slice %arg7[%dma_wait3A, %dma_wait3A_62, %dma_wait3A_63] : memref<2x128x128xf32, #tpu.memory_space<vmem>> -> memref<1x128x128xf32, #tpu.memory_space<vmem>>
    %dma_wait3A_65 = tpu.memref_squeeze %dma_wait3A_64 : memref<1x128x128xf32, #tpu.memory_space<vmem>> -> memref<128x128xf32, #tpu.memory_space<vmem>>
    %dma_wait3A_66 = arith.constant 0 : i32
    %dma_wait3A_67 = tpu.memref_slice %arg6[%dma_wait3A_60, %dma_wait3A_66] : memref<2x128xi32, #tpu.memory_space<vmem>> -> memref<1x128xi32, #tpu.memory_space<vmem>>
    %dma_wait3A_68 = tpu.memref_squeeze %dma_wait3A_67 : memref<1x128xi32, #tpu.memory_space<vmem>> -> memref<128xi32, #tpu.memory_space<vmem>>
    %dma_wait3A_69 = arith.constant 0 : i32
    %dma_wait3A_70 = arith.constant 0 : i32
    %dma_wait3A_71 = tpu.memref_slice %arg8[%dma_wait3A_69, %dma_wait3A_70] : memref<10000x128xf32, #tpu.memory_space<vmem_shared>> -> memref<10000x128xf32, #tpu.memory_space<vmem_shared>>
    %dma_wait3A_72 = tpu.memref_slice %arg11[%dma_wait3A_61] : memref<2x!tpu.dma_semaphore, #tpu.memory_space<semaphore_mem>> -> memref<1x!tpu.dma_semaphore, #tpu.memory_space<semaphore_mem>>
    %dma_wait3A_73 = tpu.memref_squeeze %dma_wait3A_72 : memref<1x!tpu.dma_semaphore, #tpu.memory_space<semaphore_mem>> -> memref<!tpu.dma_semaphore, #tpu.memory_space<semaphore_mem>>
    tpu.wait_indirect_dma semaphore(%dma_wait3A_73 : memref<!tpu.dma_semaphore, #tpu.memory_space<semaphore_mem>>) src(%dma_wait3A_65 : memref<128x128xf32, #tpu.memory_space<vmem>>) dst(%dma_wait3A_71 : memref<10000x128xf32, #tpu.memory_space<vmem_shared>>)
    %dma_wait3A_74 = arith.constant 1 : i32
    %dma_wait3A_75 = arith.constant 1 : i32
    %dma_wait3A_76 = arith.constant 1 : i32
    %dma_wait3A_77 = arith.constant 0 : i32
    %dma_wait3A_78 = arith.constant 0 : i32
    %dma_wait3A_79 = tpu.memref_slice %arg7[%dma_wait3A_74, %dma_wait3A_77, %dma_wait3A_78] : memref<2x128x128xf32, #tpu.memory_space<vmem>> -> memref<1x128x128xf32, #tpu.memory_space<vmem>>
    %dma_wait3A_80 = tpu.memref_squeeze %dma_wait3A_79 : memref<1x128x128xf32, #tpu.memory_space<vmem>> -> memref<128x128xf32, #tpu.memory_space<vmem>>
    %dma_wait3A_81 = arith.constant 0 : i32
    %dma_wait3A_82 = tpu.memref_slice %arg6[%dma_wait3A_75, %dma_wait3A_81] : memref<2x128xi32, #tpu.memory_space<vmem>> -> memref<1x128xi32, #tpu.memory_space<vmem>>
    %dma_wait3A_83 = tpu.memref_squeeze %dma_wait3A_82 : memref<1x128xi32, #tpu.memory_space<vmem>> -> memref<128xi32, #tpu.memory_space<vmem>>
    %dma_wait3A_84 = arith.constant 0 : i32
    %dma_wait3A_85 = arith.constant 0 : i32
    %dma_wait3A_86 = tpu.memref_slice %arg8[%dma_wait3A_84, %dma_wait3A_85] : memref<10000x128xf32, #tpu.memory_space<vmem_shared>> -> memref<10000x128xf32, #tpu.memory_space<vmem_shared>>
    %dma_wait3A_87 = tpu.memref_slice %arg11[%dma_wait3A_76] : memref<2x!tpu.dma_semaphore, #tpu.memory_space<semaphore_mem>> -> memref<1x!tpu.dma_semaphore, #tpu.memory_space<semaphore_mem>>
    %dma_wait3A_88 = tpu.memref_squeeze %dma_wait3A_87 : memref<1x!tpu.dma_semaphore, #tpu.memory_space<semaphore_mem>> -> memref<!tpu.dma_semaphore, #tpu.memory_space<semaphore_mem>>
    tpu.wait_indirect_dma semaphore(%dma_wait3A_88 : memref<!tpu.dma_semaphore, #tpu.memory_space<semaphore_mem>>) src(%dma_wait3A_80 : memref<128x128xf32, #tpu.memory_space<vmem>>) dst(%dma_wait3A_86 : memref<10000x128xf32, #tpu.memory_space<vmem_shared>>)
    %lt3A = arith.constant 4 : i32
    %lt3A_89 = arith.cmpi slt, %arg1, %lt3A : i32
    %convert_element_type3A = arith.extui %lt3A_89 : i1 to i32
    %cond3A = arith.constant 0 : i32
    %cond3A_90 = arith.cmpi ne, %convert_element_type3A, %cond3A : i32
    scf.if %cond3A_90 {
      %add3A_102 = arith.constant 2496 : i32
      %add3A_103 = arith.addi %add3A_102, %arg1 : i32
      "tpu.region"() ({
        %run_scoped3A_149 = tpu.sem_alloc : memref<!tpu.dma_semaphore, #tpu.memory_space<semaphore_mem>>
        %dma_start3A_150 = arith.constant 0 : i32
        %dma_start3A_151 = arith.constant 0 : i32
        %dma_start3A_152 = tpu.memref_slice %arg5[%dma_start3A_150, %dma_start3A_151] : memref<6x128xi32, #tpu.memory_space<vmem>> -> memref<3x128xi32, #tpu.memory_space<vmem>>
        %dma_start3A_153 = arith.constant 0 : i32
        %dma_start3A_154 = arith.constant 0 : i32
        %dma_start3A_155 = tpu.memref_slice %arg2[%add3A_103, %dma_start3A_153, %dma_start3A_154] : memref<2500x3x128xi32, #tpu.memory_space<hbm>> -> memref<1x3x128xi32, #tpu.memory_space<hbm>>
        %dma_start3A_156 = tpu.memref_squeeze %dma_start3A_155 : memref<1x3x128xi32, #tpu.memory_space<hbm>> -> memref<3x128xi32, #tpu.memory_space<hbm>>
        %dma_start3A_157 = arith.constant 0 : i32
        %dma_start3A_158 = arith.constant 0 : i32
        %dma_start3A_159 = tpu.memref_slice %arg5[%dma_start3A_157, %dma_start3A_158] : memref<6x128xi32, #tpu.memory_space<vmem>> -> memref<3x128xi32, #tpu.memory_space<vmem>>
        %dma_start3A_160 = arith.constant 0 : i32
        %dma_start3A_161 = arith.constant 0 : i32
        %dma_start3A_162 = tpu.memref_slice %arg2[%add3A_103, %dma_start3A_160, %dma_start3A_161] : memref<2500x3x128xi32, #tpu.memory_space<hbm>> -> memref<1x3x128xi32, #tpu.memory_space<hbm>>
        %dma_start3A_163 = tpu.memref_squeeze %dma_start3A_162 : memref<1x3x128xi32, #tpu.memory_space<hbm>> -> memref<3x128xi32, #tpu.memory_space<hbm>>
        tpu.enqueue_dma source(%dma_start3A_163 : memref<3x128xi32, #tpu.memory_space<hbm>>) target(%dma_start3A_159 : memref<3x128xi32, #tpu.memory_space<vmem>>) target_semaphore(%run_scoped3A_149 : memref<!tpu.dma_semaphore, #tpu.memory_space<semaphore_mem>>)
        %dma_wait3A_164 = arith.constant 0 : i32
        %dma_wait3A_165 = arith.constant 0 : i32
        %dma_wait3A_166 = tpu.memref_slice %arg5[%dma_wait3A_164, %dma_wait3A_165] : memref<6x128xi32, #tpu.memory_space<vmem>> -> memref<3x128xi32, #tpu.memory_space<vmem>>
        %dma_wait3A_167 = arith.constant 0 : i32
        %dma_wait3A_168 = arith.constant 0 : i32
        %dma_wait3A_169 = tpu.memref_slice %arg2[%add3A_103, %dma_wait3A_167, %dma_wait3A_168] : memref<2500x3x128xi32, #tpu.memory_space<hbm>> -> memref<1x3x128xi32, #tpu.memory_space<hbm>>
        %dma_wait3A_170 = tpu.memref_squeeze %dma_wait3A_169 : memref<1x3x128xi32, #tpu.memory_space<hbm>> -> memref<3x128xi32, #tpu.memory_space<hbm>>
        %dma_wait3A_171 = arith.constant 0 : i32
        %dma_wait3A_172 = arith.constant 0 : i32
        %dma_wait3A_173 = tpu.memref_slice %arg5[%dma_wait3A_171, %dma_wait3A_172] : memref<6x128xi32, #tpu.memory_space<vmem>> -> memref<3x128xi32, #tpu.memory_space<vmem>>
        %dma_wait3A_174 = arith.constant 0 : i32
        %dma_wait3A_175 = arith.constant 0 : i32
        %dma_wait3A_176 = tpu.memref_slice %arg2[%add3A_103, %dma_wait3A_174, %dma_wait3A_175] : memref<2500x3x128xi32, #tpu.memory_space<hbm>> -> memref<1x3x128xi32, #tpu.memory_space<hbm>>
        %dma_wait3A_177 = tpu.memref_squeeze %dma_wait3A_176 : memref<1x3x128xi32, #tpu.memory_space<hbm>> -> memref<3x128xi32, #tpu.memory_space<hbm>>
        tpu.wait_dma2 semaphore(%run_scoped3A_149 : memref<!tpu.dma_semaphore, #tpu.memory_space<semaphore_mem>>) src(%dma_wait3A_177 : memref<3x128xi32, #tpu.memory_space<hbm>>) dst(%dma_wait3A_173 : memref<3x128xi32, #tpu.memory_space<vmem>>)
        tpu.yield
      }) : () -> ()
      %dma_start3A_104 = arith.constant 0 : i32
      %dma_start3A_105 = arith.constant 0 : i32
      %dma_start3A_106 = arith.constant 0 : i32
      %dma_start3A_107 = arith.constant 0 : i32
      %dma_start3A_108 = arith.constant 0 : i32
      %dma_start3A_109 = tpu.memref_slice %arg7[%dma_start3A_105, %dma_start3A_107, %dma_start3A_108] : memref<2x128x128xf32, #tpu.memory_space<vmem>> -> memref<1x128x128xf32, #tpu.memory_space<vmem>>
      %dma_start3A_110 = tpu.memref_squeeze %dma_start3A_109 : memref<1x128x128xf32, #tpu.memory_space<vmem>> -> memref<128x128xf32, #tpu.memory_space<vmem>>
      %dma_start3A_111 = arith.constant 0 : i32
      %dma_start3A_112 = tpu.memref_slice %arg5[%dma_start3A_104, %dma_start3A_111] : memref<6x128xi32, #tpu.memory_space<vmem>> -> memref<1x128xi32, #tpu.memory_space<vmem>>
      %dma_start3A_113 = tpu.memref_squeeze %dma_start3A_112 : memref<1x128xi32, #tpu.memory_space<vmem>> -> memref<128xi32, #tpu.memory_space<vmem>>
      %dma_start3A_114 = arith.constant 0 : i32
      %dma_start3A_115 = arith.constant 0 : i32
      %dma_start3A_116 = tpu.memref_slice %arg3[%arg0, %dma_start3A_114, %dma_start3A_115] : memref<2x10000x128xf32, #tpu.memory_space<hbm>> -> memref<1x10000x128xf32, #tpu.memory_space<hbm>>
      %dma_start3A_117 = tpu.memref_squeeze %dma_start3A_116 : memref<1x10000x128xf32, #tpu.memory_space<hbm>> -> memref<10000x128xf32, #tpu.memory_space<hbm>>
      %dma_start3A_118 = arith.constant 0 : i32
      %dma_start3A_119 = arith.constant 0 : i32
      %dma_start3A_120 = tpu.memref_slice %dma_start3A_117[%dma_start3A_118, %dma_start3A_119] : memref<10000x128xf32, #tpu.memory_space<hbm>> -> memref<10000x128xf32, #tpu.memory_space<hbm>>
      %dma_start3A_121 = tpu.memref_slice %arg10[%dma_start3A_106] : memref<2x!tpu.dma_semaphore, #tpu.memory_space<semaphore_mem>> -> memref<1x!tpu.dma_semaphore, #tpu.memory_space<semaphore_mem>>
      %dma_start3A_122 = tpu.memref_squeeze %dma_start3A_121 : memref<1x!tpu.dma_semaphore, #tpu.memory_space<semaphore_mem>> -> memref<!tpu.dma_semaphore, #tpu.memory_space<semaphore_mem>>
      tpu.enqueue_indirect_dma source(%dma_start3A_120 : memref<10000x128xf32, #tpu.memory_space<hbm>>) target(%dma_start3A_110 : memref<128x128xf32, #tpu.memory_space<vmem>>) offsets(%dma_start3A_113 : memref<128xi32, #tpu.memory_space<vmem>>) semaphore(%dma_start3A_122 : memref<!tpu.dma_semaphore, #tpu.memory_space<semaphore_mem>>)
      %dma_wait3A_123 = arith.constant 0 : i32
      %dma_wait3A_124 = arith.constant 0 : i32
      %dma_wait3A_125 = arith.constant 0 : i32
      %dma_wait3A_126 = arith.constant 0 : i32
      %dma_wait3A_127 = arith.constant 0 : i32
      %dma_wait3A_128 = tpu.memref_slice %arg7[%dma_wait3A_124, %dma_wait3A_126, %dma_wait3A_127] : memref<2x128x128xf32, #tpu.memory_space<vmem>> -> memref<1x128x128xf32, #tpu.memory_space<vmem>>
      %dma_wait3A_129 = tpu.memref_squeeze %dma_wait3A_128 : memref<1x128x128xf32, #tpu.memory_space<vmem>> -> memref<128x128xf32, #tpu.memory_space<vmem>>
      %dma_wait3A_130 = arith.constant 0 : i32
      %dma_wait3A_131 = tpu.memref_slice %arg5[%dma_wait3A_123, %dma_wait3A_130] : memref<6x128xi32, #tpu.memory_space<vmem>> -> memref<1x128xi32, #tpu.memory_space<vmem>>
      %dma_wait3A_132 = tpu.memref_squeeze %dma_wait3A_131 : memref<1x128xi32, #tpu.memory_space<vmem>> -> memref<128xi32, #tpu.memory_space<vmem>>
      %dma_wait3A_133 = arith.constant 0 : i32
      %dma_wait3A_134 = arith.constant 0 : i32
      %dma_wait3A_135 = tpu.memref_slice %arg3[%arg0, %dma_wait3A_133, %dma_wait3A_134] : memref<2x10000x128xf32, #tpu.memory_space<hbm>> -> memref<1x10000x128xf32, #tpu.memory_space<hbm>>
      %dma_wait3A_136 = tpu.memref_squeeze %dma_wait3A_135 : memref<1x10000x128xf32, #tpu.memory_space<hbm>> -> memref<10000x128xf32, #tpu.memory_space<hbm>>
      %dma_wait3A_137 = arith.constant 0 : i32
      %dma_wait3A_138 = arith.constant 0 : i32
      %dma_wait3A_139 = tpu.memref_slice %dma_wait3A_136[%dma_wait3A_137, %dma_wait3A_138] : memref<10000x128xf32, #tpu.memory_space<hbm>> -> memref<10000x128xf32, #tpu.memory_space<hbm>>
      %dma_wait3A_140 = tpu.memref_slice %arg10[%dma_wait3A_125] : memref<2x!tpu.dma_semaphore, #tpu.memory_space<semaphore_mem>> -> memref<1x!tpu.dma_semaphore, #tpu.memory_space<semaphore_mem>>
      %dma_wait3A_141 = tpu.memref_squeeze %dma_wait3A_140 : memref<1x!tpu.dma_semaphore, #tpu.memory_space<semaphore_mem>> -> memref<!tpu.dma_semaphore, #tpu.memory_space<semaphore_mem>>
      tpu.wait_indirect_dma semaphore(%dma_wait3A_141 : memref<!tpu.dma_semaphore, #tpu.memory_space<semaphore_mem>>) src(%dma_wait3A_139 : memref<10000x128xf32, #tpu.memory_space<hbm>>) dst(%dma_wait3A_129 : memref<128x128xf32, #tpu.memory_space<vmem>>)
      %scan3A_142 = arith.constant 0 : i32
      %scan3A_143 = arith.constant 0 : i32
      %scan3A_144 = arith.constant 128 : i32
      %scan3A_145 = arith.addi %scan3A_143, %scan3A_144 : i32
      %scan3A_146 = arith.constant 1 : i32
      scf.for %scan3A_149 = %scan3A_143 to %scan3A_145 step %scan3A_146  : i32 {
        %broadcast_in_dim3A_150 = arith.constant 2 : i32
        %broadcast_in_dim3A_151 = vector.broadcast %broadcast_in_dim3A_150 : i32 to vector<16xi32>
        %broadcast_in_dim3A_152 = vector.broadcast %scan3A_149 : i32 to vector<16xi32>
        %gather3A = tpu.vector_load_idx %arg5[%broadcast_in_dim3A_151, %broadcast_in_dim3A_152] : memref<6x128xi32, #tpu.memory_space<vmem>>[vector<16xi32>, vector<16xi32>], vector<16xi32>,
        %bitcast3A = vector.bitcast %gather3A : vector<16xi32> to vector<16xf32>
        %get3A = arith.constant 0 : i32
        %get3A_153 = arith.index_cast %get3A : i32 to index
        %get3A_154 = arith.index_cast %scan3A_149 : i32 to index
        %get3A_155 = arith.constant 0 : index
        %get3A_156 = tpu.vector_load %arg7[%get3A_153, %get3A_154, %get3A_155] {strides = array<i32>} : memref<2x128x128xf32, #tpu.memory_space<vmem>>, vector<16xf32>,
        %mul3A_157 = arith.mulf %get3A_156, %bitcast3A : vector<16xf32>
        %swap3A = arith.constant 0 : i32
        %swap3A_158 = arith.index_cast %swap3A : i32 to index
        %swap3A_159 = arith.index_cast %scan3A_149 : i32 to index
        %swap3A_160 = arith.constant 0 : index
        %swap3A_161 = tpu.vector_load %arg7[%swap3A_158, %swap3A_159, %swap3A_160] {strides = array<i32>} : memref<2x128x128xf32, #tpu.memory_space<vmem>>, vector<16xf32>,
        tpu.vector_store %arg7[%swap3A_158, %swap3A_159, %swap3A_160], %mul3A_157 {strides = array<i32>} : memref<2x128x128xf32, #tpu.memory_space<vmem>>, vector<16xf32>,
        %get3A_162 = arith.constant 0 : i32
        %get3A_163 = arith.index_cast %get3A_162 : i32 to index
        %get3A_164 = arith.index_cast %scan3A_149 : i32 to index
        %get3A_165 = arith.constant 16 : index
        %get3A_166 = tpu.vector_load %arg7[%get3A_163, %get3A_164, %get3A_165] {strides = array<i32>} : memref<2x128x128xf32, #tpu.memory_space<vmem>>, vector<16xf32>,
        %mul3A_167 = arith.mulf %get3A_166, %bitcast3A : vector<16xf32>
        %swap3A_168 = arith.constant 0 : i32
        %swap3A_169 = arith.index_cast %swap3A_168 : i32 to index
        %swap3A_170 = arith.index_cast %scan3A_149 : i32 to index
        %swap3A_171 = arith.constant 16 : index
        %swap3A_172 = tpu.vector_load %arg7[%swap3A_169, %swap3A_170, %swap3A_171] {strides = array<i32>} : memref<2x128x128xf32, #tpu.memory_space<vmem>>, vector<16xf32>,
        tpu.vector_store %arg7[%swap3A_169, %swap3A_170, %swap3A_171], %mul3A_167 {strides = array<i32>} : memref<2x128x128xf32, #tpu.memory_space<vmem>>, vector<16xf32>,
        %get3A_173 = arith.constant 0 : i32
        %get3A_174 = arith.index_cast %get3A_173 : i32 to index
        %get3A_175 = arith.index_cast %scan3A_149 : i32 to index
        %get3A_176 = arith.constant 32 : index
        %get3A_177 = tpu.vector_load %arg7[%get3A_174, %get3A_175, %get3A_176] {strides = array<i32>} : memref<2x128x128xf32, #tpu.memory_space<vmem>>, vector<16xf32>,
        %mul3A_178 = arith.mulf %get3A_177, %bitcast3A : vector<16xf32>
        %swap3A_179 = arith.constant 0 : i32
        %swap3A_180 = arith.index_cast %swap3A_179 : i32 to index
        %swap3A_181 = arith.index_cast %scan3A_149 : i32 to index
        %swap3A_182 = arith.constant 32 : index
        %swap3A_183 = tpu.vector_load %arg7[%swap3A_180, %swap3A_181, %swap3A_182] {strides = array<i32>} : memref<2x128x128xf32, #tpu.memory_space<vmem>>, vector<16xf32>,
        tpu.vector_store %arg7[%swap3A_180, %swap3A_181, %swap3A_182], %mul3A_178 {strides = array<i32>} : memref<2x128x128xf32, #tpu.memory_space<vmem>>, vector<16xf32>,
        %get3A_184 = arith.constant 0 : i32
        %get3A_185 = arith.index_cast %get3A_184 : i32 to index
        %get3A_186 = arith.index_cast %scan3A_149 : i32 to index
        %get3A_187 = arith.constant 48 : index
        %get3A_188 = tpu.vector_load %arg7[%get3A_185, %get3A_186, %get3A_187] {strides = array<i32>} : memref<2x128x128xf32, #tpu.memory_space<vmem>>, vector<16xf32>,
        %mul3A_189 = arith.mulf %get3A_188, %bitcast3A : vector<16xf32>
        %swap3A_190 = arith.constant 0 : i32
        %swap3A_191 = arith.index_cast %swap3A_190 : i32 to index
        %swap3A_192 = arith.index_cast %scan3A_149 : i32 to index
        %swap3A_193 = arith.constant 48 : index
        %swap3A_194 = tpu.vector_load %arg7[%swap3A_191, %swap3A_192, %swap3A_193] {strides = array<i32>} : memref<2x128x128xf32, #tpu.memory_space<vmem>>, vector<16xf32>,
        tpu.vector_store %arg7[%swap3A_191, %swap3A_192, %swap3A_193], %mul3A_189 {strides = array<i32>} : memref<2x128x128xf32, #tpu.memory_space<vmem>>, vector<16xf32>,
        %get3A_195 = arith.constant 0 : i32
        %get3A_196 = arith.index_cast %get3A_195 : i32 to index
        %get3A_197 = arith.index_cast %scan3A_149 : i32 to index
        %get3A_198 = arith.constant 64 : index
        %get3A_199 = tpu.vector_load %arg7[%get3A_196, %get3A_197, %get3A_198] {strides = array<i32>} : memref<2x128x128xf32, #tpu.memory_space<vmem>>, vector<16xf32>,
        %mul3A_200 = arith.mulf %get3A_199, %bitcast3A : vector<16xf32>
        %swap3A_201 = arith.constant 0 : i32
        %swap3A_202 = arith.index_cast %swap3A_201 : i32 to index
        %swap3A_203 = arith.index_cast %scan3A_149 : i32 to index
        %swap3A_204 = arith.constant 64 : index
        %swap3A_205 = tpu.vector_load %arg7[%swap3A_202, %swap3A_203, %swap3A_204] {strides = array<i32>} : memref<2x128x128xf32, #tpu.memory_space<vmem>>, vector<16xf32>,
        tpu.vector_store %arg7[%swap3A_202, %swap3A_203, %swap3A_204], %mul3A_200 {strides = array<i32>} : memref<2x128x128xf32, #tpu.memory_space<vmem>>, vector<16xf32>,
        %get3A_206 = arith.constant 0 : i32
        %get3A_207 = arith.index_cast %get3A_206 : i32 to index
        %get3A_208 = arith.index_cast %scan3A_149 : i32 to index
        %get3A_209 = arith.constant 80 : index
        %get3A_210 = tpu.vector_load %arg7[%get3A_207, %get3A_208, %get3A_209] {strides = array<i32>} : memref<2x128x128xf32, #tpu.memory_space<vmem>>, vector<16xf32>,
        %mul3A_211 = arith.mulf %get3A_210, %bitcast3A : vector<16xf32>
        %swap3A_212 = arith.constant 0 : i32
        %swap3A_213 = arith.index_cast %swap3A_212 : i32 to index
        %swap3A_214 = arith.index_cast %scan3A_149 : i32 to index
        %swap3A_215 = arith.constant 80 : index
        %swap3A_216 = tpu.vector_load %arg7[%swap3A_213, %swap3A_214, %swap3A_215] {strides = array<i32>} : memref<2x128x128xf32, #tpu.memory_space<vmem>>, vector<16xf32>,
        tpu.vector_store %arg7[%swap3A_213, %swap3A_214, %swap3A_215], %mul3A_211 {strides = array<i32>} : memref<2x128x128xf32, #tpu.memory_space<vmem>>, vector<16xf32>,
        %get3A_217 = arith.constant 0 : i32
        %get3A_218 = arith.index_cast %get3A_217 : i32 to index
        %get3A_219 = arith.index_cast %scan3A_149 : i32 to index
        %get3A_220 = arith.constant 96 : index
        %get3A_221 = tpu.vector_load %arg7[%get3A_218, %get3A_219, %get3A_220] {strides = array<i32>} : memref<2x128x128xf32, #tpu.memory_space<vmem>>, vector<16xf32>,
        %mul3A_222 = arith.mulf %get3A_221, %bitcast3A : vector<16xf32>
        %swap3A_223 = arith.constant 0 : i32
        %swap3A_224 = arith.index_cast %swap3A_223 : i32 to index
        %swap3A_225 = arith.index_cast %scan3A_149 : i32 to index
        %swap3A_226 = arith.constant 96 : index
        %swap3A_227 = tpu.vector_load %arg7[%swap3A_224, %swap3A_225, %swap3A_226] {strides = array<i32>} : memref<2x128x128xf32, #tpu.memory_space<vmem>>, vector<16xf32>,
        tpu.vector_store %arg7[%swap3A_224, %swap3A_225, %swap3A_226], %mul3A_222 {strides = array<i32>} : memref<2x128x128xf32, #tpu.memory_space<vmem>>, vector<16xf32>,
        %get3A_228 = arith.constant 0 : i32
        %get3A_229 = arith.index_cast %get3A_228 : i32 to index
        %get3A_230 = arith.index_cast %scan3A_149 : i32 to index
        %get3A_231 = arith.constant 112 : index
        %get3A_232 = tpu.vector_load %arg7[%get3A_229, %get3A_230, %get3A_231] {strides = array<i32>} : memref<2x128x128xf32, #tpu.memory_space<vmem>>, vector<16xf32>,
        %mul3A_233 = arith.mulf %get3A_232, %bitcast3A : vector<16xf32>
        %swap3A_234 = arith.constant 0 : i32
        %swap3A_235 = arith.index_cast %swap3A_234 : i32 to index
        %swap3A_236 = arith.index_cast %scan3A_149 : i32 to index
        %swap3A_237 = arith.constant 112 : index
        %swap3A_238 = tpu.vector_load %arg7[%swap3A_235, %swap3A_236, %swap3A_237] {strides = array<i32>} : memref<2x128x128xf32, #tpu.memory_space<vmem>>, vector<16xf32>,
        tpu.vector_store %arg7[%swap3A_235, %swap3A_236, %swap3A_237], %mul3A_233 {strides = array<i32>} : memref<2x128x128xf32, #tpu.memory_space<vmem>>, vector<16xf32>,
      }
      %scan3A_147 = arith.constant 128 : i32
      %run_scoped3A = arith.constant 0 : i32
      %run_scoped3A_148 = arith.constant 1 : i32
      "tpu.region"() ({
        %run_scoped3A_149 = tpu.sem_alloc : memref<!tpu.dma_semaphore, #tpu.memory_space<semaphore_mem>>
        %dma_start3A_150 = arith.constant 0 : i32
        %dma_start3A_151 = arith.constant 0 : i32
        %dma_start3A_152 = tpu.memref_slice %arg7[%run_scoped3A, %dma_start3A_150, %dma_start3A_151] : memref<2x128x128xf32, #tpu.memory_space<vmem>> -> memref<1x128x128xf32, #tpu.memory_space<vmem>>
        %dma_start3A_153 = tpu.memref_squeeze %dma_start3A_152 : memref<1x128x128xf32, #tpu.memory_space<vmem>> -> memref<128x128xf32, #tpu.memory_space<vmem>>
        %dma_start3A_154 = arith.constant 0 : i32
        %dma_start3A_155 = tpu.memref_slice %arg5[%run_scoped3A_148, %dma_start3A_154] : memref<6x128xi32, #tpu.memory_space<vmem>> -> memref<1x128xi32, #tpu.memory_space<vmem>>
        %dma_start3A_156 = tpu.memref_squeeze %dma_start3A_155 : memref<1x128xi32, #tpu.memory_space<vmem>> -> memref<128xi32, #tpu.memory_space<vmem>>
        %dma_start3A_157 = arith.constant 0 : i32
        %dma_start3A_158 = arith.constant 0 : i32
        %dma_start3A_159 = tpu.memref_slice %arg8[%dma_start3A_157, %dma_start3A_158] : memref<10000x128xf32, #tpu.memory_space<vmem_shared>> -> memref<10000x128xf32, #tpu.memory_space<vmem_shared>>
        tpu.enqueue_indirect_dma source(%dma_start3A_153 : memref<128x128xf32, #tpu.memory_space<vmem>>) target(%dma_start3A_159 : memref<10000x128xf32, #tpu.memory_space<vmem_shared>>) offsets(%dma_start3A_156 : memref<128xi32, #tpu.memory_space<vmem>>) semaphore(%run_scoped3A_149 : memref<!tpu.dma_semaphore, #tpu.memory_space<semaphore_mem>>) {add = true}
        %dma_wait3A_160 = arith.constant 0 : i32
        %dma_wait3A_161 = arith.constant 0 : i32
        %dma_wait3A_162 = tpu.memref_slice %arg7[%run_scoped3A, %dma_wait3A_160, %dma_wait3A_161] : memref<2x128x128xf32, #tpu.memory_space<vmem>> -> memref<1x128x128xf32, #tpu.memory_space<vmem>>
        %dma_wait3A_163 = tpu.memref_squeeze %dma_wait3A_162 : memref<1x128x128xf32, #tpu.memory_space<vmem>> -> memref<128x128xf32, #tpu.memory_space<vmem>>
        %dma_wait3A_164 = arith.constant 0 : i32
        %dma_wait3A_165 = tpu.memref_slice %arg5[%run_scoped3A_148, %dma_wait3A_164] : memref<6x128xi32, #tpu.memory_space<vmem>> -> memref<1x128xi32, #tpu.memory_space<vmem>>
        %dma_wait3A_166 = tpu.memref_squeeze %dma_wait3A_165 : memref<1x128xi32, #tpu.memory_space<vmem>> -> memref<128xi32, #tpu.memory_space<vmem>>
        %dma_wait3A_167 = arith.constant 0 : i32
        %dma_wait3A_168 = arith.constant 0 : i32
        %dma_wait3A_169 = tpu.memref_slice %arg8[%dma_wait3A_167, %dma_wait3A_168] : memref<10000x128xf32, #tpu.memory_space<vmem_shared>> -> memref<10000x128xf32, #tpu.memory_space<vmem_shared>>
        tpu.wait_indirect_dma semaphore(%run_scoped3A_149 : memref<!tpu.dma_semaphore, #tpu.memory_space<semaphore_mem>>) src(%dma_wait3A_163 : memref<128x128xf32, #tpu.memory_space<vmem>>) dst(%dma_wait3A_169 : memref<10000x128xf32, #tpu.memory_space<vmem_shared>>)
        tpu.yield
      }) : () -> ()
    } else {
    }
    %barrier3A_91 = arith.constant 0 : index
    tpu.barrier barrier_id(%barrier3A_91)
    %lt3A_92 = arith.constant 15 : i32
    %lt3A_93 = arith.cmpi slt, %arg1, %lt3A_92 : i32
    %convert_element_type3A_94 = arith.extui %lt3A_93 : i1 to i32
    %cond3A_95 = arith.constant 0 : i32
    %cond3A_96 = arith.cmpi ne, %convert_element_type3A_94, %cond3A_95 : i32
    scf.if %cond3A_96 {
      %mul3A_102 = arith.constant 640 : i32
      %mul3A_103 = arith.muli %arg1, %mul3A_102 : i32
      %mul3A_104 = arith.constant 640 : i32
      %mul3A_105 = arith.muli %arg1, %mul3A_104 : i32
      "tpu.region"() ({
        %run_scoped3A = tpu.sem_alloc : memref<!tpu.dma_semaphore, #tpu.memory_space<semaphore_mem>>
        %dma_start3A_106 = arith.constant 0 : i32
        %dma_start3A_107 = tpu.memref_slice %arg4[%arg0, %mul3A_105, %dma_start3A_106] : memref<2x10000x128xf32, #tpu.memory_space<hbm>> -> memref<1x640x128xf32, #tpu.memory_space<hbm>>
        %dma_start3A_108 = tpu.memref_squeeze %dma_start3A_107 : memref<1x640x128xf32, #tpu.memory_space<hbm>> -> memref<640x128xf32, #tpu.memory_space<hbm>>
        %dma_start3A_109 = arith.constant 0 : i32
        %dma_start3A_110 = tpu.memref_slice %arg8[%mul3A_103, %dma_start3A_109] : memref<10000x128xf32, #tpu.memory_space<vmem_shared>> -> memref<640x128xf32, #tpu.memory_space<vmem_shared>>
        tpu.enqueue_dma source(%dma_start3A_110 : memref<640x128xf32, #tpu.memory_space<vmem_shared>>) target(%dma_start3A_108 : memref<640x128xf32, #tpu.memory_space<hbm>>) target_semaphore(%run_scoped3A : memref<!tpu.dma_semaphore, #tpu.memory_space<semaphore_mem>>)
        %dma_wait3A_111 = arith.constant 0 : i32
        %dma_wait3A_112 = tpu.memref_slice %arg4[%arg0, %mul3A_105, %dma_wait3A_111] : memref<2x10000x128xf32, #tpu.memory_space<hbm>> -> memref<1x640x128xf32, #tpu.memory_space<hbm>>
        %dma_wait3A_113 = tpu.memref_squeeze %dma_wait3A_112 : memref<1x640x128xf32, #tpu.memory_space<hbm>> -> memref<640x128xf32, #tpu.memory_space<hbm>>
        %dma_wait3A_114 = arith.constant 0 : i32
        %dma_wait3A_115 = tpu.memref_slice %arg8[%mul3A_103, %dma_wait3A_114] : memref<10000x128xf32, #tpu.memory_space<vmem_shared>> -> memref<640x128xf32, #tpu.memory_space<vmem_shared>>
        tpu.wait_dma2 semaphore(%run_scoped3A : memref<!tpu.dma_semaphore, #tpu.memory_space<semaphore_mem>>) src(%dma_wait3A_115 : memref<640x128xf32, #tpu.memory_space<vmem_shared>>) dst(%dma_wait3A_113 : memref<640x128xf32, #tpu.memory_space<hbm>>)
        tpu.yield
      }) : () -> ()
    } else {
    }
    %eq3A_97 = arith.constant 15 : i32
    %eq3A_98 = arith.cmpi eq, %arg1, %eq3A_97 : i32
    %convert_element_type3A_99 = arith.extui %eq3A_98 : i1 to i32
    %cond3A_100 = arith.constant 0 : i32
    %cond3A_101 = arith.cmpi ne, %convert_element_type3A_99, %cond3A_100 : i32
    scf.if %cond3A_101 {
      "tpu.region"() ({
        %run_scoped3A = tpu.sem_alloc : memref<!tpu.dma_semaphore, #tpu.memory_space<semaphore_mem>>
        %dma_start3A_102 = arith.constant 9600 : i32
        %dma_start3A_103 = arith.constant 0 : i32
        %dma_start3A_104 = tpu.memref_slice %arg4[%arg0, %dma_start3A_102, %dma_start3A_103] : memref<2x10000x128xf32, #tpu.memory_space<hbm>> -> memref<1x400x128xf32, #tpu.memory_space<hbm>>
        %dma_start3A_105 = tpu.memref_squeeze %dma_start3A_104 : memref<1x400x128xf32, #tpu.memory_space<hbm>> -> memref<400x128xf32, #tpu.memory_space<hbm>>
        %dma_start3A_106 = arith.constant 9600 : i32
        %dma_start3A_107 = arith.constant 0 : i32
        %dma_start3A_108 = tpu.memref_slice %arg8[%dma_start3A_106, %dma_start3A_107] : memref<10000x128xf32, #tpu.memory_space<vmem_shared>> -> memref<400x128xf32, #tpu.memory_space<vmem_shared>>
        tpu.enqueue_dma source(%dma_start3A_108 : memref<400x128xf32, #tpu.memory_space<vmem_shared>>) target(%dma_start3A_105 : memref<400x128xf32, #tpu.memory_space<hbm>>) target_semaphore(%run_scoped3A : memref<!tpu.dma_semaphore, #tpu.memory_space<semaphore_mem>>)
        %dma_wait3A_109 = arith.constant 9600 : i32
        %dma_wait3A_110 = arith.constant 0 : i32
        %dma_wait3A_111 = tpu.memref_slice %arg4[%arg0, %dma_wait3A_109, %dma_wait3A_110] : memref<2x10000x128xf32, #tpu.memory_space<hbm>> -> memref<1x400x128xf32, #tpu.memory_space<hbm>>
        %dma_wait3A_112 = tpu.memref_squeeze %dma_wait3A_111 : memref<1x400x128xf32, #tpu.memory_space<hbm>> -> memref<400x128xf32, #tpu.memory_space<hbm>>
        %dma_wait3A_113 = arith.constant 9600 : i32
        %dma_wait3A_114 = arith.constant 0 : i32
        %dma_wait3A_115 = tpu.memref_slice %arg8[%dma_wait3A_113, %dma_wait3A_114] : memref<10000x128xf32, #tpu.memory_space<vmem_shared>> -> memref<400x128xf32, #tpu.memory_space<vmem_shared>>
        tpu.wait_dma2 semaphore(%run_scoped3A : memref<!tpu.dma_semaphore, #tpu.memory_space<semaphore_mem>>) src(%dma_wait3A_115 : memref<400x128xf32, #tpu.memory_space<vmem_shared>>) dst(%dma_wait3A_112 : memref<400x128xf32, #tpu.memory_space<hbm>>)
        tpu.yield
      }) : () -> ()
    } else {
    }
    return
  }
}

#map = affine_map<(d0, d1) -> (0, 0, 0)>
#map1 = affine_map<(d0, d1) -> (0, 0)>
#map2 = affine_map<(d0, d1) -> (0)>
module attributes {stable_mosaic.version = 14 : i64} {
  func.func @_deg_kernel(%arg0: i32, %arg1: i32, %arg2: memref<2500x3x128xi32, #tpu.memory_space<hbm>>, %arg3: memref<640x16xf32, #tpu.memory_space<hbm>>, %arg4: memref<320000xf32, #tpu.memory_space<hbm>>, %arg5: memref<3x128xi32, #tpu.memory_space<vmem>>, %arg6: memref<10000xf32, #tpu.memory_space<vmem>>) attributes {dimension_semantics = [#tpu.dimension_semantics<core_parallel>, #tpu.dimension_semantics<subcore_parallel>], iteration_bounds = array<i64: 2, 16>, scalar_prefetch = 0 : i64, scratch_operands = 2 : i64, tpu.core_type = #tpu.core_type<sc_vector_subcore>, window_params = [{transform_indices = #map}, {transform_indices = #map1}, {transform_indices = #map2}]} {
    %mul3A = arith.constant 16 : i32
    %mul3A_0 = arith.muli %arg0, %mul3A : i32
    %add3A = arith.addi %mul3A_0, %arg1 : i32
    %broadcast_in_dim3A = arith.constant 0.000000e+00 : f32
    %broadcast_in_dim3A_1 = vector.broadcast %broadcast_in_dim3A : f32 to vector<16xf32>
    %scan3A = arith.constant 0 : i32
    %scan3A_2 = arith.constant 0 : i32
    %scan3A_3 = arith.constant 625 : i32
    %scan3A_4 = arith.addi %scan3A_2, %scan3A_3 : i32
    %scan3A_5 = arith.constant 1 : i32
    scf.for %scan3A_17 = %scan3A_2 to %scan3A_4 step %scan3A_5  : i32 {
      %mul3A_18 = arith.constant 16 : i32
      %mul3A_19 = arith.muli %scan3A_17, %mul3A_18 : i32
      %swap3A = arith.index_cast %mul3A_19 : i32 to index
      %swap3A_20 = tpu.vector_load %arg6[%swap3A] {strides = array<i32>} : memref<10000xf32, #tpu.memory_space<vmem>>, vector<16xf32>,
      tpu.vector_store %arg6[%swap3A], %broadcast_in_dim3A_1 {strides = array<i32>} : memref<10000xf32, #tpu.memory_space<vmem>>, vector<16xf32>,
    }
    %scan3A_6 = arith.constant 625 : i32
    %scan3A_7 = arith.constant 0 : i32
    %scan3A_8 = arith.constant 0 : i32
    %scan3A_9 = arith.constant 78 : i32
    %scan3A_10 = arith.addi %scan3A_8, %scan3A_9 : i32
    %scan3A_11 = arith.constant 1 : i32
    scf.for %scan3A_17 = %scan3A_8 to %scan3A_10 step %scan3A_11  : i32 {
      %mul3A_18 = arith.constant 78 : i32
      %mul3A_19 = arith.muli %add3A, %mul3A_18 : i32
      %add3A_20 = arith.addi %mul3A_19, %scan3A_17 : i32
      "tpu.region"() ({
        %run_scoped3A = tpu.sem_alloc : memref<!tpu.dma_semaphore, #tpu.memory_space<semaphore_mem>>
        %dma_start3A = arith.constant 0 : i32
        %dma_start3A_91 = arith.constant 0 : i32
        %dma_start3A_92 = tpu.memref_slice %arg2[%add3A_20, %dma_start3A, %dma_start3A_91] : memref<2500x3x128xi32, #tpu.memory_space<hbm>> -> memref<1x3x128xi32, #tpu.memory_space<hbm>>
        %dma_start3A_93 = tpu.memref_squeeze %dma_start3A_92 : memref<1x3x128xi32, #tpu.memory_space<hbm>> -> memref<3x128xi32, #tpu.memory_space<hbm>>
        %dma_start3A_94 = arith.constant 0 : i32
        %dma_start3A_95 = arith.constant 0 : i32
        %dma_start3A_96 = tpu.memref_slice %arg2[%add3A_20, %dma_start3A_94, %dma_start3A_95] : memref<2500x3x128xi32, #tpu.memory_space<hbm>> -> memref<1x3x128xi32, #tpu.memory_space<hbm>>
        %dma_start3A_97 = tpu.memref_squeeze %dma_start3A_96 : memref<1x3x128xi32, #tpu.memory_space<hbm>> -> memref<3x128xi32, #tpu.memory_space<hbm>>
        tpu.enqueue_dma source(%dma_start3A_97 : memref<3x128xi32, #tpu.memory_space<hbm>>) target(%arg5 : memref<3x128xi32, #tpu.memory_space<vmem>>) target_semaphore(%run_scoped3A : memref<!tpu.dma_semaphore, #tpu.memory_space<semaphore_mem>>)
        %dma_wait3A = arith.constant 0 : i32
        %dma_wait3A_98 = arith.constant 0 : i32
        %dma_wait3A_99 = tpu.memref_slice %arg2[%add3A_20, %dma_wait3A, %dma_wait3A_98] : memref<2500x3x128xi32, #tpu.memory_space<hbm>> -> memref<1x3x128xi32, #tpu.memory_space<hbm>>
        %dma_wait3A_100 = tpu.memref_squeeze %dma_wait3A_99 : memref<1x3x128xi32, #tpu.memory_space<hbm>> -> memref<3x128xi32, #tpu.memory_space<hbm>>
        %dma_wait3A_101 = arith.constant 0 : i32
        %dma_wait3A_102 = arith.constant 0 : i32
        %dma_wait3A_103 = tpu.memref_slice %arg2[%add3A_20, %dma_wait3A_101, %dma_wait3A_102] : memref<2500x3x128xi32, #tpu.memory_space<hbm>> -> memref<1x3x128xi32, #tpu.memory_space<hbm>>
        %dma_wait3A_104 = tpu.memref_squeeze %dma_wait3A_103 : memref<1x3x128xi32, #tpu.memory_space<hbm>> -> memref<3x128xi32, #tpu.memory_space<hbm>>
        tpu.wait_dma2 semaphore(%run_scoped3A : memref<!tpu.dma_semaphore, #tpu.memory_space<semaphore_mem>>) src(%dma_wait3A_104 : memref<3x128xi32, #tpu.memory_space<hbm>>) dst(%arg5 : memref<3x128xi32, #tpu.memory_space<vmem>>)
        tpu.yield
      }) : () -> ()
      %get3A = arith.constant 1 : i32
      %get3A_21 = arith.index_cast %get3A : i32 to index
      %get3A_22 = arith.constant 0 : index
      %get3A_23 = tpu.vector_load %arg5[%get3A_21, %get3A_22] {strides = array<i32>} : memref<3x128xi32, #tpu.memory_space<vmem>>, vector<16xi32>,
      %get3A_24 = arith.constant 2 : i32
      %get3A_25 = arith.index_cast %get3A_24 : i32 to index
      %get3A_26 = arith.constant 0 : index
      %get3A_27 = tpu.vector_load %arg5[%get3A_25, %get3A_26] {strides = array<i32>} : memref<3x128xi32, #tpu.memory_space<vmem>>, vector<16xi32>,
      %bitcast3A = vector.bitcast %get3A_27 : vector<16xi32> to vector<16xf32>
      tpu.vector_store_idx %arg6[%get3A_23], %bitcast3A {add = true} : memref<10000xf32, #tpu.memory_space<vmem>>[vector<16xi32>], vector<16xf32>,
      %get3A_28 = arith.constant 1 : i32
      %get3A_29 = arith.index_cast %get3A_28 : i32 to index
      %get3A_30 = arith.constant 16 : index
      %get3A_31 = tpu.vector_load %arg5[%get3A_29, %get3A_30] {strides = array<i32>} : memref<3x128xi32, #tpu.memory_space<vmem>>, vector<16xi32>,
      %get3A_32 = arith.constant 2 : i32
      %get3A_33 = arith.index_cast %get3A_32 : i32 to index
      %get3A_34 = arith.constant 16 : index
      %get3A_35 = tpu.vector_load %arg5[%get3A_33, %get3A_34] {strides = array<i32>} : memref<3x128xi32, #tpu.memory_space<vmem>>, vector<16xi32>,
      %bitcast3A_36 = vector.bitcast %get3A_35 : vector<16xi32> to vector<16xf32>
      tpu.vector_store_idx %arg6[%get3A_31], %bitcast3A_36 {add = true} : memref<10000xf32, #tpu.memory_space<vmem>>[vector<16xi32>], vector<16xf32>,
      %get3A_37 = arith.constant 1 : i32
      %get3A_38 = arith.index_cast %get3A_37 : i32 to index
      %get3A_39 = arith.constant 32 : index
      %get3A_40 = tpu.vector_load %arg5[%get3A_38, %get3A_39] {strides = array<i32>} : memref<3x128xi32, #tpu.memory_space<vmem>>, vector<16xi32>,
      %get3A_41 = arith.constant 2 : i32
      %get3A_42 = arith.index_cast %get3A_41 : i32 to index
      %get3A_43 = arith.constant 32 : index
      %get3A_44 = tpu.vector_load %arg5[%get3A_42, %get3A_43] {strides = array<i32>} : memref<3x128xi32, #tpu.memory_space<vmem>>, vector<16xi32>,
      %bitcast3A_45 = vector.bitcast %get3A_44 : vector<16xi32> to vector<16xf32>
      tpu.vector_store_idx %arg6[%get3A_40], %bitcast3A_45 {add = true} : memref<10000xf32, #tpu.memory_space<vmem>>[vector<16xi32>], vector<16xf32>,
      %get3A_46 = arith.constant 1 : i32
      %get3A_47 = arith.index_cast %get3A_46 : i32 to index
      %get3A_48 = arith.constant 48 : index
      %get3A_49 = tpu.vector_load %arg5[%get3A_47, %get3A_48] {strides = array<i32>} : memref<3x128xi32, #tpu.memory_space<vmem>>, vector<16xi32>,
      %get3A_50 = arith.constant 2 : i32
      %get3A_51 = arith.index_cast %get3A_50 : i32 to index
      %get3A_52 = arith.constant 48 : index
      %get3A_53 = tpu.vector_load %arg5[%get3A_51, %get3A_52] {strides = array<i32>} : memref<3x128xi32, #tpu.memory_space<vmem>>, vector<16xi32>,
      %bitcast3A_54 = vector.bitcast %get3A_53 : vector<16xi32> to vector<16xf32>
      tpu.vector_store_idx %arg6[%get3A_49], %bitcast3A_54 {add = true} : memref<10000xf32, #tpu.memory_space<vmem>>[vector<16xi32>], vector<16xf32>,
      %get3A_55 = arith.constant 1 : i32
      %get3A_56 = arith.index_cast %get3A_55 : i32 to index
      %get3A_57 = arith.constant 64 : index
      %get3A_58 = tpu.vector_load %arg5[%get3A_56, %get3A_57] {strides = array<i32>} : memref<3x128xi32, #tpu.memory_space<vmem>>, vector<16xi32>,
      %get3A_59 = arith.constant 2 : i32
      %get3A_60 = arith.index_cast %get3A_59 : i32 to index
      %get3A_61 = arith.constant 64 : index
      %get3A_62 = tpu.vector_load %arg5[%get3A_60, %get3A_61] {strides = array<i32>} : memref<3x128xi32, #tpu.memory_space<vmem>>, vector<16xi32>,
      %bitcast3A_63 = vector.bitcast %get3A_62 : vector<16xi32> to vector<16xf32>
      tpu.vector_store_idx %arg6[%get3A_58], %bitcast3A_63 {add = true} : memref<10000xf32, #tpu.memory_space<vmem>>[vector<16xi32>], vector<16xf32>,
      %get3A_64 = arith.constant 1 : i32
      %get3A_65 = arith.index_cast %get3A_64 : i32 to index
      %get3A_66 = arith.constant 80 : index
      %get3A_67 = tpu.vector_load %arg5[%get3A_65, %get3A_66] {strides = array<i32>} : memref<3x128xi32, #tpu.memory_space<vmem>>, vector<16xi32>,
      %get3A_68 = arith.constant 2 : i32
      %get3A_69 = arith.index_cast %get3A_68 : i32 to index
      %get3A_70 = arith.constant 80 : index
      %get3A_71 = tpu.vector_load %arg5[%get3A_69, %get3A_70] {strides = array<i32>} : memref<3x128xi32, #tpu.memory_space<vmem>>, vector<16xi32>,
      %bitcast3A_72 = vector.bitcast %get3A_71 : vector<16xi32> to vector<16xf32>
      tpu.vector_store_idx %arg6[%get3A_67], %bitcast3A_72 {add = true} : memref<10000xf32, #tpu.memory_space<vmem>>[vector<16xi32>], vector<16xf32>,
      %get3A_73 = arith.constant 1 : i32
      %get3A_74 = arith.index_cast %get3A_73 : i32 to index
      %get3A_75 = arith.constant 96 : index
      %get3A_76 = tpu.vector_load %arg5[%get3A_74, %get3A_75] {strides = array<i32>} : memref<3x128xi32, #tpu.memory_space<vmem>>, vector<16xi32>,
      %get3A_77 = arith.constant 2 : i32
      %get3A_78 = arith.index_cast %get3A_77 : i32 to index
      %get3A_79 = arith.constant 96 : index
      %get3A_80 = tpu.vector_load %arg5[%get3A_78, %get3A_79] {strides = array<i32>} : memref<3x128xi32, #tpu.memory_space<vmem>>, vector<16xi32>,
      %bitcast3A_81 = vector.bitcast %get3A_80 : vector<16xi32> to vector<16xf32>
      tpu.vector_store_idx %arg6[%get3A_76], %bitcast3A_81 {add = true} : memref<10000xf32, #tpu.memory_space<vmem>>[vector<16xi32>], vector<16xf32>,
      %get3A_82 = arith.constant 1 : i32
      %get3A_83 = arith.index_cast %get3A_82 : i32 to index
      %get3A_84 = arith.constant 112 : index
      %get3A_85 = tpu.vector_load %arg5[%get3A_83, %get3A_84] {strides = array<i32>} : memref<3x128xi32, #tpu.memory_space<vmem>>, vector<16xi32>,
      %get3A_86 = arith.constant 2 : i32
      %get3A_87 = arith.index_cast %get3A_86 : i32 to index
      %get3A_88 = arith.constant 112 : index
      %get3A_89 = tpu.vector_load %arg5[%get3A_87, %get3A_88] {strides = array<i32>} : memref<3x128xi32, #tpu.memory_space<vmem>>, vector<16xi32>,
      %bitcast3A_90 = vector.bitcast %get3A_89 : vector<16xi32> to vector<16xf32>
      tpu.vector_store_idx %arg6[%get3A_85], %bitcast3A_90 {add = true} : memref<10000xf32, #tpu.memory_space<vmem>>[vector<16xi32>], vector<16xf32>,
    }
    %scan3A_12 = arith.constant 78 : i32
    %lt3A = arith.constant 4 : i32
    %lt3A_13 = arith.cmpi slt, %add3A, %lt3A : i32
    %convert_element_type3A = arith.extui %lt3A_13 : i1 to i32
    %cond3A = arith.constant 0 : i32
    %cond3A_14 = arith.cmpi ne, %convert_element_type3A, %cond3A : i32
    scf.if %cond3A_14 {
      %add3A_17 = arith.constant 2496 : i32
      %add3A_18 = arith.addi %add3A_17, %add3A : i32
      "tpu.region"() ({
        %run_scoped3A = tpu.sem_alloc : memref<!tpu.dma_semaphore, #tpu.memory_space<semaphore_mem>>
        %dma_start3A = arith.constant 0 : i32
        %dma_start3A_89 = arith.constant 0 : i32
        %dma_start3A_90 = tpu.memref_slice %arg2[%add3A_18, %dma_start3A, %dma_start3A_89] : memref<2500x3x128xi32, #tpu.memory_space<hbm>> -> memref<1x3x128xi32, #tpu.memory_space<hbm>>
        %dma_start3A_91 = tpu.memref_squeeze %dma_start3A_90 : memref<1x3x128xi32, #tpu.memory_space<hbm>> -> memref<3x128xi32, #tpu.memory_space<hbm>>
        %dma_start3A_92 = arith.constant 0 : i32
        %dma_start3A_93 = arith.constant 0 : i32
        %dma_start3A_94 = tpu.memref_slice %arg2[%add3A_18, %dma_start3A_92, %dma_start3A_93] : memref<2500x3x128xi32, #tpu.memory_space<hbm>> -> memref<1x3x128xi32, #tpu.memory_space<hbm>>
        %dma_start3A_95 = tpu.memref_squeeze %dma_start3A_94 : memref<1x3x128xi32, #tpu.memory_space<hbm>> -> memref<3x128xi32, #tpu.memory_space<hbm>>
        tpu.enqueue_dma source(%dma_start3A_95 : memref<3x128xi32, #tpu.memory_space<hbm>>) target(%arg5 : memref<3x128xi32, #tpu.memory_space<vmem>>) target_semaphore(%run_scoped3A : memref<!tpu.dma_semaphore, #tpu.memory_space<semaphore_mem>>)
        %dma_wait3A = arith.constant 0 : i32
        %dma_wait3A_96 = arith.constant 0 : i32
        %dma_wait3A_97 = tpu.memref_slice %arg2[%add3A_18, %dma_wait3A, %dma_wait3A_96] : memref<2500x3x128xi32, #tpu.memory_space<hbm>> -> memref<1x3x128xi32, #tpu.memory_space<hbm>>
        %dma_wait3A_98 = tpu.memref_squeeze %dma_wait3A_97 : memref<1x3x128xi32, #tpu.memory_space<hbm>> -> memref<3x128xi32, #tpu.memory_space<hbm>>
        %dma_wait3A_99 = arith.constant 0 : i32
        %dma_wait3A_100 = arith.constant 0 : i32
        %dma_wait3A_101 = tpu.memref_slice %arg2[%add3A_18, %dma_wait3A_99, %dma_wait3A_100] : memref<2500x3x128xi32, #tpu.memory_space<hbm>> -> memref<1x3x128xi32, #tpu.memory_space<hbm>>
        %dma_wait3A_102 = tpu.memref_squeeze %dma_wait3A_101 : memref<1x3x128xi32, #tpu.memory_space<hbm>> -> memref<3x128xi32, #tpu.memory_space<hbm>>
        tpu.wait_dma2 semaphore(%run_scoped3A : memref<!tpu.dma_semaphore, #tpu.memory_space<semaphore_mem>>) src(%dma_wait3A_102 : memref<3x128xi32, #tpu.memory_space<hbm>>) dst(%arg5 : memref<3x128xi32, #tpu.memory_space<vmem>>)
        tpu.yield
      }) : () -> ()
      %get3A = arith.constant 1 : i32
      %get3A_19 = arith.index_cast %get3A : i32 to index
      %get3A_20 = arith.constant 0 : index
      %get3A_21 = tpu.vector_load %arg5[%get3A_19, %get3A_20] {strides = array<i32>} : memref<3x128xi32, #tpu.memory_space<vmem>>, vector<16xi32>,
      %get3A_22 = arith.constant 2 : i32
      %get3A_23 = arith.index_cast %get3A_22 : i32 to index
      %get3A_24 = arith.constant 0 : index
      %get3A_25 = tpu.vector_load %arg5[%get3A_23, %get3A_24] {strides = array<i32>} : memref<3x128xi32, #tpu.memory_space<vmem>>, vector<16xi32>,
      %bitcast3A = vector.bitcast %get3A_25 : vector<16xi32> to vector<16xf32>
      tpu.vector_store_idx %arg6[%get3A_21], %bitcast3A {add = true} : memref<10000xf32, #tpu.memory_space<vmem>>[vector<16xi32>], vector<16xf32>,
      %get3A_26 = arith.constant 1 : i32
      %get3A_27 = arith.index_cast %get3A_26 : i32 to index
      %get3A_28 = arith.constant 16 : index
      %get3A_29 = tpu.vector_load %arg5[%get3A_27, %get3A_28] {strides = array<i32>} : memref<3x128xi32, #tpu.memory_space<vmem>>, vector<16xi32>,
      %get3A_30 = arith.constant 2 : i32
      %get3A_31 = arith.index_cast %get3A_30 : i32 to index
      %get3A_32 = arith.constant 16 : index
      %get3A_33 = tpu.vector_load %arg5[%get3A_31, %get3A_32] {strides = array<i32>} : memref<3x128xi32, #tpu.memory_space<vmem>>, vector<16xi32>,
      %bitcast3A_34 = vector.bitcast %get3A_33 : vector<16xi32> to vector<16xf32>
      tpu.vector_store_idx %arg6[%get3A_29], %bitcast3A_34 {add = true} : memref<10000xf32, #tpu.memory_space<vmem>>[vector<16xi32>], vector<16xf32>,
      %get3A_35 = arith.constant 1 : i32
      %get3A_36 = arith.index_cast %get3A_35 : i32 to index
      %get3A_37 = arith.constant 32 : index
      %get3A_38 = tpu.vector_load %arg5[%get3A_36, %get3A_37] {strides = array<i32>} : memref<3x128xi32, #tpu.memory_space<vmem>>, vector<16xi32>,
      %get3A_39 = arith.constant 2 : i32
      %get3A_40 = arith.index_cast %get3A_39 : i32 to index
      %get3A_41 = arith.constant 32 : index
      %get3A_42 = tpu.vector_load %arg5[%get3A_40, %get3A_41] {strides = array<i32>} : memref<3x128xi32, #tpu.memory_space<vmem>>, vector<16xi32>,
      %bitcast3A_43 = vector.bitcast %get3A_42 : vector<16xi32> to vector<16xf32>
      tpu.vector_store_idx %arg6[%get3A_38], %bitcast3A_43 {add = true} : memref<10000xf32, #tpu.memory_space<vmem>>[vector<16xi32>], vector<16xf32>,
      %get3A_44 = arith.constant 1 : i32
      %get3A_45 = arith.index_cast %get3A_44 : i32 to index
      %get3A_46 = arith.constant 48 : index
      %get3A_47 = tpu.vector_load %arg5[%get3A_45, %get3A_46] {strides = array<i32>} : memref<3x128xi32, #tpu.memory_space<vmem>>, vector<16xi32>,
      %get3A_48 = arith.constant 2 : i32
      %get3A_49 = arith.index_cast %get3A_48 : i32 to index
      %get3A_50 = arith.constant 48 : index
      %get3A_51 = tpu.vector_load %arg5[%get3A_49, %get3A_50] {strides = array<i32>} : memref<3x128xi32, #tpu.memory_space<vmem>>, vector<16xi32>,
      %bitcast3A_52 = vector.bitcast %get3A_51 : vector<16xi32> to vector<16xf32>
      tpu.vector_store_idx %arg6[%get3A_47], %bitcast3A_52 {add = true} : memref<10000xf32, #tpu.memory_space<vmem>>[vector<16xi32>], vector<16xf32>,
      %get3A_53 = arith.constant 1 : i32
      %get3A_54 = arith.index_cast %get3A_53 : i32 to index
      %get3A_55 = arith.constant 64 : index
      %get3A_56 = tpu.vector_load %arg5[%get3A_54, %get3A_55] {strides = array<i32>} : memref<3x128xi32, #tpu.memory_space<vmem>>, vector<16xi32>,
      %get3A_57 = arith.constant 2 : i32
      %get3A_58 = arith.index_cast %get3A_57 : i32 to index
      %get3A_59 = arith.constant 64 : index
      %get3A_60 = tpu.vector_load %arg5[%get3A_58, %get3A_59] {strides = array<i32>} : memref<3x128xi32, #tpu.memory_space<vmem>>, vector<16xi32>,
      %bitcast3A_61 = vector.bitcast %get3A_60 : vector<16xi32> to vector<16xf32>
      tpu.vector_store_idx %arg6[%get3A_56], %bitcast3A_61 {add = true} : memref<10000xf32, #tpu.memory_space<vmem>>[vector<16xi32>], vector<16xf32>,
      %get3A_62 = arith.constant 1 : i32
      %get3A_63 = arith.index_cast %get3A_62 : i32 to index
      %get3A_64 = arith.constant 80 : index
      %get3A_65 = tpu.vector_load %arg5[%get3A_63, %get3A_64] {strides = array<i32>} : memref<3x128xi32, #tpu.memory_space<vmem>>, vector<16xi32>,
      %get3A_66 = arith.constant 2 : i32
      %get3A_67 = arith.index_cast %get3A_66 : i32 to index
      %get3A_68 = arith.constant 80 : index
      %get3A_69 = tpu.vector_load %arg5[%get3A_67, %get3A_68] {strides = array<i32>} : memref<3x128xi32, #tpu.memory_space<vmem>>, vector<16xi32>,
      %bitcast3A_70 = vector.bitcast %get3A_69 : vector<16xi32> to vector<16xf32>
      tpu.vector_store_idx %arg6[%get3A_65], %bitcast3A_70 {add = true} : memref<10000xf32, #tpu.memory_space<vmem>>[vector<16xi32>], vector<16xf32>,
      %get3A_71 = arith.constant 1 : i32
      %get3A_72 = arith.index_cast %get3A_71 : i32 to index
      %get3A_73 = arith.constant 96 : index
      %get3A_74 = tpu.vector_load %arg5[%get3A_72, %get3A_73] {strides = array<i32>} : memref<3x128xi32, #tpu.memory_space<vmem>>, vector<16xi32>,
      %get3A_75 = arith.constant 2 : i32
      %get3A_76 = arith.index_cast %get3A_75 : i32 to index
      %get3A_77 = arith.constant 96 : index
      %get3A_78 = tpu.vector_load %arg5[%get3A_76, %get3A_77] {strides = array<i32>} : memref<3x128xi32, #tpu.memory_space<vmem>>, vector<16xi32>,
      %bitcast3A_79 = vector.bitcast %get3A_78 : vector<16xi32> to vector<16xf32>
      tpu.vector_store_idx %arg6[%get3A_74], %bitcast3A_79 {add = true} : memref<10000xf32, #tpu.memory_space<vmem>>[vector<16xi32>], vector<16xf32>,
      %get3A_80 = arith.constant 1 : i32
      %get3A_81 = arith.index_cast %get3A_80 : i32 to index
      %get3A_82 = arith.constant 112 : index
      %get3A_83 = tpu.vector_load %arg5[%get3A_81, %get3A_82] {strides = array<i32>} : memref<3x128xi32, #tpu.memory_space<vmem>>, vector<16xi32>,
      %get3A_84 = arith.constant 2 : i32
      %get3A_85 = arith.index_cast %get3A_84 : i32 to index
      %get3A_86 = arith.constant 112 : index
      %get3A_87 = tpu.vector_load %arg5[%get3A_85, %get3A_86] {strides = array<i32>} : memref<3x128xi32, #tpu.memory_space<vmem>>, vector<16xi32>,
      %bitcast3A_88 = vector.bitcast %get3A_87 : vector<16xi32> to vector<16xf32>
      tpu.vector_store_idx %arg6[%get3A_83], %bitcast3A_88 {add = true} : memref<10000xf32, #tpu.memory_space<vmem>>[vector<16xi32>], vector<16xf32>,
    } else {
    }
    %mul3A_15 = arith.constant 10000 : i32
    %mul3A_16 = arith.muli %add3A, %mul3A_15 : i32
    "tpu.region"() ({
      %run_scoped3A = tpu.sem_alloc : memref<!tpu.dma_semaphore, #tpu.memory_space<semaphore_mem>>
      %dma_start3A = tpu.memref_slice %arg4[%mul3A_16] : memref<320000xf32, #tpu.memory_space<hbm>> -> memref<10000xf32, #tpu.memory_space<hbm>>
      %dma_start3A_17 = tpu.memref_slice %arg4[%mul3A_16] : memref<320000xf32, #tpu.memory_space<hbm>> -> memref<10000xf32, #tpu.memory_space<hbm>>
      tpu.enqueue_dma source(%arg6 : memref<10000xf32, #tpu.memory_space<vmem>>) target(%dma_start3A_17 : memref<10000xf32, #tpu.memory_space<hbm>>) target_semaphore(%run_scoped3A : memref<!tpu.dma_semaphore, #tpu.memory_space<semaphore_mem>>)
      %dma_wait3A = tpu.memref_slice %arg4[%mul3A_16] : memref<320000xf32, #tpu.memory_space<hbm>> -> memref<10000xf32, #tpu.memory_space<hbm>>
      %dma_wait3A_18 = tpu.memref_slice %arg4[%mul3A_16] : memref<320000xf32, #tpu.memory_space<hbm>> -> memref<10000xf32, #tpu.memory_space<hbm>>
      tpu.wait_dma2 semaphore(%run_scoped3A : memref<!tpu.dma_semaphore, #tpu.memory_space<semaphore_mem>>) src(%arg6 : memref<10000xf32, #tpu.memory_space<vmem>>) dst(%dma_wait3A_18 : memref<10000xf32, #tpu.memory_space<hbm>>)
      tpu.yield
    }) : () -> ()
    return
  }
}

module attributes {stable_mosaic.version = 14 : i64} {
  func.func @_rsd_body(%arg0: i32, %arg1: memref<32x10000xf32, #tpu.memory_space<vmem>>, %arg2: memref<10000x1xf32, #tpu.memory_space<vmem>>) attributes {dimension_semantics = [#tpu.dimension_semantics<arbitrary>], iteration_bounds = array<i64: 1>, scalar_prefetch = 0 : i64, scratch_operands = 0 : i64, tpu.core_type = #tpu.core_type<tc>, window_params = [{pipeline_mode = #tpu.pipeline_mode<synchronous>, transform_indices = @transform_0, window_bounds = array<i64: 32, 10000>}, {pipeline_mode = #tpu.pipeline_mode<synchronous>, transform_indices = @transform_1, window_bounds = array<i64: 10000, 1>}]} {
    %get3A = arith.constant 0 : index
    %get3A_0 = arith.constant 0 : index
    %get3A_1 = vector.load %arg1[%get3A, %get3A_0] : memref<32x10000xf32, #tpu.memory_space<vmem>>, vector<32x10000xf32>
    %reduce_sum3A = arith.constant dense<0.000000e+00> : vector<10000xf32>
    %reduce_sum3A_2 = vector.multi_reduction <add>, %get3A_1, %reduce_sum3A [0] : vector<32x10000xf32> to vector<10000xf32>
    %broadcast_in_dim3A = vector.shape_cast %reduce_sum3A_2 : vector<10000xf32> to vector<1x10000xf32>
    %add3A = arith.constant 1.000000e+00 : f32
    %add3A_3 = vector.broadcast %add3A : f32 to vector<1x10000xf32>
    %add3A_4 = arith.addf %broadcast_in_dim3A, %add3A_3 : vector<1x10000xf32>
    %rsqrt3A = math.rsqrt %add3A_4 : vector<1x10000xf32>
    %transpose3A = tpu.transpose %rsqrt3A, [1, 0] : vector<1x10000xf32> -> vector<10000x1xf32>
    %swap3A = arith.constant 0 : index
    %swap3A_5 = arith.constant 0 : index
    %swap3A_6 = vector.load %arg2[%swap3A, %swap3A_5] : memref<10000x1xf32, #tpu.memory_space<vmem>>, vector<10000x1xf32>
    tpu.vector_store %arg2[%swap3A, %swap3A_5], %transpose3A {strides = array<i32>} : memref<10000x1xf32, #tpu.memory_space<vmem>>, vector<10000x1xf32>,
    return
  }
  func.func @transform_0(%arg0: i32) -> (i32, i32) {
    %c0_i32 = arith.constant 0 : i32
    %c0_i32_0 = arith.constant 0 : i32
    %c0_i32_1 = arith.constant 0 : i32
    return %c0_i32, %c0_i32_0 : i32, i32
  }
  func.func @transform_1(%arg0: i32) -> (i32, i32) {
    %c0_i32 = arith.constant 0 : i32
    %c0_i32_0 = arith.constant 0 : i32
    %c0_i32_1 = arith.constant 0 : i32
    return %c0_i32, %c0_i32_0 : i32, i32
  }
}

module attributes {stable_mosaic.version = 14 : i64} {
  func.func @_mm1_body(%arg0: i32, %arg1: i32, %arg2: memref<1000x128xf32, #tpu.memory_space<vmem>>, %arg3: memref<1000x1024xf32, #tpu.memory_space<vmem>>, %arg4: memref<128x128xf32, #tpu.memory_space<vmem>>, %arg5: memref<1024x128xf32, #tpu.memory_space<vmem>>, %arg6: memref<1000x1xf32, #tpu.memory_space<vmem>>, %arg7: memref<1x1000x128xf32, #tpu.memory_space<vmem>>) attributes {dimension_semantics = [#tpu.dimension_semantics<arbitrary>, #tpu.dimension_semantics<arbitrary>], iteration_bounds = array<i64: 10, 2>, scalar_prefetch = 0 : i64, scratch_operands = 0 : i64, tpu.core_type = #tpu.core_type<tc>, window_params = [{transform_indices = @transform_0, window_bounds = array<i64: 1000, 128>}, {transform_indices = @transform_1, window_bounds = array<i64: 1000, 1024>}, {transform_indices = @transform_2, window_bounds = array<i64: 128, 128>}, {transform_indices = @transform_3, window_bounds = array<i64: 1024, 128>}, {transform_indices = @transform_4, window_bounds = array<i64: 1000, 1>}, {transform_indices = @transform_5, window_bounds = array<i64: 1, 1000, 128>}]} {
    %get3A = arith.constant 0 : index
    %get3A_0 = arith.constant 0 : index
    %get3A_1 = vector.load %arg2[%get3A, %get3A_0] : memref<1000x128xf32, #tpu.memory_space<vmem>>, vector<1000x128xf32>
    %get3A_2 = arith.constant 0 : index
    %get3A_3 = arith.constant 0 : index
    %get3A_4 = vector.load %arg4[%get3A_2, %get3A_3] : memref<128x128xf32, #tpu.memory_space<vmem>>, vector<128x128xf32>
    %dot_general3A = arith.constant dense<0.000000e+00> : vector<1000x128xf32>
    %dot_general3A_5 = tpu.matmul %get3A_1, %get3A_4, %dot_general3A {dimension_numbers = #tpu.dot_dimension_numbers<[1], [0], [0], [1], [0, 0, 1, 1], [], []>, transpose_lhs_hint = false} : vector<1000x128xf32>, vector<128x128xf32>, vector<1000x128xf32> -> vector<1000x128xf32>
    %get3A_6 = arith.constant 0 : index
    %get3A_7 = arith.constant 0 : index
    %get3A_8 = vector.load %arg3[%get3A_6, %get3A_7] : memref<1000x1024xf32, #tpu.memory_space<vmem>>, vector<1000x1024xf32>
    %get3A_9 = arith.constant 0 : index
    %get3A_10 = arith.constant 0 : index
    %get3A_11 = vector.load %arg5[%get3A_9, %get3A_10] : memref<1024x128xf32, #tpu.memory_space<vmem>>, vector<1024x128xf32>
    %dot_general3A_12 = arith.constant dense<0.000000e+00> : vector<1000x128xf32>
    %dot_general3A_13 = tpu.matmul %get3A_8, %get3A_11, %dot_general3A_12 {dimension_numbers = #tpu.dot_dimension_numbers<[1], [0], [0], [1], [0, 0, 1, 1], [], []>, transpose_lhs_hint = false} : vector<1000x1024xf32>, vector<1024x128xf32>, vector<1000x128xf32> -> vector<1000x128xf32>
    %add3A = arith.addf %dot_general3A_5, %dot_general3A_13 : vector<1000x128xf32>
    %get3A_14 = arith.constant 0 : index
    %get3A_15 = arith.constant 0 : index
    %get3A_16 = vector.load %arg6[%get3A_14, %get3A_15] : memref<1000x1xf32, #tpu.memory_space<vmem>>, vector<1000x1xf32>
    %mul3A = vector.broadcast %get3A_16 : vector<1000x1xf32> to vector<1000x128xf32>
    %mul3A_17 = arith.mulf %add3A, %mul3A : vector<1000x128xf32>
    %broadcast_in_dim3A = vector.shape_cast %mul3A_17 : vector<1000x128xf32> to vector<1x1000x128xf32>
    %swap3A = arith.constant 0 : index
    %swap3A_18 = arith.constant 0 : index
    %swap3A_19 = arith.constant 0 : index
    %swap3A_20 = vector.load %arg7[%swap3A, %swap3A_18, %swap3A_19] : memref<1x1000x128xf32, #tpu.memory_space<vmem>>, vector<1x1000x128xf32>
    tpu.vector_store %arg7[%swap3A, %swap3A_18, %swap3A_19], %broadcast_in_dim3A {strides = array<i32>} : memref<1x1000x128xf32, #tpu.memory_space<vmem>>, vector<1x1000x128xf32>,
    return
  }
  func.func @transform_0(%arg0: i32, %arg1: i32) -> (i32, i32) {
    %c0_i32 = arith.constant 0 : i32
    %c0_i32_0 = arith.constant 0 : i32
    return %arg0, %c0_i32 : i32, i32
  }
  func.func @transform_1(%arg0: i32, %arg1: i32) -> (i32, i32) {
    %c0_i32 = arith.constant 0 : i32
    %c0_i32_0 = arith.constant 0 : i32
    return %arg0, %c0_i32 : i32, i32
  }
  func.func @transform_2(%arg0: i32, %arg1: i32) -> (i32, i32) {
    %c0_i32 = arith.constant 0 : i32
    %c0_i32_0 = arith.constant 0 : i32
    return %c0_i32, %arg1 : i32, i32
  }
  func.func @transform_3(%arg0: i32, %arg1: i32) -> (i32, i32) {
    %c0_i32 = arith.constant 0 : i32
    %c0_i32_0 = arith.constant 0 : i32
    return %c0_i32, %arg1 : i32, i32
  }
  func.func @transform_4(%arg0: i32, %arg1: i32) -> (i32, i32) {
    %c0_i32 = arith.constant 0 : i32
    %c0_i32_0 = arith.constant 0 : i32
    return %arg0, %c0_i32 : i32, i32
  }
  func.func @transform_5(%arg0: i32, %arg1: i32) -> (i32, i32, i32) {
    %c0_i32 = arith.constant 0 : i32
    %c0_i32_0 = arith.constant 0 : i32
    return %arg1, %arg0, %c0_i32 : i32, i32, i32
  }
}

module attributes {stable_mosaic.version = 14 : i64} {
  func.func @_mm2_body(%arg0: i32, %arg1: memref<2x1000x128xf32, #tpu.memory_space<vmem>>, %arg2: memref<2x1000x128xf32, #tpu.memory_space<vmem>>, %arg3: memref<1000x1xf32, #tpu.memory_space<vmem>>, %arg4: memref<1x256xf32, #tpu.memory_space<vmem>>, %arg5: memref<128x128xf32, #tpu.memory_space<vmem>>, %arg6: memref<128x128xf32, #tpu.memory_space<vmem>>, %arg7: memref<1000x128xf32, #tpu.memory_space<vmem>>) attributes {dimension_semantics = [#tpu.dimension_semantics<arbitrary>], iteration_bounds = array<i64: 10>, scalar_prefetch = 0 : i64, scratch_operands = 0 : i64, tpu.core_type = #tpu.core_type<tc>, window_params = [{transform_indices = @transform_0, window_bounds = array<i64: 2, 1000, 128>}, {transform_indices = @transform_1, window_bounds = array<i64: 2, 1000, 128>}, {transform_indices = @transform_2, window_bounds = array<i64: 1000, 1>}, {pipeline_mode = #tpu.pipeline_mode<synchronous>, transform_indices = @transform_3, window_bounds = array<i64: 1, 256>}, {pipeline_mode = #tpu.pipeline_mode<synchronous>, transform_indices = @transform_4, window_bounds = array<i64: 128, 128>}, {pipeline_mode = #tpu.pipeline_mode<synchronous>, transform_indices = @transform_5, window_bounds = array<i64: 128, 128>}, {transform_indices = @transform_6, window_bounds = array<i64: 1000, 128>}]} {
    %get3A = arith.constant 0 : index
    %get3A_0 = arith.constant 0 : index
    %get3A_1 = vector.load %arg3[%get3A, %get3A_0] : memref<1000x1xf32, #tpu.memory_space<vmem>>, vector<1000x1xf32>
    %get3A_2 = arith.constant 0 : index
    %get3A_3 = arith.constant 0 : index
    %get3A_4 = arith.constant 0 : index
    %get3A_5 = vector.load %arg1[%get3A_2, %get3A_3, %get3A_4] : memref<2x1000x128xf32, #tpu.memory_space<vmem>>, vector<1x1000x128xf32>
    %get3A_6 = vector.shape_cast %get3A_5 : vector<1x1000x128xf32> to vector<1000x128xf32>
    %get3A_7 = arith.constant 0 : index
    %get3A_8 = arith.constant 0 : index
    %get3A_9 = arith.constant 0 : index
    %get3A_10 = vector.load %arg2[%get3A_7, %get3A_8, %get3A_9] : memref<2x1000x128xf32, #tpu.memory_space<vmem>>, vector<1x1000x128xf32>
    %get3A_11 = vector.shape_cast %get3A_10 : vector<1x1000x128xf32> to vector<1000x128xf32>
    %add3A = arith.addf %get3A_6, %get3A_11 : vector<1000x128xf32>
    %mul3A = vector.broadcast %get3A_1 : vector<1000x1xf32> to vector<1000x128xf32>
    %mul3A_12 = arith.mulf %mul3A, %add3A : vector<1000x128xf32>
    %get3A_13 = arith.constant 0 : index
    %get3A_14 = arith.constant 0 : index
    %get3A_15 = vector.load %arg4[%get3A_13, %get3A_14] : memref<1x256xf32, #tpu.memory_space<vmem>>, vector<1x128xf32>
    %add3A_16 = vector.broadcast %get3A_15 : vector<1x128xf32> to vector<1000x128xf32>
    %add3A_17 = arith.addf %mul3A_12, %add3A_16 : vector<1000x128xf32>
    %max3A = arith.constant 0.000000e+00 : f32
    %max3A_18 = vector.broadcast %max3A : f32 to vector<1000x128xf32>
    %max3A_19 = arith.maximumf %add3A_17, %max3A_18 : vector<1000x128xf32>
    %get3A_20 = arith.constant 0 : index
    %get3A_21 = arith.constant 0 : index
    %get3A_22 = vector.load %arg3[%get3A_20, %get3A_21] : memref<1000x1xf32, #tpu.memory_space<vmem>>, vector<1000x1xf32>
    %get3A_23 = arith.constant 1 : index
    %get3A_24 = arith.constant 0 : index
    %get3A_25 = arith.constant 0 : index
    %get3A_26 = vector.load %arg1[%get3A_23, %get3A_24, %get3A_25] : memref<2x1000x128xf32, #tpu.memory_space<vmem>>, vector<1x1000x128xf32>
    %get3A_27 = vector.shape_cast %get3A_26 : vector<1x1000x128xf32> to vector<1000x128xf32>
    %get3A_28 = arith.constant 1 : index
    %get3A_29 = arith.constant 0 : index
    %get3A_30 = arith.constant 0 : index
    %get3A_31 = vector.load %arg2[%get3A_28, %get3A_29, %get3A_30] : memref<2x1000x128xf32, #tpu.memory_space<vmem>>, vector<1x1000x128xf32>
    %get3A_32 = vector.shape_cast %get3A_31 : vector<1x1000x128xf32> to vector<1000x128xf32>
    %add3A_33 = arith.addf %get3A_27, %get3A_32 : vector<1000x128xf32>
    %mul3A_34 = vector.broadcast %get3A_22 : vector<1000x1xf32> to vector<1000x128xf32>
    %mul3A_35 = arith.mulf %mul3A_34, %add3A_33 : vector<1000x128xf32>
    %get3A_36 = arith.constant 0 : index
    %get3A_37 = arith.constant 128 : index
    %get3A_38 = vector.load %arg4[%get3A_36, %get3A_37] : memref<1x256xf32, #tpu.memory_space<vmem>>, vector<1x128xf32>
    %add3A_39 = vector.broadcast %get3A_38 : vector<1x128xf32> to vector<1000x128xf32>
    %add3A_40 = arith.addf %mul3A_35, %add3A_39 : vector<1000x128xf32>
    %max3A_41 = arith.constant 0.000000e+00 : f32
    %max3A_42 = vector.broadcast %max3A_41 : f32 to vector<1000x128xf32>
    %max3A_43 = arith.maximumf %add3A_40, %max3A_42 : vector<1000x128xf32>
    %get3A_44 = arith.constant 0 : index
    %get3A_45 = arith.constant 0 : index
    %get3A_46 = vector.load %arg5[%get3A_44, %get3A_45] : memref<128x128xf32, #tpu.memory_space<vmem>>, vector<128x128xf32>
    %dot_general3A = arith.constant dense<0.000000e+00> : vector<1000x128xf32>
    %dot_general3A_47 = tpu.matmul %max3A_19, %get3A_46, %dot_general3A {dimension_numbers = #tpu.dot_dimension_numbers<[1], [0], [0], [1], [0, 0, 1, 1], [], []>, transpose_lhs_hint = false} : vector<1000x128xf32>, vector<128x128xf32>, vector<1000x128xf32> -> vector<1000x128xf32>
    %get3A_48 = arith.constant 0 : index
    %get3A_49 = arith.constant 0 : index
    %get3A_50 = vector.load %arg6[%get3A_48, %get3A_49] : memref<128x128xf32, #tpu.memory_space<vmem>>, vector<128x128xf32>
    %dot_general3A_51 = arith.constant dense<0.000000e+00> : vector<1000x128xf32>
    %dot_general3A_52 = tpu.matmul %max3A_43, %get3A_50, %dot_general3A_51 {dimension_numbers = #tpu.dot_dimension_numbers<[1], [0], [0], [1], [0, 0, 1, 1], [], []>, transpose_lhs_hint = false} : vector<1000x128xf32>, vector<128x128xf32>, vector<1000x128xf32> -> vector<1000x128xf32>
    %add3A_53 = arith.addf %dot_general3A_47, %dot_general3A_52 : vector<1000x128xf32>
    %get3A_54 = arith.constant 0 : index
    %get3A_55 = arith.constant 0 : index
    %get3A_56 = vector.load %arg3[%get3A_54, %get3A_55] : memref<1000x1xf32, #tpu.memory_space<vmem>>, vector<1000x1xf32>
    %mul3A_57 = vector.broadcast %get3A_56 : vector<1000x1xf32> to vector<1000x128xf32>
    %mul3A_58 = arith.mulf %add3A_53, %mul3A_57 : vector<1000x128xf32>
    %swap3A = arith.constant 0 : index
    %swap3A_59 = arith.constant 0 : index
    %swap3A_60 = vector.load %arg7[%swap3A, %swap3A_59] : memref<1000x128xf32, #tpu.memory_space<vmem>>, vector<1000x128xf32>
    tpu.vector_store %arg7[%swap3A, %swap3A_59], %mul3A_58 {strides = array<i32>} : memref<1000x128xf32, #tpu.memory_space<vmem>>, vector<1000x128xf32>,
    return
  }
  func.func @transform_0(%arg0: i32) -> (i32, i32, i32) {
    %c0_i32 = arith.constant 0 : i32
    %c0_i32_0 = arith.constant 0 : i32
    %c0_i32_1 = arith.constant 0 : i32
    return %c0_i32, %arg0, %c0_i32_0 : i32, i32, i32
  }
  func.func @transform_1(%arg0: i32) -> (i32, i32, i32) {
    %c0_i32 = arith.constant 0 : i32
    %c0_i32_0 = arith.constant 0 : i32
    %c0_i32_1 = arith.constant 0 : i32
    return %c0_i32, %arg0, %c0_i32_0 : i32, i32, i32
  }
  func.func @transform_2(%arg0: i32) -> (i32, i32) {
    %c0_i32 = arith.constant 0 : i32
    %c0_i32_0 = arith.constant 0 : i32
    return %arg0, %c0_i32 : i32, i32
  }
  func.func @transform_3(%arg0: i32) -> (i32, i32) {
    %c0_i32 = arith.constant 0 : i32
    %c0_i32_0 = arith.constant 0 : i32
    %c0_i32_1 = arith.constant 0 : i32
    return %c0_i32, %c0_i32_0 : i32, i32
  }
  func.func @transform_4(%arg0: i32) -> (i32, i32) {
    %c0_i32 = arith.constant 0 : i32
    %c0_i32_0 = arith.constant 0 : i32
    %c0_i32_1 = arith.constant 0 : i32
    return %c0_i32, %c0_i32_0 : i32, i32
  }
  func.func @transform_5(%arg0: i32) -> (i32, i32) {
    %c0_i32 = arith.constant 0 : i32
    %c0_i32_0 = arith.constant 0 : i32
    %c0_i32_1 = arith.constant 0 : i32
    return %c0_i32, %c0_i32_0 : i32, i32
  }
  func.func @transform_6(%arg0: i32) -> (i32, i32) {
    %c0_i32 = arith.constant 0 : i32
    %c0_i32_0 = arith.constant 0 : i32
    return %arg0, %c0_i32 : i32, i32
  }
}

module attributes {stable_mosaic.version = 14 : i64} {
  func.func @_fin2_body(%arg0: i32, %arg1: memref<2x1000x128xf32, #tpu.memory_space<vmem>>, %arg2: memref<1000x128xf32, #tpu.memory_space<vmem>>, %arg3: memref<1000x1xf32, #tpu.memory_space<vmem>>, %arg4: memref<1x128xf32, #tpu.memory_space<vmem>>, %arg5: memref<1000x128xf32, #tpu.memory_space<vmem>>) attributes {dimension_semantics = [#tpu.dimension_semantics<arbitrary>], iteration_bounds = array<i64: 10>, scalar_prefetch = 0 : i64, scratch_operands = 0 : i64, tpu.core_type = #tpu.core_type<tc>, window_params = [{transform_indices = @transform_0, window_bounds = array<i64: 2, 1000, 128>}, {transform_indices = @transform_1, window_bounds = array<i64: 1000, 128>}, {transform_indices = @transform_2, window_bounds = array<i64: 1000, 1>}, {pipeline_mode = #tpu.pipeline_mode<synchronous>, transform_indices = @transform_3, window_bounds = array<i64: 1, 128>}, {transform_indices = @transform_4, window_bounds = array<i64: 1000, 128>}]} {
    %get3A = arith.constant 0 : index
    %get3A_0 = arith.constant 0 : index
    %get3A_1 = vector.load %arg3[%get3A, %get3A_0] : memref<1000x1xf32, #tpu.memory_space<vmem>>, vector<1000x1xf32>
    %get3A_2 = arith.constant 0 : index
    %get3A_3 = arith.constant 0 : index
    %get3A_4 = arith.constant 0 : index
    %get3A_5 = vector.load %arg1[%get3A_2, %get3A_3, %get3A_4] : memref<2x1000x128xf32, #tpu.memory_space<vmem>>, vector<1x1000x128xf32>
    %get3A_6 = vector.shape_cast %get3A_5 : vector<1x1000x128xf32> to vector<1000x128xf32>
    %get3A_7 = arith.constant 1 : index
    %get3A_8 = arith.constant 0 : index
    %get3A_9 = arith.constant 0 : index
    %get3A_10 = vector.load %arg1[%get3A_7, %get3A_8, %get3A_9] : memref<2x1000x128xf32, #tpu.memory_space<vmem>>, vector<1x1000x128xf32>
    %get3A_11 = vector.shape_cast %get3A_10 : vector<1x1000x128xf32> to vector<1000x128xf32>
    %add3A = arith.addf %get3A_6, %get3A_11 : vector<1000x128xf32>
    %get3A_12 = arith.constant 0 : index
    %get3A_13 = arith.constant 0 : index
    %get3A_14 = vector.load %arg2[%get3A_12, %get3A_13] : memref<1000x128xf32, #tpu.memory_space<vmem>>, vector<1000x128xf32>
    %add3A_15 = arith.addf %add3A, %get3A_14 : vector<1000x128xf32>
    %mul3A = vector.broadcast %get3A_1 : vector<1000x1xf32> to vector<1000x128xf32>
    %mul3A_16 = arith.mulf %mul3A, %add3A_15 : vector<1000x128xf32>
    %get3A_17 = arith.constant 0 : index
    %get3A_18 = arith.constant 0 : index
    %get3A_19 = vector.load %arg4[%get3A_17, %get3A_18] : memref<1x128xf32, #tpu.memory_space<vmem>>, vector<1x128xf32>
    %add3A_20 = vector.broadcast %get3A_19 : vector<1x128xf32> to vector<1000x128xf32>
    %add3A_21 = arith.addf %mul3A_16, %add3A_20 : vector<1000x128xf32>
    %swap3A = arith.constant 0 : index
    %swap3A_22 = arith.constant 0 : index
    %swap3A_23 = vector.load %arg5[%swap3A, %swap3A_22] : memref<1000x128xf32, #tpu.memory_space<vmem>>, vector<1000x128xf32>
    tpu.vector_store %arg5[%swap3A, %swap3A_22], %add3A_21 {strides = array<i32>} : memref<1000x128xf32, #tpu.memory_space<vmem>>, vector<1000x128xf32>,
    return
  }
  func.func @transform_0(%arg0: i32) -> (i32, i32, i32) {
    %c0_i32 = arith.constant 0 : i32
    %c0_i32_0 = arith.constant 0 : i32
    %c0_i32_1 = arith.constant 0 : i32
    return %c0_i32, %arg0, %c0_i32_0 : i32, i32, i32
  }
  func.func @transform_1(%arg0: i32) -> (i32, i32) {
    %c0_i32 = arith.constant 0 : i32
    %c0_i32_0 = arith.constant 0 : i32
    return %arg0, %c0_i32 : i32, i32
  }
  func.func @transform_2(%arg0: i32) -> (i32, i32) {
    %c0_i32 = arith.constant 0 : i32
    %c0_i32_0 = arith.constant 0 : i32
    return %arg0, %c0_i32 : i32, i32
  }
  func.func @transform_3(%arg0: i32) -> (i32, i32) {
    %c0_i32 = arith.constant 0 : i32
    %c0_i32_0 = arith.constant 0 : i32
    %c0_i32_1 = arith.constant 0 : i32
    return %c0_i32, %c0_i32_0 : i32, i32
  }
  func.func @transform_4(%arg0: i32) -> (i32, i32) {
    %c0_i32 = arith.constant 0 : i32
    %c0_i32_0 = arith.constant 0 : i32
    return %arg0, %c0_i32 : i32, i32
  }
}

</mosaic_0001>

<sc_bundles>
// kernel: kernel.10.cloned.1.call-start
scs
__scs_entry_jumppad:
0x0: {  	(pc) =	sbr.rel $0x88, $3  }
0x1: {  	(tag) =	ssettag $0x0;
	lr =	simm.s32 $0x1  }
0x2: {  	[smem:$0x3F99] =	sst lr;
	_ =	strace $0xD0000000  }
0x3: {  	_ = 	snop  }
0x4: {  	_ = 	snop  }
0x5: {  	_ = 	snop  }
0x6: {  	_ = 	snop  }
0x7: {  	_ = 	snop  }
__scs_overlays_trampoline_lowered:
0x8: {  	[smem:$0x3FA8] =	sst s0  }
0x9: {  	[smem:$0x3FA9] =	sst s1  }
0xa: {  	[smem:$0x3FAA] =	sst s2  }
0xb: {  	[smem:$0x3FAB] =	sst s3  }
0xc: {  	[smem:$0x3FAC] =	sst s4  }
0xd: {  	[smem:$0x3FAD] =	sst s5  }
0xe: {  	[smem:$0x3FAE] =	sst s6  }
0xf: {  	[smem:$0x3FAF] =	sst s7  }
0x10: {  	[smem:$0x3FB0] =	sst s8  }
0x11: {  	[smem:$0x3FB1] =	sst s9;
	s0 =	simm.s32 @!p0 $0x0  }
0x12: {  	s1 =	sld [smem:$0x3F97];
	s0 =	simm.s32 @p0 $0x1  }
0x13: {  	[smem:$0x3FB2] =	sst s0;
	s0 =	simm.s32 @!p1 $0x0  }
0x14: {  	s2 =	sld [smem:$0x3F96];
	s0 =	simm.s32 @p1 $0x1  }
0x15: {  	[smem:$0x3FB3] =	sst s0;
	s0 =	simm.s32 @!p2 $0x0  }
0x16: {  	s3 =	sld [smem:$0x3FDB];
	s0 =	simm.s32 @p2 $0x1  }
0x17: {  	s4 =	simm.s32 $0x1BF5;
	[smem:$0x3FB5] =	sst s0  }
0x18: {  	s0 =	sld [smem:$0x3F98];
	_ =	swait.ge [sflag:s4], $0x0  }
0x19: {  	s7 =	sld [smem:$0x3F99]  }
0x1a: {  	s8 =	sadd.s32 $0xFFFFE003, lr  }
0x1b: {  	s9 =	sadd.s32 $0xFFFFFEF7, lr;
	s5 =	simm.s32 $0xFFFFFFFF;
	p2 =	slt.u32 s8, $0xFFFFF086  }
0x1c: {  	p1 =	slt.u32 s9, $0xF7A;
	s5 =	simm.s32 @!p2 $0x0  }
0x1d: {  	s5 =	simm.s32 @p1 $0x1;
	p0 =	seq.s32 s7, s2  }
0x1e: {  	s7 =	smul.u32 @!p0 $0xF7A, s2;
	p2 =	seq.s32 @!p0 s5, $0x0  }
0x1f: {  	s9 =	smul.u32 $0xF7A, s1;
	s8 =	simm.s32 @!p0 $0x1BF5;
	p2 =	por !p2, p0  }
0x20: {  	[sflag:s8] =	ssyncset.s32 @!p0 $0xFFFFF086;
	s6 =	sadd.s32 @!p0 s3, s7;
	s7 =	simm.s32 @!p0 $0x108  }
0x21: {  	s3 =	sadd.s32 s3, s9;
	s6 =	sadd.s32 @!p0 $0x88, s6;
	s7 =	simm.s32 @p2 $0x1082  }
0x22: {  	[simem:s7], [sflag:s8] =	dma.local @!p0 [hbm:s6], $0xF7A  }
0x23: {  	s9 =	sor.u32 $0xD0000000, s2;
	s6 =	simm.s32 $0x108;
	_ =	swait.ge @!p0 [sflag:s8], $0x0  }
0x24: {  	s3 =	sadd.s32 $0x88, s3;
	s6 =	simm.s32 @!p1 $0x1082;
	[sflag:s4] =	ssyncset.s32 $0xFFFFF086  }
0x25: {  	[simem:s6], [sflag:s4] =	dma.local [hbm:s3], $0xF7A  }
0x26: {  	[smem:$0x3F99] =	sst s1;
	(tag) =	ssettag s2;
	_ =	strace s9  }
0x27: {  	s1 =	sld [smem:$0x3FA9]  }
0x28: {  	s2 =	sld [smem:$0x3FAA]  }
0x29: {  	s4 =	sld [smem:$0x3FAC]  }
0x2a: {  	p0 =	seq.s32 s5, $0x0;
	s5 =	sld [smem:$0x3FAD]  }
0x2b: {  	s6 =	sld [smem:$0x3FAE]  }
0x2c: {  	s7 =	sld [smem:$0x3FAF]  }
0x2d: {  	s3 =	simm.s32 $0x108;
	s8 =	sld [smem:$0x3FB0]  }
0x2e: {  	s3 =	simm.s32 @!p0 $0x1082;
	s9 =	sld [smem:$0x3FB1]  }
0x2f: {  	lr =	sadd.s32 s0, s3;
	s0 =	sld [smem:$0x3FA8]  }
0x30: {  	s3 =	sld [smem:$0x3FAB]  }
0x31: {  	[smem:$0x3FB4] =	sst s10  }
0x32: {  	s10 =	sld [smem:$0x3FB2];
	_ =	sdelay $0x3  }
0x33: {  	p0 =	seq.s32 s10, $0x1;
	s10 =	sld [smem:$0x3FB4];
	_ =	sdelay $0x3  }
0x34: {  	[smem:$0x3FB4] =	sst s10  }
0x35: {  	s10 =	sld [smem:$0x3FB3];
	_ =	sdelay $0x3  }
0x36: {  	p1 =	seq.s32 s10, $0x1;
	s10 =	sld [smem:$0x3FB4];
	_ =	sdelay $0x3  }
0x37: {  	[smem:$0x3FB4] =	sst s10  }
0x38: {  	s10 =	sld [smem:$0x3FB5]  }
0x39: {  	_ = 	snop;
	(pc) =	sbr.ind lr, $3  }
0x3a: {  	_ = 	snop  }
0x3b: {  	_ = 	snop  }
0x3c: {  	p2 =	seq.s32 s10, $0x1;
	s10 =	sld [smem:$0x3FB4]  }
0x3d: {  	_ =	shalt  }
0x3e: {  	_ =	shalt  }
0x3f: {  	_ =	shalt  }
0x40: {  	_ =	shalt  }
0x41: {  	_ =	shalt  }
0x42: {  	_ =	shalt  }
0x43: {  	_ =	shalt  }
0x44: {  	_ =	shalt  }
0x45: {  	_ =	shalt  }
0x46: {  	_ =	shalt  }
0x47: {  	_ =	shalt  }
0x48: {  	_ =	shalt  }
0x49: {  	_ =	shalt  }
0x4a: {  	_ =	shalt  }
0x4b: {  	_ =	shalt  }
0x4c: {  	_ =	shalt  }
0x4d: {  	_ =	shalt  }
0x4e: {  	_ =	shalt  }
0x4f: {  	_ =	shalt  }
0x50: {  	_ =	shalt  }
0x51: {  	_ =	shalt  }
0x52: {  	_ =	shalt  }
0x53: {  	_ =	shalt  }
0x54: {  	_ =	shalt  }
0x55: {  	_ =	shalt  }
0x56: {  	_ =	shalt  }
0x57: {  	_ =	shalt  }
0x58: {  	_ =	shalt  }
0x59: {  	_ =	shalt  }
0x5a: {  	_ =	shalt  }
0x5b: {  	_ =	shalt  }
0x5c: {  	_ =	shalt  }
0x5d: {  	_ =	shalt  }
0x5e: {  	_ =	shalt  }
0x5f: {  	_ =	shalt  }
0x60: {  	_ =	shalt  }
0x61: {  	_ =	shalt  }
0x62: {  	_ =	shalt  }
0x63: {  	_ =	shalt  }
0x64: {  	_ =	shalt  }
0x65: {  	_ =	shalt  }
0x66: {  	_ =	shalt  }
0x67: {  	_ =	shalt  }
0x68: {  	_ =	shalt  }
0x69: {  	_ =	shalt  }
0x6a: {  	_ =	shalt  }
0x6b: {  	_ =	shalt  }
0x6c: {  	_ =	shalt  }
0x6d: {  	_ =	shalt  }
0x6e: {  	_ =	shalt  }
0x6f: {  	_ =	shalt  }
0x70: {  	_ =	shalt  }
0x71: {  	_ =	shalt  }
0x72: {  	_ =	shalt  }
0x73: {  	_ =	shalt  }
0x74: {  	_ =	shalt  }
0x75: {  	_ =	shalt  }
0x76: {  	_ =	shalt  }
0x77: {  	_ =	shalt  }
0x78: {  	_ =	shalt  }
0x79: {  	_ =	shalt  }
0x7a: {  	_ =	shalt  }
0x7b: {  	_ =	shalt  }
0x7c: {  	_ =	shalt  }
0x7d: {  	_ =	shalt  }
0x7e: {  	_ =	shalt  }
0x7f: {  	_ =	shalt  }
0x80: {  	_ =	shalt  }
0x81: {  	_ =	shalt  }
0x82: {  	_ =	shalt  }
0x83: {  	_ =	shalt  }
0x84: {  	_ =	shalt  }
0x85: {  	_ =	shalt  }
0x86: {  	_ =	shalt  }
0x87: {  	_ =	shalt  }
.Lfunc_end0:
.L_simem_size_0:
called_computation_lowered:
.L_overlay_start_0:
0x88: {  	s2 =	sld [smem:$0x3FD9]  }
0x89: {  	s3 =	sld [smem:$0x3FFE];
	_ =	sdelay $0x1  }
0x8a: {  	s1 =	srdreg.scid  }
0x8b: {  	s0 =	sand.u32 $0x1, s1  }
0x8c: {  	s17 =	sshll.u32 s0, $0xA;
	s2 =	sadd.s32 s3, s2  }
0x8d: {  	s2 =	sadd.s32 s2, s17  }
0x8e: {  	[smem:$0x3FC0] =	sst s2  }
0x8f: {  	_ = 	snop  }
0x90: {  	s2 =	sld [smem:$0x3FD0];
	(tm) =	ssettm $0x1  }
0x91: {  	s18 =	sld [smem:$0x3FFB];
	_ =	sdelay $0x3  }
0x92: {  	_ =	strace s18  }
0x93: {  	s3 =	sld [smem:$0x3FFC];
	_ =	sdelay $0x3  }
0x94: {  	_ =	strace s3  }
0x95: {  	s3 =	sld [smem:$0x3FFD];
	_ =	sdelay $0x3  }
0x96: {  	_ =	strace s3  }
0x97: {  	_ =	strace $0x8FFFFFFF  }
0x98: {  	s19 =	sld [smem:$0x3FDB];
	_ =	sdelay $0x1  }
0x99: {  	s4 =	simm.s32 $_scs_section_size  }
0x9a: {  	s5 =	simm.s32 $_size__tile_overlayer_lowered;
	s6 =	simm.s32 $_tile_overlayer_lowered  }
0x9b: {  	s22 =	simm.s32 $0x1BFF;
	s21 =	sshll.u32 s6, $0x1;
	s3 =	sadd.s32 s4, s19  }
0x9c: {  	s7 =	simm.s32 $0x0;
	s20 =	sshll.u32 s5, $0x1;
	s5 =	sadd.s32 s21, s3  }
0x9d: {  	[timem:s7], [sflag:s22] =	dma.local [hbm:s5], s20  }
0x9e: {  	_ =	swait.ge [sflag:s22], s20  }
0x9f: {  	s4 =	ssub.s32 $0x0, s20;
	[sflag:s22] =	ssyncset.done $0x0  }
0xa0: {  	[sflag:s22] =	ssyncadd.s32 s4;
	_ =	sdelay $0x1  }
0xa1: {  	s23 =	simm.s32 $0x1B8B  }
0xa2: {  	_ =	swait.ge [sflag:s23], $0x1  }
0xa3: {  	[sflag:s23] =	ssyncset.done $0x0  }
0xa4: {  	s25 =	simm.s32 $0x1B8E;
	s24 =	sld [smem:$0x3FFE];
	[sflag:s23] =	ssyncadd.s32 $0xFFFFFFFF  }
0xa5: {  	s26 =	simm.s32 $execute0_lowered;
	[smem:$0x3FD2] =	sst s25  }
0xa6: {  	s5 =	sshll.u32 s26, $0x1;
	_ =	strace $0x80000046;
	[dreg:$0x1] =	wrdreg $0xFFFFFFFF  }
0xa7: {  	s28 =	simm.s32 $_size_execute0_lowered;
	s3 =	sadd.s32 s3, s5;
	[dreg:$0x0] =	wrdreg $0x0  }
0xa8: {  	s5 =	sshll.u32 s28, $0x1;
	[dreg:$0x2] =	wrdreg s3  }
0xa9: {  	[dreg:$0x3] =	wrdreg s5  }
0xaa: {  	[dreg:$0x4] =	wrdreg $0xC0  }
0xab: {  	_ =	task [dreg:s7], $0x5FFFF  }
0xac: {  	[dreg:$0x1] =	wrdreg $0xFFFFFFFF  }
0xad: {  	[dreg:$0x0] =	wrdreg $0x60  }
0xae: {  	[dreg:$0x2] =	wrdreg s2  }
0xaf: {  	[dreg:$0x3] =	wrdreg s24  }
0xb0: {  	[dreg:$0x4] =	wrdreg $0x9  }
0xb1: {  	_ =	task.clear_ibuf [dreg:s7], $0x5FFFF;
	_ =	strace $0x90000046  }
0xb2: {  	s29 =	simm.s32 $0x9;
	_ =	strace $0x80000048  }
0xb3: {  	_ =	swait.ge [sflag:s29], $0x1  }
0xb4: {  	[sflag:s29] =	ssyncadd.s32 $0xFFFFFFFF  }
0xb5: {  	_ =	strace $0x90000048  }
0xb6: {  	_ =	sfence  }
0xb7: {  	s30 =	sld [smem:$0x0];
	_ =	sdelay $0x2  }
0xb8: {  	s31 =	sshll.u32 s1, $0xD;
	s1 =	sshrl.u32 s1, $0x2  }
0xb9: {  	s3 =	sand.u32 $0x4000, s31;
	s1 =	sadd.s32 s1, s30  }
0xba: {  	s0 =	sor.u32 s3, s0;
	s1 =	sshll.u32 s1, $0x11  }
0xbb: {  	s0 =	sor.u32 s1, s0  }
0xbc: {  	s0 =	sadd.s32 $0x8F2B, s0  }
0xbd: {  	[sflag:s0] =	ssyncadd.remote.s32 $0x1  }
0xbe: {  	_ =	sfence.sel $0xFFFF  }
0xbf: {  	[dreg:$0x0] =	wrdreg $0xFFFFFFFF;
	(pc) =	sbr.abs _section_cstart, $3  }
0xc0: {  	[dreg:$0x1] =	wrdreg $0xFFFFFFFF  }
0xc1: {  	_ =	task.clear_ibuf [dreg:s7], $0x2FFFF;
	_ =	strace $0x9FFFFFFF  }
0xc2: {  	(tm) =	ssettm $0x7FFFFFFF  }
0xc3: {  	_ =	shalt  }
tec
execute0_lowered:
.L_overlay_start_1:
0x0: {  	(tag) =	ssettag $0x1  }
0x1: {  	s0 =	srdreg.scid;
	s5 =	rddreg [dreg:$0x0]  }
0x2: {  	s4 =	rddreg [dreg:$0x1];
	s2 =	simm.s32 $0x0;
	s3 =	sand.u32 $0x1, s0  }
0x3: {  	s0 =	stileid.u32;
	[smem:$0x7FF] =	sst s2;
	s1 =	sshll.u32 s3, $0x4  }
0x4: {  	s28 =	ssub.s32 $0x2, s3;
	s8 =	sshll.u32 s0, $0x6;
	s10 =	smul.u32 $0x13800, s3  }
0x5: {  	s30 =	smul.u32 $0x1380, s0;
	s9 =	sor.u32 s0, s1;
	s1 =	rddreg [dreg:$0x2]  }
0x6: {  	_ =	strace $0x80000047;
	s7 =	sshrl.u32 s28, $0x1;
	s29 =	sadd.s32 s8, s5  }
0x7: {  	s8 =	simm.s32 $0x200;
	s6 =	smul.u32 $0x4E2, s9;
	s3 =	sadd.s32 $0x27000, s29  }
0x8: {  	s31 =	sadd.s32 s10, s5;
	p0 =	sgt.u32 s9, $0x3;
	s9 =	simm.s32 $0x0  }
0x9: {  	s4 =	sadd.s32 s6, s4;
	s6 =	ssub.s32 s28, s7;
	s7 =	simm.s32 $0x1  }
0xa: {  	v0 =	vimm.f32 $0.0e+00;
	s4 =	sadd.s32 $0x5A00, s4;
	s5 =	smax.u32 s6, $0x1;
	s6 =	sadd.s32 s30, s31  }
.LBB2_1:
0xb: {  	s10 =	simm.s32 $0x0  }
.LBB2_2:
0xc: {  	p1 =	sne.s32 s10, $0x9C00  }
.Ltmp0:
0xd: {  	_ = 	snop;
	(pc) =	sbr.rel @p1 .LBB2_2-.Ltmp0, $3  }
0xe: {  	_ =	sdelay $0x1  }
0xf: {  	s11 =	sshra.s32 s10, $0x2  }
0x10: {  	s10 =	sadd.s32 $0x40, s10;
	[tilespmem:s11+$0x200] =	vst v0  }
0x11: {  	s10 =	simm.s32 $0x0  }
.LBB2_4:
0x12: {  	s11 =	sadd.s32 s10, s6  }
0x13: {  	[tilespmem:s2], [sflag:$0x1] =	stream.linear.gather [hbm4b:s11+s2], $0x180, $0x38;
	[tilespmem:$0x2980] =	vst v63  }
0x14: {  	_ =	swait.ge [sflag:s7], $0x180  }
0x15: {  	[sflag:s7] =	ssyncset.done $0x0  }
0x16: {  	[sflag:s7] =	ssyncadd.s32 $0xFFFFFE80  }
0x17: {  	v1 =	vld [tilespmem:$0x80];
	_ =	sdelay $0x2  }
0x18: {  	v2 =	vld [tilespmem:$0x100];
	_ =	sdelay $0x4  }
0x19: {  	[tilespmem:v1+s8+$0x0] =	vst.idx.add.f32.msk $0xffff, v2  }
0x1a: {  	v1 =	vld [tilespmem:$0x90];
	_ =	sdelay $0x2  }
0x1b: {  	v2 =	vld [tilespmem:$0x110];
	_ =	sdelay $0x4  }
0x1c: {  	[tilespmem:v1+s8+$0x0] =	vst.idx.add.f32.msk $0xffff, v2  }
0x1d: {  	v1 =	vld [tilespmem:$0xA0];
	_ =	sdelay $0x2  }
0x1e: {  	v2 =	vld [tilespmem:$0x120];
	_ =	sdelay $0x4  }
0x1f: {  	[tilespmem:v1+s8+$0x0] =	vst.idx.add.f32.msk $0xffff, v2  }
0x20: {  	v1 =	vld [tilespmem:$0xB0];
	_ =	sdelay $0x2  }
0x21: {  	v2 =	vld [tilespmem:$0x130];
	_ =	sdelay $0x4  }
0x22: {  	[tilespmem:v1+s8+$0x0] =	vst.idx.add.f32.msk $0xffff, v2  }
0x23: {  	v1 =	vld [tilespmem:$0xC0];
	_ =	sdelay $0x2  }
0x24: {  	v2 =	vld [tilespmem:$0x140];
	_ =	sdelay $0x4  }
0x25: {  	[tilespmem:v1+s8+$0x0] =	vst.idx.add.f32.msk $0xffff, v2  }
0x26: {  	v1 =	vld [tilespmem:$0xD0];
	_ =	sdelay $0x2  }
0x27: {  	v2 =	vld [tilespmem:$0x150];
	_ =	sdelay $0x4  }
0x28: {  	[tilespmem:v1+s8+$0x0] =	vst.idx.add.f32.msk $0xffff, v2  }
0x29: {  	v1 =	vld [tilespmem:$0xE0];
	_ =	sdelay $0x2  }
0x2a: {  	v2 =	vld [tilespmem:$0x160];
	_ =	sdelay $0x4  }
0x2b: {  	[tilespmem:v1+s8+$0x0] =	vst.idx.add.f32.msk $0xffff, v2  }
0x2c: {  	v1 =	vld [tilespmem:$0xF0];
	_ =	sdelay $0x2  }
0x2d: {  	p1 =	sne.s32 s10, $0x1340;
	v2 =	vld [tilespmem:$0x170]  }
.Ltmp1:
0x2e: {  	_ = 	snop;
	(pc) =	sbr.rel @p1 .LBB2_4-.Ltmp1, $2  }
0x2f: {  	_ =	sdelay $0x2  }
0x30: {  	s10 =	sadd.s32 $0x40, s10;
	[tilespmem:v1+s8+$0x0] =	vst.idx.add.f32.msk $0xffff, v2  }
0x31: {  	s10 =	simm.s32 @!p0 $0x0  }
0x32: {  	[tilespmem:s10], [sflag:$0x1] =	stream.linear.gather @!p0 [hbm4b:s3+s10], $0x180, $0x38;
	[tilespmem:$0x2980] =	vst v63  }
0x33: {  	s10 =	simm.s32 @!p0 $0x1  }
0x34: {  	_ =	swait.ge @!p0 [sflag:s10], $0x180  }
0x35: {  	[sflag:s10] =	ssyncset.done @!p0 $0x0  }
0x36: {  	[sflag:s10] =	ssyncadd.s32 @!p0 $0xFFFFFE80  }
0x37: {  	v1 =	vld @!p0 [tilespmem:$0x80];
	_ =	sdelay $0x2  }
0x38: {  	v2 =	vld @!p0 [tilespmem:$0x100];
	_ =	sdelay $0x3  }
0x39: {  	s10 =	simm.s32 @!p0 $0x200  }
0x3a: {  	[tilespmem:v1+s10+$0x0] =	vst.idx.add.f32.msk @!p0 $0xffff, v2  }
0x3b: {  	v1 =	vld @!p0 [tilespmem:$0x90];
	_ =	sdelay $0x2  }
0x3c: {  	v2 =	vld @!p0 [tilespmem:$0x110];
	_ =	sdelay $0x4  }
0x3d: {  	[tilespmem:v1+s10+$0x0] =	vst.idx.add.f32.msk @!p0 $0xffff, v2  }
0x3e: {  	v1 =	vld @!p0 [tilespmem:$0xA0];
	_ =	sdelay $0x2  }
0x3f: {  	v2 =	vld @!p0 [tilespmem:$0x120];
	_ =	sdelay $0x4  }
0x40: {  	[tilespmem:v1+s10+$0x0] =	vst.idx.add.f32.msk @!p0 $0xffff, v2  }
0x41: {  	v1 =	vld @!p0 [tilespmem:$0xB0];
	_ =	sdelay $0x2  }
0x42: {  	v2 =	vld @!p0 [tilespmem:$0x130];
	_ =	sdelay $0x4  }
0x43: {  	[tilespmem:v1+s10+$0x0] =	vst.idx.add.f32.msk @!p0 $0xffff, v2  }
0x44: {  	v1 =	vld @!p0 [tilespmem:$0xC0];
	_ =	sdelay $0x2  }
0x45: {  	v2 =	vld @!p0 [tilespmem:$0x140];
	_ =	sdelay $0x4  }
0x46: {  	[tilespmem:v1+s10+$0x0] =	vst.idx.add.f32.msk @!p0 $0xffff, v2  }
0x47: {  	v1 =	vld @!p0 [tilespmem:$0xD0];
	_ =	sdelay $0x2  }
0x48: {  	v2 =	vld @!p0 [tilespmem:$0x150];
	_ =	sdelay $0x4  }
0x49: {  	[tilespmem:v1+s10+$0x0] =	vst.idx.add.f32.msk @!p0 $0xffff, v2  }
0x4a: {  	v1 =	vld @!p0 [tilespmem:$0xE0];
	_ =	sdelay $0x2  }
0x4b: {  	v2 =	vld @!p0 [tilespmem:$0x160];
	_ =	sdelay $0x4  }
0x4c: {  	[tilespmem:v1+s10+$0x0] =	vst.idx.add.f32.msk @!p0 $0xffff, v2  }
0x4d: {  	v1 =	vld @!p0 [tilespmem:$0xF0];
	_ =	sdelay $0x2  }
0x4e: {  	v2 =	vld @!p0 [tilespmem:$0x170];
	_ =	sdelay $0x2  }
0x4f: {  	s9 =	sadd.s32 $0x1, s9  }
0x50: {  	p1 =	sne.s32 s9, s5  }
.Ltmp2:
0x51: {  	[tilespmem:v1+s10+$0x0] =	vst.idx.add.f32.msk @!p0 $0xffff, v2;
	(pc) =	sbr.rel @p1 .LBB2_1-.Ltmp2, $4  }
0x52: {  	[hbm4b:s4+s2] =	stream.linear.scatter [tilespmem:s8], [sflag:$0x1], $0x2710, $0x38;
	[tilespmem:$0x2980] =	vst v63  }
0x53: {  	_ =	swait.ge [sflag:s7], $0x2710  }
0x54: {  	[sflag:s7] =	ssyncset.done $0x0  }
0x55: {  	[sflag:s7] =	ssyncadd.s32 $0xFFFFD8F0  }
0x56: {  	_ =	sfence.sel $0x180000  }
0x57: {  	[bflag:$0x0] =	sbarrier.arrive $0xFFFF  }
0x58: {  	p0 =	sne.s32 s0, $0x0;
	_ =	strace $0x90000047  }
0x59: {  	s0 =	sadd.s32 @!p0 $0x100000, s1;
	[bflag:$0x2] =	sbarrier.arrive $0xFFFF  }
0x5a: {  	[sflag:s0] =	ssyncadd.tile.s32 @!p0 $0x1;
	_ =	shalt  }
.Lfunc_end2:
_tile_overlayer_lowered:
.L_overlay_start_2:
0x5b: {  	(tag) =	ssettag $0x2  }
0x5c: {  	s0 =	rddreg [dreg:$0x0];
	s2 =	stileid.u32  }
0x5d: {  	s1 =	rddreg [dreg:$0x1];
	p0 =	sne.s32 s2, $0x0  }
0x5e: {  	s3 =	rddreg [dreg:$0x2];
	[bflag:$0x3] =	sbarrier.arrive $0xFFFF;
	s2 =	simm.s32 @!p0 $0x1C01  }
0x5f: {  	[timem:s3], [sflag:s2] =	dma.local @!p0 [hbm:s0], s1  }
0x60: {  	s0 =	simm.s32 @!p0 $0x1  }
0x61: {  	_ =	swait.ge @!p0 [sflag:s0], s1  }
0x62: {  	s1 =	ssub.s32 @!p0 $0x0, s1;
	[sflag:s0] =	ssyncset.done @!p0 $0x0  }
0x63: {  	[sflag:s0] =	ssyncadd.s32 @!p0 s1  }
0x64: {  	[bflag:$0x3] =	sbarrier.arrive $0xFFFF  }
0x65: {  	_ =	shalt  }

// kernel: kernel.13.cloned.1.call-start
scs
__scs_entry_jumppad:
0x0: {  	(pc) =	sbr.rel $0x88, $3  }
0x1: {  	(tag) =	ssettag $0x0;
	lr =	simm.s32 $0x1  }
0x2: {  	[smem:$0x3F99] =	sst lr;
	_ =	strace $0xD0000000  }
0x3: {  	_ = 	snop  }
0x4: {  	_ = 	snop  }
0x5: {  	_ = 	snop  }
0x6: {  	_ = 	snop  }
0x7: {  	_ = 	snop  }
__scs_overlays_trampoline_lowered:
0x8: {  	[smem:$0x3FA8] =	sst s0  }
0x9: {  	[smem:$0x3FA9] =	sst s1  }
0xa: {  	[smem:$0x3FAA] =	sst s2  }
0xb: {  	[smem:$0x3FAB] =	sst s3  }
0xc: {  	[smem:$0x3FAC] =	sst s4  }
0xd: {  	[smem:$0x3FAD] =	sst s5  }
0xe: {  	[smem:$0x3FAE] =	sst s6  }
0xf: {  	[smem:$0x3FAF] =	sst s7  }
0x10: {  	[smem:$0x3FB0] =	sst s8  }
0x11: {  	[smem:$0x3FB1] =	sst s9;
	s0 =	simm.s32 @!p0 $0x0  }
0x12: {  	s1 =	sld [smem:$0x3F97];
	s0 =	simm.s32 @p0 $0x1  }
0x13: {  	[smem:$0x3FB2] =	sst s0;
	s0 =	simm.s32 @!p1 $0x0  }
0x14: {  	s2 =	sld [smem:$0x3F96];
	s0 =	simm.s32 @p1 $0x1  }
0x15: {  	[smem:$0x3FB3] =	sst s0;
	s0 =	simm.s32 @!p2 $0x0  }
0x16: {  	s3 =	sld [smem:$0x3FDB];
	s0 =	simm.s32 @p2 $0x1  }
0x17: {  	s4 =	simm.s32 $0x1BF5;
	[smem:$0x3FB5] =	sst s0  }
0x18: {  	s0 =	sld [smem:$0x3F98];
	_ =	swait.ge [sflag:s4], $0x0  }
0x19: {  	s7 =	sld [smem:$0x3F99]  }
0x1a: {  	s8 =	sadd.s32 $0xFFFFE003, lr  }
0x1b: {  	s9 =	sadd.s32 $0xFFFFFEF7, lr;
	s5 =	simm.s32 $0xFFFFFFFF;
	p2 =	slt.u32 s8, $0xFFFFF086  }
0x1c: {  	p1 =	slt.u32 s9, $0xF7A;
	s5 =	simm.s32 @!p2 $0x0  }
0x1d: {  	s5 =	simm.s32 @p1 $0x1;
	p0 =	seq.s32 s7, s2  }
0x1e: {  	s7 =	smul.u32 @!p0 $0xF7A, s2;
	p2 =	seq.s32 @!p0 s5, $0x0  }
0x1f: {  	s9 =	smul.u32 $0xF7A, s1;
	s8 =	simm.s32 @!p0 $0x1BF5;
	p2 =	por !p2, p0  }
0x20: {  	[sflag:s8] =	ssyncset.s32 @!p0 $0xFFFFF086;
	s6 =	sadd.s32 @!p0 s3, s7;
	s7 =	simm.s32 @!p0 $0x108  }
0x21: {  	s3 =	sadd.s32 s3, s9;
	s6 =	sadd.s32 @!p0 $0x88, s6;
	s7 =	simm.s32 @p2 $0x1082  }
0x22: {  	[simem:s7], [sflag:s8] =	dma.local @!p0 [hbm:s6], $0xF7A  }
0x23: {  	s9 =	sor.u32 $0xD0000000, s2;
	s6 =	simm.s32 $0x108;
	_ =	swait.ge @!p0 [sflag:s8], $0x0  }
0x24: {  	s3 =	sadd.s32 $0x88, s3;
	s6 =	simm.s32 @!p1 $0x1082;
	[sflag:s4] =	ssyncset.s32 $0xFFFFF086  }
0x25: {  	[simem:s6], [sflag:s4] =	dma.local [hbm:s3], $0xF7A  }
0x26: {  	[smem:$0x3F99] =	sst s1;
	(tag) =	ssettag s2;
	_ =	strace s9  }
0x27: {  	s1 =	sld [smem:$0x3FA9]  }
0x28: {  	s2 =	sld [smem:$0x3FAA]  }
0x29: {  	s4 =	sld [smem:$0x3FAC]  }
0x2a: {  	p0 =	seq.s32 s5, $0x0;
	s5 =	sld [smem:$0x3FAD]  }
0x2b: {  	s6 =	sld [smem:$0x3FAE]  }
0x2c: {  	s7 =	sld [smem:$0x3FAF]  }
0x2d: {  	s3 =	simm.s32 $0x108;
	s8 =	sld [smem:$0x3FB0]  }
0x2e: {  	s3 =	simm.s32 @!p0 $0x1082;
	s9 =	sld [smem:$0x3FB1]  }
0x2f: {  	lr =	sadd.s32 s0, s3;
	s0 =	sld [smem:$0x3FA8]  }
0x30: {  	s3 =	sld [smem:$0x3FAB]  }
0x31: {  	[smem:$0x3FB4] =	sst s10  }
0x32: {  	s10 =	sld [smem:$0x3FB2];
	_ =	sdelay $0x3  }
0x33: {  	p0 =	seq.s32 s10, $0x1;
	s10 =	sld [smem:$0x3FB4];
	_ =	sdelay $0x3  }
0x34: {  	[smem:$0x3FB4] =	sst s10  }
0x35: {  	s10 =	sld [smem:$0x3FB3];
	_ =	sdelay $0x3  }
0x36: {  	p1 =	seq.s32 s10, $0x1;
	s10 =	sld [smem:$0x3FB4];
	_ =	sdelay $0x3  }
0x37: {  	[smem:$0x3FB4] =	sst s10  }
0x38: {  	s10 =	sld [smem:$0x3FB5]  }
0x39: {  	_ = 	snop;
	(pc) =	sbr.ind lr, $3  }
0x3a: {  	_ = 	snop  }
0x3b: {  	_ = 	snop  }
0x3c: {  	p2 =	seq.s32 s10, $0x1;
	s10 =	sld [smem:$0x3FB4]  }
0x3d: {  	_ =	shalt  }
0x3e: {  	_ =	shalt  }
0x3f: {  	_ =	shalt  }
0x40: {  	_ =	shalt  }
0x41: {  	_ =	shalt  }
0x42: {  	_ =	shalt  }
0x43: {  	_ =	shalt  }
0x44: {  	_ =	shalt  }
0x45: {  	_ =	shalt  }
0x46: {  	_ =	shalt  }
0x47: {  	_ =	shalt  }
0x48: {  	_ =	shalt  }
0x49: {  	_ =	shalt  }
0x4a: {  	_ =	shalt  }
0x4b: {  	_ =	shalt  }
0x4c: {  	_ =	shalt  }
0x4d: {  	_ =	shalt  }
0x4e: {  	_ =	shalt  }
0x4f: {  	_ =	shalt  }
0x50: {  	_ =	shalt  }
0x51: {  	_ =	shalt  }
0x52: {  	_ =	shalt  }
0x53: {  	_ =	shalt  }
0x54: {  	_ =	shalt  }
0x55: {  	_ =	shalt  }
0x56: {  	_ =	shalt  }
0x57: {  	_ =	shalt  }
0x58: {  	_ =	shalt  }
0x59: {  	_ =	shalt  }
0x5a: {  	_ =	shalt  }
0x5b: {  	_ =	shalt  }
0x5c: {  	_ =	shalt  }
0x5d: {  	_ =	shalt  }
0x5e: {  	_ =	shalt  }
0x5f: {  	_ =	shalt  }
0x60: {  	_ =	shalt  }
0x61: {  	_ =	shalt  }
0x62: {  	_ =	shalt  }
0x63: {  	_ =	shalt  }
0x64: {  	_ =	shalt  }
0x65: {  	_ =	shalt  }
0x66: {  	_ =	shalt  }
0x67: {  	_ =	shalt  }
0x68: {  	_ =	shalt  }
0x69: {  	_ =	shalt  }
0x6a: {  	_ =	shalt  }
0x6b: {  	_ =	shalt  }
0x6c: {  	_ =	shalt  }
0x6d: {  	_ =	shalt  }
0x6e: {  	_ =	shalt  }
0x6f: {  	_ =	shalt  }
0x70: {  	_ =	shalt  }
0x71: {  	_ =	shalt  }
0x72: {  	_ =	shalt  }
0x73: {  	_ =	shalt  }
0x74: {  	_ =	shalt  }
0x75: {  	_ =	shalt  }
0x76: {  	_ =	shalt  }
0x77: {  	_ =	shalt  }
0x78: {  	_ =	shalt  }
0x79: {  	_ =	shalt  }
0x7a: {  	_ =	shalt  }
0x7b: {  	_ =	shalt  }
0x7c: {  	_ =	shalt  }
0x7d: {  	_ =	shalt  }
0x7e: {  	_ =	shalt  }
0x7f: {  	_ =	shalt  }
0x80: {  	_ =	shalt  }
0x81: {  	_ =	shalt  }
0x82: {  	_ =	shalt  }
0x83: {  	_ =	shalt  }
0x84: {  	_ =	shalt  }
0x85: {  	_ =	shalt  }
0x86: {  	_ =	shalt  }
0x87: {  	_ =	shalt  }
.Lfunc_end0:
.L_simem_size_0:
called_computation.1_lowered:
.L_overlay_start_0:
0x88: {  	s2 =	sld [smem:$0x3FD9]  }
0x89: {  	s3 =	sld [smem:$0x3FFE];
	_ =	sdelay $0x1  }
0x8a: {  	s1 =	srdreg.scid  }
0x8b: {  	s0 =	sand.u32 $0x1, s1  }
0x8c: {  	s17 =	sshll.u32 s0, $0xA;
	s2 =	sadd.s32 s3, s2  }
0x8d: {  	s2 =	sadd.s32 s2, s17  }
0x8e: {  	[smem:$0x3FC0] =	sst s2  }
0x8f: {  	_ = 	snop  }
0x90: {  	s18 =	sld [smem:$0x3FC6];
	(tm) =	ssettm $0x1  }
0x91: {  	s19 =	sld [smem:$0x3FFB];
	_ =	sdelay $0x3  }
0x92: {  	_ =	strace s19  }
0x93: {  	s2 =	sld [smem:$0x3FFC];
	_ =	sdelay $0x3  }
0x94: {  	_ =	strace s2  }
0x95: {  	s2 =	sld [smem:$0x3FFD];
	_ =	sdelay $0x3  }
0x96: {  	_ =	strace s2  }
0x97: {  	_ =	strace $0x8FFFFFFF  }
0x98: {  	s20 =	sld [smem:$0x3FDB];
	_ =	sdelay $0x1  }
0x99: {  	s4 =	simm.s32 $_scs_section_size  }
0x9a: {  	s5 =	simm.s32 $_size__tile_overlayer_lowered;
	s6 =	simm.s32 $_tile_overlayer_lowered  }
0x9b: {  	s7 =	simm.s32 $0x1BFF;
	s21 =	sshll.u32 s6, $0x1;
	s4 =	sadd.s32 s4, s20  }
0x9c: {  	s22 =	simm.s32 $0x0;
	s5 =	sshll.u32 s5, $0x1;
	s6 =	sadd.s32 s21, s4  }
0x9d: {  	[timem:s22], [sflag:s7] =	dma.local [hbm:s6], s5  }
0x9e: {  	_ =	swait.ge [sflag:s7], s5  }
0x9f: {  	s5 =	ssub.s32 $0x0, s5;
	[sflag:s7] =	ssyncset.done $0x0  }
0xa0: {  	[sflag:s7] =	ssyncadd.s32 s5;
	_ =	sdelay $0x1  }
0xa1: {  	s23 =	simm.s32 $0x1B8B  }
0xa2: {  	_ =	swait.ge [sflag:s23], $0x1  }
0xa3: {  	[sflag:s23] =	ssyncset.done $0x0  }
0xa4: {  	[sflag:s23] =	ssyncadd.s32 $0xFFFFFFFF  }
0xa5: {  	s5 =	sld [smem:$0x0]  }
0xa6: {  	s6 =	sand.u32 $0xFFFFFFFE, s1  }
0xa7: {  	p0 =	sne.s32 s1, s6  }
0xa8: {  	s6 =	sshll.u32 @p0 s6, $0xE  }
0xa9: {  	s6 =	sadd.s32 @p0 $0x11B8D, s6;
	s7 =	sshll.u32 @p0 s5, $0x11  }
0xaa: {  	s6 =	sor.u32 @p0 s7, s6  }
0xab: {  	[sflag:s6] =	ssyncadd.remote.s32 @p0 $0x1;
	_ =	sdelay $0x1  }
0xac: {  	s6 =	simm.s32 @p0 $0x1B8D  }
0xad: {  	_ =	swait.eq @p0 [sflag:s6], $0x1  }
0xae: {  	[sflag:s6] =	ssyncadd.s32 @p0 $0xFFFFFFFF  }
0xaf: {  	s7 =	sshll.u32 @!p0 s1, $0xE  }
0xb0: {  	s7 =	sor.u32 @!p0 $0x4000, s7;
	s6 =	simm.s32 @!p0 $0x1B8D  }
0xb1: {  	s5 =	sshll.u32 @!p0 s5, $0x11;
	s7 =	sadd.s32 @!p0 $0x11B8D, s7;
	_ =	swait.eq @!p0 [sflag:s6], $0x1  }
0xb2: {  	s5 =	sor.u32 @!p0 s5, s7;
	[sflag:s6] =	ssyncadd.s32 @!p0 $0xFFFFFFFF  }
0xb3: {  	s25 =	simm.s32 $0x1B8E;
	s24 =	sld [smem:$0x3FFE];
	[sflag:s5] =	ssyncadd.remote.s32 @!p0 $0x1  }
0xb4: {  	s26 =	simm.s32 $execute0_lowered;
	[smem:$0x3FD2] =	sst s25  }
0xb5: {  	s6 =	sshll.u32 s26, $0x1;
	_ =	strace $0x80000049;
	[dreg:$0x1] =	wrdreg $0xFFFFFFFF  }
0xb6: {  	s28 =	simm.s32 $_size_execute0_lowered;
	s4 =	sadd.s32 s4, s6;
	[dreg:$0x0] =	wrdreg $0x0  }
0xb7: {  	s6 =	sshll.u32 s28, $0x1;
	[dreg:$0x2] =	wrdreg s4  }
0xb8: {  	[dreg:$0x3] =	wrdreg s6  }
0xb9: {  	[dreg:$0x4] =	wrdreg $0xC0  }
0xba: {  	_ =	task [dreg:s22], $0x5FFFF  }
0xbb: {  	[dreg:$0x1] =	wrdreg $0xFFFFFFFF  }
0xbc: {  	[dreg:$0x0] =	wrdreg $0x60  }
0xbd: {  	[dreg:$0x2] =	wrdreg s18  }
0xbe: {  	[dreg:$0x3] =	wrdreg s24  }
0xbf: {  	[dreg:$0x4] =	wrdreg $0xA  }
0xc0: {  	_ =	task.clear_ibuf [dreg:s22], $0x5FFFF;
	_ =	strace $0x90000049  }
0xc1: {  	s29 =	simm.s32 $0xA;
	_ =	strace $0x8000004B  }
0xc2: {  	_ =	swait.ge [sflag:s29], $0x1  }
0xc3: {  	[sflag:s29] =	ssyncadd.s32 $0xFFFFFFFF  }
0xc4: {  	_ =	strace $0x9000004B  }
0xc5: {  	_ =	sfence  }
0xc6: {  	s30 =	sld [smem:$0x0];
	_ =	sdelay $0x2  }
0xc7: {  	s31 =	sshll.u32 s1, $0xD;
	s1 =	sshrl.u32 s1, $0x2  }
0xc8: {  	s4 =	sand.u32 $0x4000, s31;
	s1 =	sadd.s32 s1, s30  }
0xc9: {  	s0 =	sor.u32 s4, s0;
	s1 =	sshll.u32 s1, $0x11  }
0xca: {  	s0 =	sor.u32 s1, s0  }
0xcb: {  	s0 =	sadd.s32 $0x8F2B, s0  }
0xcc: {  	[sflag:s0] =	ssyncadd.remote.s32 $0x1  }
0xcd: {  	_ =	sfence.sel $0xFFFF  }
0xce: {  	[dreg:$0x0] =	wrdreg $0xFFFFFFFF;
	(pc) =	sbr.abs _section_cstart, $3  }
0xcf: {  	[dreg:$0x1] =	wrdreg $0xFFFFFFFF  }
0xd0: {  	_ =	task.clear_ibuf [dreg:s22], $0x2FFFF;
	_ =	strace $0x9FFFFFFF  }
0xd1: {  	(tm) =	ssettm $0x7FFFFFFF  }
tec
execute0_lowered:
.L_overlay_start_1:
0x0: {  	(tag) =	ssettag $0x1  }
0x1: {  	s1 =	rddreg [dreg:$0x0]  }
0x2: {  	s5 =	rddreg [dreg:$0x1]  }
0x3: {  	s0 =	rddreg [dreg:$0x2]  }
0x4: {  	s3 =	simm.s32 $0x0;
	s4 =	srdreg.scid;
	s2 =	stileid.u32  }
0x5: {  	s11 =	simm.s32 $0x1;
	s12 =	simm.s32 $0x0;
	[smem:$0x7FF] =	sst s3  }
0x6: {  	s7 =	sand.u32 $0x1, s4;
	s4 =	sadd.s32 $0xF800, s5;
	s8 =	sshll.u32 s2, $0x1  }
0x7: {  	s9 =	sshll.u32 s2, $0xC;
	s30 =	sshll.u32 s2, $0x8;
	_ =	strace $0x8000004A  }
0x8: {  	s6 =	ssub.s32 $0x2, s7;
	s8 =	sor.u32 s8, s7;
	s9 =	sadd.s32 s9, s5  }
0x9: {  	s29 =	sshll.u32 s7, $0xB;
	s31 =	sshll.u32 s7, $0x7;
	s10 =	sshrl.u32 s6, $0x1  }
0xa: {  	s28 =	ssub.s32 $0x290, s8;
	s8 =	sadd.s32 s29, s9;
	s9 =	simm.s32 $0x2  }
0xb: {  	s26 =	ssub.s32 s6, s10;
	s6 =	sshrl.u32 s28, $0x5;
	s7 =	sadd.s32 $0x12000, s8  }
0xc: {  	s8 =	sor.u32 s31, s30;
	s10 =	simm.s32 $0x80;
	s5 =	smax.u32 s26, $0x1  }
.LBB2_1:
0xd: {  	p1 =	sne.s32 s6, $0x1  }
.Ltmp0:
0xe: {  	_ = 	snop;
	(pc) =	sbr.rel @!p1 .LBB2_2-.Ltmp0, $2  }
0xf: {  	_ =	sdelay $0x2  }
0x10: {  	s13 =	sadd.s32 $0xFFFFFFFF, s6;
	s16 =	sshrl.u32 s8, $0x3;
	p0 =	por $0x0, $0x0  }
0x11: {  	s14 =	sadd.s32 s4, s16  }
0x12: {  	[tilespmem:s3], [sflag:$0x2] =	stream.linear.gather [hbm4b:s14+s3], $0x80, $0x38;
	[tilespmem:$0x4080] =	vst v63  }
0x13: {  	_ =	swait.ge [sflag:s9], $0x80  }
0x14: {  	[sflag:s9] =	ssyncset.done $0x0  }
0x15: {  	[sflag:s9] =	ssyncadd.s32 $0xFFFFFF80  }
0x16: {  	[tilespmem:s10], [sflag:$0x1] =	stream.indirect.gather [hbm4b:s1+s10], $0x80, s3, s10, $0xb8;
	[tilespmem:$0x4080] =	vst v63  }
0x17: {  	p1 =	sne.s32 s13, $0x1;
	_ =	swait.ge [sflag:s11], $0x4000  }
.Ltmp1:
0x18: {  	[sflag:s11] =	ssyncset.done $0x0;
	(pc) =	sbr.rel @!p1 .LBB2_4-.Ltmp1, $4  }
0x19: {  	s15 =	sadd.s32 $0x1000, s8;
	[sflag:s11] =	ssyncadd.s32 $0xFFFFC000  }
0x1a: {  	[hbm4b:s7+s3] =	stream.linear.scatter [tilespmem:s10], [sflag:$0x2], $0x4000, $0x38;
	[tilespmem:$0x4080] =	vst v63  }
0x1b: {  	p0 =	por $0x1, $0x1;
	s14 =	sadd.s32 $0xFFFFFFFF, s13;
	_ =	swait.ge [sflag:s9], $0x4000  }
0x1c: {  	s16 =	sshrl.u32 s15, $0x3;
	s13 =	smov.u32 s7;
	[sflag:s9] =	ssyncset.done $0x0  }
.LBB2_5:
0x1d: {  	s16 =	sadd.s32 s4, s16;
	[sflag:s9] =	ssyncadd.s32 $0xFFFFC000;
	s13 =	sadd.s32 $0x10000, s13  }
0x1e: {  	[tilespmem:s3], [sflag:$0x2] =	stream.linear.gather [hbm4b:s16+s3], $0x80, $0x38;
	[tilespmem:$0x4080] =	vst v63  }
0x1f: {  	p1 =	sne.s32 s14, $0x1;
	s14 =	sadd.s32 $0xFFFFFFFF, s14;
	_ =	swait.ge [sflag:s9], $0x80  }
0x20: {  	[sflag:s9] =	ssyncset.done $0x0  }
0x21: {  	[sflag:s9] =	ssyncadd.s32 $0xFFFFFF80  }
0x22: {  	[tilespmem:s10], [sflag:$0x1] =	stream.indirect.gather [hbm4b:s1+s10], $0x80, s3, s10, $0xb8;
	[tilespmem:$0x4080] =	vst v63  }
0x23: {  	_ =	swait.ge [sflag:s11], $0x4000  }
.Ltmp2:
0x24: {  	[sflag:s11] =	ssyncset.done $0x0;
	(pc) =	sbr.rel @p1 .LBB2_5-.Ltmp2, $4  }
0x25: {  	[sflag:s11] =	ssyncadd.s32 $0xFFFFC000  }
0x26: {  	[hbm4b:s13+s3] =	stream.linear.scatter [tilespmem:s10], [sflag:$0x2], $0x4000, $0x38;
	[tilespmem:$0x4080] =	vst v63  }
0x27: {  	s15 =	sadd.s32 $0x1000, s15;
	_ =	swait.ge [sflag:s9], $0x4000  }
0x28: {  	s16 =	sshrl.u32 s15, $0x3;
	[sflag:s9] =	ssyncset.done $0x0  }
.LBB2_6:
0x29: {  	s14 =	sadd.s32 s4, s16;
	[sflag:s9] =	ssyncadd.s32 @p0 $0xFFFFC000  }
0x2a: {  	[tilespmem:s3], [sflag:$0x2] =	stream.linear.gather [hbm4b:s14+s3], $0x80, $0x38;
	[tilespmem:$0x4080] =	vst v63  }
0x2b: {  	_ =	swait.ge [sflag:s9], $0x80  }
0x2c: {  	[sflag:s9] =	ssyncset.done $0x0  }
0x2d: {  	[sflag:s9] =	ssyncadd.s32 $0xFFFFFF80  }
0x2e: {  	[tilespmem:s10], [sflag:$0x1] =	stream.indirect.gather [hbm4b:s1+s10], $0x80, s3, s10, $0xb8;
	[tilespmem:$0x4080] =	vst v63  }
0x2f: {  	s13 =	sadd.s32 @p0 $0x10000, s13;
	_ =	swait.ge [sflag:s11], $0x4000  }
0x30: {  	s12 =	sadd.s32 $0x1, s12;
	s14 =	smov.u32 s7;
	[sflag:s11] =	ssyncset.done $0x0  }
0x31: {  	s14 =	smov.u32 @p0 s13;
	p0 =	sne.s32 s12, s5;
	[sflag:s11] =	ssyncadd.s32 $0xFFFFC000  }
0x32: {  	[hbm4b:s14+s3] =	stream.linear.scatter [tilespmem:s10], [sflag:$0x2], $0x4000, $0x38;
	[tilespmem:$0x4080] =	vst v63  }
.Ltmp3:
0x33: {  	_ = 	snop;
	(pc) =	sbr.rel @p0 .LBB2_1-.Ltmp3, $4  }
.Ltmp4:
0x34: {  	_ = 	snop;
	(pc) =	sbr.rel @!p0 .LBB2_7-.Ltmp4, $4  }
0x35: {  	_ =	swait.ge [sflag:s9], $0x4000  }
0x36: {  	[sflag:s9] =	ssyncset.done $0x0  }
0x37: {  	[sflag:s9] =	ssyncadd.s32 $0xFFFFC000  }
0x38: {  	_ = 	snop  }
.LBB2_2:
.Ltmp5:
0x39: {  	(pc) =	sbr.rel .LBB2_6-.Ltmp5, $2  }
0x3a: {  	_ =	sdelay $0x2  }
0x3b: {  	s13 =	smov.u32 s7  }
.LBB2_4:
.Ltmp6:
0x3c: {  	(pc) =	sbr.rel .LBB2_6-.Ltmp6, $2  }
0x3d: {  	_ =	sdelay $0x2  }
0x3e: {  	s13 =	smov.u32 s7  }
.LBB2_7:
0x3f: {  	_ =	sfence.sel $0x180000  }
0x40: {  	[bflag:$0x0] =	sbarrier.arrive $0xFFFF  }
0x41: {  	p0 =	sne.s32 s2, $0x0;
	_ =	strace $0x9000004A  }
0x42: {  	s0 =	sadd.s32 @!p0 $0x100000, s0;
	[bflag:$0x2] =	sbarrier.arrive $0xFFFF  }
0x43: {  	[sflag:s0] =	ssyncadd.tile.s32 @!p0 $0x1;
	_ =	shalt  }
.Lfunc_end2:
_tile_overlayer_lowered:
.L_overlay_start_2:
0x44: {  	(tag) =	ssettag $0x2  }
0x45: {  	s0 =	rddreg [dreg:$0x0];
	s2 =	stileid.u32  }
0x46: {  	s1 =	rddreg [dreg:$0x1];
	p0 =	sne.s32 s2, $0x0  }
0x47: {  	s3 =	rddreg [dreg:$0x2];
	[bflag:$0x3] =	sbarrier.arrive $0xFFFF;
	s2 =	simm.s32 @!p0 $0x1C02  }
0x48: {  	[timem:s3], [sflag:s2] =	dma.local @!p0 [hbm:s0], s1  }
0x49: {  	s0 =	simm.s32 @!p0 $0x2  }
0x4a: {  	_ =	swait.ge @!p0 [sflag:s0], s1  }
0x4b: {  	s1 =	ssub.s32 @!p0 $0x0, s1;
	[sflag:s0] =	ssyncset.done @!p0 $0x0  }
0x4c: {  	[sflag:s0] =	ssyncadd.s32 @!p0 s1  }
0x4d: {  	[bflag:$0x3] =	sbarrier.arrive $0xFFFF  }
0x4e: {  	_ =	shalt  }

// kernel: kernel.16.cloned.1.call-start
scs
__scs_entry_jumppad:
0x0: {  	(pc) =	sbr.rel $0x88, $3  }
0x1: {  	(tag) =	ssettag $0x0;
	lr =	simm.s32 $0x1  }
0x2: {  	[smem:$0x3F99] =	sst lr;
	_ =	strace $0xD0000000  }
0x3: {  	_ = 	snop  }
0x4: {  	_ = 	snop  }
0x5: {  	_ = 	snop  }
0x6: {  	_ = 	snop  }
0x7: {  	_ = 	snop  }
__scs_overlays_trampoline_lowered:
0x8: {  	[smem:$0x3FA8] =	sst s0  }
0x9: {  	[smem:$0x3FA9] =	sst s1  }
0xa: {  	[smem:$0x3FAA] =	sst s2  }
0xb: {  	[smem:$0x3FAB] =	sst s3  }
0xc: {  	[smem:$0x3FAC] =	sst s4  }
0xd: {  	[smem:$0x3FAD] =	sst s5  }
0xe: {  	[smem:$0x3FAE] =	sst s6  }
0xf: {  	[smem:$0x3FAF] =	sst s7  }
0x10: {  	[smem:$0x3FB0] =	sst s8  }
0x11: {  	[smem:$0x3FB1] =	sst s9;
	s0 =	simm.s32 @!p0 $0x0  }
0x12: {  	s1 =	sld [smem:$0x3F97];
	s0 =	simm.s32 @p0 $0x1  }
0x13: {  	[smem:$0x3FB2] =	sst s0;
	s0 =	simm.s32 @!p1 $0x0  }
0x14: {  	s2 =	sld [smem:$0x3F96];
	s0 =	simm.s32 @p1 $0x1  }
0x15: {  	[smem:$0x3FB3] =	sst s0;
	s0 =	simm.s32 @!p2 $0x0  }
0x16: {  	s3 =	sld [smem:$0x3FDB];
	s0 =	simm.s32 @p2 $0x1  }
0x17: {  	s4 =	simm.s32 $0x1BF5;
	[smem:$0x3FB5] =	sst s0  }
0x18: {  	s0 =	sld [smem:$0x3F98];
	_ =	swait.ge [sflag:s4], $0x0  }
0x19: {  	s7 =	sld [smem:$0x3F99]  }
0x1a: {  	s8 =	sadd.s32 $0xFFFFE003, lr  }
0x1b: {  	s9 =	sadd.s32 $0xFFFFFEF7, lr;
	s5 =	simm.s32 $0xFFFFFFFF;
	p2 =	slt.u32 s8, $0xFFFFF086  }
0x1c: {  	p1 =	slt.u32 s9, $0xF7A;
	s5 =	simm.s32 @!p2 $0x0  }
0x1d: {  	s5 =	simm.s32 @p1 $0x1;
	p0 =	seq.s32 s7, s2  }
0x1e: {  	s7 =	smul.u32 @!p0 $0xF7A, s2;
	p2 =	seq.s32 @!p0 s5, $0x0  }
0x1f: {  	s9 =	smul.u32 $0xF7A, s1;
	s8 =	simm.s32 @!p0 $0x1BF5;
	p2 =	por !p2, p0  }
0x20: {  	[sflag:s8] =	ssyncset.s32 @!p0 $0xFFFFF086;
	s6 =	sadd.s32 @!p0 s3, s7;
	s7 =	simm.s32 @!p0 $0x108  }
0x21: {  	s3 =	sadd.s32 s3, s9;
	s6 =	sadd.s32 @!p0 $0x88, s6;
	s7 =	simm.s32 @p2 $0x1082  }
0x22: {  	[simem:s7], [sflag:s8] =	dma.local @!p0 [hbm:s6], $0xF7A  }
0x23: {  	s9 =	sor.u32 $0xD0000000, s2;
	s6 =	simm.s32 $0x108;
	_ =	swait.ge @!p0 [sflag:s8], $0x0  }
0x24: {  	s3 =	sadd.s32 $0x88, s3;
	s6 =	simm.s32 @!p1 $0x1082;
	[sflag:s4] =	ssyncset.s32 $0xFFFFF086  }
0x25: {  	[simem:s6], [sflag:s4] =	dma.local [hbm:s3], $0xF7A  }
0x26: {  	[smem:$0x3F99] =	sst s1;
	(tag) =	ssettag s2;
	_ =	strace s9  }
0x27: {  	s1 =	sld [smem:$0x3FA9]  }
0x28: {  	s2 =	sld [smem:$0x3FAA]  }
0x29: {  	s4 =	sld [smem:$0x3FAC]  }
0x2a: {  	p0 =	seq.s32 s5, $0x0;
	s5 =	sld [smem:$0x3FAD]  }
0x2b: {  	s6 =	sld [smem:$0x3FAE]  }
0x2c: {  	s7 =	sld [smem:$0x3FAF]  }
0x2d: {  	s3 =	simm.s32 $0x108;
	s8 =	sld [smem:$0x3FB0]  }
0x2e: {  	s3 =	simm.s32 @!p0 $0x1082;
	s9 =	sld [smem:$0x3FB1]  }
0x2f: {  	lr =	sadd.s32 s0, s3;
	s0 =	sld [smem:$0x3FA8]  }
0x30: {  	s3 =	sld [smem:$0x3FAB]  }
0x31: {  	[smem:$0x3FB4] =	sst s10  }
0x32: {  	s10 =	sld [smem:$0x3FB2];
	_ =	sdelay $0x3  }
0x33: {  	p0 =	seq.s32 s10, $0x1;
	s10 =	sld [smem:$0x3FB4];
	_ =	sdelay $0x3  }
0x34: {  	[smem:$0x3FB4] =	sst s10  }
0x35: {  	s10 =	sld [smem:$0x3FB3];
	_ =	sdelay $0x3  }
0x36: {  	p1 =	seq.s32 s10, $0x1;
	s10 =	sld [smem:$0x3FB4];
	_ =	sdelay $0x3  }
0x37: {  	[smem:$0x3FB4] =	sst s10  }
0x38: {  	s10 =	sld [smem:$0x3FB5]  }
0x39: {  	_ = 	snop;
	(pc) =	sbr.ind lr, $3  }
0x3a: {  	_ = 	snop  }
0x3b: {  	_ = 	snop  }
0x3c: {  	p2 =	seq.s32 s10, $0x1;
	s10 =	sld [smem:$0x3FB4]  }
0x3d: {  	_ =	shalt  }
0x3e: {  	_ =	shalt  }
0x3f: {  	_ =	shalt  }
0x40: {  	_ =	shalt  }
0x41: {  	_ =	shalt  }
0x42: {  	_ =	shalt  }
0x43: {  	_ =	shalt  }
0x44: {  	_ =	shalt  }
0x45: {  	_ =	shalt  }
0x46: {  	_ =	shalt  }
0x47: {  	_ =	shalt  }
0x48: {  	_ =	shalt  }
0x49: {  	_ =	shalt  }
0x4a: {  	_ =	shalt  }
0x4b: {  	_ =	shalt  }
0x4c: {  	_ =	shalt  }
0x4d: {  	_ =	shalt  }
0x4e: {  	_ =	shalt  }
0x4f: {  	_ =	shalt  }
0x50: {  	_ =	shalt  }
0x51: {  	_ =	shalt  }
0x52: {  	_ =	shalt  }
0x53: {  	_ =	shalt  }
0x54: {  	_ =	shalt  }
0x55: {  	_ =	shalt  }
0x56: {  	_ =	shalt  }
0x57: {  	_ =	shalt  }
0x58: {  	_ =	shalt  }
0x59: {  	_ =	shalt  }
0x5a: {  	_ =	shalt  }
0x5b: {  	_ =	shalt  }
0x5c: {  	_ =	shalt  }
0x5d: {  	_ =	shalt  }
0x5e: {  	_ =	shalt  }
0x5f: {  	_ =	shalt  }
0x60: {  	_ =	shalt  }
0x61: {  	_ =	shalt  }
0x62: {  	_ =	shalt  }
0x63: {  	_ =	shalt  }
0x64: {  	_ =	shalt  }
0x65: {  	_ =	shalt  }
0x66: {  	_ =	shalt  }
0x67: {  	_ =	shalt  }
0x68: {  	_ =	shalt  }
0x69: {  	_ =	shalt  }
0x6a: {  	_ =	shalt  }
0x6b: {  	_ =	shalt  }
0x6c: {  	_ =	shalt  }
0x6d: {  	_ =	shalt  }
0x6e: {  	_ =	shalt  }
0x6f: {  	_ =	shalt  }
0x70: {  	_ =	shalt  }
0x71: {  	_ =	shalt  }
0x72: {  	_ =	shalt  }
0x73: {  	_ =	shalt  }
0x74: {  	_ =	shalt  }
0x75: {  	_ =	shalt  }
0x76: {  	_ =	shalt  }
0x77: {  	_ =	shalt  }
0x78: {  	_ =	shalt  }
0x79: {  	_ =	shalt  }
0x7a: {  	_ =	shalt  }
0x7b: {  	_ =	shalt  }
0x7c: {  	_ =	shalt  }
0x7d: {  	_ =	shalt  }
0x7e: {  	_ =	shalt  }
0x7f: {  	_ =	shalt  }
0x80: {  	_ =	shalt  }
0x81: {  	_ =	shalt  }
0x82: {  	_ =	shalt  }
0x83: {  	_ =	shalt  }
0x84: {  	_ =	shalt  }
0x85: {  	_ =	shalt  }
0x86: {  	_ =	shalt  }
0x87: {  	_ =	shalt  }
.Lfunc_end0:
.L_simem_size_0:
called_computation.2_lowered:
.L_overlay_start_0:
0x88: {  	s2 =	sld [smem:$0x3FD9]  }
0x89: {  	s3 =	sld [smem:$0x3FFE];
	_ =	sdelay $0x1  }
0x8a: {  	s1 =	srdreg.scid  }
0x8b: {  	s0 =	sand.u32 $0x1, s1  }
0x8c: {  	s17 =	sshll.u32 s0, $0xA;
	s2 =	sadd.s32 s3, s2  }
0x8d: {  	s2 =	sadd.s32 s2, s17  }
0x8e: {  	[smem:$0x3FC0] =	sst s2  }
0x8f: {  	_ = 	snop  }
0x90: {  	s2 =	sld [smem:$0x3FD0];
	(tm) =	ssettm $0x1  }
0x91: {  	s18 =	sld [smem:$0x3FFB];
	_ =	sdelay $0x3  }
0x92: {  	_ =	strace s18  }
0x93: {  	s3 =	sld [smem:$0x3FFC];
	_ =	sdelay $0x3  }
0x94: {  	_ =	strace s3  }
0x95: {  	s3 =	sld [smem:$0x3FFD];
	_ =	sdelay $0x3  }
0x96: {  	_ =	strace s3  }
0x97: {  	_ =	strace $0x8FFFFFFF  }
0x98: {  	s19 =	sld [smem:$0x3FDB];
	_ =	sdelay $0x1  }
0x99: {  	s4 =	simm.s32 $_scs_section_size  }
0x9a: {  	s5 =	simm.s32 $_size__tile_overlayer_lowered;
	s6 =	simm.s32 $_tile_overlayer_lowered  }
0x9b: {  	s22 =	simm.s32 $0x1BFF;
	s21 =	sshll.u32 s6, $0x1;
	s3 =	sadd.s32 s4, s19  }
0x9c: {  	s7 =	simm.s32 $0x0;
	s20 =	sshll.u32 s5, $0x1;
	s5 =	sadd.s32 s21, s3  }
0x9d: {  	[timem:s7], [sflag:s22] =	dma.local [hbm:s5], s20  }
0x9e: {  	_ =	swait.ge [sflag:s22], s20  }
0x9f: {  	s4 =	ssub.s32 $0x0, s20;
	[sflag:s22] =	ssyncset.done $0x0  }
0xa0: {  	[sflag:s22] =	ssyncadd.s32 s4;
	_ =	sdelay $0x1  }
0xa1: {  	s23 =	simm.s32 $0x1B8B  }
0xa2: {  	_ =	swait.ge [sflag:s23], $0x1  }
0xa3: {  	[sflag:s23] =	ssyncset.done $0x0  }
0xa4: {  	s25 =	simm.s32 $0x1B8E;
	s24 =	sld [smem:$0x3FFE];
	[sflag:s23] =	ssyncadd.s32 $0xFFFFFFFF  }
0xa5: {  	s26 =	simm.s32 $execute0_lowered;
	[smem:$0x3FD2] =	sst s25  }
0xa6: {  	s5 =	sshll.u32 s26, $0x1;
	_ =	strace $0x8000004C;
	[dreg:$0x1] =	wrdreg $0xFFFFFFFF  }
0xa7: {  	s28 =	simm.s32 $_size_execute0_lowered;
	s3 =	sadd.s32 s3, s5;
	[dreg:$0x0] =	wrdreg $0x0  }
0xa8: {  	s5 =	sshll.u32 s28, $0x1;
	[dreg:$0x2] =	wrdreg s3  }
0xa9: {  	[dreg:$0x3] =	wrdreg s5  }
0xaa: {  	[dreg:$0x4] =	wrdreg $0xC0  }
0xab: {  	_ =	task [dreg:s7], $0x5FFFF  }
0xac: {  	[dreg:$0x1] =	wrdreg $0xFFFFFFFF  }
0xad: {  	[dreg:$0x0] =	wrdreg $0x60  }
0xae: {  	[dreg:$0x2] =	wrdreg s2  }
0xaf: {  	[dreg:$0x3] =	wrdreg s24  }
0xb0: {  	[dreg:$0x4] =	wrdreg $0x85000  }
0xb1: {  	[dreg:$0x5] =	wrdreg $0x9  }
0xb2: {  	_ =	task.clear_ibuf [dreg:s7], $0x6FFFF;
	_ =	strace $0x9000004C  }
0xb3: {  	s29 =	simm.s32 $0x9;
	_ =	strace $0x8000004E  }
0xb4: {  	_ =	swait.ge [sflag:s29], $0x1  }
0xb5: {  	[sflag:s29] =	ssyncadd.s32 $0xFFFFFFFF  }
0xb6: {  	_ =	strace $0x9000004E  }
0xb7: {  	_ =	sfence  }
0xb8: {  	s30 =	sld [smem:$0x0];
	_ =	sdelay $0x2  }
0xb9: {  	s31 =	sshll.u32 s1, $0xD;
	s1 =	sshrl.u32 s1, $0x2  }
0xba: {  	s3 =	sand.u32 $0x4000, s31;
	s1 =	sadd.s32 s1, s30  }
0xbb: {  	s0 =	sor.u32 s3, s0;
	s1 =	sshll.u32 s1, $0x11  }
0xbc: {  	s0 =	sor.u32 s1, s0  }
0xbd: {  	s0 =	sadd.s32 $0x8F2B, s0  }
0xbe: {  	[sflag:s0] =	ssyncadd.remote.s32 $0x1  }
0xbf: {  	_ =	sfence.sel $0xFFFF  }
0xc0: {  	[dreg:$0x0] =	wrdreg $0xFFFFFFFF;
	(pc) =	sbr.abs _section_cstart, $3  }
0xc1: {  	[dreg:$0x1] =	wrdreg $0xFFFFFFFF  }
0xc2: {  	_ =	task.clear_ibuf [dreg:s7], $0x2FFFF;
	_ =	strace $0x9FFFFFFF  }
0xc3: {  	(tm) =	ssettm $0x7FFFFFFF  }
tec
execute0_lowered:
.L_overlay_start_1:
0x0: {  	(tag) =	ssettag $0x1  }
0x1: {  	s0 =	rddreg [dreg:$0x0]  }
0x2: {  	s3 =	rddreg [dreg:$0x1];
	s2 =	srdreg.scid  }
0x3: {  	s1 =	rddreg [dreg:$0x2];
	s8 =	stileid.u32  }
0x4: {  	s17 =	simm.s32 $0x500;
	s18 =	simm.s32 $0x7;
	s19 =	simm.s32 $0x180  }
0x5: {  	s20 =	simm.s32 $0x1;
	s28 =	simm.s32 $0x4;
	s29 =	simm.s32 $0x480  }
0x6: {  	s30 =	simm.s32 $0x6;
	s7 =	sand.u32 $0x1, s2;
	s10 =	smul.u32 $0x2700, s8  }
0x7: {  	s2 =	simm.s32 $0x0;
	p0 =	seq.s32 s8, $0xF;
	s14 =	smul.u32 $0x14000, s8  }
0x8: {  	s13 =	sadd.s32 $0x40, s0;
	s22 =	sshll.u32 s8, $0x6;
	s16 =	smul.u32 $0x50000, s8  }
0x9: {  	s26 =	sadd.s32 $0x12C000, s1;
	p1 =	sgt.u32 s8, $0x3;
	s4 =	smul.u32 $0x27100, s7  }
0xa: {  	[smem:$0x7FF] =	sst s2;
	s5 =	ssub.s32 $0x2, s7;
	s12 =	smul.u32 $0x138800, s7  }
0xb: {  	s15 =	sadd.s32 s22, s0;
	s31 =	sshrl.u32 s26, $0x3;
	s26 =	simm.s32 $0x400  }
0xc: {  	_ =	strace $0x8000004D;
	s6 =	sshrl.u32 s5, $0x1;
	s21 =	sadd.s32 s0, s10  }
0xd: {  	s7 =	sadd.s32 s10, s13;
	[dreg:$0x5] =	wrdreg s22;
	s23 =	sshrl.u32 s16, $0x2  }
0xe: {  	s10 =	sor.u32 $0x80, s10;
	s22 =	simm.s32 $0x2;
	[dreg:$0x9] =	wrdreg s31  }
0xf: {  	s9 =	sadd.s32 s4, s3;
	s3 =	sadd.s32 $0x51400, s3;
	s4 =	simm.s32 $0x5  }
0x10: {  	s11 =	ssub.s32 s5, s6;
	s5 =	simm.s32 $0x5;
	[dreg:$0x4] =	wrdreg s21  }
0x11: {  	s6 =	sadd.s32 $0x27000, s15;
	s14 =	sadd.s32 s14, s12;
	s12 =	sshrl.u32 s12, $0x3  }
0x12: {  	s15 =	sadd.s32 s0, s10;
	s16 =	sadd.s32 s13, s10;
	s21 =	simm.s32 $0x80  }
.Ltmp0:
0x13: {  	s0 =	simm.s32 $0x0;
	s4 =	simm.s32 @!p0 $0x8;
	(pc) =	sbr.rel .LBB2_1-.Ltmp0, $4  }
0x14: {  	s9 =	sadd.s32 $0x3200, s9;
	[dreg:$0x6] =	wrdreg s6;
	s14 =	sshrl.u32 s14, $0x3  }
0x15: {  	s24 =	sadd.s32 s3, s12;
	s12 =	sadd.s32 s23, s1;
	s3 =	sadd.s32 s3, s14  }
0x16: {  	s23 =	simm.s32 $0x4500;
	s25 =	sadd.s32 $0x25800, s24;
	[dreg:$0x7] =	wrdreg s3  }
0x17: {  	v0 =	vimm.f32 $0.0e+00;
	s14 =	smax.u32 s11, $0x1;
	s24 =	simm.s32 $0x3;
	[dreg:$0x8] =	wrdreg s25  }
.LBB2_18:
0x18: {  	s3 =	rddreg [dreg:$0x8]  }
0x19: {  	s6 =	rddreg [dreg:$0x9];
	s8 =	simm.s32 $0x1FC7  }
0x1a: {  	[hbm:s3], [sflag:s8] =	dma.local [spmem:s6], $0x1900  }
0x1b: {  	_ =	swait.ge [sflag:s18], $0x1900  }
0x1c: {  	[sflag:s18] =	ssyncset.done $0x0  }
0x1d: {  	[sflag:s18] =	ssyncadd.s32 $0xFFFFE700  }
.LBB2_19:
0x1e: {  	s0 =	sadd.s32 $0x1, s0  }
0x1f: {  	p2 =	sne.s32 s0, s14  }
.Ltmp1:
0x20: {  	_ = 	snop;
	(pc) =	sbr.rel @!p2 .LBB2_20-.Ltmp1, $1  }
0x21: {  	_ =	sdelay $0x3  }
.LBB2_1:
0x22: {  	s3 =	simm.s32 $0x0;
	s10 =	simm.s32 $0x200  }
.LBB2_2:
0x23: {  	p2 =	sne.s32 s10, $0x9E00;
	[tilespmem:s3+$0x570] =	vst v0  }
0x24: {  	[tilespmem:s3+$0x500] =	vst v0  }
0x25: {  	[tilespmem:s3+$0x510] =	vst v0  }
.Ltmp2:
0x26: {  	[tilespmem:s3+$0x520] =	vst v0;
	(pc) =	sbr.rel @p2 .LBB2_2-.Ltmp2, $4  }
0x27: {  	[tilespmem:s3+$0x530] =	vst v0  }
0x28: {  	[tilespmem:s3+$0x540] =	vst v0  }
0x29: {  	[tilespmem:s3+$0x550] =	vst v0  }
0x2a: {  	[tilespmem:s3+$0x560] =	vst v0;
	s3 =	sshra.s32 s10, $0x2;
	s10 =	sadd.s32 $0x200, s10  }
0x2b: {  	[tilespmem:s3+$0x570] =	vst v0  }
0x2c: {  	[tilespmem:s3+$0x500] =	vst v0  }
0x2d: {  	[tilespmem:s3+$0x510] =	vst v0  }
0x2e: {  	[tilespmem:s3+$0x520] =	vst v0  }
0x2f: {  	[tilespmem:s3+$0x530] =	vst v0  }
0x30: {  	[tilespmem:s3+$0x540] =	vst v0;
	p2 =	sne.s32 s4, $0x1  }
.Ltmp3:
0x31: {  	[tilespmem:s3+$0x550] =	vst v0;
	(pc) =	sbr.rel @!p2 .LBB2_5-.Ltmp3, $4  }
0x32: {  	[tilespmem:s3+$0x560] =	vst v0  }
0x33: {  	[spmem:s12] =	stream.linear.scatter [tilespmem:s17], [sflag:$0x7], $0x2800, $0x38;
	[tilespmem:$0x1BD80] =	vst v63  }
0x34: {  	_ =	swait.ge [sflag:s18], $0x2800  }
0x35: {  	s3 =	sadd.s32 $0xFFFFFFFF, s4;
	s10 =	smov.u32 s12;
	[sflag:s18] =	ssyncset.done $0x0  }
.LBB2_4:
0x36: {  	p2 =	sne.s32 s3, $0x1;
	[sflag:s18] =	ssyncadd.s32 $0xFFFFD800;
	s10 =	sadd.s32 $0x2800, s10  }
.Ltmp4:
0x37: {  	s3 =	sadd.s32 $0xFFFFFFFF, s3;
	(pc) =	sbr.rel @p2 .LBB2_4-.Ltmp4, $4  }
0x38: {  	_ = 	snop  }
0x39: {  	[spmem:s10] =	stream.linear.scatter [tilespmem:s17], [sflag:$0x7], $0x2800, $0x38;
	[tilespmem:$0x1BD80] =	vst v63  }
0x3a: {  	_ =	swait.ge [sflag:s18], $0x2800  }
0x3b: {  	[sflag:s18] =	ssyncset.done $0x0  }
.LBB2_5:
0x3c: {  	[sflag:s18] =	ssyncadd.s32 $0xFFFFD800  }
0x3d: {  	[bflag:$0x0] =	sbarrier.arrive $0xFFFF  }
0x3e: {  	s3 =	simm.s32 $0x0;
	s6 =	rddreg [dreg:$0x4]  }
0x3f: {  	[tilespmem:s3], [sflag:$0x1] =	stream.linear.gather [hbm4b:s6+s3], $0x180, $0x38;
	[tilespmem:$0x1BD80] =	vst v63  }
0x40: {  	s31 =	simm.s32 $0x0  }
0x41: {  	[tilespmem:s19], [sflag:$0x2] =	stream.linear.gather [hbm4b:s7+s3], $0x180, $0x38;
	[tilespmem:$0x1BD80] =	vst v63  }
.LBB2_6:
0x42: {  	_ =	swait.ge [sflag:s20], $0x180  }
0x43: {  	p2 =	seq.s32 s31, $0x0;
	[sflag:s20] =	ssyncset.done $0x0  }
0x44: {  	s10 =	simm.s32 @!p2 $0x5;
	[sflag:s20] =	ssyncadd.s32 $0xFFFFFE80  }
0x45: {  	_ =	swait.ge @!p2 [sflag:s10], $0x4000  }
0x46: {  	[sflag:s10] =	ssyncset.done @!p2 $0x0  }
0x47: {  	[sflag:s10] =	ssyncadd.s32 @!p2 $0xFFFFC000  }
0x48: {  	[tilespmem:s17], [sflag:$0x3] =	stream.indirect.gather [hbm4b:s9+s21], $0x80, s2, s21, $0xb8;
	[tilespmem:$0x1BD80] =	vst v63  }
0x49: {  	_ =	swait.ge [sflag:s22], $0x180  }
0x4a: {  	[sflag:s22] =	ssyncset.done $0x0  }
0x4b: {  	s10 =	simm.s32 @!p2 $0x6;
	[sflag:s22] =	ssyncadd.s32 $0xFFFFFE80  }
0x4c: {  	_ =	swait.ge @!p2 [sflag:s10], $0x4000  }
0x4d: {  	v1 =	vmov s3;
	[sflag:s10] =	ssyncset.done @!p2 $0x0  }
0x4e: {  	v1 =	vand.u32 $0x7F, v1;
	[sflag:s10] =	ssyncadd.s32 @!p2 $0xFFFFC000  }
0x4f: {  	v1 =	vor.u32 $0x100, v1;
	[tilespmem:s23], [sflag:$0x4] =	stream.indirect.gather [hbm4b:s9+s21], $0x80, s19, s21, $0xb8;
	[tilespmem:$0x1BD80] =	vst v63  }
0x50: {  	v1 =	vbroadcast v1, $0x0;
	_ =	swait.ge [sflag:s24], $0x4000  }
0x51: {  	[sflag:s24] =	ssyncset.done $0x0  }
0x52: {  	s13 =	simm.s32 $0x540;
	[sflag:s24] =	ssyncadd.s32 $0xFFFFC000  }
0x53: {  	v5 =	vld [tilespmem:s13+$0x30]  }
0x54: {  	v8 =	vld [tilespmem:s13+$0x10]  }
0x55: {  	v6 =	vld [tilespmem:s13+$0xFFFFFFC0]  }
0x56: {  	v2 =	vld.idx.msk [tilespmem:v1+s2+$0x0], $0xffff  }
0x57: {  	v11 =	vld [tilespmem:s13+$0xFFFFFFE0]  }
0x58: {  	v1 =	vld [tilespmem:s13+$0xFFFFFFF0]  }
0x59: {  	v3 =	vld [tilespmem:s13+$0x20]  }
0x5a: {  	v4 =	vld [tilespmem:s13+$0xFFFFFFD0]  }
0x5b: {  	v9 =	vmul.f32 v2, v5;
	v5 =	vld [tilespmem:s13+$0x0]  }
0x5c: {  	s25 =	simm.s32 $0x1;
	v7 =	vmul.f32 v2, v6  }
0x5d: {  	s11 =	simm.s32 $0x2;
	v10 =	vmov s25;
	s10 =	simm.s32 $0x540;
	v6 =	vmul.f32 v2, v11;
	v8 =	vmul.f32 v2, v8  }
.LBB2_7:
0x5e: {  	p2 =	sne.s32 s11, $0x7F  }
0x5f: {  	v10 =	vand.u32 $0x7F, v10;
	v4 =	vmul.f32 v2, v4;
	v3 =	vmul.f32 v2, v3;
	[tilespmem:s13+$0x30] =	vst v9;
	s10 =	sadd.s32 $0x80, s10;
	s25 =	smov.u32 s11;
	s11 =	sadd.s32 $0x1, s11  }
0x60: {  	v9 =	vor.u32 $0x100, v10;
	[tilespmem:s13+$0xFFFFFFC0] =	vst v7;
	v7 =	vmul.f32 v2, v1;
	v2 =	vmul.f32 v2, v5  }
0x61: {  	v5 =	vbroadcast v9, $0x0;
	[tilespmem:s13+$0x10] =	vst v8  }
0x62: {  	[tilespmem:s13+$0xFFFFFFE0] =	vst v6  }
0x63: {  	v1 =	vld [tilespmem:s10+$0xFFFFFFF0];
	[tilespmem:s13+$0xFFFFFFF0] =	vst v7  }
0x64: {  	v6 =	vld [tilespmem:s10+$0x30];
	[tilespmem:s13+$0x0] =	vst v2  }
0x65: {  	v8 =	vld [tilespmem:s10+$0x10];
	[tilespmem:s13+$0x20] =	vst v3  }
0x66: {  	v7 =	vld [tilespmem:s10+$0xFFFFFFC0];
	[tilespmem:s13+$0xFFFFFFD0] =	vst v4;
	s13 =	smov.u32 s10  }
0x67: {  	v2 =	vld.idx.msk [tilespmem:v5+s2+$0x0], $0xffff  }
0x68: {  	v11 =	vld [tilespmem:s10+$0xFFFFFFE0]  }
0x69: {  	v3 =	vld [tilespmem:s10+$0x20]  }
.Ltmp5:
0x6a: {  	v4 =	vld [tilespmem:s10+$0xFFFFFFD0];
	(pc) =	sbr.rel @p2 .LBB2_7-.Ltmp5, $3  }
0x6b: {  	v5 =	vld [tilespmem:s10+$0x0];
	_ =	sdelay $0x1  }
0x6c: {  	v7 =	vmul.f32 v2, v7;
	v9 =	vmul.f32 v2, v6  }
0x6d: {  	v10 =	vmov s25;
	v8 =	vmul.f32 v2, v8;
	v6 =	vmul.f32 v2, v11  }
0x6e: {  	[tilespmem:s13+$0xFFFFFFC0] =	vst v7;
	v7 =	vand.u32 $0x7F, v10  }
0x6f: {  	[tilespmem:s13+$0x30] =	vst v9;
	v7 =	vor.u32 $0x100, v7  }
0x70: {  	v1 =	vmul.f32 v2, v1;
	[tilespmem:s13+$0xFFFFFFE0] =	vst v6;
	v6 =	vbroadcast v7, $0x0  }
0x71: {  	s10 =	sadd.s32 $0x80, s10;
	[tilespmem:s13+$0x10] =	vst v8;
	v5 =	vmul.f32 v2, v5  }
0x72: {  	v3 =	vmul.f32 v2, v3;
	v7 =	vld [tilespmem:s10+$0xFFFFFFF0];
	[tilespmem:s13+$0xFFFFFFF0] =	vst v1  }
0x73: {  	v2 =	vmul.f32 v2, v4;
	v1 =	vld [tilespmem:s10+$0x30];
	[tilespmem:s13+$0x0] =	vst v5  }
0x74: {  	v4 =	vld [tilespmem:s10+$0x10];
	[tilespmem:s13+$0x20] =	vst v3  }
0x75: {  	v3 =	vld [tilespmem:s10+$0xFFFFFFC0];
	[tilespmem:s13+$0xFFFFFFD0] =	vst v2  }
0x76: {  	v2 =	vld.idx.msk [tilespmem:v6+s2+$0x0], $0xffff;
	_ =	sdelay $0x2  }
0x77: {  	v5 =	vld [tilespmem:s10+$0xFFFFFFE0];
	_ =	sdelay $0x1  }
0x78: {  	v6 =	vld [tilespmem:s10+$0x0];
	v1 =	vmul.f32 v2, v1  }
0x79: {  	v8 =	vld [tilespmem:s10+$0x20];
	v3 =	vmul.f32 v2, v3  }
0x7a: {  	v9 =	vld [tilespmem:s10+$0xFFFFFFD0];
	v4 =	vmul.f32 v2, v4;
	[tilespmem:s10+$0x30] =	vst v1  }
0x7b: {  	v1 =	vmul.f32 v2, v5;
	[tilespmem:s10+$0xFFFFFFC0] =	vst v3  }
0x7c: {  	v3 =	vmul.f32 v2, v7;
	[tilespmem:s10+$0x10] =	vst v4  }
0x7d: {  	v4 =	vmul.f32 v2, v6;
	[tilespmem:s10+$0xFFFFFFE0] =	vst v1  }
0x7e: {  	v1 =	vmul.f32 v2, v8;
	[tilespmem:s10+$0xFFFFFFF0] =	vst v3  }
0x7f: {  	v2 =	vmul.f32 v2, v9;
	[tilespmem:s10+$0x0] =	vst v4  }
0x80: {  	[tilespmem:s10+$0x20] =	vst v1  }
0x81: {  	[tilespmem:s10+$0xFFFFFFD0] =	vst v2  }
0x82: {  	v1 =	vld [tilespmem:$0x80]  }
0x83: {  	v2 =	vld [tilespmem:$0x90]  }
0x84: {  	v3 =	vld [tilespmem:$0xA0]  }
0x85: {  	v4 =	vld [tilespmem:$0xB0]  }
0x86: {  	v5 =	vld [tilespmem:$0xC0]  }
0x87: {  	[tilespmem:$0x400] =	vst v1;
	v1 =	vld [tilespmem:$0xD0]  }
0x88: {  	[tilespmem:$0x410] =	vst v2;
	v2 =	vld [tilespmem:$0xE0]  }
0x89: {  	[tilespmem:$0x420] =	vst v3;
	v3 =	vld [tilespmem:$0xF0]  }
0x8a: {  	[tilespmem:$0x430] =	vst v4  }
0x8b: {  	[tilespmem:$0x440] =	vst v5  }
0x8c: {  	[tilespmem:$0x450] =	vst v1  }
0x8d: {  	p2 =	seq.s32 s31, $0x4D;
	[tilespmem:$0x460] =	vst v2  }
0x8e: {  	s25 =	simm.s32 $0x0;
	s11 =	sshll.u32 @!p2 s31, $0x7;
	[tilespmem:$0x470] =	vst v3  }
0x8f: {  	v1 =	vmov s25;
	[spmem:s1] =	stream.indirect.scatter.add.f32 [tilespmem:s17], [sflag:$0x5], $0x80, s26, s21, $0xb8;
	[tilespmem:$0x1BD80] =	vst v63  }
0x90: {  	s10 =	sadd.s32 @!p2 s15, s11;
	s11 =	simm.s32 @!p2 $0x0;
	v1 =	vand.u32 $0x7F, v1  }
0x91: {  	v1 =	vor.u32 $0x280, v1;
	[tilespmem:s11], [sflag:$0x1] =	stream.linear.gather @!p2 [hbm4b:s10+s11], $0x180, $0x38;
	[tilespmem:$0x1BD80] =	vst v63  }
0x92: {  	v1 =	vbroadcast v1, $0x0;
	_ =	swait.ge [sflag:s28], $0x4000  }
0x93: {  	[sflag:s28] =	ssyncset.done $0x0  }
0x94: {  	s13 =	simm.s32 $0x0;
	[sflag:s28] =	ssyncadd.s32 $0xFFFFC000  }
0x95: {  	v5 =	vld [tilespmem:s13+$0x4570]  }
0x96: {  	v9 =	vld [tilespmem:s13+$0x4550]  }
0x97: {  	v6 =	vld [tilespmem:s13+$0x4500]  }
0x98: {  	v1 =	vld.idx.msk [tilespmem:v1+s2+$0x0], $0xffff  }
0x99: {  	v7 =	vld [tilespmem:s13+$0x4520]  }
0x9a: {  	v2 =	vld [tilespmem:s13+$0x4530]  }
0x9b: {  	v3 =	vld [tilespmem:s13+$0x4560]  }
0x9c: {  	v4 =	vld [tilespmem:s13+$0x4510]  }
0x9d: {  	v8 =	vmul.f32 v1, v5;
	v5 =	vld [tilespmem:s13+$0x4540];
	_ =	sdelay $0x1  }
0x9e: {  	s10 =	simm.s32 $0x1;
	v6 =	vmul.f32 v1, v6  }
0x9f: {  	s25 =	simm.s32 $0x200;
	s11 =	simm.s32 $0x400;
	v10 =	vmov s10;
	v7 =	vmul.f32 v1, v7;
	v9 =	vmul.f32 v1, v9  }
.LBB2_9:
0xa0: {  	p3 =	sne.s32 s11, $0xFE00;
	v10 =	vand.u32 $0x7F, v10;
	v4 =	vmul.f32 v1, v4;
	v3 =	vmul.f32 v1, v3;
	[tilespmem:s13+$0x4570] =	vst v8;
	s8 =	smov.u32 s11;
	s11 =	sadd.s32 $0x200, s11  }
0xa1: {  	v2 =	vmul.f32 v1, v2;
	v8 =	vor.u32 $0x280, v10;
	[tilespmem:s13+$0x4500] =	vst v6;
	v1 =	vmul.f32 v1, v5  }
0xa2: {  	v5 =	vbroadcast v8, $0x0;
	[tilespmem:s13+$0x4550] =	vst v9  }
0xa3: {  	s6 =	sshra.s32 s25, $0x2;
	s25 =	smov.u32 s8;
	[tilespmem:s13+$0x4520] =	vst v7  }
0xa4: {  	v7 =	vld [tilespmem:s6+$0x4570];
	[tilespmem:s13+$0x4530] =	vst v2  }
0xa5: {  	v2 =	vld [tilespmem:s6+$0x4530];
	[tilespmem:s13+$0x4540] =	vst v1  }
0xa6: {  	v9 =	vld [tilespmem:s6+$0x4550];
	[tilespmem:s13+$0x4560] =	vst v3  }
0xa7: {  	v6 =	vld [tilespmem:s6+$0x4500];
	[tilespmem:s13+$0x4510] =	vst v4;
	s13 =	smov.u32 s6  }
0xa8: {  	v1 =	vld.idx.msk [tilespmem:v5+s2+$0x0], $0xffff  }
0xa9: {  	v11 =	vld [tilespmem:s13+$0x4520]  }
0xaa: {  	v3 =	vld [tilespmem:s13+$0x4560]  }
.Ltmp6:
0xab: {  	v4 =	vld [tilespmem:s13+$0x4510];
	(pc) =	sbr.rel @p3 .LBB2_9-.Ltmp6, $3  }
0xac: {  	v5 =	vld [tilespmem:s13+$0x4540];
	_ =	sdelay $0x1  }
0xad: {  	s10 =	sadd.s32 $0x1, s10;
	v6 =	vmul.f32 v1, v6;
	v8 =	vmul.f32 v1, v7  }
0xae: {  	v10 =	vmov s10;
	v9 =	vmul.f32 v1, v9;
	v7 =	vmul.f32 v1, v11  }
0xaf: {  	[tilespmem:s13+$0x4570] =	vst v8  }
0xb0: {  	[tilespmem:s13+$0x4500] =	vst v6  }
0xb1: {  	v2 =	vmul.f32 v1, v2;
	v61 =	vand.u32 $0x7F, v10;
	[tilespmem:s13+$0x4550] =	vst v9  }
0xb2: {  	s6 =	sshra.s32 s25, $0x2;
	[tilespmem:s13+$0x4520] =	vst v7;
	v6 =	vor.u32 $0x280, v61  }
0xb3: {  	v7 =	vld [tilespmem:s6+$0x4570];
	[tilespmem:s13+$0x4530] =	vst v2;
	v2 =	vbroadcast v6, $0x0  }
0xb4: {  	v5 =	vmul.f32 v1, v5  }
0xb5: {  	v3 =	vmul.f32 v1, v3  }
0xb6: {  	v1 =	vmul.f32 v1, v4;
	v62 =	vld [tilespmem:s6+$0x4530];
	[tilespmem:s13+$0x4540] =	vst v5  }
0xb7: {  	v5 =	vld [tilespmem:s6+$0x4550];
	[tilespmem:s13+$0x4560] =	vst v3  }
0xb8: {  	v3 =	vld [tilespmem:s6+$0x4500];
	[tilespmem:s13+$0x4510] =	vst v1  }
0xb9: {  	v1 =	vld.idx.msk [tilespmem:v2+s2+$0x0], $0xffff;
	_ =	sdelay $0x2  }
0xba: {  	v2 =	vld [tilespmem:s6+$0x4520]  }
0xbb: {  	v63 =	vld [tilespmem:s6+$0x4540]  }
0xbc: {  	v7 =	vmul.f32 v1, v7  }
0xbd: {  	v8 =	vld [tilespmem:s6+$0x4560];
	v3 =	vmul.f32 v1, v3  }
0xbe: {  	v9 =	vld [tilespmem:s6+$0x4510];
	v5 =	vmul.f32 v1, v5;
	[tilespmem:s6+$0x4570] =	vst v7  }
0xbf: {  	v2 =	vmul.f32 v1, v2;
	[tilespmem:s6+$0x4500] =	vst v3  }
0xc0: {  	v4 =	vmul.f32 v1, v63;
	[tilespmem:s6+$0x4550] =	vst v5  }
0xc1: {  	v3 =	vmul.f32 v1, v62;
	[tilespmem:s6+$0x4520] =	vst v2  }
0xc2: {  	v2 =	vmul.f32 v1, v8;
	[tilespmem:s6+$0x4540] =	vst v4  }
0xc3: {  	v1 =	vmul.f32 v1, v9;
	[tilespmem:s6+$0x4530] =	vst v3  }
0xc4: {  	[tilespmem:s6+$0x4560] =	vst v2  }
0xc5: {  	[tilespmem:s6+$0x4510] =	vst v1  }
0xc6: {  	v1 =	vld [tilespmem:$0x200]  }
0xc7: {  	v2 =	vld [tilespmem:$0x210]  }
0xc8: {  	v3 =	vld [tilespmem:$0x220]  }
0xc9: {  	v4 =	vld [tilespmem:$0x230]  }
0xca: {  	v5 =	vld [tilespmem:$0x240]  }
0xcb: {  	[tilespmem:$0x480] =	vst v1;
	v1 =	vld [tilespmem:$0x250]  }
0xcc: {  	[tilespmem:$0x490] =	vst v2;
	v2 =	vld [tilespmem:$0x260]  }
0xcd: {  	[tilespmem:$0x4A0] =	vst v3;
	v3 =	vld [tilespmem:$0x270]  }
0xce: {  	[tilespmem:$0x4B0] =	vst v4  }
.Ltmp7:
0xcf: {  	[tilespmem:$0x4C0] =	vst v5;
	(pc) =	sbr.rel @p2 .LBB2_12-.Ltmp7, $4  }
0xd0: {  	[tilespmem:$0x4D0] =	vst v1  }
0xd1: {  	[tilespmem:$0x4E0] =	vst v2  }
0xd2: {  	[tilespmem:$0x4F0] =	vst v3  }
0xd3: {  	[spmem:s1] =	stream.indirect.scatter.add.f32 [tilespmem:s23], [sflag:$0x6], $0x80, s29, s21, $0xb8;
	[tilespmem:$0x1BD80] =	vst v63  }
.Ltmp8:
0xd4: {  	(pc) =	sbr.rel .LBB2_6-.Ltmp8, $4  }
0xd5: {  	_ = 	snop  }
0xd6: {  	s6 =	sshll.u32 s31, $0x7  }
0xd7: {  	s31 =	sadd.s32 $0x1, s31;
	s6 =	sadd.s32 s16, s6  }
0xd8: {  	[tilespmem:s19], [sflag:$0x2] =	stream.linear.gather [hbm4b:s6+s2], $0x180, $0x38;
	[tilespmem:$0x1BD80] =	vst v63  }
.LBB2_12:
0xd9: {  	_ =	swait.ge [sflag:s5], $0x4000  }
.Ltmp9:
0xda: {  	[sflag:s5] =	ssyncset.done $0x0;
	(pc) =	sbr.rel @p1 .LBB2_16-.Ltmp9, $4  }
0xdb: {  	[sflag:s5] =	ssyncadd.s32 $0xFFFFC000  }
0xdc: {  	_ =	swait.ge [sflag:s30], $0x4000  }
0xdd: {  	[sflag:s30] =	ssyncset.done $0x0  }
0xde: {  	[sflag:s30] =	ssyncadd.s32 $0xFFFFC000  }
0xdf: {  	s3 =	simm.s32 $0x0;
	s6 =	rddreg [dreg:$0x6]  }
0xe0: {  	[tilespmem:s3], [sflag:$0x7] =	stream.linear.gather [hbm4b:s6+s3], $0x180, $0x38;
	[tilespmem:$0x1BD80] =	vst v63  }
0xe1: {  	_ =	swait.ge [sflag:s18], $0x180  }
0xe2: {  	v1 =	vmov s3;
	[sflag:s18] =	ssyncset.done $0x0  }
0xe3: {  	v1 =	vand.u32 $0x7F, v1;
	[sflag:s18] =	ssyncadd.s32 $0xFFFFFE80  }
0xe4: {  	v1 =	vor.u32 $0x100, v1;
	[tilespmem:s17], [sflag:$0x3] =	stream.indirect.gather [hbm4b:s9+s21], $0x80, s3, s21, $0xb8;
	[tilespmem:$0x1BD80] =	vst v63  }
0xe5: {  	v1 =	vbroadcast v1, $0x0;
	_ =	swait.ge [sflag:s24], $0x4000  }
0xe6: {  	[sflag:s24] =	ssyncset.done $0x0  }
0xe7: {  	s3 =	simm.s32 $0x540;
	[sflag:s24] =	ssyncadd.s32 $0xFFFFC000  }
0xe8: {  	v5 =	vld [tilespmem:s3+$0x30]  }
0xe9: {  	v8 =	vld [tilespmem:s3+$0x10]  }
0xea: {  	v6 =	vld [tilespmem:s3+$0xFFFFFFC0]  }
0xeb: {  	v2 =	vld.idx.msk [tilespmem:v1+s2+$0x0], $0xffff  }
0xec: {  	v11 =	vld [tilespmem:s3+$0xFFFFFFE0]  }
0xed: {  	v3 =	vld [tilespmem:s3+$0x20]  }
0xee: {  	v4 =	vld [tilespmem:s3+$0xFFFFFFD0]  }
0xef: {  	v1 =	vld [tilespmem:s3+$0xFFFFFFF0]  }
0xf0: {  	v9 =	vmul.f32 v2, v5;
	v5 =	vld [tilespmem:s3+$0x0]  }
0xf1: {  	s31 =	simm.s32 $0x1;
	v7 =	vmul.f32 v2, v6  }
0xf2: {  	s11 =	simm.s32 $0x2;
	s10 =	simm.s32 $0x540;
	v10 =	vmov s31;
	v6 =	vmul.f32 v2, v11;
	v8 =	vmul.f32 v2, v8  }
.LBB2_14:
0xf3: {  	p2 =	sne.s32 s11, $0x7F  }
0xf4: {  	v10 =	vand.u32 $0x7F, v10;
	v4 =	vmul.f32 v2, v4;
	v3 =	vmul.f32 v2, v3;
	[tilespmem:s3+$0x30] =	vst v9;
	s10 =	sadd.s32 $0x80, s10;
	s6 =	smov.u32 s11;
	s11 =	sadd.s32 $0x1, s11  }
0xf5: {  	v9 =	vor.u32 $0x100, v10;
	[tilespmem:s3+$0xFFFFFFC0] =	vst v7;
	v7 =	vmul.f32 v2, v1;
	v2 =	vmul.f32 v2, v5  }
0xf6: {  	v5 =	vbroadcast v9, $0x0;
	[tilespmem:s3+$0x10] =	vst v8  }
0xf7: {  	[tilespmem:s3+$0xFFFFFFE0] =	vst v6  }
0xf8: {  	v1 =	vld [tilespmem:s10+$0xFFFFFFF0];
	[tilespmem:s3+$0xFFFFFFF0] =	vst v7  }
0xf9: {  	v6 =	vld [tilespmem:s10+$0x30];
	[tilespmem:s3+$0x0] =	vst v2  }
0xfa: {  	v8 =	vld [tilespmem:s10+$0x10];
	[tilespmem:s3+$0x20] =	vst v3  }
0xfb: {  	v7 =	vld [tilespmem:s10+$0xFFFFFFC0];
	[tilespmem:s3+$0xFFFFFFD0] =	vst v4;
	s3 =	smov.u32 s10  }
0xfc: {  	v2 =	vld.idx.msk [tilespmem:v5+s2+$0x0], $0xffff  }
0xfd: {  	v11 =	vld [tilespmem:s10+$0xFFFFFFE0]  }
0xfe: {  	v3 =	vld [tilespmem:s10+$0x20]  }
.Ltmp10:
0xff: {  	v4 =	vld [tilespmem:s10+$0xFFFFFFD0];
	(pc) =	sbr.rel @p2 .LBB2_14-.Ltmp10, $3  }
0x100: {  	v5 =	vld [tilespmem:s10+$0x0];
	_ =	sdelay $0x1  }
0x101: {  	v7 =	vmul.f32 v2, v7;
	v9 =	vmul.f32 v2, v6  }
0x102: {  	v10 =	vmov s6;
	v8 =	vmul.f32 v2, v8;
	v6 =	vmul.f32 v2, v11  }
0x103: {  	[tilespmem:s3+$0x30] =	vst v9;
	v57 =	vand.u32 $0x7F, v10  }
0x104: {  	[tilespmem:s3+$0xFFFFFFC0] =	vst v7;
	v7 =	vor.u32 $0x100, v57  }
0x105: {  	v1 =	vmul.f32 v2, v1;
	[tilespmem:s3+$0x10] =	vst v8;
	v58 =	vbroadcast v7, $0x0  }
0x106: {  	s6 =	sadd.s32 $0x80, s10;
	[tilespmem:s3+$0xFFFFFFE0] =	vst v6;
	v5 =	vmul.f32 v2, v5  }
0x107: {  	v3 =	vmul.f32 v2, v3;
	v59 =	vld [tilespmem:s6+$0xFFFFFFF0];
	[tilespmem:s3+$0xFFFFFFF0] =	vst v1  }
0x108: {  	v2 =	vmul.f32 v2, v4;
	v1 =	vld [tilespmem:s6+$0x30];
	[tilespmem:s3+$0x0] =	vst v5  }
0x109: {  	v60 =	vld [tilespmem:s6+$0x10];
	[tilespmem:s3+$0x20] =	vst v3  }
0x10a: {  	v3 =	vld [tilespmem:s6+$0xFFFFFFC0];
	[tilespmem:s3+$0xFFFFFFD0] =	vst v2  }
0x10b: {  	v2 =	vld.idx.msk [tilespmem:v58+s2+$0x0], $0xffff;
	_ =	sdelay $0x2  }
0x10c: {  	v61 =	vld [tilespmem:s6+$0x0]  }
0x10d: {  	v5 =	vld [tilespmem:s6+$0xFFFFFFE0]  }
0x10e: {  	v1 =	vmul.f32 v2, v1  }
0x10f: {  	v8 =	vld [tilespmem:s6+$0x20];
	v3 =	vmul.f32 v2, v3  }
0x110: {  	v62 =	vld [tilespmem:s6+$0xFFFFFFD0];
	v4 =	vmul.f32 v2, v60;
	[tilespmem:s6+$0x30] =	vst v1  }
0x111: {  	v63 =	vmul.f32 v2, v61;
	[tilespmem:s6+$0xFFFFFFC0] =	vst v3  }
0x112: {  	v1 =	vmul.f32 v2, v5;
	[tilespmem:s6+$0x10] =	vst v4  }
0x113: {  	v3 =	vmul.f32 v2, v59;
	[tilespmem:s6+$0x0] =	vst v63  }
0x114: {  	[tilespmem:s6+$0xFFFFFFE0] =	vst v1;
	v1 =	vmul.f32 v2, v8  }
0x115: {  	[tilespmem:s6+$0xFFFFFFF0] =	vst v3;
	v2 =	vmul.f32 v2, v62  }
0x116: {  	[tilespmem:s6+$0x20] =	vst v1  }
0x117: {  	[tilespmem:s6+$0xFFFFFFD0] =	vst v2  }
0x118: {  	[spmem:s1] =	stream.indirect.scatter.add.f32 [tilespmem:s17], [sflag:$0x7], $0x80, s21, s21, $0xb8;
	[tilespmem:$0x1BD80] =	vst v63  }
.Ltmp11:
0x119: {  	_ =	swait.ge [sflag:s18], $0x4000;
	(pc) =	sbr.rel .LBB2_17-.Ltmp11, $3  }
0x11a: {  	[sflag:s18] =	ssyncset.done $0x0  }
0x11b: {  	[sflag:s18] =	ssyncadd.s32 $0xFFFFC000  }
0x11c: {  	[bflag:$0x0] =	sbarrier.arrive $0xFFFF;
	_ =	sdelay $0x1  }
.LBB2_16:
.Ltmp12:
0x11d: {  	(pc) =	sbr.rel @p0 .LBB2_18-.Ltmp12, $2  }
0x11e: {  	_ =	sdelay $0x1  }
0x11f: {  	[bflag:$0x0] =	sbarrier.arrive $0xFFFF;
	_ =	sdelay $0x1  }
.LBB2_17:
0x120: {  	s3 =	rddreg [dreg:$0x5];
	s6 =	sshrl.u32 s12, $0x3  }
.Ltmp13:
0x121: {  	s8 =	rddreg [dreg:$0x7];
	s3 =	sor.u32 $0x1C07, s3;
	(pc) =	sbr.rel .LBB2_19-.Ltmp13, $4  }
0x122: {  	[hbm:s8], [sflag:s3] =	dma.local [spmem:s6], $0x2800  }
0x123: {  	_ =	swait.ge [sflag:s18], $0x2800  }
0x124: {  	[sflag:s18] =	ssyncset.done $0x0  }
0x125: {  	[sflag:s18] =	ssyncadd.s32 $0xFFFFD800  }
.LBB2_20:
0x126: {  	_ =	sfence.sel $0x180000  }
0x127: {  	[bflag:$0x0] =	sbarrier.arrive $0xFFFF  }
0x128: {  	_ =	strace $0x9000004D  }
0x129: {  	s0 =	stileid.u32;
	[bflag:$0x2] =	sbarrier.arrive $0xFFFF  }
0x12a: {  	p0 =	sne.s32 s0, $0x0;
	s0 =	rddreg [dreg:$0x3]  }
0x12b: {  	s0 =	sadd.s32 @!p0 $0x100000, s0  }
0x12c: {  	[sflag:s0] =	ssyncadd.tile.s32 @!p0 $0x1;
	_ =	shalt  }
.Lfunc_end2:
_tile_overlayer_lowered:
.L_overlay_start_2:
0x12d: {  	(tag) =	ssettag $0x2  }
0x12e: {  	s0 =	rddreg [dreg:$0x0];
	s2 =	stileid.u32  }
0x12f: {  	s1 =	rddreg [dreg:$0x1];
	p0 =	sne.s32 s2, $0x0  }
0x130: {  	s3 =	rddreg [dreg:$0x2];
	[bflag:$0x3] =	sbarrier.arrive $0xFFFF;
	s2 =	simm.s32 @!p0 $0x1C07  }
0x131: {  	[timem:s3], [sflag:s2] =	dma.local @!p0 [hbm:s0], s1  }
0x132: {  	s0 =	simm.s32 @!p0 $0x7  }
0x133: {  	_ =	swait.ge @!p0 [sflag:s0], s1  }
0x134: {  	s1 =	ssub.s32 @!p0 $0x0, s1;
	[sflag:s0] =	ssyncset.done @!p0 $0x0  }
0x135: {  	[sflag:s0] =	ssyncadd.s32 @!p0 s1  }
0x136: {  	[bflag:$0x3] =	sbarrier.arrive $0xFFFF  }
0x137: {  	_ =	shalt  }

// kernel: kernel.19.cloned.1.call-start
scs
__scs_entry_jumppad:
0x0: {  	(pc) =	sbr.rel $0x88, $3  }
0x1: {  	(tag) =	ssettag $0x0;
	lr =	simm.s32 $0x1  }
0x2: {  	[smem:$0x3F99] =	sst lr;
	_ =	strace $0xD0000000  }
0x3: {  	_ = 	snop  }
0x4: {  	_ = 	snop  }
0x5: {  	_ = 	snop  }
0x6: {  	_ = 	snop  }
0x7: {  	_ = 	snop  }
__scs_overlays_trampoline_lowered:
0x8: {  	[smem:$0x3FA8] =	sst s0  }
0x9: {  	[smem:$0x3FA9] =	sst s1  }
0xa: {  	[smem:$0x3FAA] =	sst s2  }
0xb: {  	[smem:$0x3FAB] =	sst s3  }
0xc: {  	[smem:$0x3FAC] =	sst s4  }
0xd: {  	[smem:$0x3FAD] =	sst s5  }
0xe: {  	[smem:$0x3FAE] =	sst s6  }
0xf: {  	[smem:$0x3FAF] =	sst s7  }
0x10: {  	[smem:$0x3FB0] =	sst s8  }
0x11: {  	[smem:$0x3FB1] =	sst s9;
	s0 =	simm.s32 @!p0 $0x0  }
0x12: {  	s1 =	sld [smem:$0x3F97];
	s0 =	simm.s32 @p0 $0x1  }
0x13: {  	[smem:$0x3FB2] =	sst s0;
	s0 =	simm.s32 @!p1 $0x0  }
0x14: {  	s2 =	sld [smem:$0x3F96];
	s0 =	simm.s32 @p1 $0x1  }
0x15: {  	[smem:$0x3FB3] =	sst s0;
	s0 =	simm.s32 @!p2 $0x0  }
0x16: {  	s3 =	sld [smem:$0x3FDB];
	s0 =	simm.s32 @p2 $0x1  }
0x17: {  	s4 =	simm.s32 $0x1BF5;
	[smem:$0x3FB5] =	sst s0  }
0x18: {  	s0 =	sld [smem:$0x3F98];
	_ =	swait.ge [sflag:s4], $0x0  }
0x19: {  	s7 =	sld [smem:$0x3F99]  }
0x1a: {  	s8 =	sadd.s32 $0xFFFFE003, lr  }
0x1b: {  	s9 =	sadd.s32 $0xFFFFFEF7, lr;
	s5 =	simm.s32 $0xFFFFFFFF;
	p2 =	slt.u32 s8, $0xFFFFF086  }
0x1c: {  	p1 =	slt.u32 s9, $0xF7A;
	s5 =	simm.s32 @!p2 $0x0  }
0x1d: {  	s5 =	simm.s32 @p1 $0x1;
	p0 =	seq.s32 s7, s2  }
0x1e: {  	s7 =	smul.u32 @!p0 $0xF7A, s2;
	p2 =	seq.s32 @!p0 s5, $0x0  }
0x1f: {  	s9 =	smul.u32 $0xF7A, s1;
	s8 =	simm.s32 @!p0 $0x1BF5;
	p2 =	por !p2, p0  }
0x20: {  	[sflag:s8] =	ssyncset.s32 @!p0 $0xFFFFF086;
	s6 =	sadd.s32 @!p0 s3, s7;
	s7 =	simm.s32 @!p0 $0x108  }
0x21: {  	s3 =	sadd.s32 s3, s9;
	s6 =	sadd.s32 @!p0 $0x88, s6;
	s7 =	simm.s32 @p2 $0x1082  }
0x22: {  	[simem:s7], [sflag:s8] =	dma.local @!p0 [hbm:s6], $0xF7A  }
0x23: {  	s9 =	sor.u32 $0xD0000000, s2;
	s6 =	simm.s32 $0x108;
	_ =	swait.ge @!p0 [sflag:s8], $0x0  }
0x24: {  	s3 =	sadd.s32 $0x88, s3;
	s6 =	simm.s32 @!p1 $0x1082;
	[sflag:s4] =	ssyncset.s32 $0xFFFFF086  }
0x25: {  	[simem:s6], [sflag:s4] =	dma.local [hbm:s3], $0xF7A  }
0x26: {  	[smem:$0x3F99] =	sst s1;
	(tag) =	ssettag s2;
	_ =	strace s9  }
0x27: {  	s1 =	sld [smem:$0x3FA9]  }
0x28: {  	s2 =	sld [smem:$0x3FAA]  }
0x29: {  	s4 =	sld [smem:$0x3FAC]  }
0x2a: {  	p0 =	seq.s32 s5, $0x0;
	s5 =	sld [smem:$0x3FAD]  }
0x2b: {  	s6 =	sld [smem:$0x3FAE]  }
0x2c: {  	s7 =	sld [smem:$0x3FAF]  }
0x2d: {  	s3 =	simm.s32 $0x108;
	s8 =	sld [smem:$0x3FB0]  }
0x2e: {  	s3 =	simm.s32 @!p0 $0x1082;
	s9 =	sld [smem:$0x3FB1]  }
0x2f: {  	lr =	sadd.s32 s0, s3;
	s0 =	sld [smem:$0x3FA8]  }
0x30: {  	s3 =	sld [smem:$0x3FAB]  }
0x31: {  	[smem:$0x3FB4] =	sst s10  }
0x32: {  	s10 =	sld [smem:$0x3FB2];
	_ =	sdelay $0x3  }
0x33: {  	p0 =	seq.s32 s10, $0x1;
	s10 =	sld [smem:$0x3FB4];
	_ =	sdelay $0x3  }
0x34: {  	[smem:$0x3FB4] =	sst s10  }
0x35: {  	s10 =	sld [smem:$0x3FB3];
	_ =	sdelay $0x3  }
0x36: {  	p1 =	seq.s32 s10, $0x1;
	s10 =	sld [smem:$0x3FB4];
	_ =	sdelay $0x3  }
0x37: {  	[smem:$0x3FB4] =	sst s10  }
0x38: {  	s10 =	sld [smem:$0x3FB5]  }
0x39: {  	_ = 	snop;
	(pc) =	sbr.ind lr, $3  }
0x3a: {  	_ = 	snop  }
0x3b: {  	_ = 	snop  }
0x3c: {  	p2 =	seq.s32 s10, $0x1;
	s10 =	sld [smem:$0x3FB4]  }
0x3d: {  	_ =	shalt  }
0x3e: {  	_ =	shalt  }
0x3f: {  	_ =	shalt  }
0x40: {  	_ =	shalt  }
0x41: {  	_ =	shalt  }
0x42: {  	_ =	shalt  }
0x43: {  	_ =	shalt  }
0x44: {  	_ =	shalt  }
0x45: {  	_ =	shalt  }
0x46: {  	_ =	shalt  }
0x47: {  	_ =	shalt  }
0x48: {  	_ =	shalt  }
0x49: {  	_ =	shalt  }
0x4a: {  	_ =	shalt  }
0x4b: {  	_ =	shalt  }
0x4c: {  	_ =	shalt  }
0x4d: {  	_ =	shalt  }
0x4e: {  	_ =	shalt  }
0x4f: {  	_ =	shalt  }
0x50: {  	_ =	shalt  }
0x51: {  	_ =	shalt  }
0x52: {  	_ =	shalt  }
0x53: {  	_ =	shalt  }
0x54: {  	_ =	shalt  }
0x55: {  	_ =	shalt  }
0x56: {  	_ =	shalt  }
0x57: {  	_ =	shalt  }
0x58: {  	_ =	shalt  }
0x59: {  	_ =	shalt  }
0x5a: {  	_ =	shalt  }
0x5b: {  	_ =	shalt  }
0x5c: {  	_ =	shalt  }
0x5d: {  	_ =	shalt  }
0x5e: {  	_ =	shalt  }
0x5f: {  	_ =	shalt  }
0x60: {  	_ =	shalt  }
0x61: {  	_ =	shalt  }
0x62: {  	_ =	shalt  }
0x63: {  	_ =	shalt  }
0x64: {  	_ =	shalt  }
0x65: {  	_ =	shalt  }
0x66: {  	_ =	shalt  }
0x67: {  	_ =	shalt  }
0x68: {  	_ =	shalt  }
0x69: {  	_ =	shalt  }
0x6a: {  	_ =	shalt  }
0x6b: {  	_ =	shalt  }
0x6c: {  	_ =	shalt  }
0x6d: {  	_ =	shalt  }
0x6e: {  	_ =	shalt  }
0x6f: {  	_ =	shalt  }
0x70: {  	_ =	shalt  }
0x71: {  	_ =	shalt  }
0x72: {  	_ =	shalt  }
0x73: {  	_ =	shalt  }
0x74: {  	_ =	shalt  }
0x75: {  	_ =	shalt  }
0x76: {  	_ =	shalt  }
0x77: {  	_ =	shalt  }
0x78: {  	_ =	shalt  }
0x79: {  	_ =	shalt  }
0x7a: {  	_ =	shalt  }
0x7b: {  	_ =	shalt  }
0x7c: {  	_ =	shalt  }
0x7d: {  	_ =	shalt  }
0x7e: {  	_ =	shalt  }
0x7f: {  	_ =	shalt  }
0x80: {  	_ =	shalt  }
0x81: {  	_ =	shalt  }
0x82: {  	_ =	shalt  }
0x83: {  	_ =	shalt  }
0x84: {  	_ =	shalt  }
0x85: {  	_ =	shalt  }
0x86: {  	_ =	shalt  }
0x87: {  	_ =	shalt  }
.Lfunc_end0:
.L_simem_size_0:
called_computation.3_lowered:
.L_overlay_start_0:
0x88: {  	s2 =	sld [smem:$0x3FD9]  }
0x89: {  	s3 =	sld [smem:$0x3FFE];
	_ =	sdelay $0x1  }
0x8a: {  	s1 =	srdreg.scid  }
0x8b: {  	s0 =	sand.u32 $0x1, s1  }
0x8c: {  	s17 =	sshll.u32 s0, $0xA;
	s2 =	sadd.s32 s3, s2  }
0x8d: {  	s2 =	sadd.s32 s2, s17  }
0x8e: {  	[smem:$0x3FC0] =	sst s2  }
0x8f: {  	_ = 	snop  }
0x90: {  	s2 =	sld [smem:$0x3FD0];
	(tm) =	ssettm $0x1  }
0x91: {  	s18 =	sld [smem:$0x3FFB];
	_ =	sdelay $0x3  }
0x92: {  	_ =	strace s18  }
0x93: {  	s3 =	sld [smem:$0x3FFC];
	_ =	sdelay $0x3  }
0x94: {  	_ =	strace s3  }
0x95: {  	s3 =	sld [smem:$0x3FFD];
	_ =	sdelay $0x3  }
0x96: {  	_ =	strace s3  }
0x97: {  	_ =	strace $0x8FFFFFFF  }
0x98: {  	s19 =	sld [smem:$0x3FDB];
	_ =	sdelay $0x1  }
0x99: {  	s4 =	simm.s32 $_scs_section_size  }
0x9a: {  	s5 =	simm.s32 $_size__tile_overlayer_lowered;
	s6 =	simm.s32 $_tile_overlayer_lowered  }
0x9b: {  	s22 =	simm.s32 $0x1BFF;
	s21 =	sshll.u32 s6, $0x1;
	s3 =	sadd.s32 s4, s19  }
0x9c: {  	s7 =	simm.s32 $0x0;
	s20 =	sshll.u32 s5, $0x1;
	s5 =	sadd.s32 s21, s3  }
0x9d: {  	[timem:s7], [sflag:s22] =	dma.local [hbm:s5], s20  }
0x9e: {  	_ =	swait.ge [sflag:s22], s20  }
0x9f: {  	s4 =	ssub.s32 $0x0, s20;
	[sflag:s22] =	ssyncset.done $0x0  }
0xa0: {  	[sflag:s22] =	ssyncadd.s32 s4;
	_ =	sdelay $0x1  }
0xa1: {  	s23 =	simm.s32 $0x1B8B  }
0xa2: {  	_ =	swait.ge [sflag:s23], $0x1  }
0xa3: {  	[sflag:s23] =	ssyncset.done $0x0  }
0xa4: {  	s25 =	simm.s32 $0x1B8E;
	s24 =	sld [smem:$0x3FFE];
	[sflag:s23] =	ssyncadd.s32 $0xFFFFFFFF  }
0xa5: {  	s26 =	simm.s32 $execute0_lowered;
	[smem:$0x3FD2] =	sst s25  }
0xa6: {  	s5 =	sshll.u32 s26, $0x1;
	_ =	strace $0x8000004F;
	[dreg:$0x1] =	wrdreg $0xFFFFFFFF  }
0xa7: {  	s28 =	simm.s32 $_size_execute0_lowered;
	s3 =	sadd.s32 s3, s5;
	[dreg:$0x0] =	wrdreg $0x0  }
0xa8: {  	s5 =	sshll.u32 s28, $0x1;
	[dreg:$0x2] =	wrdreg s3  }
0xa9: {  	[dreg:$0x3] =	wrdreg s5  }
0xaa: {  	[dreg:$0x4] =	wrdreg $0xC0  }
0xab: {  	_ =	task [dreg:s7], $0x5FFFF  }
0xac: {  	[dreg:$0x1] =	wrdreg $0xFFFFFFFF  }
0xad: {  	[dreg:$0x0] =	wrdreg $0x60  }
0xae: {  	[dreg:$0x2] =	wrdreg s2  }
0xaf: {  	[dreg:$0x3] =	wrdreg s24  }
0xb0: {  	[dreg:$0x4] =	wrdreg $0x85000  }
0xb1: {  	[dreg:$0x5] =	wrdreg $0x9  }
0xb2: {  	_ =	task.clear_ibuf [dreg:s7], $0x6FFFF;
	_ =	strace $0x9000004F  }
0xb3: {  	s29 =	simm.s32 $0x9;
	_ =	strace $0x80000051  }
0xb4: {  	_ =	swait.ge [sflag:s29], $0x1  }
0xb5: {  	[sflag:s29] =	ssyncadd.s32 $0xFFFFFFFF  }
0xb6: {  	_ =	strace $0x90000051  }
0xb7: {  	_ =	sfence  }
0xb8: {  	s30 =	sld [smem:$0x0];
	_ =	sdelay $0x2  }
0xb9: {  	s31 =	sshll.u32 s1, $0xD;
	s1 =	sshrl.u32 s1, $0x2  }
0xba: {  	s3 =	sand.u32 $0x4000, s31;
	s1 =	sadd.s32 s1, s30  }
0xbb: {  	s0 =	sor.u32 s3, s0;
	s1 =	sshll.u32 s1, $0x11  }
0xbc: {  	s0 =	sor.u32 s1, s0  }
0xbd: {  	s0 =	sadd.s32 $0x8F2B, s0  }
0xbe: {  	[sflag:s0] =	ssyncadd.remote.s32 $0x1  }
0xbf: {  	_ =	sfence.sel $0xFFFF  }
0xc0: {  	[dreg:$0x0] =	wrdreg $0xFFFFFFFF;
	(pc) =	sbr.abs _section_cstart, $3  }
0xc1: {  	[dreg:$0x1] =	wrdreg $0xFFFFFFFF  }
0xc2: {  	_ =	task.clear_ibuf [dreg:s7], $0x2FFFF;
	_ =	strace $0x9FFFFFFF  }
0xc3: {  	(tm) =	ssettm $0x7FFFFFFF  }
tec
execute0_lowered:
.L_overlay_start_1:
0x0: {  	(tag) =	ssettag $0x1  }
0x1: {  	s0 =	rddreg [dreg:$0x0]  }
0x2: {  	s3 =	rddreg [dreg:$0x1]  }
0x3: {  	s1 =	rddreg [dreg:$0x2];
	s2 =	simm.s32 $0x0;
	s5 =	srdreg.scid  }
0x4: {  	s25 =	stileid.u32;
	s17 =	simm.s32 $0x7;
	s18 =	simm.s32 $0x180  }
0x5: {  	s19 =	simm.s32 $0x1;
	s20 =	simm.s32 $0x80;
	s21 =	simm.s32 $0x4500  }
0x6: {  	s22 =	simm.s32 $0x3;
	s23 =	simm.s32 $0x400;
	s24 =	simm.s32 $0x4  }
0x7: {  	s28 =	simm.s32 $0x6;
	s30 =	simm.s32 $0x0;
	s31 =	simm.s32 $0x0  }
0x8: {  	[smem:$0x7FF] =	sst s2;
	s4 =	sadd.s32 $0x3200, s3;
	s9 =	smul.u32 $0x4E, s25  }
0x9: {  	s7 =	sand.u32 $0x1, s5;
	s3 =	sadd.s32 $0x2A400, s3;
	s11 =	smul.u32 $0x14000, s25  }
0xa: {  	p0 =	seq.s32 s25, $0xF;
	s15 =	sadd.s32 $0x40, s0;
	s14 =	smul.u32 $0x50000, s25  }
0xb: {  	p1 =	sgt.u32 s25, $0x1;
	s5 =	ssub.s32 $0x2, s7;
	s8 =	smul.u32 $0x4E2, s7  }
0xc: {  	_ =	strace $0x80000050;
	s10 =	smul.u32 $0x138800, s7;
	s6 =	sshrl.u32 s5, $0x1  }
0xd: {  	s14 =	sshrl.u32 s14, $0x2;
	s12 =	ssub.s32 s5, s6;
	s5 =	simm.s32 $0x5  }
0xe: {  	s6 =	simm.s32 $0x5;
	s9 =	sadd.s32 s9, s8;
	s8 =	sadd.s32 s25, s8  }
0xf: {  	s11 =	sadd.s32 s11, s10;
	s16 =	sshrl.u32 s10, $0x3;
	s10 =	sadd.s32 $0x12C000, s1  }
0x10: {  	s5 =	simm.s32 @!p0 $0x8;
	s13 =	sshll.u32 s9, $0x6;
	s8 =	sshll.u32 s8, $0x6  }
0x11: {  	s11 =	sshrl.u32 s11, $0x3;
	s7 =	sadd.s32 s0, s13;
	s26 =	sadd.s32 s0, s8  }
0x12: {  	s8 =	sadd.s32 s13, s15;
	s29 =	sadd.s32 s3, s11;
	s11 =	sadd.s32 s14, s1  }
.Ltmp0:
0x13: {  	s3 =	sadd.s32 s3, s16;
	s16 =	simm.s32 $0x500;
	(pc) =	sbr.rel .LBB2_1-.Ltmp0, $4  }
0x14: {  	s9 =	sadd.s32 $0x13800, s26;
	[dreg:$0x5] =	wrdreg s29;
	s3 =	sadd.s32 $0x25800, s3  }
0x15: {  	s26 =	sadd.s32 $0x80, s13;
	s13 =	smax.u32 s12, $0x1;
	[dreg:$0x4] =	wrdreg s9  }
0x16: {  	s29 =	sshrl.u32 s10, $0x3;
	[dreg:$0x6] =	wrdreg s3;
	s14 =	sadd.s32 s0, s26  }
0x17: {  	v0 =	vimm.f32 $0.0e+00;
	s15 =	sadd.s32 s15, s26;
	[dreg:$0x7] =	wrdreg s29;
	s26 =	simm.s32 $0x480  }
.LBB2_18:
0x18: {  	s0 =	rddreg [dreg:$0x6]  }
0x19: {  	s3 =	rddreg [dreg:$0x7];
	s9 =	simm.s32 $0x1FC7  }
0x1a: {  	[hbm:s0], [sflag:s9] =	dma.local [spmem:s3], $0x1900  }
0x1b: {  	_ =	swait.ge [sflag:s17], $0x1900  }
0x1c: {  	[sflag:s17] =	ssyncset.done $0x0  }
0x1d: {  	[sflag:s17] =	ssyncadd.s32 $0xFFFFE700  }
.LBB2_19:
0x1e: {  	s30 =	sadd.s32 $0x1, s30  }
0x1f: {  	p2 =	sne.s32 s30, s13  }
.Ltmp1:
0x20: {  	_ = 	snop;
	(pc) =	sbr.rel @!p2 .LBB2_20-.Ltmp1, $1  }
0x21: {  	_ =	sdelay $0x3  }
.LBB2_1:
0x22: {  	s0 =	simm.s32 $0x0;
	s3 =	simm.s32 $0x200  }
.LBB2_2:
0x23: {  	p2 =	sne.s32 s3, $0x9E00;
	[tilespmem:s0+$0x570] =	vst v0  }
0x24: {  	[tilespmem:s0+$0x500] =	vst v0  }
0x25: {  	[tilespmem:s0+$0x510] =	vst v0  }
.Ltmp2:
0x26: {  	[tilespmem:s0+$0x520] =	vst v0;
	(pc) =	sbr.rel @p2 .LBB2_2-.Ltmp2, $4  }
0x27: {  	[tilespmem:s0+$0x530] =	vst v0  }
0x28: {  	[tilespmem:s0+$0x540] =	vst v0  }
0x29: {  	[tilespmem:s0+$0x550] =	vst v0  }
0x2a: {  	[tilespmem:s0+$0x560] =	vst v0;
	s0 =	sshra.s32 s3, $0x2;
	s3 =	sadd.s32 $0x200, s3  }
0x2b: {  	[tilespmem:s0+$0x570] =	vst v0  }
0x2c: {  	[tilespmem:s0+$0x500] =	vst v0  }
0x2d: {  	[tilespmem:s0+$0x510] =	vst v0  }
0x2e: {  	[tilespmem:s0+$0x520] =	vst v0  }
0x2f: {  	[tilespmem:s0+$0x530] =	vst v0  }
0x30: {  	[tilespmem:s0+$0x540] =	vst v0;
	p2 =	sne.s32 s5, $0x1  }
.Ltmp3:
0x31: {  	[tilespmem:s0+$0x550] =	vst v0;
	(pc) =	sbr.rel @!p2 .LBB2_5-.Ltmp3, $4  }
0x32: {  	[tilespmem:s0+$0x560] =	vst v0  }
0x33: {  	[spmem:s11] =	stream.linear.scatter [tilespmem:s16], [sflag:$0x7], $0x2800, $0x38;
	[tilespmem:$0x1BD80] =	vst v63  }
0x34: {  	_ =	swait.ge [sflag:s17], $0x2800  }
0x35: {  	s0 =	sadd.s32 $0xFFFFFFFF, s5;
	s3 =	smov.u32 s11;
	[sflag:s17] =	ssyncset.done $0x0  }
.LBB2_4:
0x36: {  	p2 =	sne.s32 s0, $0x1;
	[sflag:s17] =	ssyncadd.s32 $0xFFFFD800;
	s3 =	sadd.s32 $0x2800, s3  }
.Ltmp4:
0x37: {  	s0 =	sadd.s32 $0xFFFFFFFF, s0;
	(pc) =	sbr.rel @p2 .LBB2_4-.Ltmp4, $4  }
0x38: {  	_ = 	snop  }
0x39: {  	[spmem:s3] =	stream.linear.scatter [tilespmem:s16], [sflag:$0x7], $0x2800, $0x38;
	[tilespmem:$0x1BD80] =	vst v63  }
0x3a: {  	_ =	swait.ge [sflag:s17], $0x2800  }
0x3b: {  	[sflag:s17] =	ssyncset.done $0x0  }
.LBB2_5:
0x3c: {  	[sflag:s17] =	ssyncadd.s32 $0xFFFFD800  }
0x3d: {  	[bflag:$0x0] =	sbarrier.arrive $0xFFFF  }
0x3e: {  	[tilespmem:s31], [sflag:$0x1] =	stream.linear.gather [hbm4b:s7+s31], $0x180, $0x38;
	[tilespmem:$0x1BD80] =	vst v63  }
0x3f: {  	s0 =	simm.s32 $0x0  }
0x40: {  	[tilespmem:s18], [sflag:$0x2] =	stream.linear.gather [hbm4b:s8+s31], $0x180, $0x38;
	[tilespmem:$0x1BD80] =	vst v63  }
.LBB2_6:
0x41: {  	_ =	swait.ge [sflag:s19], $0x180;
	p2 =	seq.s32 s0, $0x0  }
0x42: {  	[sflag:s19] =	ssyncset.done $0x0;
	s3 =	simm.s32 @p2 $0x80  }
0x43: {  	s12 =	simm.s32 @p2 $0x0;
	s25 =	simm.s32 @p2 $0x500;
	[sflag:s19] =	ssyncadd.s32 $0xFFFFFE80  }
0x44: {  	[tilespmem:s25], [sflag:$0x3] =	stream.indirect.gather @p2 [hbm4b:s4+s3], $0x80, s12, s3, $0xb8;
	[tilespmem:$0x1BD80] =	vst v63  }
0x45: {  	s3 =	simm.s32 @p2 $0x2  }
0x46: {  	_ =	swait.ge @p2 [sflag:s3], $0x180  }
0x47: {  	[sflag:s3] =	ssyncset.done @p2 $0x0  }
0x48: {  	[sflag:s3] =	ssyncadd.s32 @p2 $0xFFFFFE80;
	s3 =	simm.s32 @!p2 $0x5  }
0x49: {  	_ =	swait.ge @!p2 [sflag:s3], $0x4000  }
0x4a: {  	s12 =	simm.s32 @!p2 $0x0;
	[sflag:s3] =	ssyncset.done @!p2 $0x0  }
0x4b: {  	s25 =	simm.s32 @!p2 $0x500;
	[sflag:s3] =	ssyncadd.s32 @!p2 $0xFFFFC000;
	s3 =	simm.s32 @!p2 $0x80  }
0x4c: {  	[tilespmem:s25], [sflag:$0x3] =	stream.indirect.gather @!p2 [hbm4b:s4+s3], $0x80, s12, s3, $0xb8;
	[tilespmem:$0x1BD80] =	vst v63  }
0x4d: {  	s3 =	simm.s32 @!p2 $0x2  }
0x4e: {  	_ =	swait.ge @!p2 [sflag:s3], $0x180  }
0x4f: {  	[sflag:s3] =	ssyncset.done @!p2 $0x0  }
0x50: {  	[sflag:s3] =	ssyncadd.s32 @!p2 $0xFFFFFE80;
	s3 =	simm.s32 @!p2 $0x6  }
0x51: {  	_ =	swait.ge @!p2 [sflag:s3], $0x4000  }
0x52: {  	v1 =	vmov s31;
	[sflag:s3] =	ssyncset.done @!p2 $0x0  }
0x53: {  	v1 =	vand.u32 $0x7F, v1;
	[sflag:s3] =	ssyncadd.s32 @!p2 $0xFFFFC000  }
0x54: {  	v1 =	vor.u32 $0x100, v1;
	[tilespmem:s21], [sflag:$0x4] =	stream.indirect.gather [hbm4b:s4+s20], $0x80, s18, s20, $0xb8;
	[tilespmem:$0x1BD80] =	vst v63  }
0x55: {  	v1 =	vbroadcast v1, $0x0;
	_ =	swait.ge [sflag:s22], $0x4000  }
0x56: {  	[sflag:s22] =	ssyncset.done $0x0  }
0x57: {  	s29 =	simm.s32 $0x540;
	[sflag:s22] =	ssyncadd.s32 $0xFFFFC000  }
0x58: {  	v5 =	vld [tilespmem:s29+$0x30]  }
0x59: {  	v8 =	vld [tilespmem:s29+$0x10]  }
0x5a: {  	v6 =	vld [tilespmem:s29+$0xFFFFFFC0]  }
0x5b: {  	v2 =	vld.idx.msk [tilespmem:v1+s2+$0x0], $0xffff  }
0x5c: {  	v11 =	vld [tilespmem:s29+$0xFFFFFFE0]  }
0x5d: {  	v1 =	vld [tilespmem:s29+$0xFFFFFFF0]  }
0x5e: {  	v3 =	vld [tilespmem:s29+$0x20]  }
0x5f: {  	v4 =	vld [tilespmem:s29+$0xFFFFFFD0]  }
0x60: {  	v9 =	vmul.f32 v2, v5;
	v5 =	vld [tilespmem:s29+$0x0]  }
0x61: {  	s25 =	simm.s32 $0x1;
	v7 =	vmul.f32 v2, v6  }
0x62: {  	s12 =	simm.s32 $0x2;
	v10 =	vmov s25;
	s3 =	simm.s32 $0x540;
	v6 =	vmul.f32 v2, v11;
	v8 =	vmul.f32 v2, v8  }
.LBB2_7:
0x63: {  	p2 =	sne.s32 s12, $0x7F  }
0x64: {  	v10 =	vand.u32 $0x7F, v10;
	v4 =	vmul.f32 v2, v4;
	v3 =	vmul.f32 v2, v3;
	[tilespmem:s29+$0x30] =	vst v9;
	s3 =	sadd.s32 $0x80, s3;
	s25 =	smov.u32 s12;
	s12 =	sadd.s32 $0x1, s12  }
0x65: {  	v9 =	vor.u32 $0x100, v10;
	[tilespmem:s29+$0xFFFFFFC0] =	vst v7;
	v7 =	vmul.f32 v2, v1;
	v2 =	vmul.f32 v2, v5  }
0x66: {  	v5 =	vbroadcast v9, $0x0;
	[tilespmem:s29+$0x10] =	vst v8  }
0x67: {  	[tilespmem:s29+$0xFFFFFFE0] =	vst v6  }
0x68: {  	v1 =	vld [tilespmem:s3+$0xFFFFFFF0];
	[tilespmem:s29+$0xFFFFFFF0] =	vst v7  }
0x69: {  	v6 =	vld [tilespmem:s3+$0x30];
	[tilespmem:s29+$0x0] =	vst v2  }
0x6a: {  	v8 =	vld [tilespmem:s3+$0x10];
	[tilespmem:s29+$0x20] =	vst v3  }
0x6b: {  	v7 =	vld [tilespmem:s3+$0xFFFFFFC0];
	[tilespmem:s29+$0xFFFFFFD0] =	vst v4;
	s29 =	smov.u32 s3  }
0x6c: {  	v2 =	vld.idx.msk [tilespmem:v5+s2+$0x0], $0xffff  }
0x6d: {  	v11 =	vld [tilespmem:s3+$0xFFFFFFE0]  }
0x6e: {  	v3 =	vld [tilespmem:s3+$0x20]  }
.Ltmp5:
0x6f: {  	v4 =	vld [tilespmem:s3+$0xFFFFFFD0];
	(pc) =	sbr.rel @p2 .LBB2_7-.Ltmp5, $3  }
0x70: {  	v5 =	vld [tilespmem:s3+$0x0];
	_ =	sdelay $0x1  }
0x71: {  	v7 =	vmul.f32 v2, v7;
	v9 =	vmul.f32 v2, v6  }
0x72: {  	v10 =	vmov s25;
	v8 =	vmul.f32 v2, v8;
	v6 =	vmul.f32 v2, v11  }
0x73: {  	[tilespmem:s29+$0xFFFFFFC0] =	vst v7;
	v7 =	vand.u32 $0x7F, v10  }
0x74: {  	[tilespmem:s29+$0x30] =	vst v9;
	v7 =	vor.u32 $0x100, v7  }
0x75: {  	v1 =	vmul.f32 v2, v1;
	[tilespmem:s29+$0xFFFFFFE0] =	vst v6;
	v6 =	vbroadcast v7, $0x0  }
0x76: {  	s3 =	sadd.s32 $0x80, s3;
	[tilespmem:s29+$0x10] =	vst v8;
	v5 =	vmul.f32 v2, v5  }
0x77: {  	v3 =	vmul.f32 v2, v3;
	v7 =	vld [tilespmem:s3+$0xFFFFFFF0];
	[tilespmem:s29+$0xFFFFFFF0] =	vst v1  }
0x78: {  	v2 =	vmul.f32 v2, v4;
	v1 =	vld [tilespmem:s3+$0x30];
	[tilespmem:s29+$0x0] =	vst v5  }
0x79: {  	v4 =	vld [tilespmem:s3+$0x10];
	[tilespmem:s29+$0x20] =	vst v3  }
0x7a: {  	v3 =	vld [tilespmem:s3+$0xFFFFFFC0];
	[tilespmem:s29+$0xFFFFFFD0] =	vst v2  }
0x7b: {  	v2 =	vld.idx.msk [tilespmem:v6+s2+$0x0], $0xffff;
	_ =	sdelay $0x2  }
0x7c: {  	v5 =	vld [tilespmem:s3+$0xFFFFFFE0];
	_ =	sdelay $0x1  }
0x7d: {  	v6 =	vld [tilespmem:s3+$0x0];
	v1 =	vmul.f32 v2, v1  }
0x7e: {  	v8 =	vld [tilespmem:s3+$0x20];
	v3 =	vmul.f32 v2, v3  }
0x7f: {  	v9 =	vld [tilespmem:s3+$0xFFFFFFD0];
	v4 =	vmul.f32 v2, v4;
	[tilespmem:s3+$0x30] =	vst v1  }
0x80: {  	v1 =	vmul.f32 v2, v5;
	[tilespmem:s3+$0xFFFFFFC0] =	vst v3  }
0x81: {  	v3 =	vmul.f32 v2, v7;
	[tilespmem:s3+$0x10] =	vst v4  }
0x82: {  	v4 =	vmul.f32 v2, v6;
	[tilespmem:s3+$0xFFFFFFE0] =	vst v1  }
0x83: {  	v1 =	vmul.f32 v2, v8;
	[tilespmem:s3+$0xFFFFFFF0] =	vst v3  }
0x84: {  	v2 =	vmul.f32 v2, v9;
	[tilespmem:s3+$0x0] =	vst v4  }
0x85: {  	[tilespmem:s3+$0x20] =	vst v1  }
0x86: {  	[tilespmem:s3+$0xFFFFFFD0] =	vst v2  }
0x87: {  	v1 =	vld [tilespmem:$0x80]  }
0x88: {  	v2 =	vld [tilespmem:$0x90]  }
0x89: {  	v3 =	vld [tilespmem:$0xA0]  }
0x8a: {  	v4 =	vld [tilespmem:$0xB0]  }
0x8b: {  	v5 =	vld [tilespmem:$0xC0]  }
0x8c: {  	[tilespmem:$0x400] =	vst v1;
	v1 =	vld [tilespmem:$0xD0]  }
0x8d: {  	[tilespmem:$0x410] =	vst v2;
	v2 =	vld [tilespmem:$0xE0]  }
0x8e: {  	[tilespmem:$0x420] =	vst v3;
	v3 =	vld [tilespmem:$0xF0]  }
0x8f: {  	[tilespmem:$0x430] =	vst v4  }
0x90: {  	[tilespmem:$0x440] =	vst v5  }
0x91: {  	[tilespmem:$0x450] =	vst v1  }
0x92: {  	p2 =	seq.s32 s0, $0x26;
	[tilespmem:$0x460] =	vst v2  }
0x93: {  	s25 =	simm.s32 $0x0;
	s12 =	sshll.u32 @!p2 s0, $0x7;
	[tilespmem:$0x470] =	vst v3  }
0x94: {  	v1 =	vmov s25;
	[spmem:s1] =	stream.indirect.scatter.add.f32 [tilespmem:s16], [sflag:$0x5], $0x80, s23, s20, $0xb8;
	[tilespmem:$0x1BD80] =	vst v63  }
0x95: {  	s3 =	sadd.s32 @!p2 s14, s12;
	s12 =	simm.s32 @!p2 $0x0;
	v1 =	vand.u32 $0x7F, v1  }
0x96: {  	v1 =	vor.u32 $0x280, v1;
	[tilespmem:s12], [sflag:$0x1] =	stream.linear.gather @!p2 [hbm4b:s3+s12], $0x180, $0x38;
	[tilespmem:$0x1BD80] =	vst v63  }
0x97: {  	v1 =	vbroadcast v1, $0x0;
	_ =	swait.ge [sflag:s24], $0x4000  }
0x98: {  	[sflag:s24] =	ssyncset.done $0x0  }
0x99: {  	s29 =	simm.s32 $0x0;
	[sflag:s24] =	ssyncadd.s32 $0xFFFFC000  }
0x9a: {  	v5 =	vld [tilespmem:s29+$0x4570]  }
0x9b: {  	v9 =	vld [tilespmem:s29+$0x4550]  }
0x9c: {  	v6 =	vld [tilespmem:s29+$0x4500]  }
0x9d: {  	v1 =	vld.idx.msk [tilespmem:v1+s2+$0x0], $0xffff  }
0x9e: {  	v7 =	vld [tilespmem:s29+$0x4520]  }
0x9f: {  	v2 =	vld [tilespmem:s29+$0x4530]  }
0xa0: {  	v3 =	vld [tilespmem:s29+$0x4560]  }
0xa1: {  	v4 =	vld [tilespmem:s29+$0x4510]  }
0xa2: {  	v8 =	vmul.f32 v1, v5;
	v5 =	vld [tilespmem:s29+$0x4540];
	_ =	sdelay $0x1  }
0xa3: {  	s25 =	simm.s32 $0x1;
	v6 =	vmul.f32 v1, v6  }
0xa4: {  	v10 =	vmov s25;
	s12 =	simm.s32 $0x200;
	s3 =	simm.s32 $0x400;
	v7 =	vmul.f32 v1, v7;
	v9 =	vmul.f32 v1, v9  }
.LBB2_9:
0xa5: {  	p3 =	sne.s32 s3, $0xFE00;
	v10 =	vand.u32 $0x7F, v10;
	v4 =	vmul.f32 v1, v4;
	v3 =	vmul.f32 v1, v3;
	[tilespmem:s29+$0x4570] =	vst v8;
	s9 =	smov.u32 s3;
	s3 =	sadd.s32 $0x200, s3  }
0xa6: {  	v2 =	vmul.f32 v1, v2;
	v8 =	vor.u32 $0x280, v10;
	[tilespmem:s29+$0x4500] =	vst v6;
	v1 =	vmul.f32 v1, v5  }
0xa7: {  	v5 =	vbroadcast v8, $0x0;
	[tilespmem:s29+$0x4550] =	vst v9  }
0xa8: {  	s10 =	sshra.s32 s12, $0x2;
	s12 =	smov.u32 s9;
	[tilespmem:s29+$0x4520] =	vst v7  }
0xa9: {  	v7 =	vld [tilespmem:s10+$0x4570];
	[tilespmem:s29+$0x4530] =	vst v2  }
0xaa: {  	v2 =	vld [tilespmem:s10+$0x4530];
	[tilespmem:s29+$0x4540] =	vst v1  }
0xab: {  	v9 =	vld [tilespmem:s10+$0x4550];
	[tilespmem:s29+$0x4560] =	vst v3  }
0xac: {  	v6 =	vld [tilespmem:s10+$0x4500];
	[tilespmem:s29+$0x4510] =	vst v4;
	s29 =	smov.u32 s10  }
0xad: {  	v1 =	vld.idx.msk [tilespmem:v5+s2+$0x0], $0xffff  }
0xae: {  	v11 =	vld [tilespmem:s29+$0x4520]  }
0xaf: {  	v3 =	vld [tilespmem:s29+$0x4560]  }
.Ltmp6:
0xb0: {  	v4 =	vld [tilespmem:s29+$0x4510];
	(pc) =	sbr.rel @p3 .LBB2_9-.Ltmp6, $3  }
0xb1: {  	v5 =	vld [tilespmem:s29+$0x4540];
	_ =	sdelay $0x1  }
0xb2: {  	s25 =	sadd.s32 $0x1, s25;
	v6 =	vmul.f32 v1, v6;
	v8 =	vmul.f32 v1, v7  }
0xb3: {  	v10 =	vmov s25;
	v9 =	vmul.f32 v1, v9;
	v7 =	vmul.f32 v1, v11  }
0xb4: {  	[tilespmem:s29+$0x4570] =	vst v8  }
0xb5: {  	[tilespmem:s29+$0x4500] =	vst v6  }
0xb6: {  	v2 =	vmul.f32 v1, v2;
	v61 =	vand.u32 $0x7F, v10;
	[tilespmem:s29+$0x4550] =	vst v9  }
0xb7: {  	s3 =	sshra.s32 s12, $0x2;
	[tilespmem:s29+$0x4520] =	vst v7;
	v6 =	vor.u32 $0x280, v61  }
0xb8: {  	v7 =	vld [tilespmem:s3+$0x4570];
	[tilespmem:s29+$0x4530] =	vst v2;
	v2 =	vbroadcast v6, $0x0  }
0xb9: {  	v5 =	vmul.f32 v1, v5  }
0xba: {  	v3 =	vmul.f32 v1, v3  }
0xbb: {  	v1 =	vmul.f32 v1, v4;
	v62 =	vld [tilespmem:s3+$0x4530];
	[tilespmem:s29+$0x4540] =	vst v5  }
0xbc: {  	v5 =	vld [tilespmem:s3+$0x4550];
	[tilespmem:s29+$0x4560] =	vst v3  }
0xbd: {  	v3 =	vld [tilespmem:s3+$0x4500];
	[tilespmem:s29+$0x4510] =	vst v1  }
0xbe: {  	v1 =	vld.idx.msk [tilespmem:v2+s2+$0x0], $0xffff;
	_ =	sdelay $0x2  }
0xbf: {  	v2 =	vld [tilespmem:s3+$0x4520]  }
0xc0: {  	v63 =	vld [tilespmem:s3+$0x4540]  }
0xc1: {  	v7 =	vmul.f32 v1, v7  }
0xc2: {  	v8 =	vld [tilespmem:s3+$0x4560];
	v3 =	vmul.f32 v1, v3  }
0xc3: {  	v9 =	vld [tilespmem:s3+$0x4510];
	v5 =	vmul.f32 v1, v5;
	[tilespmem:s3+$0x4570] =	vst v7  }
0xc4: {  	v2 =	vmul.f32 v1, v2;
	[tilespmem:s3+$0x4500] =	vst v3  }
0xc5: {  	v4 =	vmul.f32 v1, v63;
	[tilespmem:s3+$0x4550] =	vst v5  }
0xc6: {  	v3 =	vmul.f32 v1, v62;
	[tilespmem:s3+$0x4520] =	vst v2  }
0xc7: {  	v2 =	vmul.f32 v1, v8;
	[tilespmem:s3+$0x4540] =	vst v4  }
0xc8: {  	v1 =	vmul.f32 v1, v9;
	[tilespmem:s3+$0x4530] =	vst v3  }
0xc9: {  	[tilespmem:s3+$0x4560] =	vst v2  }
0xca: {  	[tilespmem:s3+$0x4510] =	vst v1  }
0xcb: {  	v1 =	vld [tilespmem:$0x200]  }
0xcc: {  	v2 =	vld [tilespmem:$0x210]  }
0xcd: {  	v3 =	vld [tilespmem:$0x220]  }
0xce: {  	v4 =	vld [tilespmem:$0x230]  }
0xcf: {  	v5 =	vld [tilespmem:$0x240]  }
0xd0: {  	[tilespmem:$0x480] =	vst v1;
	v1 =	vld [tilespmem:$0x250]  }
0xd1: {  	[tilespmem:$0x490] =	vst v2;
	v2 =	vld [tilespmem:$0x260]  }
0xd2: {  	[tilespmem:$0x4A0] =	vst v3;
	v3 =	vld [tilespmem:$0x270]  }
0xd3: {  	[tilespmem:$0x4B0] =	vst v4  }
.Ltmp7:
0xd4: {  	[tilespmem:$0x4C0] =	vst v5;
	(pc) =	sbr.rel @p2 .LBB2_12-.Ltmp7, $4  }
0xd5: {  	[tilespmem:$0x4D0] =	vst v1  }
0xd6: {  	[tilespmem:$0x4E0] =	vst v2  }
0xd7: {  	[tilespmem:$0x4F0] =	vst v3  }
0xd8: {  	[spmem:s1] =	stream.indirect.scatter.add.f32 [tilespmem:s21], [sflag:$0x6], $0x80, s26, s20, $0xb8;
	[tilespmem:$0x1BD80] =	vst v63  }
.Ltmp8:
0xd9: {  	(pc) =	sbr.rel .LBB2_6-.Ltmp8, $4  }
0xda: {  	_ = 	snop  }
0xdb: {  	s3 =	sshll.u32 s0, $0x7  }
0xdc: {  	s0 =	sadd.s32 $0x1, s0;
	s3 =	sadd.s32 s15, s3  }
0xdd: {  	[tilespmem:s18], [sflag:$0x2] =	stream.linear.gather [hbm4b:s3+s2], $0x180, $0x38;
	[tilespmem:$0x1BD80] =	vst v63  }
.LBB2_12:
0xde: {  	_ =	swait.ge [sflag:s6], $0x4000  }
.Ltmp9:
0xdf: {  	[sflag:s6] =	ssyncset.done $0x0;
	(pc) =	sbr.rel @p1 .LBB2_16-.Ltmp9, $4  }
0xe0: {  	[sflag:s6] =	ssyncadd.s32 $0xFFFFC000  }
0xe1: {  	_ =	swait.ge [sflag:s28], $0x4000  }
0xe2: {  	[sflag:s28] =	ssyncset.done $0x0  }
0xe3: {  	[sflag:s28] =	ssyncadd.s32 $0xFFFFC000  }
0xe4: {  	s0 =	simm.s32 $0x0;
	s3 =	rddreg [dreg:$0x4]  }
0xe5: {  	[tilespmem:s0], [sflag:$0x7] =	stream.linear.gather [hbm4b:s3+s0], $0x180, $0x38;
	[tilespmem:$0x1BD80] =	vst v63  }
0xe6: {  	_ =	swait.ge [sflag:s17], $0x180  }
0xe7: {  	v1 =	vmov s0;
	[sflag:s17] =	ssyncset.done $0x0  }
0xe8: {  	v1 =	vand.u32 $0x7F, v1;
	[sflag:s17] =	ssyncadd.s32 $0xFFFFFE80  }
0xe9: {  	v1 =	vor.u32 $0x100, v1;
	[tilespmem:s16], [sflag:$0x3] =	stream.indirect.gather [hbm4b:s4+s20], $0x80, s0, s20, $0xb8;
	[tilespmem:$0x1BD80] =	vst v63  }
0xea: {  	v1 =	vbroadcast v1, $0x0;
	_ =	swait.ge [sflag:s22], $0x4000  }
0xeb: {  	[sflag:s22] =	ssyncset.done $0x0  }
0xec: {  	s0 =	simm.s32 $0x540;
	[sflag:s22] =	ssyncadd.s32 $0xFFFFC000  }
0xed: {  	v5 =	vld [tilespmem:s0+$0x30]  }
0xee: {  	v8 =	vld [tilespmem:s0+$0x10]  }
0xef: {  	v6 =	vld [tilespmem:s0+$0xFFFFFFC0]  }
0xf0: {  	v2 =	vld.idx.msk [tilespmem:v1+s2+$0x0], $0xffff  }
0xf1: {  	v11 =	vld [tilespmem:s0+$0xFFFFFFE0]  }
0xf2: {  	v3 =	vld [tilespmem:s0+$0x20]  }
0xf3: {  	v4 =	vld [tilespmem:s0+$0xFFFFFFD0]  }
0xf4: {  	v1 =	vld [tilespmem:s0+$0xFFFFFFF0]  }
0xf5: {  	v9 =	vmul.f32 v2, v5;
	v5 =	vld [tilespmem:s0+$0x0]  }
0xf6: {  	s29 =	simm.s32 $0x1;
	v7 =	vmul.f32 v2, v6  }
0xf7: {  	s12 =	simm.s32 $0x2;
	v10 =	vmov s29;
	s3 =	simm.s32 $0x540;
	v6 =	vmul.f32 v2, v11;
	v8 =	vmul.f32 v2, v8  }
.LBB2_14:
0xf8: {  	p2 =	sne.s32 s12, $0x7F  }
0xf9: {  	v10 =	vand.u32 $0x7F, v10;
	v4 =	vmul.f32 v2, v4;
	v3 =	vmul.f32 v2, v3;
	[tilespmem:s0+$0x30] =	vst v9;
	s3 =	sadd.s32 $0x80, s3;
	s9 =	smov.u32 s12;
	s12 =	sadd.s32 $0x1, s12  }
0xfa: {  	v9 =	vor.u32 $0x100, v10;
	[tilespmem:s0+$0xFFFFFFC0] =	vst v7;
	v7 =	vmul.f32 v2, v1;
	v2 =	vmul.f32 v2, v5  }
0xfb: {  	v5 =	vbroadcast v9, $0x0;
	[tilespmem:s0+$0x10] =	vst v8  }
0xfc: {  	[tilespmem:s0+$0xFFFFFFE0] =	vst v6  }
0xfd: {  	v1 =	vld [tilespmem:s3+$0xFFFFFFF0];
	[tilespmem:s0+$0xFFFFFFF0] =	vst v7  }
0xfe: {  	v6 =	vld [tilespmem:s3+$0x30];
	[tilespmem:s0+$0x0] =	vst v2  }
0xff: {  	v8 =	vld [tilespmem:s3+$0x10];
	[tilespmem:s0+$0x20] =	vst v3  }
0x100: {  	v7 =	vld [tilespmem:s3+$0xFFFFFFC0];
	[tilespmem:s0+$0xFFFFFFD0] =	vst v4;
	s0 =	smov.u32 s3  }
0x101: {  	v2 =	vld.idx.msk [tilespmem:v5+s2+$0x0], $0xffff  }
0x102: {  	v11 =	vld [tilespmem:s3+$0xFFFFFFE0]  }
0x103: {  	v3 =	vld [tilespmem:s3+$0x20]  }
.Ltmp10:
0x104: {  	v4 =	vld [tilespmem:s3+$0xFFFFFFD0];
	(pc) =	sbr.rel @p2 .LBB2_14-.Ltmp10, $3  }
0x105: {  	v5 =	vld [tilespmem:s3+$0x0];
	_ =	sdelay $0x1  }
0x106: {  	v7 =	vmul.f32 v2, v7;
	v9 =	vmul.f32 v2, v6  }
0x107: {  	v10 =	vmov s9;
	v8 =	vmul.f32 v2, v8;
	v6 =	vmul.f32 v2, v11  }
0x108: {  	[tilespmem:s0+$0x30] =	vst v9;
	v57 =	vand.u32 $0x7F, v10  }
0x109: {  	[tilespmem:s0+$0xFFFFFFC0] =	vst v7;
	v7 =	vor.u32 $0x100, v57  }
0x10a: {  	v1 =	vmul.f32 v2, v1;
	[tilespmem:s0+$0x10] =	vst v8;
	v58 =	vbroadcast v7, $0x0  }
0x10b: {  	s3 =	sadd.s32 $0x80, s3;
	[tilespmem:s0+$0xFFFFFFE0] =	vst v6;
	v5 =	vmul.f32 v2, v5  }
0x10c: {  	v3 =	vmul.f32 v2, v3;
	v59 =	vld [tilespmem:s3+$0xFFFFFFF0];
	[tilespmem:s0+$0xFFFFFFF0] =	vst v1  }
0x10d: {  	v2 =	vmul.f32 v2, v4;
	v1 =	vld [tilespmem:s3+$0x30];
	[tilespmem:s0+$0x0] =	vst v5  }
0x10e: {  	v60 =	vld [tilespmem:s3+$0x10];
	[tilespmem:s0+$0x20] =	vst v3  }
0x10f: {  	v3 =	vld [tilespmem:s3+$0xFFFFFFC0];
	[tilespmem:s0+$0xFFFFFFD0] =	vst v2  }
0x110: {  	v2 =	vld.idx.msk [tilespmem:v58+s2+$0x0], $0xffff;
	_ =	sdelay $0x2  }
0x111: {  	v61 =	vld [tilespmem:s3+$0x0]  }
0x112: {  	v5 =	vld [tilespmem:s3+$0xFFFFFFE0]  }
0x113: {  	v1 =	vmul.f32 v2, v1  }
0x114: {  	v8 =	vld [tilespmem:s3+$0x20];
	v3 =	vmul.f32 v2, v3  }
0x115: {  	v62 =	vld [tilespmem:s3+$0xFFFFFFD0];
	v4 =	vmul.f32 v2, v60;
	[tilespmem:s3+$0x30] =	vst v1  }
0x116: {  	v63 =	vmul.f32 v2, v61;
	[tilespmem:s3+$0xFFFFFFC0] =	vst v3  }
0x117: {  	v1 =	vmul.f32 v2, v5;
	[tilespmem:s3+$0x10] =	vst v4  }
0x118: {  	v3 =	vmul.f32 v2, v59;
	[tilespmem:s3+$0x0] =	vst v63  }
0x119: {  	[tilespmem:s3+$0xFFFFFFE0] =	vst v1;
	v1 =	vmul.f32 v2, v8  }
0x11a: {  	[tilespmem:s3+$0xFFFFFFF0] =	vst v3;
	v2 =	vmul.f32 v2, v62  }
0x11b: {  	[tilespmem:s3+$0x20] =	vst v1  }
0x11c: {  	[tilespmem:s3+$0xFFFFFFD0] =	vst v2  }
0x11d: {  	[spmem:s1] =	stream.indirect.scatter.add.f32 [tilespmem:s16], [sflag:$0x7], $0x80, s20, s20, $0xb8;
	[tilespmem:$0x1BD80] =	vst v63  }
.Ltmp11:
0x11e: {  	_ =	swait.ge [sflag:s17], $0x4000;
	(pc) =	sbr.rel .LBB2_17-.Ltmp11, $3  }
0x11f: {  	[sflag:s17] =	ssyncset.done $0x0  }
0x120: {  	[sflag:s17] =	ssyncadd.s32 $0xFFFFC000  }
0x121: {  	[bflag:$0x0] =	sbarrier.arrive $0xFFFF;
	_ =	sdelay $0x1  }
.LBB2_16:
.Ltmp12:
0x122: {  	(pc) =	sbr.rel @p0 .LBB2_18-.Ltmp12, $2  }
0x123: {  	_ =	sdelay $0x1  }
0x124: {  	[bflag:$0x0] =	sbarrier.arrive $0xFFFF;
	_ =	sdelay $0x1  }
.LBB2_17:
0x125: {  	s0 =	stileid.u32  }
0x126: {  	s3 =	sshrl.u32 s11, $0x3;
	s0 =	sshll.u32 s0, $0x6  }
.Ltmp13:
0x127: {  	s9 =	rddreg [dreg:$0x5];
	s0 =	sor.u32 $0x1C07, s0;
	(pc) =	sbr.rel .LBB2_19-.Ltmp13, $4  }
0x128: {  	[hbm:s9], [sflag:s0] =	dma.local [spmem:s3], $0x2800  }
0x129: {  	_ =	swait.ge [sflag:s17], $0x2800  }
0x12a: {  	[sflag:s17] =	ssyncset.done $0x0  }
0x12b: {  	[sflag:s17] =	ssyncadd.s32 $0xFFFFD800  }
.LBB2_20:
0x12c: {  	_ =	sfence.sel $0x180000  }
0x12d: {  	[bflag:$0x0] =	sbarrier.arrive $0xFFFF  }
0x12e: {  	_ =	strace $0x90000050  }
0x12f: {  	s0 =	stileid.u32;
	[bflag:$0x2] =	sbarrier.arrive $0xFFFF  }
0x130: {  	p0 =	sne.s32 s0, $0x0;
	s0 =	rddreg [dreg:$0x3]  }
0x131: {  	s0 =	sadd.s32 @!p0 $0x100000, s0  }
0x132: {  	[sflag:s0] =	ssyncadd.tile.s32 @!p0 $0x1;
	_ =	shalt  }
.Lfunc_end2:
_tile_overlayer_lowered:
.L_overlay_start_2:
0x133: {  	(tag) =	ssettag $0x2  }
0x134: {  	s0 =	rddreg [dreg:$0x0];
	s2 =	stileid.u32  }
0x135: {  	s1 =	rddreg [dreg:$0x1];
	p0 =	sne.s32 s2, $0x0  }
0x136: {  	s3 =	rddreg [dreg:$0x2];
	[bflag:$0x3] =	sbarrier.arrive $0xFFFF;
	s2 =	simm.s32 @!p0 $0x1C07  }
0x137: {  	[timem:s3], [sflag:s2] =	dma.local @!p0 [hbm:s0], s1  }
0x138: {  	s0 =	simm.s32 @!p0 $0x7  }
0x139: {  	_ =	swait.ge @!p0 [sflag:s0], s1  }
0x13a: {  	s1 =	ssub.s32 @!p0 $0x0, s1;
	[sflag:s0] =	ssyncset.done @!p0 $0x0  }
0x13b: {  	[sflag:s0] =	ssyncadd.s32 @!p0 s1  }
0x13c: {  	[bflag:$0x3] =	sbarrier.arrive $0xFFFF  }
0x13d: {  	_ =	shalt  }

</sc_bundles>
